<compile_context>
chip_gen: v7x
topology: tpu7x:2x2x1
jax: 0.10.2.dev20260603
libtpu: 0.0.44.dev20260713+nightly
codegen_flags: <defaults>
</compile_context>

<pallas_src>
import functools

import jax
import jax.numpy as jnp
from jax import lax
from jax.experimental import pallas as pl
from jax.experimental.pallas import tpu as pltpu
from jax.experimental.pallas import tpu_sc as plsc

N = 10000
D = 128
E = 320000

NC = 2
NS = 16
NW = NC * NS

PIECES = [(0, 64000, 80), (64000, 128000, 80), (192000, 128000, 80)]
P = len(PIECES)
KBUF = 5

PER_W_S = E // NW
CH_S = 40
NCHUNK_S = PER_W_S // CH_S
NGROUP_S = NCHUNK_S // KBUF

ROWS_PER_SUB = 624
ROWS_TAIL = N - NS * ROWS_PER_SUB

_mesh = plsc.VectorSubcoreMesh(core_axis_name="c", subcore_axis_name="s")


def _make_gather(poff, ep, ch):
    per_w = ep // NW
    ngroup = per_w // (ch * KBUF)
    assert ngroup * ch * KBUF == per_w and ch % 8 == 0 and per_w % 8 == 0

    @functools.partial(
        pl.kernel,
        out_type=jax.ShapeDtypeStruct((ep, D), jnp.float32),
        mesh=_mesh,
        scratch_types=(
            [pltpu.VMEM((per_w,), jnp.int32),
             pltpu.VMEM((KBUF, ch, D), jnp.float32)]
            + [pltpu.SemaphoreType.DMA] * (2 * KBUF)
        ),
    )
    def _sc_gather(m_hbm, src_hbm, out_hbm, idx_all, rows, *sems):
        gsem = sems[:KBUF]
        wsem = sems[KBUF:]
        wid = lax.axis_index("s") * NC + lax.axis_index("c")
        base = wid * per_w
        pltpu.sync_copy(src_hbm.at[pl.ds(poff + base, per_w)], idx_all)

        def group(gi, carry):
            rel = gi * (KBUF * ch)
            descs = []
            for b in range(KBUF):
                @pl.when(gi > 0)
                def _(b=b):
                    pltpu.make_async_copy(
                        rows.at[b], out_hbm.at[pl.ds(base, ch)],
                        wsem[b]).wait()

                d = pltpu.async_copy(
                    m_hbm.at[idx_all.at[pl.ds(rel + b * ch, ch)]],
                    rows.at[b], gsem[b])
                descs.append(d)
            for b in range(KBUF):
                descs[b].wait()
                pltpu.async_copy(rows.at[b],
                                 out_hbm.at[pl.ds(base + rel + b * ch, ch)],
                                 wsem[b])
            return carry

        lax.fori_loop(0, ngroup, group, 0)
        for b in range(KBUF):
            pltpu.make_async_copy(
                rows.at[b], out_hbm.at[pl.ds(base, ch)], wsem[b]).wait()

    return _sc_gather


_sc_gathers = [_make_gather(*pc) for pc in PIECES]


@functools.partial(
    pl.kernel,
    out_type=(
        jax.ShapeDtypeStruct((N, D), jnp.float32),
        jax.ShapeDtypeStruct((N, D), jnp.float32),
    ),
    mesh=_mesh,
    scratch_types=(
        [pltpu.VMEM((KBUF, CH_S), jnp.int32),
         pltpu.VMEM((KBUF, CH_S, D), jnp.float32),
         pltpu.VMEM_SHARED((N, D), jnp.float32)]
        + [pltpu.SemaphoreType.DMA] * (3 * KBUF)
    ),
)
def _sc_scatter(gnew_hbm, dst_hbm, zeros_hbm, out0_hbm, out1_hbm,
                idx_ring, rows, acc_sh, *sems):
    isem = sems[:KBUF]
    rsem = sems[KBUF:2 * KBUF]
    asem = sems[2 * KBUF:]
    cid = lax.axis_index("c")
    sid = lax.axis_index("s")

    r0 = sid * ROWS_PER_SUB
    pltpu.sync_copy(zeros_hbm.at[pl.ds(r0, ROWS_PER_SUB)],
                    acc_sh.at[pl.ds(r0, ROWS_PER_SUB)])

    @pl.when(sid == NS - 1)
    def _():
        t0 = NS * ROWS_PER_SUB
        pltpu.sync_copy(zeros_hbm.at[pl.ds(t0, ROWS_TAIL)],
                        acc_sh.at[pl.ds(t0, ROWS_TAIL)])

    plsc.subcore_barrier()

    base = (cid * NS + sid) * PER_W_S

    def group(gi, carry):
        rel = gi * (KBUF * CH_S)
        descs = []
        for b in range(KBUF):
            @pl.when(gi > 0)
            def _(b=b):
                pltpu.make_async_copy(
                    rows.at[b], acc_sh.at[idx_ring.at[b]], asem[b]).wait()

            off = base + rel + b * CH_S
            di = pltpu.async_copy(dst_hbm.at[pl.ds(off, CH_S)],
                                  idx_ring.at[b], isem[b])
            dr = pltpu.async_copy(gnew_hbm.at[pl.ds(off, CH_S)],
                                  rows.at[b], rsem[b])
            descs.append((di, dr))
        for b in range(KBUF):
            descs[b][0].wait()
            descs[b][1].wait()
            pltpu.async_copy(rows.at[b], acc_sh.at[idx_ring.at[b]],
                             asem[b], add=True)
        return carry

    lax.fori_loop(0, NGROUP_S, group, 0)
    for b in range(KBUF):
        pltpu.make_async_copy(
            rows.at[b], acc_sh.at[idx_ring.at[b]], asem[b]).wait()
    plsc.subcore_barrier()

    @pl.when(cid == 0)
    def _():
        pltpu.sync_copy(acc_sh.at[pl.ds(r0, ROWS_PER_SUB)],
                        out0_hbm.at[pl.ds(r0, ROWS_PER_SUB)])

        @pl.when(sid == NS - 1)
        def _():
            t0 = NS * ROWS_PER_SUB
            pltpu.sync_copy(acc_sh.at[pl.ds(t0, ROWS_TAIL)],
                            out0_hbm.at[pl.ds(t0, ROWS_TAIL)])

    @pl.when(cid == 1)
    def _():
        pltpu.sync_copy(acc_sh.at[pl.ds(r0, ROWS_PER_SUB)],
                        out1_hbm.at[pl.ds(r0, ROWS_PER_SUB)])

        @pl.when(sid == NS - 1)
        def _():
            t0 = NS * ROWS_PER_SUB
            pltpu.sync_copy(acc_sh.at[pl.ds(t0, ROWS_TAIL)],
                            out1_hbm.at[pl.ds(t0, ROWS_TAIL)])


def _m_body(h_ref, w2_ref, m_ref):
    m_ref[...] = jnp.dot(h_ref[...], w2_ref[...],
                         preferred_element_type=jnp.float32)


_tc_m = pl.pallas_call(
    _m_body,
    out_shape=jax.ShapeDtypeStruct((N, D), jnp.float32),
)

BLK = 2560


def _edge_body0(g_ref, hs_ref, w1_ref, w2_ref, be_ref, out_ref):
    acc = jnp.dot(g_ref[...], w1_ref[...], preferred_element_type=jnp.float32)
    acc += jnp.dot(hs_ref[...], w2_ref[...],
                   preferred_element_type=jnp.float32)
    out_ref[...] = jnp.maximum(acc + be_ref[...], 0.0)


def _edge_bodyp(prev_ref, g_ref, ms_ref, w1_ref, be_ref, out_ref):
    del prev_ref
    acc = jnp.dot(g_ref[...], w1_ref[...], preferred_element_type=jnp.float32)
    out_ref[...] = jnp.maximum(acc + ms_ref[...] + be_ref[...], 0.0)


def _make_edge(piece):
    poff, ep, _ = PIECES[piece]
    boff = poff // BLK
    bpp = ep // BLK
    g_spec = pl.BlockSpec((BLK, D), lambda i: (boff + i, 0))
    ms_spec = pl.BlockSpec((BLK, D), lambda i: (i, 0))
    w1_spec = pl.BlockSpec((D, D), lambda i: (0, 0))
    be_spec = pl.BlockSpec((1, D), lambda i: (0, 0))
    out_spec = pl.BlockSpec((BLK, D), lambda i: (boff + i, 0))
    if piece == 0:
        return pl.pallas_call(
            _edge_body0,
            grid=(bpp,),
            in_specs=[g_spec, ms_spec, w1_spec, w1_spec, be_spec],
            out_specs=out_spec,
            out_shape=jax.ShapeDtypeStruct((E, D), jnp.float32),
        )
    return pl.pallas_call(
        _edge_bodyp,
        grid=(bpp,),
        in_specs=[pl.BlockSpec(memory_space=pl.ANY),
                  g_spec, ms_spec, w1_spec, be_spec],
        out_specs=out_spec,
        out_shape=jax.ShapeDtypeStruct((E, D), jnp.float32),
        input_output_aliases={0: 0},
    )


_tc_edges = [_make_edge(p) for p in range(P)]


def _node_body(h_ref, wv_ref, bv_ref, a0_ref, a1_ref, out_ref):
    acc = jnp.dot(h_ref[...], wv_ref[...], preferred_element_type=jnp.float32)
    out_ref[...] = jnp.maximum(acc + bv_ref[...] + a0_ref[...] + a1_ref[...],
                               0.0)


_tc_node = pl.pallas_call(
    _node_body,
    out_shape=jax.ShapeDtypeStruct((N, D), jnp.float32),
)


def kernel(h, g, edge_index, W_e, b_e, W_v, b_v):
    h2 = h[0]
    g2 = g[0]
    src = edge_index[0]
    dst = edge_index[1]
    W1 = W_e[:D]
    W2 = W_e[D:]
    zeros = jnp.zeros((N, D), jnp.float32)

    hs0 = _sc_gathers[0](h2, src)
    m = _tc_m(h2, W2)
    msrc = [_sc_gathers[p](m, src) for p in range(1, P)]
    gnew = _tc_edges[0](g2, hs0, W1, W2, b_e.reshape(1, D))
    for p in range(1, P):
        gnew = _tc_edges[p](gnew, g2, msrc[p - 1], W1, b_e.reshape(1, D))
    agg0, agg1 = _sc_scatter(gnew, dst, zeros)
    hnew = _tc_node(h2, W_v, b_v.reshape(1, D), agg0, agg1)
    return hnew[None], gnew[None]

# --- scband reference (transcript-rebuilt; emitter-appended) ---
"""Pipeline reference for scband-bnconv-layer-29403346109072 (READ-ONLY COPY).

The authoritative reference and input builder live on the scoring server;
editing this copy changes nothing except your own understanding.
"""

import jax, jax.numpy as jnp
import numpy as np


def setup_inputs(seed: int = 0) -> dict:
    key = jax.random.key(seed)
    ks = jax.random.split(key, 6)
    B, N, D, E = 1, 10000, 128, 320000
    h = jax.random.normal(ks[0], (B, N, D), dtype=jnp.float32)
    g = jax.random.normal(ks[1], (B, E, D), dtype=jnp.float32)
    edge_index = jax.random.randint(ks[2], (2, E), 0, N, dtype=jnp.int32)
    # Parameters of f_e: Linear(2D -> D) and f_v: Linear(D -> D)
    W_e = (jax.random.normal(ks[3], (2 * D, D), dtype=jnp.float32) * (1.0 / np.sqrt(2 * D)))
    b_e = jnp.zeros((D,), dtype=jnp.float32)
    W_v = (jax.random.normal(ks[4], (D, D), dtype=jnp.float32) * (1.0 / np.sqrt(D)))
    b_v = jnp.zeros((D,), dtype=jnp.float32)
    return {"h": h, "g": g, "edge_index": edge_index, "W_e": W_e, "b_e": b_e, "W_v": W_v, "b_v": b_v}


def reference(h, g, edge_index, W_e, b_e, W_v, b_v):
    src = edge_index[0]
    dst = edge_index[1]
    B, N, D = h.shape
    # Edge update: gather source node features, concat with edge state, Linear+ReLU
    h_src = h[:, src, :]
    g_cat = jnp.concatenate([g, h_src], axis=-1)
    g_new = jax.nn.relu(g_cat @ W_e + b_e)
    # Node update: scatter-add incoming edge messages at destination nodes
    agg = jnp.zeros((B, N, D), dtype=h.dtype).at[:, dst, :].add(g_new)
    h_new = jax.nn.relu(h @ W_v + b_v + agg)
    return (h_new, g_new)

if __name__ == "__main__":
    import jax
    _d = setup_inputs()
    print(jax.jit(kernel)(*tuple(_d.values())))

</pallas_src>

<mosaic_0001>
#map = affine_map<(d0, d1) -> (0, 0)>
#map1 = affine_map<(d0, d1) -> (0)>
module attributes {stable_mosaic.version = 14 : i64} {
  func.func @_sc_gather(%arg0: i32, %arg1: i32, %arg2: memref<10000x128xf32, #tpu.memory_space<hbm>>, %arg3: memref<320000xi32, #tpu.memory_space<hbm>>, %arg4: memref<128000x128xf32, #tpu.memory_space<hbm>>, %arg5: memref<4000xi32, #tpu.memory_space<vmem>>, %arg6: memref<5x80x128xf32, #tpu.memory_space<vmem>>, %arg7: memref<!tpu.dma_semaphore, #tpu.memory_space<semaphore_mem>>, %arg8: memref<!tpu.dma_semaphore, #tpu.memory_space<semaphore_mem>>, %arg9: memref<!tpu.dma_semaphore, #tpu.memory_space<semaphore_mem>>, %arg10: memref<!tpu.dma_semaphore, #tpu.memory_space<semaphore_mem>>, %arg11: memref<!tpu.dma_semaphore, #tpu.memory_space<semaphore_mem>>, %arg12: memref<!tpu.dma_semaphore, #tpu.memory_space<semaphore_mem>>, %arg13: memref<!tpu.dma_semaphore, #tpu.memory_space<semaphore_mem>>, %arg14: memref<!tpu.dma_semaphore, #tpu.memory_space<semaphore_mem>>, %arg15: memref<!tpu.dma_semaphore, #tpu.memory_space<semaphore_mem>>, %arg16: memref<!tpu.dma_semaphore, #tpu.memory_space<semaphore_mem>>) attributes {dimension_semantics = [#tpu.dimension_semantics<core_parallel>, #tpu.dimension_semantics<subcore_parallel>], iteration_bounds = array<i64: 2, 16>, scalar_prefetch = 0 : i64, scratch_operands = 12 : i64, tpu.core_type = #tpu.core_type<sc_vector_subcore>, window_params = [{transform_indices = #map}, {transform_indices = #map1}, {transform_indices = #map}]} {
    %mul3A = arith.constant 2 : i32
    %mul3A_0 = arith.muli %arg1, %mul3A : i32
    %add3A = arith.addi %mul3A_0, %arg0 : i32
    %mul3A_1 = arith.constant 4000 : i32
    %mul3A_2 = arith.muli %add3A, %mul3A_1 : i32
    %add3A_3 = arith.constant 64000 : i32
    %add3A_4 = arith.addi %add3A_3, %mul3A_2 : i32
    "tpu.region"() ({
      %run_scoped3A = tpu.sem_alloc : memref<!tpu.dma_semaphore, #tpu.memory_space<semaphore_mem>>
      %dma_start3A = tpu.memref_slice %arg3[%add3A_4] : memref<320000xi32, #tpu.memory_space<hbm>> -> memref<4000xi32, #tpu.memory_space<hbm>>
      %dma_start3A_74 = tpu.memref_slice %arg3[%add3A_4] : memref<320000xi32, #tpu.memory_space<hbm>> -> memref<4000xi32, #tpu.memory_space<hbm>>
      tpu.enqueue_dma source(%dma_start3A_74 : memref<4000xi32, #tpu.memory_space<hbm>>) target(%arg5 : memref<4000xi32, #tpu.memory_space<vmem>>) target_semaphore(%run_scoped3A : memref<!tpu.dma_semaphore, #tpu.memory_space<semaphore_mem>>)
      %dma_wait3A_75 = tpu.memref_slice %arg3[%add3A_4] : memref<320000xi32, #tpu.memory_space<hbm>> -> memref<4000xi32, #tpu.memory_space<hbm>>
      %dma_wait3A_76 = tpu.memref_slice %arg3[%add3A_4] : memref<320000xi32, #tpu.memory_space<hbm>> -> memref<4000xi32, #tpu.memory_space<hbm>>
      tpu.wait_dma2 semaphore(%run_scoped3A : memref<!tpu.dma_semaphore, #tpu.memory_space<semaphore_mem>>) src(%dma_wait3A_76 : memref<4000xi32, #tpu.memory_space<hbm>>) dst(%arg5 : memref<4000xi32, #tpu.memory_space<vmem>>)
      tpu.yield
    }) : () -> ()
    %scan3A = arith.constant 0 : i32
    %scan3A_5 = arith.constant 0 : i32
    %scan3A_6 = arith.constant 10 : i32
    %scan3A_7 = arith.addi %scan3A_5, %scan3A_6 : i32
    %scan3A_8 = arith.constant 1 : i32
    scf.for %scan3A_74 = %scan3A_5 to %scan3A_7 step %scan3A_8  : i32 {
      %mul3A_75 = arith.constant 400 : i32
      %mul3A_76 = arith.muli %scan3A_74, %mul3A_75 : i32
      %gt3A = arith.constant 0 : i32
      %gt3A_77 = arith.cmpi sgt, %scan3A_74, %gt3A : i32
      %convert_element_type3A = arith.extui %gt3A_77 : i1 to i32
      %cond3A = arith.constant 0 : i32
      %cond3A_78 = arith.cmpi ne, %convert_element_type3A, %cond3A : i32
      scf.if %cond3A_78 {
        %dma_wait3A_278 = arith.constant 0 : i32
        %dma_wait3A_279 = arith.constant 0 : i32
        %dma_wait3A_280 = arith.constant 0 : i32
        %dma_wait3A_281 = tpu.memref_slice %arg6[%dma_wait3A_278, %dma_wait3A_279, %dma_wait3A_280] : memref<5x80x128xf32, #tpu.memory_space<vmem>> -> memref<1x80x128xf32, #tpu.memory_space<vmem>>
        %dma_wait3A_282 = tpu.memref_squeeze %dma_wait3A_281 : memref<1x80x128xf32, #tpu.memory_space<vmem>> -> memref<80x128xf32, #tpu.memory_space<vmem>>
        %dma_wait3A_283 = arith.constant 0 : i32
        %dma_wait3A_284 = tpu.memref_slice %arg4[%mul3A_2, %dma_wait3A_283] : memref<128000x128xf32, #tpu.memory_space<hbm>> -> memref<80x128xf32, #tpu.memory_space<hbm>>
        %dma_wait3A_285 = arith.constant 0 : i32
        %dma_wait3A_286 = tpu.memref_slice %arg4[%mul3A_2, %dma_wait3A_285] : memref<128000x128xf32, #tpu.memory_space<hbm>> -> memref<80x128xf32, #tpu.memory_space<hbm>>
        %dma_wait3A_287 = arith.constant 0 : i32
        %dma_wait3A_288 = arith.constant 0 : i32
        %dma_wait3A_289 = tpu.memref_slice %arg6[%dma_wait3A_278, %dma_wait3A_287, %dma_wait3A_288] : memref<5x80x128xf32, #tpu.memory_space<vmem>> -> memref<1x80x128xf32, #tpu.memory_space<vmem>>
        %dma_wait3A_290 = tpu.memref_squeeze %dma_wait3A_289 : memref<1x80x128xf32, #tpu.memory_space<vmem>> -> memref<80x128xf32, #tpu.memory_space<vmem>>
        tpu.wait_dma2 semaphore(%arg12 : memref<!tpu.dma_semaphore, #tpu.memory_space<semaphore_mem>>) src(%dma_wait3A_290 : memref<80x128xf32, #tpu.memory_space<vmem>>) dst(%dma_wait3A_286 : memref<80x128xf32, #tpu.memory_space<hbm>>)
      } else {
      }
      %add3A_79 = arith.constant 0 : i32
      %add3A_80 = arith.addi %mul3A_76, %add3A_79 : i32
      %dma_start3A = arith.constant 0 : i32
      %dma_start3A_81 = arith.constant 0 : i32
      %dma_start3A_82 = arith.constant 0 : i32
      %dma_start3A_83 = tpu.memref_slice %arg6[%dma_start3A, %dma_start3A_81, %dma_start3A_82] : memref<5x80x128xf32, #tpu.memory_space<vmem>> -> memref<1x80x128xf32, #tpu.memory_space<vmem>>
      %dma_start3A_84 = tpu.memref_squeeze %dma_start3A_83 : memref<1x80x128xf32, #tpu.memory_space<vmem>> -> memref<80x128xf32, #tpu.memory_space<vmem>>
      %dma_start3A_85 = tpu.memref_slice %arg5[%add3A_80] : memref<4000xi32, #tpu.memory_space<vmem>> -> memref<80xi32, #tpu.memory_space<vmem>>
      %dma_start3A_86 = arith.constant 0 : i32
      %dma_start3A_87 = arith.constant 0 : i32
      %dma_start3A_88 = tpu.memref_slice %arg2[%dma_start3A_86, %dma_start3A_87] : memref<10000x128xf32, #tpu.memory_space<hbm>> -> memref<10000x128xf32, #tpu.memory_space<hbm>>
      tpu.enqueue_indirect_dma source(%dma_start3A_88 : memref<10000x128xf32, #tpu.memory_space<hbm>>) target(%dma_start3A_84 : memref<80x128xf32, #tpu.memory_space<vmem>>) offsets(%dma_start3A_85 : memref<80xi32, #tpu.memory_space<vmem>>) semaphore(%arg7 : memref<!tpu.dma_semaphore, #tpu.memory_space<semaphore_mem>>)
      %gt3A_89 = arith.constant 0 : i32
      %gt3A_90 = arith.cmpi sgt, %scan3A_74, %gt3A_89 : i32
      %convert_element_type3A_91 = arith.extui %gt3A_90 : i1 to i32
      %cond3A_92 = arith.constant 0 : i32
      %cond3A_93 = arith.cmpi ne, %convert_element_type3A_91, %cond3A_92 : i32
      scf.if %cond3A_93 {
        %dma_wait3A_278 = arith.constant 1 : i32
        %dma_wait3A_279 = arith.constant 0 : i32
        %dma_wait3A_280 = arith.constant 0 : i32
        %dma_wait3A_281 = tpu.memref_slice %arg6[%dma_wait3A_278, %dma_wait3A_279, %dma_wait3A_280] : memref<5x80x128xf32, #tpu.memory_space<vmem>> -> memref<1x80x128xf32, #tpu.memory_space<vmem>>
        %dma_wait3A_282 = tpu.memref_squeeze %dma_wait3A_281 : memref<1x80x128xf32, #tpu.memory_space<vmem>> -> memref<80x128xf32, #tpu.memory_space<vmem>>
        %dma_wait3A_283 = arith.constant 0 : i32
        %dma_wait3A_284 = tpu.memref_slice %arg4[%mul3A_2, %dma_wait3A_283] : memref<128000x128xf32, #tpu.memory_space<hbm>> -> memref<80x128xf32, #tpu.memory_space<hbm>>
        %dma_wait3A_285 = arith.constant 0 : i32
        %dma_wait3A_286 = tpu.memref_slice %arg4[%mul3A_2, %dma_wait3A_285] : memref<128000x128xf32, #tpu.memory_space<hbm>> -> memref<80x128xf32, #tpu.memory_space<hbm>>
        %dma_wait3A_287 = arith.constant 0 : i32
        %dma_wait3A_288 = arith.constant 0 : i32
        %dma_wait3A_289 = tpu.memref_slice %arg6[%dma_wait3A_278, %dma_wait3A_287, %dma_wait3A_288] : memref<5x80x128xf32, #tpu.memory_space<vmem>> -> memref<1x80x128xf32, #tpu.memory_space<vmem>>
        %dma_wait3A_290 = tpu.memref_squeeze %dma_wait3A_289 : memref<1x80x128xf32, #tpu.memory_space<vmem>> -> memref<80x128xf32, #tpu.memory_space<vmem>>
        tpu.wait_dma2 semaphore(%arg13 : memref<!tpu.dma_semaphore, #tpu.memory_space<semaphore_mem>>) src(%dma_wait3A_290 : memref<80x128xf32, #tpu.memory_space<vmem>>) dst(%dma_wait3A_286 : memref<80x128xf32, #tpu.memory_space<hbm>>)
      } else {
      }
      %add3A_94 = arith.constant 80 : i32
      %add3A_95 = arith.addi %mul3A_76, %add3A_94 : i32
      %dma_start3A_96 = arith.constant 1 : i32
      %dma_start3A_97 = arith.constant 0 : i32
      %dma_start3A_98 = arith.constant 0 : i32
      %dma_start3A_99 = tpu.memref_slice %arg6[%dma_start3A_96, %dma_start3A_97, %dma_start3A_98] : memref<5x80x128xf32, #tpu.memory_space<vmem>> -> memref<1x80x128xf32, #tpu.memory_space<vmem>>
      %dma_start3A_100 = tpu.memref_squeeze %dma_start3A_99 : memref<1x80x128xf32, #tpu.memory_space<vmem>> -> memref<80x128xf32, #tpu.memory_space<vmem>>
      %dma_start3A_101 = tpu.memref_slice %arg5[%add3A_95] : memref<4000xi32, #tpu.memory_space<vmem>> -> memref<80xi32, #tpu.memory_space<vmem>>
      %dma_start3A_102 = arith.constant 0 : i32
      %dma_start3A_103 = arith.constant 0 : i32
      %dma_start3A_104 = tpu.memref_slice %arg2[%dma_start3A_102, %dma_start3A_103] : memref<10000x128xf32, #tpu.memory_space<hbm>> -> memref<10000x128xf32, #tpu.memory_space<hbm>>
      tpu.enqueue_indirect_dma source(%dma_start3A_104 : memref<10000x128xf32, #tpu.memory_space<hbm>>) target(%dma_start3A_100 : memref<80x128xf32, #tpu.memory_space<vmem>>) offsets(%dma_start3A_101 : memref<80xi32, #tpu.memory_space<vmem>>) semaphore(%arg8 : memref<!tpu.dma_semaphore, #tpu.memory_space<semaphore_mem>>)
      %gt3A_105 = arith.constant 0 : i32
      %gt3A_106 = arith.cmpi sgt, %scan3A_74, %gt3A_105 : i32
      %convert_element_type3A_107 = arith.extui %gt3A_106 : i1 to i32
      %cond3A_108 = arith.constant 0 : i32
      %cond3A_109 = arith.cmpi ne, %convert_element_type3A_107, %cond3A_108 : i32
      scf.if %cond3A_109 {
        %dma_wait3A_278 = arith.constant 2 : i32
        %dma_wait3A_279 = arith.constant 0 : i32
        %dma_wait3A_280 = arith.constant 0 : i32
        %dma_wait3A_281 = tpu.memref_slice %arg6[%dma_wait3A_278, %dma_wait3A_279, %dma_wait3A_280] : memref<5x80x128xf32, #tpu.memory_space<vmem>> -> memref<1x80x128xf32, #tpu.memory_space<vmem>>
        %dma_wait3A_282 = tpu.memref_squeeze %dma_wait3A_281 : memref<1x80x128xf32, #tpu.memory_space<vmem>> -> memref<80x128xf32, #tpu.memory_space<vmem>>
        %dma_wait3A_283 = arith.constant 0 : i32
        %dma_wait3A_284 = tpu.memref_slice %arg4[%mul3A_2, %dma_wait3A_283] : memref<128000x128xf32, #tpu.memory_space<hbm>> -> memref<80x128xf32, #tpu.memory_space<hbm>>
        %dma_wait3A_285 = arith.constant 0 : i32
        %dma_wait3A_286 = tpu.memref_slice %arg4[%mul3A_2, %dma_wait3A_285] : memref<128000x128xf32, #tpu.memory_space<hbm>> -> memref<80x128xf32, #tpu.memory_space<hbm>>
        %dma_wait3A_287 = arith.constant 0 : i32
        %dma_wait3A_288 = arith.constant 0 : i32
        %dma_wait3A_289 = tpu.memref_slice %arg6[%dma_wait3A_278, %dma_wait3A_287, %dma_wait3A_288] : memref<5x80x128xf32, #tpu.memory_space<vmem>> -> memref<1x80x128xf32, #tpu.memory_space<vmem>>
        %dma_wait3A_290 = tpu.memref_squeeze %dma_wait3A_289 : memref<1x80x128xf32, #tpu.memory_space<vmem>> -> memref<80x128xf32, #tpu.memory_space<vmem>>
        tpu.wait_dma2 semaphore(%arg14 : memref<!tpu.dma_semaphore, #tpu.memory_space<semaphore_mem>>) src(%dma_wait3A_290 : memref<80x128xf32, #tpu.memory_space<vmem>>) dst(%dma_wait3A_286 : memref<80x128xf32, #tpu.memory_space<hbm>>)
      } else {
      }
      %add3A_110 = arith.constant 160 : i32
      %add3A_111 = arith.addi %mul3A_76, %add3A_110 : i32
      %dma_start3A_112 = arith.constant 2 : i32
      %dma_start3A_113 = arith.constant 0 : i32
      %dma_start3A_114 = arith.constant 0 : i32
      %dma_start3A_115 = tpu.memref_slice %arg6[%dma_start3A_112, %dma_start3A_113, %dma_start3A_114] : memref<5x80x128xf32, #tpu.memory_space<vmem>> -> memref<1x80x128xf32, #tpu.memory_space<vmem>>
      %dma_start3A_116 = tpu.memref_squeeze %dma_start3A_115 : memref<1x80x128xf32, #tpu.memory_space<vmem>> -> memref<80x128xf32, #tpu.memory_space<vmem>>
      %dma_start3A_117 = tpu.memref_slice %arg5[%add3A_111] : memref<4000xi32, #tpu.memory_space<vmem>> -> memref<80xi32, #tpu.memory_space<vmem>>
      %dma_start3A_118 = arith.constant 0 : i32
      %dma_start3A_119 = arith.constant 0 : i32
      %dma_start3A_120 = tpu.memref_slice %arg2[%dma_start3A_118, %dma_start3A_119] : memref<10000x128xf32, #tpu.memory_space<hbm>> -> memref<10000x128xf32, #tpu.memory_space<hbm>>
      tpu.enqueue_indirect_dma source(%dma_start3A_120 : memref<10000x128xf32, #tpu.memory_space<hbm>>) target(%dma_start3A_116 : memref<80x128xf32, #tpu.memory_space<vmem>>) offsets(%dma_start3A_117 : memref<80xi32, #tpu.memory_space<vmem>>) semaphore(%arg9 : memref<!tpu.dma_semaphore, #tpu.memory_space<semaphore_mem>>)
      %gt3A_121 = arith.constant 0 : i32
      %gt3A_122 = arith.cmpi sgt, %scan3A_74, %gt3A_121 : i32
      %convert_element_type3A_123 = arith.extui %gt3A_122 : i1 to i32
      %cond3A_124 = arith.constant 0 : i32
      %cond3A_125 = arith.cmpi ne, %convert_element_type3A_123, %cond3A_124 : i32
      scf.if %cond3A_125 {
        %dma_wait3A_278 = arith.constant 3 : i32
        %dma_wait3A_279 = arith.constant 0 : i32
        %dma_wait3A_280 = arith.constant 0 : i32
        %dma_wait3A_281 = tpu.memref_slice %arg6[%dma_wait3A_278, %dma_wait3A_279, %dma_wait3A_280] : memref<5x80x128xf32, #tpu.memory_space<vmem>> -> memref<1x80x128xf32, #tpu.memory_space<vmem>>
        %dma_wait3A_282 = tpu.memref_squeeze %dma_wait3A_281 : memref<1x80x128xf32, #tpu.memory_space<vmem>> -> memref<80x128xf32, #tpu.memory_space<vmem>>
        %dma_wait3A_283 = arith.constant 0 : i32
        %dma_wait3A_284 = tpu.memref_slice %arg4[%mul3A_2, %dma_wait3A_283] : memref<128000x128xf32, #tpu.memory_space<hbm>> -> memref<80x128xf32, #tpu.memory_space<hbm>>
        %dma_wait3A_285 = arith.constant 0 : i32
        %dma_wait3A_286 = tpu.memref_slice %arg4[%mul3A_2, %dma_wait3A_285] : memref<128000x128xf32, #tpu.memory_space<hbm>> -> memref<80x128xf32, #tpu.memory_space<hbm>>
        %dma_wait3A_287 = arith.constant 0 : i32
        %dma_wait3A_288 = arith.constant 0 : i32
        %dma_wait3A_289 = tpu.memref_slice %arg6[%dma_wait3A_278, %dma_wait3A_287, %dma_wait3A_288] : memref<5x80x128xf32, #tpu.memory_space<vmem>> -> memref<1x80x128xf32, #tpu.memory_space<vmem>>
        %dma_wait3A_290 = tpu.memref_squeeze %dma_wait3A_289 : memref<1x80x128xf32, #tpu.memory_space<vmem>> -> memref<80x128xf32, #tpu.memory_space<vmem>>
        tpu.wait_dma2 semaphore(%arg15 : memref<!tpu.dma_semaphore, #tpu.memory_space<semaphore_mem>>) src(%dma_wait3A_290 : memref<80x128xf32, #tpu.memory_space<vmem>>) dst(%dma_wait3A_286 : memref<80x128xf32, #tpu.memory_space<hbm>>)
      } else {
      }
      %add3A_126 = arith.constant 240 : i32
      %add3A_127 = arith.addi %mul3A_76, %add3A_126 : i32
      %dma_start3A_128 = arith.constant 3 : i32
      %dma_start3A_129 = arith.constant 0 : i32
      %dma_start3A_130 = arith.constant 0 : i32
      %dma_start3A_131 = tpu.memref_slice %arg6[%dma_start3A_128, %dma_start3A_129, %dma_start3A_130] : memref<5x80x128xf32, #tpu.memory_space<vmem>> -> memref<1x80x128xf32, #tpu.memory_space<vmem>>
      %dma_start3A_132 = tpu.memref_squeeze %dma_start3A_131 : memref<1x80x128xf32, #tpu.memory_space<vmem>> -> memref<80x128xf32, #tpu.memory_space<vmem>>
      %dma_start3A_133 = tpu.memref_slice %arg5[%add3A_127] : memref<4000xi32, #tpu.memory_space<vmem>> -> memref<80xi32, #tpu.memory_space<vmem>>
      %dma_start3A_134 = arith.constant 0 : i32
      %dma_start3A_135 = arith.constant 0 : i32
      %dma_start3A_136 = tpu.memref_slice %arg2[%dma_start3A_134, %dma_start3A_135] : memref<10000x128xf32, #tpu.memory_space<hbm>> -> memref<10000x128xf32, #tpu.memory_space<hbm>>
      tpu.enqueue_indirect_dma source(%dma_start3A_136 : memref<10000x128xf32, #tpu.memory_space<hbm>>) target(%dma_start3A_132 : memref<80x128xf32, #tpu.memory_space<vmem>>) offsets(%dma_start3A_133 : memref<80xi32, #tpu.memory_space<vmem>>) semaphore(%arg10 : memref<!tpu.dma_semaphore, #tpu.memory_space<semaphore_mem>>)
      %gt3A_137 = arith.constant 0 : i32
      %gt3A_138 = arith.cmpi sgt, %scan3A_74, %gt3A_137 : i32
      %convert_element_type3A_139 = arith.extui %gt3A_138 : i1 to i32
      %cond3A_140 = arith.constant 0 : i32
      %cond3A_141 = arith.cmpi ne, %convert_element_type3A_139, %cond3A_140 : i32
      scf.if %cond3A_141 {
        %dma_wait3A_278 = arith.constant 4 : i32
        %dma_wait3A_279 = arith.constant 0 : i32
        %dma_wait3A_280 = arith.constant 0 : i32
        %dma_wait3A_281 = tpu.memref_slice %arg6[%dma_wait3A_278, %dma_wait3A_279, %dma_wait3A_280] : memref<5x80x128xf32, #tpu.memory_space<vmem>> -> memref<1x80x128xf32, #tpu.memory_space<vmem>>
        %dma_wait3A_282 = tpu.memref_squeeze %dma_wait3A_281 : memref<1x80x128xf32, #tpu.memory_space<vmem>> -> memref<80x128xf32, #tpu.memory_space<vmem>>
        %dma_wait3A_283 = arith.constant 0 : i32
        %dma_wait3A_284 = tpu.memref_slice %arg4[%mul3A_2, %dma_wait3A_283] : memref<128000x128xf32, #tpu.memory_space<hbm>> -> memref<80x128xf32, #tpu.memory_space<hbm>>
        %dma_wait3A_285 = arith.constant 0 : i32
        %dma_wait3A_286 = tpu.memref_slice %arg4[%mul3A_2, %dma_wait3A_285] : memref<128000x128xf32, #tpu.memory_space<hbm>> -> memref<80x128xf32, #tpu.memory_space<hbm>>
        %dma_wait3A_287 = arith.constant 0 : i32
        %dma_wait3A_288 = arith.constant 0 : i32
        %dma_wait3A_289 = tpu.memref_slice %arg6[%dma_wait3A_278, %dma_wait3A_287, %dma_wait3A_288] : memref<5x80x128xf32, #tpu.memory_space<vmem>> -> memref<1x80x128xf32, #tpu.memory_space<vmem>>
        %dma_wait3A_290 = tpu.memref_squeeze %dma_wait3A_289 : memref<1x80x128xf32, #tpu.memory_space<vmem>> -> memref<80x128xf32, #tpu.memory_space<vmem>>
        tpu.wait_dma2 semaphore(%arg16 : memref<!tpu.dma_semaphore, #tpu.memory_space<semaphore_mem>>) src(%dma_wait3A_290 : memref<80x128xf32, #tpu.memory_space<vmem>>) dst(%dma_wait3A_286 : memref<80x128xf32, #tpu.memory_space<hbm>>)
      } else {
      }
      %add3A_142 = arith.constant 320 : i32
      %add3A_143 = arith.addi %mul3A_76, %add3A_142 : i32
      %dma_start3A_144 = arith.constant 4 : i32
      %dma_start3A_145 = arith.constant 0 : i32
      %dma_start3A_146 = arith.constant 0 : i32
      %dma_start3A_147 = tpu.memref_slice %arg6[%dma_start3A_144, %dma_start3A_145, %dma_start3A_146] : memref<5x80x128xf32, #tpu.memory_space<vmem>> -> memref<1x80x128xf32, #tpu.memory_space<vmem>>
      %dma_start3A_148 = tpu.memref_squeeze %dma_start3A_147 : memref<1x80x128xf32, #tpu.memory_space<vmem>> -> memref<80x128xf32, #tpu.memory_space<vmem>>
      %dma_start3A_149 = tpu.memref_slice %arg5[%add3A_143] : memref<4000xi32, #tpu.memory_space<vmem>> -> memref<80xi32, #tpu.memory_space<vmem>>
      %dma_start3A_150 = arith.constant 0 : i32
      %dma_start3A_151 = arith.constant 0 : i32
      %dma_start3A_152 = tpu.memref_slice %arg2[%dma_start3A_150, %dma_start3A_151] : memref<10000x128xf32, #tpu.memory_space<hbm>> -> memref<10000x128xf32, #tpu.memory_space<hbm>>
      tpu.enqueue_indirect_dma source(%dma_start3A_152 : memref<10000x128xf32, #tpu.memory_space<hbm>>) target(%dma_start3A_148 : memref<80x128xf32, #tpu.memory_space<vmem>>) offsets(%dma_start3A_149 : memref<80xi32, #tpu.memory_space<vmem>>) semaphore(%arg11 : memref<!tpu.dma_semaphore, #tpu.memory_space<semaphore_mem>>)
      %dma_wait3A_153 = arith.constant 0 : i32
      %dma_wait3A_154 = arith.constant 0 : i32
      %dma_wait3A_155 = arith.constant 0 : i32
      %dma_wait3A_156 = tpu.memref_slice %arg6[%dma_wait3A_153, %dma_wait3A_154, %dma_wait3A_155] : memref<5x80x128xf32, #tpu.memory_space<vmem>> -> memref<1x80x128xf32, #tpu.memory_space<vmem>>
      %dma_wait3A_157 = tpu.memref_squeeze %dma_wait3A_156 : memref<1x80x128xf32, #tpu.memory_space<vmem>> -> memref<80x128xf32, #tpu.memory_space<vmem>>
      %dma_wait3A_158 = tpu.memref_slice %arg5[%add3A_80] : memref<4000xi32, #tpu.memory_space<vmem>> -> memref<80xi32, #tpu.memory_space<vmem>>
      %dma_wait3A_159 = arith.constant 0 : i32
      %dma_wait3A_160 = arith.constant 0 : i32
      %dma_wait3A_161 = tpu.memref_slice %arg2[%dma_wait3A_159, %dma_wait3A_160] : memref<10000x128xf32, #tpu.memory_space<hbm>> -> memref<10000x128xf32, #tpu.memory_space<hbm>>
      tpu.wait_indirect_dma semaphore(%arg7 : memref<!tpu.dma_semaphore, #tpu.memory_space<semaphore_mem>>) src(%dma_wait3A_161 : memref<10000x128xf32, #tpu.memory_space<hbm>>) dst(%dma_wait3A_157 : memref<80x128xf32, #tpu.memory_space<vmem>>)
      %add3A_162 = arith.addi %mul3A_2, %mul3A_76 : i32
      %add3A_163 = arith.constant 0 : i32
      %add3A_164 = arith.addi %add3A_162, %add3A_163 : i32
      %dma_start3A_165 = arith.constant 0 : i32
      %dma_start3A_166 = arith.constant 0 : i32
      %dma_start3A_167 = arith.constant 0 : i32
      %dma_start3A_168 = tpu.memref_slice %arg6[%dma_start3A_165, %dma_start3A_166, %dma_start3A_167] : memref<5x80x128xf32, #tpu.memory_space<vmem>> -> memref<1x80x128xf32, #tpu.memory_space<vmem>>
      %dma_start3A_169 = tpu.memref_squeeze %dma_start3A_168 : memref<1x80x128xf32, #tpu.memory_space<vmem>> -> memref<80x128xf32, #tpu.memory_space<vmem>>
      %dma_start3A_170 = arith.constant 0 : i32
      %dma_start3A_171 = tpu.memref_slice %arg4[%add3A_164, %dma_start3A_170] : memref<128000x128xf32, #tpu.memory_space<hbm>> -> memref<80x128xf32, #tpu.memory_space<hbm>>
      %dma_start3A_172 = arith.constant 0 : i32
      %dma_start3A_173 = tpu.memref_slice %arg4[%add3A_164, %dma_start3A_172] : memref<128000x128xf32, #tpu.memory_space<hbm>> -> memref<80x128xf32, #tpu.memory_space<hbm>>
      %dma_start3A_174 = arith.constant 0 : i32
      %dma_start3A_175 = arith.constant 0 : i32
      %dma_start3A_176 = tpu.memref_slice %arg6[%dma_start3A_165, %dma_start3A_174, %dma_start3A_175] : memref<5x80x128xf32, #tpu.memory_space<vmem>> -> memref<1x80x128xf32, #tpu.memory_space<vmem>>
      %dma_start3A_177 = tpu.memref_squeeze %dma_start3A_176 : memref<1x80x128xf32, #tpu.memory_space<vmem>> -> memref<80x128xf32, #tpu.memory_space<vmem>>
      tpu.enqueue_dma source(%dma_start3A_177 : memref<80x128xf32, #tpu.memory_space<vmem>>) target(%dma_start3A_173 : memref<80x128xf32, #tpu.memory_space<hbm>>) target_semaphore(%arg12 : memref<!tpu.dma_semaphore, #tpu.memory_space<semaphore_mem>>)
      %dma_wait3A_178 = arith.constant 1 : i32
      %dma_wait3A_179 = arith.constant 0 : i32
      %dma_wait3A_180 = arith.constant 0 : i32
      %dma_wait3A_181 = tpu.memref_slice %arg6[%dma_wait3A_178, %dma_wait3A_179, %dma_wait3A_180] : memref<5x80x128xf32, #tpu.memory_space<vmem>> -> memref<1x80x128xf32, #tpu.memory_space<vmem>>
      %dma_wait3A_182 = tpu.memref_squeeze %dma_wait3A_181 : memref<1x80x128xf32, #tpu.memory_space<vmem>> -> memref<80x128xf32, #tpu.memory_space<vmem>>
      %dma_wait3A_183 = tpu.memref_slice %arg5[%add3A_95] : memref<4000xi32, #tpu.memory_space<vmem>> -> memref<80xi32, #tpu.memory_space<vmem>>
      %dma_wait3A_184 = arith.constant 0 : i32
      %dma_wait3A_185 = arith.constant 0 : i32
      %dma_wait3A_186 = tpu.memref_slice %arg2[%dma_wait3A_184, %dma_wait3A_185] : memref<10000x128xf32, #tpu.memory_space<hbm>> -> memref<10000x128xf32, #tpu.memory_space<hbm>>
      tpu.wait_indirect_dma semaphore(%arg8 : memref<!tpu.dma_semaphore, #tpu.memory_space<semaphore_mem>>) src(%dma_wait3A_186 : memref<10000x128xf32, #tpu.memory_space<hbm>>) dst(%dma_wait3A_182 : memref<80x128xf32, #tpu.memory_space<vmem>>)
      %add3A_187 = arith.addi %mul3A_2, %mul3A_76 : i32
      %add3A_188 = arith.constant 80 : i32
      %add3A_189 = arith.addi %add3A_187, %add3A_188 : i32
      %dma_start3A_190 = arith.constant 1 : i32
      %dma_start3A_191 = arith.constant 0 : i32
      %dma_start3A_192 = arith.constant 0 : i32
      %dma_start3A_193 = tpu.memref_slice %arg6[%dma_start3A_190, %dma_start3A_191, %dma_start3A_192] : memref<5x80x128xf32, #tpu.memory_space<vmem>> -> memref<1x80x128xf32, #tpu.memory_space<vmem>>
      %dma_start3A_194 = tpu.memref_squeeze %dma_start3A_193 : memref<1x80x128xf32, #tpu.memory_space<vmem>> -> memref<80x128xf32, #tpu.memory_space<vmem>>
      %dma_start3A_195 = arith.constant 0 : i32
      %dma_start3A_196 = tpu.memref_slice %arg4[%add3A_189, %dma_start3A_195] : memref<128000x128xf32, #tpu.memory_space<hbm>> -> memref<80x128xf32, #tpu.memory_space<hbm>>
      %dma_start3A_197 = arith.constant 0 : i32
      %dma_start3A_198 = tpu.memref_slice %arg4[%add3A_189, %dma_start3A_197] : memref<128000x128xf32, #tpu.memory_space<hbm>> -> memref<80x128xf32, #tpu.memory_space<hbm>>
      %dma_start3A_199 = arith.constant 0 : i32
      %dma_start3A_200 = arith.constant 0 : i32
      %dma_start3A_201 = tpu.memref_slice %arg6[%dma_start3A_190, %dma_start3A_199, %dma_start3A_200] : memref<5x80x128xf32, #tpu.memory_space<vmem>> -> memref<1x80x128xf32, #tpu.memory_space<vmem>>
      %dma_start3A_202 = tpu.memref_squeeze %dma_start3A_201 : memref<1x80x128xf32, #tpu.memory_space<vmem>> -> memref<80x128xf32, #tpu.memory_space<vmem>>
      tpu.enqueue_dma source(%dma_start3A_202 : memref<80x128xf32, #tpu.memory_space<vmem>>) target(%dma_start3A_198 : memref<80x128xf32, #tpu.memory_space<hbm>>) target_semaphore(%arg13 : memref<!tpu.dma_semaphore, #tpu.memory_space<semaphore_mem>>)
      %dma_wait3A_203 = arith.constant 2 : i32
      %dma_wait3A_204 = arith.constant 0 : i32
      %dma_wait3A_205 = arith.constant 0 : i32
      %dma_wait3A_206 = tpu.memref_slice %arg6[%dma_wait3A_203, %dma_wait3A_204, %dma_wait3A_205] : memref<5x80x128xf32, #tpu.memory_space<vmem>> -> memref<1x80x128xf32, #tpu.memory_space<vmem>>
      %dma_wait3A_207 = tpu.memref_squeeze %dma_wait3A_206 : memref<1x80x128xf32, #tpu.memory_space<vmem>> -> memref<80x128xf32, #tpu.memory_space<vmem>>
      %dma_wait3A_208 = tpu.memref_slice %arg5[%add3A_111] : memref<4000xi32, #tpu.memory_space<vmem>> -> memref<80xi32, #tpu.memory_space<vmem>>
      %dma_wait3A_209 = arith.constant 0 : i32
      %dma_wait3A_210 = arith.constant 0 : i32
      %dma_wait3A_211 = tpu.memref_slice %arg2[%dma_wait3A_209, %dma_wait3A_210] : memref<10000x128xf32, #tpu.memory_space<hbm>> -> memref<10000x128xf32, #tpu.memory_space<hbm>>
      tpu.wait_indirect_dma semaphore(%arg9 : memref<!tpu.dma_semaphore, #tpu.memory_space<semaphore_mem>>) src(%dma_wait3A_211 : memref<10000x128xf32, #tpu.memory_space<hbm>>) dst(%dma_wait3A_207 : memref<80x128xf32, #tpu.memory_space<vmem>>)
      %add3A_212 = arith.addi %mul3A_2, %mul3A_76 : i32
      %add3A_213 = arith.constant 160 : i32
      %add3A_214 = arith.addi %add3A_212, %add3A_213 : i32
      %dma_start3A_215 = arith.constant 2 : i32
      %dma_start3A_216 = arith.constant 0 : i32
      %dma_start3A_217 = arith.constant 0 : i32
      %dma_start3A_218 = tpu.memref_slice %arg6[%dma_start3A_215, %dma_start3A_216, %dma_start3A_217] : memref<5x80x128xf32, #tpu.memory_space<vmem>> -> memref<1x80x128xf32, #tpu.memory_space<vmem>>
      %dma_start3A_219 = tpu.memref_squeeze %dma_start3A_218 : memref<1x80x128xf32, #tpu.memory_space<vmem>> -> memref<80x128xf32, #tpu.memory_space<vmem>>
      %dma_start3A_220 = arith.constant 0 : i32
      %dma_start3A_221 = tpu.memref_slice %arg4[%add3A_214, %dma_start3A_220] : memref<128000x128xf32, #tpu.memory_space<hbm>> -> memref<80x128xf32, #tpu.memory_space<hbm>>
      %dma_start3A_222 = arith.constant 0 : i32
      %dma_start3A_223 = tpu.memref_slice %arg4[%add3A_214, %dma_start3A_222] : memref<128000x128xf32, #tpu.memory_space<hbm>> -> memref<80x128xf32, #tpu.memory_space<hbm>>
      %dma_start3A_224 = arith.constant 0 : i32
      %dma_start3A_225 = arith.constant 0 : i32
      %dma_start3A_226 = tpu.memref_slice %arg6[%dma_start3A_215, %dma_start3A_224, %dma_start3A_225] : memref<5x80x128xf32, #tpu.memory_space<vmem>> -> memref<1x80x128xf32, #tpu.memory_space<vmem>>
      %dma_start3A_227 = tpu.memref_squeeze %dma_start3A_226 : memref<1x80x128xf32, #tpu.memory_space<vmem>> -> memref<80x128xf32, #tpu.memory_space<vmem>>
      tpu.enqueue_dma source(%dma_start3A_227 : memref<80x128xf32, #tpu.memory_space<vmem>>) target(%dma_start3A_223 : memref<80x128xf32, #tpu.memory_space<hbm>>) target_semaphore(%arg14 : memref<!tpu.dma_semaphore, #tpu.memory_space<semaphore_mem>>)
      %dma_wait3A_228 = arith.constant 3 : i32
      %dma_wait3A_229 = arith.constant 0 : i32
      %dma_wait3A_230 = arith.constant 0 : i32
      %dma_wait3A_231 = tpu.memref_slice %arg6[%dma_wait3A_228, %dma_wait3A_229, %dma_wait3A_230] : memref<5x80x128xf32, #tpu.memory_space<vmem>> -> memref<1x80x128xf32, #tpu.memory_space<vmem>>
      %dma_wait3A_232 = tpu.memref_squeeze %dma_wait3A_231 : memref<1x80x128xf32, #tpu.memory_space<vmem>> -> memref<80x128xf32, #tpu.memory_space<vmem>>
      %dma_wait3A_233 = tpu.memref_slice %arg5[%add3A_127] : memref<4000xi32, #tpu.memory_space<vmem>> -> memref<80xi32, #tpu.memory_space<vmem>>
      %dma_wait3A_234 = arith.constant 0 : i32
      %dma_wait3A_235 = arith.constant 0 : i32
      %dma_wait3A_236 = tpu.memref_slice %arg2[%dma_wait3A_234, %dma_wait3A_235] : memref<10000x128xf32, #tpu.memory_space<hbm>> -> memref<10000x128xf32, #tpu.memory_space<hbm>>
      tpu.wait_indirect_dma semaphore(%arg10 : memref<!tpu.dma_semaphore, #tpu.memory_space<semaphore_mem>>) src(%dma_wait3A_236 : memref<10000x128xf32, #tpu.memory_space<hbm>>) dst(%dma_wait3A_232 : memref<80x128xf32, #tpu.memory_space<vmem>>)
      %add3A_237 = arith.addi %mul3A_2, %mul3A_76 : i32
      %add3A_238 = arith.constant 240 : i32
      %add3A_239 = arith.addi %add3A_237, %add3A_238 : i32
      %dma_start3A_240 = arith.constant 3 : i32
      %dma_start3A_241 = arith.constant 0 : i32
      %dma_start3A_242 = arith.constant 0 : i32
      %dma_start3A_243 = tpu.memref_slice %arg6[%dma_start3A_240, %dma_start3A_241, %dma_start3A_242] : memref<5x80x128xf32, #tpu.memory_space<vmem>> -> memref<1x80x128xf32, #tpu.memory_space<vmem>>
      %dma_start3A_244 = tpu.memref_squeeze %dma_start3A_243 : memref<1x80x128xf32, #tpu.memory_space<vmem>> -> memref<80x128xf32, #tpu.memory_space<vmem>>
      %dma_start3A_245 = arith.constant 0 : i32
      %dma_start3A_246 = tpu.memref_slice %arg4[%add3A_239, %dma_start3A_245] : memref<128000x128xf32, #tpu.memory_space<hbm>> -> memref<80x128xf32, #tpu.memory_space<hbm>>
      %dma_start3A_247 = arith.constant 0 : i32
      %dma_start3A_248 = tpu.memref_slice %arg4[%add3A_239, %dma_start3A_247] : memref<128000x128xf32, #tpu.memory_space<hbm>> -> memref<80x128xf32, #tpu.memory_space<hbm>>
      %dma_start3A_249 = arith.constant 0 : i32
      %dma_start3A_250 = arith.constant 0 : i32
      %dma_start3A_251 = tpu.memref_slice %arg6[%dma_start3A_240, %dma_start3A_249, %dma_start3A_250] : memref<5x80x128xf32, #tpu.memory_space<vmem>> -> memref<1x80x128xf32, #tpu.memory_space<vmem>>
      %dma_start3A_252 = tpu.memref_squeeze %dma_start3A_251 : memref<1x80x128xf32, #tpu.memory_space<vmem>> -> memref<80x128xf32, #tpu.memory_space<vmem>>
      tpu.enqueue_dma source(%dma_start3A_252 : memref<80x128xf32, #tpu.memory_space<vmem>>) target(%dma_start3A_248 : memref<80x128xf32, #tpu.memory_space<hbm>>) target_semaphore(%arg15 : memref<!tpu.dma_semaphore, #tpu.memory_space<semaphore_mem>>)
      %dma_wait3A_253 = arith.constant 4 : i32
      %dma_wait3A_254 = arith.constant 0 : i32
      %dma_wait3A_255 = arith.constant 0 : i32
      %dma_wait3A_256 = tpu.memref_slice %arg6[%dma_wait3A_253, %dma_wait3A_254, %dma_wait3A_255] : memref<5x80x128xf32, #tpu.memory_space<vmem>> -> memref<1x80x128xf32, #tpu.memory_space<vmem>>
      %dma_wait3A_257 = tpu.memref_squeeze %dma_wait3A_256 : memref<1x80x128xf32, #tpu.memory_space<vmem>> -> memref<80x128xf32, #tpu.memory_space<vmem>>
      %dma_wait3A_258 = tpu.memref_slice %arg5[%add3A_143] : memref<4000xi32, #tpu.memory_space<vmem>> -> memref<80xi32, #tpu.memory_space<vmem>>
      %dma_wait3A_259 = arith.constant 0 : i32
      %dma_wait3A_260 = arith.constant 0 : i32
      %dma_wait3A_261 = tpu.memref_slice %arg2[%dma_wait3A_259, %dma_wait3A_260] : memref<10000x128xf32, #tpu.memory_space<hbm>> -> memref<10000x128xf32, #tpu.memory_space<hbm>>
      tpu.wait_indirect_dma semaphore(%arg11 : memref<!tpu.dma_semaphore, #tpu.memory_space<semaphore_mem>>) src(%dma_wait3A_261 : memref<10000x128xf32, #tpu.memory_space<hbm>>) dst(%dma_wait3A_257 : memref<80x128xf32, #tpu.memory_space<vmem>>)
      %add3A_262 = arith.addi %mul3A_2, %mul3A_76 : i32
      %add3A_263 = arith.constant 320 : i32
      %add3A_264 = arith.addi %add3A_262, %add3A_263 : i32
      %dma_start3A_265 = arith.constant 4 : i32
      %dma_start3A_266 = arith.constant 0 : i32
      %dma_start3A_267 = arith.constant 0 : i32
      %dma_start3A_268 = tpu.memref_slice %arg6[%dma_start3A_265, %dma_start3A_266, %dma_start3A_267] : memref<5x80x128xf32, #tpu.memory_space<vmem>> -> memref<1x80x128xf32, #tpu.memory_space<vmem>>
      %dma_start3A_269 = tpu.memref_squeeze %dma_start3A_268 : memref<1x80x128xf32, #tpu.memory_space<vmem>> -> memref<80x128xf32, #tpu.memory_space<vmem>>
      %dma_start3A_270 = arith.constant 0 : i32
      %dma_start3A_271 = tpu.memref_slice %arg4[%add3A_264, %dma_start3A_270] : memref<128000x128xf32, #tpu.memory_space<hbm>> -> memref<80x128xf32, #tpu.memory_space<hbm>>
      %dma_start3A_272 = arith.constant 0 : i32
      %dma_start3A_273 = tpu.memref_slice %arg4[%add3A_264, %dma_start3A_272] : memref<128000x128xf32, #tpu.memory_space<hbm>> -> memref<80x128xf32, #tpu.memory_space<hbm>>
      %dma_start3A_274 = arith.constant 0 : i32
      %dma_start3A_275 = arith.constant 0 : i32
      %dma_start3A_276 = tpu.memref_slice %arg6[%dma_start3A_265, %dma_start3A_274, %dma_start3A_275] : memref<5x80x128xf32, #tpu.memory_space<vmem>> -> memref<1x80x128xf32, #tpu.memory_space<vmem>>
      %dma_start3A_277 = tpu.memref_squeeze %dma_start3A_276 : memref<1x80x128xf32, #tpu.memory_space<vmem>> -> memref<80x128xf32, #tpu.memory_space<vmem>>
      tpu.enqueue_dma source(%dma_start3A_277 : memref<80x128xf32, #tpu.memory_space<vmem>>) target(%dma_start3A_273 : memref<80x128xf32, #tpu.memory_space<hbm>>) target_semaphore(%arg16 : memref<!tpu.dma_semaphore, #tpu.memory_space<semaphore_mem>>)
    }
    %scan3A_9 = arith.constant 10 : i32
    %dma_wait3A = arith.constant 0 : i32
    %dma_wait3A_10 = arith.constant 0 : i32
    %dma_wait3A_11 = arith.constant 0 : i32
    %dma_wait3A_12 = tpu.memref_slice %arg6[%dma_wait3A, %dma_wait3A_10, %dma_wait3A_11] : memref<5x80x128xf32, #tpu.memory_space<vmem>> -> memref<1x80x128xf32, #tpu.memory_space<vmem>>
    %dma_wait3A_13 = tpu.memref_squeeze %dma_wait3A_12 : memref<1x80x128xf32, #tpu.memory_space<vmem>> -> memref<80x128xf32, #tpu.memory_space<vmem>>
    %dma_wait3A_14 = arith.constant 0 : i32
    %dma_wait3A_15 = tpu.memref_slice %arg4[%mul3A_2, %dma_wait3A_14] : memref<128000x128xf32, #tpu.memory_space<hbm>> -> memref<80x128xf32, #tpu.memory_space<hbm>>
    %dma_wait3A_16 = arith.constant 0 : i32
    %dma_wait3A_17 = tpu.memref_slice %arg4[%mul3A_2, %dma_wait3A_16] : memref<128000x128xf32, #tpu.memory_space<hbm>> -> memref<80x128xf32, #tpu.memory_space<hbm>>
    %dma_wait3A_18 = arith.constant 0 : i32
    %dma_wait3A_19 = arith.constant 0 : i32
    %dma_wait3A_20 = tpu.memref_slice %arg6[%dma_wait3A, %dma_wait3A_18, %dma_wait3A_19] : memref<5x80x128xf32, #tpu.memory_space<vmem>> -> memref<1x80x128xf32, #tpu.memory_space<vmem>>
    %dma_wait3A_21 = tpu.memref_squeeze %dma_wait3A_20 : memref<1x80x128xf32, #tpu.memory_space<vmem>> -> memref<80x128xf32, #tpu.memory_space<vmem>>
    tpu.wait_dma2 semaphore(%arg12 : memref<!tpu.dma_semaphore, #tpu.memory_space<semaphore_mem>>) src(%dma_wait3A_21 : memref<80x128xf32, #tpu.memory_space<vmem>>) dst(%dma_wait3A_17 : memref<80x128xf32, #tpu.memory_space<hbm>>)
    %dma_wait3A_22 = arith.constant 1 : i32
    %dma_wait3A_23 = arith.constant 0 : i32
    %dma_wait3A_24 = arith.constant 0 : i32
    %dma_wait3A_25 = tpu.memref_slice %arg6[%dma_wait3A_22, %dma_wait3A_23, %dma_wait3A_24] : memref<5x80x128xf32, #tpu.memory_space<vmem>> -> memref<1x80x128xf32, #tpu.memory_space<vmem>>
    %dma_wait3A_26 = tpu.memref_squeeze %dma_wait3A_25 : memref<1x80x128xf32, #tpu.memory_space<vmem>> -> memref<80x128xf32, #tpu.memory_space<vmem>>
    %dma_wait3A_27 = arith.constant 0 : i32
    %dma_wait3A_28 = tpu.memref_slice %arg4[%mul3A_2, %dma_wait3A_27] : memref<128000x128xf32, #tpu.memory_space<hbm>> -> memref<80x128xf32, #tpu.memory_space<hbm>>
    %dma_wait3A_29 = arith.constant 0 : i32
    %dma_wait3A_30 = tpu.memref_slice %arg4[%mul3A_2, %dma_wait3A_29] : memref<128000x128xf32, #tpu.memory_space<hbm>> -> memref<80x128xf32, #tpu.memory_space<hbm>>
    %dma_wait3A_31 = arith.constant 0 : i32
    %dma_wait3A_32 = arith.constant 0 : i32
    %dma_wait3A_33 = tpu.memref_slice %arg6[%dma_wait3A_22, %dma_wait3A_31, %dma_wait3A_32] : memref<5x80x128xf32, #tpu.memory_space<vmem>> -> memref<1x80x128xf32, #tpu.memory_space<vmem>>
    %dma_wait3A_34 = tpu.memref_squeeze %dma_wait3A_33 : memref<1x80x128xf32, #tpu.memory_space<vmem>> -> memref<80x128xf32, #tpu.memory_space<vmem>>
    tpu.wait_dma2 semaphore(%arg13 : memref<!tpu.dma_semaphore, #tpu.memory_space<semaphore_mem>>) src(%dma_wait3A_34 : memref<80x128xf32, #tpu.memory_space<vmem>>) dst(%dma_wait3A_30 : memref<80x128xf32, #tpu.memory_space<hbm>>)
    %dma_wait3A_35 = arith.constant 2 : i32
    %dma_wait3A_36 = arith.constant 0 : i32
    %dma_wait3A_37 = arith.constant 0 : i32
    %dma_wait3A_38 = tpu.memref_slice %arg6[%dma_wait3A_35, %dma_wait3A_36, %dma_wait3A_37] : memref<5x80x128xf32, #tpu.memory_space<vmem>> -> memref<1x80x128xf32, #tpu.memory_space<vmem>>
    %dma_wait3A_39 = tpu.memref_squeeze %dma_wait3A_38 : memref<1x80x128xf32, #tpu.memory_space<vmem>> -> memref<80x128xf32, #tpu.memory_space<vmem>>
    %dma_wait3A_40 = arith.constant 0 : i32
    %dma_wait3A_41 = tpu.memref_slice %arg4[%mul3A_2, %dma_wait3A_40] : memref<128000x128xf32, #tpu.memory_space<hbm>> -> memref<80x128xf32, #tpu.memory_space<hbm>>
    %dma_wait3A_42 = arith.constant 0 : i32
    %dma_wait3A_43 = tpu.memref_slice %arg4[%mul3A_2, %dma_wait3A_42] : memref<128000x128xf32, #tpu.memory_space<hbm>> -> memref<80x128xf32, #tpu.memory_space<hbm>>
    %dma_wait3A_44 = arith.constant 0 : i32
    %dma_wait3A_45 = arith.constant 0 : i32
    %dma_wait3A_46 = tpu.memref_slice %arg6[%dma_wait3A_35, %dma_wait3A_44, %dma_wait3A_45] : memref<5x80x128xf32, #tpu.memory_space<vmem>> -> memref<1x80x128xf32, #tpu.memory_space<vmem>>
    %dma_wait3A_47 = tpu.memref_squeeze %dma_wait3A_46 : memref<1x80x128xf32, #tpu.memory_space<vmem>> -> memref<80x128xf32, #tpu.memory_space<vmem>>
    tpu.wait_dma2 semaphore(%arg14 : memref<!tpu.dma_semaphore, #tpu.memory_space<semaphore_mem>>) src(%dma_wait3A_47 : memref<80x128xf32, #tpu.memory_space<vmem>>) dst(%dma_wait3A_43 : memref<80x128xf32, #tpu.memory_space<hbm>>)
    %dma_wait3A_48 = arith.constant 3 : i32
    %dma_wait3A_49 = arith.constant 0 : i32
    %dma_wait3A_50 = arith.constant 0 : i32
    %dma_wait3A_51 = tpu.memref_slice %arg6[%dma_wait3A_48, %dma_wait3A_49, %dma_wait3A_50] : memref<5x80x128xf32, #tpu.memory_space<vmem>> -> memref<1x80x128xf32, #tpu.memory_space<vmem>>
    %dma_wait3A_52 = tpu.memref_squeeze %dma_wait3A_51 : memref<1x80x128xf32, #tpu.memory_space<vmem>> -> memref<80x128xf32, #tpu.memory_space<vmem>>
    %dma_wait3A_53 = arith.constant 0 : i32
    %dma_wait3A_54 = tpu.memref_slice %arg4[%mul3A_2, %dma_wait3A_53] : memref<128000x128xf32, #tpu.memory_space<hbm>> -> memref<80x128xf32, #tpu.memory_space<hbm>>
    %dma_wait3A_55 = arith.constant 0 : i32
    %dma_wait3A_56 = tpu.memref_slice %arg4[%mul3A_2, %dma_wait3A_55] : memref<128000x128xf32, #tpu.memory_space<hbm>> -> memref<80x128xf32, #tpu.memory_space<hbm>>
    %dma_wait3A_57 = arith.constant 0 : i32
    %dma_wait3A_58 = arith.constant 0 : i32
    %dma_wait3A_59 = tpu.memref_slice %arg6[%dma_wait3A_48, %dma_wait3A_57, %dma_wait3A_58] : memref<5x80x128xf32, #tpu.memory_space<vmem>> -> memref<1x80x128xf32, #tpu.memory_space<vmem>>
    %dma_wait3A_60 = tpu.memref_squeeze %dma_wait3A_59 : memref<1x80x128xf32, #tpu.memory_space<vmem>> -> memref<80x128xf32, #tpu.memory_space<vmem>>
    tpu.wait_dma2 semaphore(%arg15 : memref<!tpu.dma_semaphore, #tpu.memory_space<semaphore_mem>>) src(%dma_wait3A_60 : memref<80x128xf32, #tpu.memory_space<vmem>>) dst(%dma_wait3A_56 : memref<80x128xf32, #tpu.memory_space<hbm>>)
    %dma_wait3A_61 = arith.constant 4 : i32
    %dma_wait3A_62 = arith.constant 0 : i32
    %dma_wait3A_63 = arith.constant 0 : i32
    %dma_wait3A_64 = tpu.memref_slice %arg6[%dma_wait3A_61, %dma_wait3A_62, %dma_wait3A_63] : memref<5x80x128xf32, #tpu.memory_space<vmem>> -> memref<1x80x128xf32, #tpu.memory_space<vmem>>
    %dma_wait3A_65 = tpu.memref_squeeze %dma_wait3A_64 : memref<1x80x128xf32, #tpu.memory_space<vmem>> -> memref<80x128xf32, #tpu.memory_space<vmem>>
    %dma_wait3A_66 = arith.constant 0 : i32
    %dma_wait3A_67 = tpu.memref_slice %arg4[%mul3A_2, %dma_wait3A_66] : memref<128000x128xf32, #tpu.memory_space<hbm>> -> memref<80x128xf32, #tpu.memory_space<hbm>>
    %dma_wait3A_68 = arith.constant 0 : i32
    %dma_wait3A_69 = tpu.memref_slice %arg4[%mul3A_2, %dma_wait3A_68] : memref<128000x128xf32, #tpu.memory_space<hbm>> -> memref<80x128xf32, #tpu.memory_space<hbm>>
    %dma_wait3A_70 = arith.constant 0 : i32
    %dma_wait3A_71 = arith.constant 0 : i32
    %dma_wait3A_72 = tpu.memref_slice %arg6[%dma_wait3A_61, %dma_wait3A_70, %dma_wait3A_71] : memref<5x80x128xf32, #tpu.memory_space<vmem>> -> memref<1x80x128xf32, #tpu.memory_space<vmem>>
    %dma_wait3A_73 = tpu.memref_squeeze %dma_wait3A_72 : memref<1x80x128xf32, #tpu.memory_space<vmem>> -> memref<80x128xf32, #tpu.memory_space<vmem>>
    tpu.wait_dma2 semaphore(%arg16 : memref<!tpu.dma_semaphore, #tpu.memory_space<semaphore_mem>>) src(%dma_wait3A_73 : memref<80x128xf32, #tpu.memory_space<vmem>>) dst(%dma_wait3A_69 : memref<80x128xf32, #tpu.memory_space<hbm>>)
    return
  }
}

#map = affine_map<(d0, d1) -> (0, 0)>
#map1 = affine_map<(d0, d1) -> (0)>
module attributes {stable_mosaic.version = 14 : i64} {
  func.func @_sc_gather(%arg0: i32, %arg1: i32, %arg2: memref<10000x128xf32, #tpu.memory_space<hbm>>, %arg3: memref<320000xi32, #tpu.memory_space<hbm>>, %arg4: memref<128000x128xf32, #tpu.memory_space<hbm>>, %arg5: memref<4000xi32, #tpu.memory_space<vmem>>, %arg6: memref<5x80x128xf32, #tpu.memory_space<vmem>>, %arg7: memref<!tpu.dma_semaphore, #tpu.memory_space<semaphore_mem>>, %arg8: memref<!tpu.dma_semaphore, #tpu.memory_space<semaphore_mem>>, %arg9: memref<!tpu.dma_semaphore, #tpu.memory_space<semaphore_mem>>, %arg10: memref<!tpu.dma_semaphore, #tpu.memory_space<semaphore_mem>>, %arg11: memref<!tpu.dma_semaphore, #tpu.memory_space<semaphore_mem>>, %arg12: memref<!tpu.dma_semaphore, #tpu.memory_space<semaphore_mem>>, %arg13: memref<!tpu.dma_semaphore, #tpu.memory_space<semaphore_mem>>, %arg14: memref<!tpu.dma_semaphore, #tpu.memory_space<semaphore_mem>>, %arg15: memref<!tpu.dma_semaphore, #tpu.memory_space<semaphore_mem>>, %arg16: memref<!tpu.dma_semaphore, #tpu.memory_space<semaphore_mem>>) attributes {dimension_semantics = [#tpu.dimension_semantics<core_parallel>, #tpu.dimension_semantics<subcore_parallel>], iteration_bounds = array<i64: 2, 16>, scalar_prefetch = 0 : i64, scratch_operands = 12 : i64, tpu.core_type = #tpu.core_type<sc_vector_subcore>, window_params = [{transform_indices = #map}, {transform_indices = #map1}, {transform_indices = #map}]} {
    %mul3A = arith.constant 2 : i32
    %mul3A_0 = arith.muli %arg1, %mul3A : i32
    %add3A = arith.addi %mul3A_0, %arg0 : i32
    %mul3A_1 = arith.constant 4000 : i32
    %mul3A_2 = arith.muli %add3A, %mul3A_1 : i32
    %add3A_3 = arith.constant 192000 : i32
    %add3A_4 = arith.addi %add3A_3, %mul3A_2 : i32
    "tpu.region"() ({
      %run_scoped3A = tpu.sem_alloc : memref<!tpu.dma_semaphore, #tpu.memory_space<semaphore_mem>>
      %dma_start3A = tpu.memref_slice %arg3[%add3A_4] : memref<320000xi32, #tpu.memory_space<hbm>> -> memref<4000xi32, #tpu.memory_space<hbm>>
      %dma_start3A_74 = tpu.memref_slice %arg3[%add3A_4] : memref<320000xi32, #tpu.memory_space<hbm>> -> memref<4000xi32, #tpu.memory_space<hbm>>
      tpu.enqueue_dma source(%dma_start3A_74 : memref<4000xi32, #tpu.memory_space<hbm>>) target(%arg5 : memref<4000xi32, #tpu.memory_space<vmem>>) target_semaphore(%run_scoped3A : memref<!tpu.dma_semaphore, #tpu.memory_space<semaphore_mem>>)
      %dma_wait3A_75 = tpu.memref_slice %arg3[%add3A_4] : memref<320000xi32, #tpu.memory_space<hbm>> -> memref<4000xi32, #tpu.memory_space<hbm>>
      %dma_wait3A_76 = tpu.memref_slice %arg3[%add3A_4] : memref<320000xi32, #tpu.memory_space<hbm>> -> memref<4000xi32, #tpu.memory_space<hbm>>
      tpu.wait_dma2 semaphore(%run_scoped3A : memref<!tpu.dma_semaphore, #tpu.memory_space<semaphore_mem>>) src(%dma_wait3A_76 : memref<4000xi32, #tpu.memory_space<hbm>>) dst(%arg5 : memref<4000xi32, #tpu.memory_space<vmem>>)
      tpu.yield
    }) : () -> ()
    %scan3A = arith.constant 0 : i32
    %scan3A_5 = arith.constant 0 : i32
    %scan3A_6 = arith.constant 10 : i32
    %scan3A_7 = arith.addi %scan3A_5, %scan3A_6 : i32
    %scan3A_8 = arith.constant 1 : i32
    scf.for %scan3A_74 = %scan3A_5 to %scan3A_7 step %scan3A_8  : i32 {
      %mul3A_75 = arith.constant 400 : i32
      %mul3A_76 = arith.muli %scan3A_74, %mul3A_75 : i32
      %gt3A = arith.constant 0 : i32
      %gt3A_77 = arith.cmpi sgt, %scan3A_74, %gt3A : i32
      %convert_element_type3A = arith.extui %gt3A_77 : i1 to i32
      %cond3A = arith.constant 0 : i32
      %cond3A_78 = arith.cmpi ne, %convert_element_type3A, %cond3A : i32
      scf.if %cond3A_78 {
        %dma_wait3A_278 = arith.constant 0 : i32
        %dma_wait3A_279 = arith.constant 0 : i32
        %dma_wait3A_280 = arith.constant 0 : i32
        %dma_wait3A_281 = tpu.memref_slice %arg6[%dma_wait3A_278, %dma_wait3A_279, %dma_wait3A_280] : memref<5x80x128xf32, #tpu.memory_space<vmem>> -> memref<1x80x128xf32, #tpu.memory_space<vmem>>
        %dma_wait3A_282 = tpu.memref_squeeze %dma_wait3A_281 : memref<1x80x128xf32, #tpu.memory_space<vmem>> -> memref<80x128xf32, #tpu.memory_space<vmem>>
        %dma_wait3A_283 = arith.constant 0 : i32
        %dma_wait3A_284 = tpu.memref_slice %arg4[%mul3A_2, %dma_wait3A_283] : memref<128000x128xf32, #tpu.memory_space<hbm>> -> memref<80x128xf32, #tpu.memory_space<hbm>>
        %dma_wait3A_285 = arith.constant 0 : i32
        %dma_wait3A_286 = tpu.memref_slice %arg4[%mul3A_2, %dma_wait3A_285] : memref<128000x128xf32, #tpu.memory_space<hbm>> -> memref<80x128xf32, #tpu.memory_space<hbm>>
        %dma_wait3A_287 = arith.constant 0 : i32
        %dma_wait3A_288 = arith.constant 0 : i32
        %dma_wait3A_289 = tpu.memref_slice %arg6[%dma_wait3A_278, %dma_wait3A_287, %dma_wait3A_288] : memref<5x80x128xf32, #tpu.memory_space<vmem>> -> memref<1x80x128xf32, #tpu.memory_space<vmem>>
        %dma_wait3A_290 = tpu.memref_squeeze %dma_wait3A_289 : memref<1x80x128xf32, #tpu.memory_space<vmem>> -> memref<80x128xf32, #tpu.memory_space<vmem>>
        tpu.wait_dma2 semaphore(%arg12 : memref<!tpu.dma_semaphore, #tpu.memory_space<semaphore_mem>>) src(%dma_wait3A_290 : memref<80x128xf32, #tpu.memory_space<vmem>>) dst(%dma_wait3A_286 : memref<80x128xf32, #tpu.memory_space<hbm>>)
      } else {
      }
      %add3A_79 = arith.constant 0 : i32
      %add3A_80 = arith.addi %mul3A_76, %add3A_79 : i32
      %dma_start3A = arith.constant 0 : i32
      %dma_start3A_81 = arith.constant 0 : i32
      %dma_start3A_82 = arith.constant 0 : i32
      %dma_start3A_83 = tpu.memref_slice %arg6[%dma_start3A, %dma_start3A_81, %dma_start3A_82] : memref<5x80x128xf32, #tpu.memory_space<vmem>> -> memref<1x80x128xf32, #tpu.memory_space<vmem>>
      %dma_start3A_84 = tpu.memref_squeeze %dma_start3A_83 : memref<1x80x128xf32, #tpu.memory_space<vmem>> -> memref<80x128xf32, #tpu.memory_space<vmem>>
      %dma_start3A_85 = tpu.memref_slice %arg5[%add3A_80] : memref<4000xi32, #tpu.memory_space<vmem>> -> memref<80xi32, #tpu.memory_space<vmem>>
      %dma_start3A_86 = arith.constant 0 : i32
      %dma_start3A_87 = arith.constant 0 : i32
      %dma_start3A_88 = tpu.memref_slice %arg2[%dma_start3A_86, %dma_start3A_87] : memref<10000x128xf32, #tpu.memory_space<hbm>> -> memref<10000x128xf32, #tpu.memory_space<hbm>>
      tpu.enqueue_indirect_dma source(%dma_start3A_88 : memref<10000x128xf32, #tpu.memory_space<hbm>>) target(%dma_start3A_84 : memref<80x128xf32, #tpu.memory_space<vmem>>) offsets(%dma_start3A_85 : memref<80xi32, #tpu.memory_space<vmem>>) semaphore(%arg7 : memref<!tpu.dma_semaphore, #tpu.memory_space<semaphore_mem>>)
      %gt3A_89 = arith.constant 0 : i32
      %gt3A_90 = arith.cmpi sgt, %scan3A_74, %gt3A_89 : i32
      %convert_element_type3A_91 = arith.extui %gt3A_90 : i1 to i32
      %cond3A_92 = arith.constant 0 : i32
      %cond3A_93 = arith.cmpi ne, %convert_element_type3A_91, %cond3A_92 : i32
      scf.if %cond3A_93 {
        %dma_wait3A_278 = arith.constant 1 : i32
        %dma_wait3A_279 = arith.constant 0 : i32
        %dma_wait3A_280 = arith.constant 0 : i32
        %dma_wait3A_281 = tpu.memref_slice %arg6[%dma_wait3A_278, %dma_wait3A_279, %dma_wait3A_280] : memref<5x80x128xf32, #tpu.memory_space<vmem>> -> memref<1x80x128xf32, #tpu.memory_space<vmem>>
        %dma_wait3A_282 = tpu.memref_squeeze %dma_wait3A_281 : memref<1x80x128xf32, #tpu.memory_space<vmem>> -> memref<80x128xf32, #tpu.memory_space<vmem>>
        %dma_wait3A_283 = arith.constant 0 : i32
        %dma_wait3A_284 = tpu.memref_slice %arg4[%mul3A_2, %dma_wait3A_283] : memref<128000x128xf32, #tpu.memory_space<hbm>> -> memref<80x128xf32, #tpu.memory_space<hbm>>
        %dma_wait3A_285 = arith.constant 0 : i32
        %dma_wait3A_286 = tpu.memref_slice %arg4[%mul3A_2, %dma_wait3A_285] : memref<128000x128xf32, #tpu.memory_space<hbm>> -> memref<80x128xf32, #tpu.memory_space<hbm>>
        %dma_wait3A_287 = arith.constant 0 : i32
        %dma_wait3A_288 = arith.constant 0 : i32
        %dma_wait3A_289 = tpu.memref_slice %arg6[%dma_wait3A_278, %dma_wait3A_287, %dma_wait3A_288] : memref<5x80x128xf32, #tpu.memory_space<vmem>> -> memref<1x80x128xf32, #tpu.memory_space<vmem>>
        %dma_wait3A_290 = tpu.memref_squeeze %dma_wait3A_289 : memref<1x80x128xf32, #tpu.memory_space<vmem>> -> memref<80x128xf32, #tpu.memory_space<vmem>>
        tpu.wait_dma2 semaphore(%arg13 : memref<!tpu.dma_semaphore, #tpu.memory_space<semaphore_mem>>) src(%dma_wait3A_290 : memref<80x128xf32, #tpu.memory_space<vmem>>) dst(%dma_wait3A_286 : memref<80x128xf32, #tpu.memory_space<hbm>>)
      } else {
      }
      %add3A_94 = arith.constant 80 : i32
      %add3A_95 = arith.addi %mul3A_76, %add3A_94 : i32
      %dma_start3A_96 = arith.constant 1 : i32
      %dma_start3A_97 = arith.constant 0 : i32
      %dma_start3A_98 = arith.constant 0 : i32
      %dma_start3A_99 = tpu.memref_slice %arg6[%dma_start3A_96, %dma_start3A_97, %dma_start3A_98] : memref<5x80x128xf32, #tpu.memory_space<vmem>> -> memref<1x80x128xf32, #tpu.memory_space<vmem>>
      %dma_start3A_100 = tpu.memref_squeeze %dma_start3A_99 : memref<1x80x128xf32, #tpu.memory_space<vmem>> -> memref<80x128xf32, #tpu.memory_space<vmem>>
      %dma_start3A_101 = tpu.memref_slice %arg5[%add3A_95] : memref<4000xi32, #tpu.memory_space<vmem>> -> memref<80xi32, #tpu.memory_space<vmem>>
      %dma_start3A_102 = arith.constant 0 : i32
      %dma_start3A_103 = arith.constant 0 : i32
      %dma_start3A_104 = tpu.memref_slice %arg2[%dma_start3A_102, %dma_start3A_103] : memref<10000x128xf32, #tpu.memory_space<hbm>> -> memref<10000x128xf32, #tpu.memory_space<hbm>>
      tpu.enqueue_indirect_dma source(%dma_start3A_104 : memref<10000x128xf32, #tpu.memory_space<hbm>>) target(%dma_start3A_100 : memref<80x128xf32, #tpu.memory_space<vmem>>) offsets(%dma_start3A_101 : memref<80xi32, #tpu.memory_space<vmem>>) semaphore(%arg8 : memref<!tpu.dma_semaphore, #tpu.memory_space<semaphore_mem>>)
      %gt3A_105 = arith.constant 0 : i32
      %gt3A_106 = arith.cmpi sgt, %scan3A_74, %gt3A_105 : i32
      %convert_element_type3A_107 = arith.extui %gt3A_106 : i1 to i32
      %cond3A_108 = arith.constant 0 : i32
      %cond3A_109 = arith.cmpi ne, %convert_element_type3A_107, %cond3A_108 : i32
      scf.if %cond3A_109 {
        %dma_wait3A_278 = arith.constant 2 : i32
        %dma_wait3A_279 = arith.constant 0 : i32
        %dma_wait3A_280 = arith.constant 0 : i32
        %dma_wait3A_281 = tpu.memref_slice %arg6[%dma_wait3A_278, %dma_wait3A_279, %dma_wait3A_280] : memref<5x80x128xf32, #tpu.memory_space<vmem>> -> memref<1x80x128xf32, #tpu.memory_space<vmem>>
        %dma_wait3A_282 = tpu.memref_squeeze %dma_wait3A_281 : memref<1x80x128xf32, #tpu.memory_space<vmem>> -> memref<80x128xf32, #tpu.memory_space<vmem>>
        %dma_wait3A_283 = arith.constant 0 : i32
        %dma_wait3A_284 = tpu.memref_slice %arg4[%mul3A_2, %dma_wait3A_283] : memref<128000x128xf32, #tpu.memory_space<hbm>> -> memref<80x128xf32, #tpu.memory_space<hbm>>
        %dma_wait3A_285 = arith.constant 0 : i32
        %dma_wait3A_286 = tpu.memref_slice %arg4[%mul3A_2, %dma_wait3A_285] : memref<128000x128xf32, #tpu.memory_space<hbm>> -> memref<80x128xf32, #tpu.memory_space<hbm>>
        %dma_wait3A_287 = arith.constant 0 : i32
        %dma_wait3A_288 = arith.constant 0 : i32
        %dma_wait3A_289 = tpu.memref_slice %arg6[%dma_wait3A_278, %dma_wait3A_287, %dma_wait3A_288] : memref<5x80x128xf32, #tpu.memory_space<vmem>> -> memref<1x80x128xf32, #tpu.memory_space<vmem>>
        %dma_wait3A_290 = tpu.memref_squeeze %dma_wait3A_289 : memref<1x80x128xf32, #tpu.memory_space<vmem>> -> memref<80x128xf32, #tpu.memory_space<vmem>>
        tpu.wait_dma2 semaphore(%arg14 : memref<!tpu.dma_semaphore, #tpu.memory_space<semaphore_mem>>) src(%dma_wait3A_290 : memref<80x128xf32, #tpu.memory_space<vmem>>) dst(%dma_wait3A_286 : memref<80x128xf32, #tpu.memory_space<hbm>>)
      } else {
      }
      %add3A_110 = arith.constant 160 : i32
      %add3A_111 = arith.addi %mul3A_76, %add3A_110 : i32
      %dma_start3A_112 = arith.constant 2 : i32
      %dma_start3A_113 = arith.constant 0 : i32
      %dma_start3A_114 = arith.constant 0 : i32
      %dma_start3A_115 = tpu.memref_slice %arg6[%dma_start3A_112, %dma_start3A_113, %dma_start3A_114] : memref<5x80x128xf32, #tpu.memory_space<vmem>> -> memref<1x80x128xf32, #tpu.memory_space<vmem>>
      %dma_start3A_116 = tpu.memref_squeeze %dma_start3A_115 : memref<1x80x128xf32, #tpu.memory_space<vmem>> -> memref<80x128xf32, #tpu.memory_space<vmem>>
      %dma_start3A_117 = tpu.memref_slice %arg5[%add3A_111] : memref<4000xi32, #tpu.memory_space<vmem>> -> memref<80xi32, #tpu.memory_space<vmem>>
      %dma_start3A_118 = arith.constant 0 : i32
      %dma_start3A_119 = arith.constant 0 : i32
      %dma_start3A_120 = tpu.memref_slice %arg2[%dma_start3A_118, %dma_start3A_119] : memref<10000x128xf32, #tpu.memory_space<hbm>> -> memref<10000x128xf32, #tpu.memory_space<hbm>>
      tpu.enqueue_indirect_dma source(%dma_start3A_120 : memref<10000x128xf32, #tpu.memory_space<hbm>>) target(%dma_start3A_116 : memref<80x128xf32, #tpu.memory_space<vmem>>) offsets(%dma_start3A_117 : memref<80xi32, #tpu.memory_space<vmem>>) semaphore(%arg9 : memref<!tpu.dma_semaphore, #tpu.memory_space<semaphore_mem>>)
      %gt3A_121 = arith.constant 0 : i32
      %gt3A_122 = arith.cmpi sgt, %scan3A_74, %gt3A_121 : i32
      %convert_element_type3A_123 = arith.extui %gt3A_122 : i1 to i32
      %cond3A_124 = arith.constant 0 : i32
      %cond3A_125 = arith.cmpi ne, %convert_element_type3A_123, %cond3A_124 : i32
      scf.if %cond3A_125 {
        %dma_wait3A_278 = arith.constant 3 : i32
        %dma_wait3A_279 = arith.constant 0 : i32
        %dma_wait3A_280 = arith.constant 0 : i32
        %dma_wait3A_281 = tpu.memref_slice %arg6[%dma_wait3A_278, %dma_wait3A_279, %dma_wait3A_280] : memref<5x80x128xf32, #tpu.memory_space<vmem>> -> memref<1x80x128xf32, #tpu.memory_space<vmem>>
        %dma_wait3A_282 = tpu.memref_squeeze %dma_wait3A_281 : memref<1x80x128xf32, #tpu.memory_space<vmem>> -> memref<80x128xf32, #tpu.memory_space<vmem>>
        %dma_wait3A_283 = arith.constant 0 : i32
        %dma_wait3A_284 = tpu.memref_slice %arg4[%mul3A_2, %dma_wait3A_283] : memref<128000x128xf32, #tpu.memory_space<hbm>> -> memref<80x128xf32, #tpu.memory_space<hbm>>
        %dma_wait3A_285 = arith.constant 0 : i32
        %dma_wait3A_286 = tpu.memref_slice %arg4[%mul3A_2, %dma_wait3A_285] : memref<128000x128xf32, #tpu.memory_space<hbm>> -> memref<80x128xf32, #tpu.memory_space<hbm>>
        %dma_wait3A_287 = arith.constant 0 : i32
        %dma_wait3A_288 = arith.constant 0 : i32
        %dma_wait3A_289 = tpu.memref_slice %arg6[%dma_wait3A_278, %dma_wait3A_287, %dma_wait3A_288] : memref<5x80x128xf32, #tpu.memory_space<vmem>> -> memref<1x80x128xf32, #tpu.memory_space<vmem>>
        %dma_wait3A_290 = tpu.memref_squeeze %dma_wait3A_289 : memref<1x80x128xf32, #tpu.memory_space<vmem>> -> memref<80x128xf32, #tpu.memory_space<vmem>>
        tpu.wait_dma2 semaphore(%arg15 : memref<!tpu.dma_semaphore, #tpu.memory_space<semaphore_mem>>) src(%dma_wait3A_290 : memref<80x128xf32, #tpu.memory_space<vmem>>) dst(%dma_wait3A_286 : memref<80x128xf32, #tpu.memory_space<hbm>>)
      } else {
      }
      %add3A_126 = arith.constant 240 : i32
      %add3A_127 = arith.addi %mul3A_76, %add3A_126 : i32
      %dma_start3A_128 = arith.constant 3 : i32
      %dma_start3A_129 = arith.constant 0 : i32
      %dma_start3A_130 = arith.constant 0 : i32
      %dma_start3A_131 = tpu.memref_slice %arg6[%dma_start3A_128, %dma_start3A_129, %dma_start3A_130] : memref<5x80x128xf32, #tpu.memory_space<vmem>> -> memref<1x80x128xf32, #tpu.memory_space<vmem>>
      %dma_start3A_132 = tpu.memref_squeeze %dma_start3A_131 : memref<1x80x128xf32, #tpu.memory_space<vmem>> -> memref<80x128xf32, #tpu.memory_space<vmem>>
      %dma_start3A_133 = tpu.memref_slice %arg5[%add3A_127] : memref<4000xi32, #tpu.memory_space<vmem>> -> memref<80xi32, #tpu.memory_space<vmem>>
      %dma_start3A_134 = arith.constant 0 : i32
      %dma_start3A_135 = arith.constant 0 : i32
      %dma_start3A_136 = tpu.memref_slice %arg2[%dma_start3A_134, %dma_start3A_135] : memref<10000x128xf32, #tpu.memory_space<hbm>> -> memref<10000x128xf32, #tpu.memory_space<hbm>>
      tpu.enqueue_indirect_dma source(%dma_start3A_136 : memref<10000x128xf32, #tpu.memory_space<hbm>>) target(%dma_start3A_132 : memref<80x128xf32, #tpu.memory_space<vmem>>) offsets(%dma_start3A_133 : memref<80xi32, #tpu.memory_space<vmem>>) semaphore(%arg10 : memref<!tpu.dma_semaphore, #tpu.memory_space<semaphore_mem>>)
      %gt3A_137 = arith.constant 0 : i32
      %gt3A_138 = arith.cmpi sgt, %scan3A_74, %gt3A_137 : i32
      %convert_element_type3A_139 = arith.extui %gt3A_138 : i1 to i32
      %cond3A_140 = arith.constant 0 : i32
      %cond3A_141 = arith.cmpi ne, %convert_element_type3A_139, %cond3A_140 : i32
      scf.if %cond3A_141 {
        %dma_wait3A_278 = arith.constant 4 : i32
        %dma_wait3A_279 = arith.constant 0 : i32
        %dma_wait3A_280 = arith.constant 0 : i32
        %dma_wait3A_281 = tpu.memref_slice %arg6[%dma_wait3A_278, %dma_wait3A_279, %dma_wait3A_280] : memref<5x80x128xf32, #tpu.memory_space<vmem>> -> memref<1x80x128xf32, #tpu.memory_space<vmem>>
        %dma_wait3A_282 = tpu.memref_squeeze %dma_wait3A_281 : memref<1x80x128xf32, #tpu.memory_space<vmem>> -> memref<80x128xf32, #tpu.memory_space<vmem>>
        %dma_wait3A_283 = arith.constant 0 : i32
        %dma_wait3A_284 = tpu.memref_slice %arg4[%mul3A_2, %dma_wait3A_283] : memref<128000x128xf32, #tpu.memory_space<hbm>> -> memref<80x128xf32, #tpu.memory_space<hbm>>
        %dma_wait3A_285 = arith.constant 0 : i32
        %dma_wait3A_286 = tpu.memref_slice %arg4[%mul3A_2, %dma_wait3A_285] : memref<128000x128xf32, #tpu.memory_space<hbm>> -> memref<80x128xf32, #tpu.memory_space<hbm>>
        %dma_wait3A_287 = arith.constant 0 : i32
        %dma_wait3A_288 = arith.constant 0 : i32
        %dma_wait3A_289 = tpu.memref_slice %arg6[%dma_wait3A_278, %dma_wait3A_287, %dma_wait3A_288] : memref<5x80x128xf32, #tpu.memory_space<vmem>> -> memref<1x80x128xf32, #tpu.memory_space<vmem>>
        %dma_wait3A_290 = tpu.memref_squeeze %dma_wait3A_289 : memref<1x80x128xf32, #tpu.memory_space<vmem>> -> memref<80x128xf32, #tpu.memory_space<vmem>>
        tpu.wait_dma2 semaphore(%arg16 : memref<!tpu.dma_semaphore, #tpu.memory_space<semaphore_mem>>) src(%dma_wait3A_290 : memref<80x128xf32, #tpu.memory_space<vmem>>) dst(%dma_wait3A_286 : memref<80x128xf32, #tpu.memory_space<hbm>>)
      } else {
      }
      %add3A_142 = arith.constant 320 : i32
      %add3A_143 = arith.addi %mul3A_76, %add3A_142 : i32
      %dma_start3A_144 = arith.constant 4 : i32
      %dma_start3A_145 = arith.constant 0 : i32
      %dma_start3A_146 = arith.constant 0 : i32
      %dma_start3A_147 = tpu.memref_slice %arg6[%dma_start3A_144, %dma_start3A_145, %dma_start3A_146] : memref<5x80x128xf32, #tpu.memory_space<vmem>> -> memref<1x80x128xf32, #tpu.memory_space<vmem>>
      %dma_start3A_148 = tpu.memref_squeeze %dma_start3A_147 : memref<1x80x128xf32, #tpu.memory_space<vmem>> -> memref<80x128xf32, #tpu.memory_space<vmem>>
      %dma_start3A_149 = tpu.memref_slice %arg5[%add3A_143] : memref<4000xi32, #tpu.memory_space<vmem>> -> memref<80xi32, #tpu.memory_space<vmem>>
      %dma_start3A_150 = arith.constant 0 : i32
      %dma_start3A_151 = arith.constant 0 : i32
      %dma_start3A_152 = tpu.memref_slice %arg2[%dma_start3A_150, %dma_start3A_151] : memref<10000x128xf32, #tpu.memory_space<hbm>> -> memref<10000x128xf32, #tpu.memory_space<hbm>>
      tpu.enqueue_indirect_dma source(%dma_start3A_152 : memref<10000x128xf32, #tpu.memory_space<hbm>>) target(%dma_start3A_148 : memref<80x128xf32, #tpu.memory_space<vmem>>) offsets(%dma_start3A_149 : memref<80xi32, #tpu.memory_space<vmem>>) semaphore(%arg11 : memref<!tpu.dma_semaphore, #tpu.memory_space<semaphore_mem>>)
      %dma_wait3A_153 = arith.constant 0 : i32
      %dma_wait3A_154 = arith.constant 0 : i32
      %dma_wait3A_155 = arith.constant 0 : i32
      %dma_wait3A_156 = tpu.memref_slice %arg6[%dma_wait3A_153, %dma_wait3A_154, %dma_wait3A_155] : memref<5x80x128xf32, #tpu.memory_space<vmem>> -> memref<1x80x128xf32, #tpu.memory_space<vmem>>
      %dma_wait3A_157 = tpu.memref_squeeze %dma_wait3A_156 : memref<1x80x128xf32, #tpu.memory_space<vmem>> -> memref<80x128xf32, #tpu.memory_space<vmem>>
      %dma_wait3A_158 = tpu.memref_slice %arg5[%add3A_80] : memref<4000xi32, #tpu.memory_space<vmem>> -> memref<80xi32, #tpu.memory_space<vmem>>
      %dma_wait3A_159 = arith.constant 0 : i32
      %dma_wait3A_160 = arith.constant 0 : i32
      %dma_wait3A_161 = tpu.memref_slice %arg2[%dma_wait3A_159, %dma_wait3A_160] : memref<10000x128xf32, #tpu.memory_space<hbm>> -> memref<10000x128xf32, #tpu.memory_space<hbm>>
      tpu.wait_indirect_dma semaphore(%arg7 : memref<!tpu.dma_semaphore, #tpu.memory_space<semaphore_mem>>) src(%dma_wait3A_161 : memref<10000x128xf32, #tpu.memory_space<hbm>>) dst(%dma_wait3A_157 : memref<80x128xf32, #tpu.memory_space<vmem>>)
      %add3A_162 = arith.addi %mul3A_2, %mul3A_76 : i32
      %add3A_163 = arith.constant 0 : i32
      %add3A_164 = arith.addi %add3A_162, %add3A_163 : i32
      %dma_start3A_165 = arith.constant 0 : i32
      %dma_start3A_166 = arith.constant 0 : i32
      %dma_start3A_167 = arith.constant 0 : i32
      %dma_start3A_168 = tpu.memref_slice %arg6[%dma_start3A_165, %dma_start3A_166, %dma_start3A_167] : memref<5x80x128xf32, #tpu.memory_space<vmem>> -> memref<1x80x128xf32, #tpu.memory_space<vmem>>
      %dma_start3A_169 = tpu.memref_squeeze %dma_start3A_168 : memref<1x80x128xf32, #tpu.memory_space<vmem>> -> memref<80x128xf32, #tpu.memory_space<vmem>>
      %dma_start3A_170 = arith.constant 0 : i32
      %dma_start3A_171 = tpu.memref_slice %arg4[%add3A_164, %dma_start3A_170] : memref<128000x128xf32, #tpu.memory_space<hbm>> -> memref<80x128xf32, #tpu.memory_space<hbm>>
      %dma_start3A_172 = arith.constant 0 : i32
      %dma_start3A_173 = tpu.memref_slice %arg4[%add3A_164, %dma_start3A_172] : memref<128000x128xf32, #tpu.memory_space<hbm>> -> memref<80x128xf32, #tpu.memory_space<hbm>>
      %dma_start3A_174 = arith.constant 0 : i32
      %dma_start3A_175 = arith.constant 0 : i32
      %dma_start3A_176 = tpu.memref_slice %arg6[%dma_start3A_165, %dma_start3A_174, %dma_start3A_175] : memref<5x80x128xf32, #tpu.memory_space<vmem>> -> memref<1x80x128xf32, #tpu.memory_space<vmem>>
      %dma_start3A_177 = tpu.memref_squeeze %dma_start3A_176 : memref<1x80x128xf32, #tpu.memory_space<vmem>> -> memref<80x128xf32, #tpu.memory_space<vmem>>
      tpu.enqueue_dma source(%dma_start3A_177 : memref<80x128xf32, #tpu.memory_space<vmem>>) target(%dma_start3A_173 : memref<80x128xf32, #tpu.memory_space<hbm>>) target_semaphore(%arg12 : memref<!tpu.dma_semaphore, #tpu.memory_space<semaphore_mem>>)
      %dma_wait3A_178 = arith.constant 1 : i32
      %dma_wait3A_179 = arith.constant 0 : i32
      %dma_wait3A_180 = arith.constant 0 : i32
      %dma_wait3A_181 = tpu.memref_slice %arg6[%dma_wait3A_178, %dma_wait3A_179, %dma_wait3A_180] : memref<5x80x128xf32, #tpu.memory_space<vmem>> -> memref<1x80x128xf32, #tpu.memory_space<vmem>>
      %dma_wait3A_182 = tpu.memref_squeeze %dma_wait3A_181 : memref<1x80x128xf32, #tpu.memory_space<vmem>> -> memref<80x128xf32, #tpu.memory_space<vmem>>
      %dma_wait3A_183 = tpu.memref_slice %arg5[%add3A_95] : memref<4000xi32, #tpu.memory_space<vmem>> -> memref<80xi32, #tpu.memory_space<vmem>>
      %dma_wait3A_184 = arith.constant 0 : i32
      %dma_wait3A_185 = arith.constant 0 : i32
      %dma_wait3A_186 = tpu.memref_slice %arg2[%dma_wait3A_184, %dma_wait3A_185] : memref<10000x128xf32, #tpu.memory_space<hbm>> -> memref<10000x128xf32, #tpu.memory_space<hbm>>
      tpu.wait_indirect_dma semaphore(%arg8 : memref<!tpu.dma_semaphore, #tpu.memory_space<semaphore_mem>>) src(%dma_wait3A_186 : memref<10000x128xf32, #tpu.memory_space<hbm>>) dst(%dma_wait3A_182 : memref<80x128xf32, #tpu.memory_space<vmem>>)
      %add3A_187 = arith.addi %mul3A_2, %mul3A_76 : i32
      %add3A_188 = arith.constant 80 : i32
      %add3A_189 = arith.addi %add3A_187, %add3A_188 : i32
      %dma_start3A_190 = arith.constant 1 : i32
      %dma_start3A_191 = arith.constant 0 : i32
      %dma_start3A_192 = arith.constant 0 : i32
      %dma_start3A_193 = tpu.memref_slice %arg6[%dma_start3A_190, %dma_start3A_191, %dma_start3A_192] : memref<5x80x128xf32, #tpu.memory_space<vmem>> -> memref<1x80x128xf32, #tpu.memory_space<vmem>>
      %dma_start3A_194 = tpu.memref_squeeze %dma_start3A_193 : memref<1x80x128xf32, #tpu.memory_space<vmem>> -> memref<80x128xf32, #tpu.memory_space<vmem>>
      %dma_start3A_195 = arith.constant 0 : i32
      %dma_start3A_196 = tpu.memref_slice %arg4[%add3A_189, %dma_start3A_195] : memref<128000x128xf32, #tpu.memory_space<hbm>> -> memref<80x128xf32, #tpu.memory_space<hbm>>
      %dma_start3A_197 = arith.constant 0 : i32
      %dma_start3A_198 = tpu.memref_slice %arg4[%add3A_189, %dma_start3A_197] : memref<128000x128xf32, #tpu.memory_space<hbm>> -> memref<80x128xf32, #tpu.memory_space<hbm>>
      %dma_start3A_199 = arith.constant 0 : i32
      %dma_start3A_200 = arith.constant 0 : i32
      %dma_start3A_201 = tpu.memref_slice %arg6[%dma_start3A_190, %dma_start3A_199, %dma_start3A_200] : memref<5x80x128xf32, #tpu.memory_space<vmem>> -> memref<1x80x128xf32, #tpu.memory_space<vmem>>
      %dma_start3A_202 = tpu.memref_squeeze %dma_start3A_201 : memref<1x80x128xf32, #tpu.memory_space<vmem>> -> memref<80x128xf32, #tpu.memory_space<vmem>>
      tpu.enqueue_dma source(%dma_start3A_202 : memref<80x128xf32, #tpu.memory_space<vmem>>) target(%dma_start3A_198 : memref<80x128xf32, #tpu.memory_space<hbm>>) target_semaphore(%arg13 : memref<!tpu.dma_semaphore, #tpu.memory_space<semaphore_mem>>)
      %dma_wait3A_203 = arith.constant 2 : i32
      %dma_wait3A_204 = arith.constant 0 : i32
      %dma_wait3A_205 = arith.constant 0 : i32
      %dma_wait3A_206 = tpu.memref_slice %arg6[%dma_wait3A_203, %dma_wait3A_204, %dma_wait3A_205] : memref<5x80x128xf32, #tpu.memory_space<vmem>> -> memref<1x80x128xf32, #tpu.memory_space<vmem>>
      %dma_wait3A_207 = tpu.memref_squeeze %dma_wait3A_206 : memref<1x80x128xf32, #tpu.memory_space<vmem>> -> memref<80x128xf32, #tpu.memory_space<vmem>>
      %dma_wait3A_208 = tpu.memref_slice %arg5[%add3A_111] : memref<4000xi32, #tpu.memory_space<vmem>> -> memref<80xi32, #tpu.memory_space<vmem>>
      %dma_wait3A_209 = arith.constant 0 : i32
      %dma_wait3A_210 = arith.constant 0 : i32
      %dma_wait3A_211 = tpu.memref_slice %arg2[%dma_wait3A_209, %dma_wait3A_210] : memref<10000x128xf32, #tpu.memory_space<hbm>> -> memref<10000x128xf32, #tpu.memory_space<hbm>>
      tpu.wait_indirect_dma semaphore(%arg9 : memref<!tpu.dma_semaphore, #tpu.memory_space<semaphore_mem>>) src(%dma_wait3A_211 : memref<10000x128xf32, #tpu.memory_space<hbm>>) dst(%dma_wait3A_207 : memref<80x128xf32, #tpu.memory_space<vmem>>)
      %add3A_212 = arith.addi %mul3A_2, %mul3A_76 : i32
      %add3A_213 = arith.constant 160 : i32
      %add3A_214 = arith.addi %add3A_212, %add3A_213 : i32
      %dma_start3A_215 = arith.constant 2 : i32
      %dma_start3A_216 = arith.constant 0 : i32
      %dma_start3A_217 = arith.constant 0 : i32
      %dma_start3A_218 = tpu.memref_slice %arg6[%dma_start3A_215, %dma_start3A_216, %dma_start3A_217] : memref<5x80x128xf32, #tpu.memory_space<vmem>> -> memref<1x80x128xf32, #tpu.memory_space<vmem>>
      %dma_start3A_219 = tpu.memref_squeeze %dma_start3A_218 : memref<1x80x128xf32, #tpu.memory_space<vmem>> -> memref<80x128xf32, #tpu.memory_space<vmem>>
      %dma_start3A_220 = arith.constant 0 : i32
      %dma_start3A_221 = tpu.memref_slice %arg4[%add3A_214, %dma_start3A_220] : memref<128000x128xf32, #tpu.memory_space<hbm>> -> memref<80x128xf32, #tpu.memory_space<hbm>>
      %dma_start3A_222 = arith.constant 0 : i32
      %dma_start3A_223 = tpu.memref_slice %arg4[%add3A_214, %dma_start3A_222] : memref<128000x128xf32, #tpu.memory_space<hbm>> -> memref<80x128xf32, #tpu.memory_space<hbm>>
      %dma_start3A_224 = arith.constant 0 : i32
      %dma_start3A_225 = arith.constant 0 : i32
      %dma_start3A_226 = tpu.memref_slice %arg6[%dma_start3A_215, %dma_start3A_224, %dma_start3A_225] : memref<5x80x128xf32, #tpu.memory_space<vmem>> -> memref<1x80x128xf32, #tpu.memory_space<vmem>>
      %dma_start3A_227 = tpu.memref_squeeze %dma_start3A_226 : memref<1x80x128xf32, #tpu.memory_space<vmem>> -> memref<80x128xf32, #tpu.memory_space<vmem>>
      tpu.enqueue_dma source(%dma_start3A_227 : memref<80x128xf32, #tpu.memory_space<vmem>>) target(%dma_start3A_223 : memref<80x128xf32, #tpu.memory_space<hbm>>) target_semaphore(%arg14 : memref<!tpu.dma_semaphore, #tpu.memory_space<semaphore_mem>>)
      %dma_wait3A_228 = arith.constant 3 : i32
      %dma_wait3A_229 = arith.constant 0 : i32
      %dma_wait3A_230 = arith.constant 0 : i32
      %dma_wait3A_231 = tpu.memref_slice %arg6[%dma_wait3A_228, %dma_wait3A_229, %dma_wait3A_230] : memref<5x80x128xf32, #tpu.memory_space<vmem>> -> memref<1x80x128xf32, #tpu.memory_space<vmem>>
      %dma_wait3A_232 = tpu.memref_squeeze %dma_wait3A_231 : memref<1x80x128xf32, #tpu.memory_space<vmem>> -> memref<80x128xf32, #tpu.memory_space<vmem>>
      %dma_wait3A_233 = tpu.memref_slice %arg5[%add3A_127] : memref<4000xi32, #tpu.memory_space<vmem>> -> memref<80xi32, #tpu.memory_space<vmem>>
      %dma_wait3A_234 = arith.constant 0 : i32
      %dma_wait3A_235 = arith.constant 0 : i32
      %dma_wait3A_236 = tpu.memref_slice %arg2[%dma_wait3A_234, %dma_wait3A_235] : memref<10000x128xf32, #tpu.memory_space<hbm>> -> memref<10000x128xf32, #tpu.memory_space<hbm>>
      tpu.wait_indirect_dma semaphore(%arg10 : memref<!tpu.dma_semaphore, #tpu.memory_space<semaphore_mem>>) src(%dma_wait3A_236 : memref<10000x128xf32, #tpu.memory_space<hbm>>) dst(%dma_wait3A_232 : memref<80x128xf32, #tpu.memory_space<vmem>>)
      %add3A_237 = arith.addi %mul3A_2, %mul3A_76 : i32
      %add3A_238 = arith.constant 240 : i32
      %add3A_239 = arith.addi %add3A_237, %add3A_238 : i32
      %dma_start3A_240 = arith.constant 3 : i32
      %dma_start3A_241 = arith.constant 0 : i32
      %dma_start3A_242 = arith.constant 0 : i32
      %dma_start3A_243 = tpu.memref_slice %arg6[%dma_start3A_240, %dma_start3A_241, %dma_start3A_242] : memref<5x80x128xf32, #tpu.memory_space<vmem>> -> memref<1x80x128xf32, #tpu.memory_space<vmem>>
      %dma_start3A_244 = tpu.memref_squeeze %dma_start3A_243 : memref<1x80x128xf32, #tpu.memory_space<vmem>> -> memref<80x128xf32, #tpu.memory_space<vmem>>
      %dma_start3A_245 = arith.constant 0 : i32
      %dma_start3A_246 = tpu.memref_slice %arg4[%add3A_239, %dma_start3A_245] : memref<128000x128xf32, #tpu.memory_space<hbm>> -> memref<80x128xf32, #tpu.memory_space<hbm>>
      %dma_start3A_247 = arith.constant 0 : i32
      %dma_start3A_248 = tpu.memref_slice %arg4[%add3A_239, %dma_start3A_247] : memref<128000x128xf32, #tpu.memory_space<hbm>> -> memref<80x128xf32, #tpu.memory_space<hbm>>
      %dma_start3A_249 = arith.constant 0 : i32
      %dma_start3A_250 = arith.constant 0 : i32
      %dma_start3A_251 = tpu.memref_slice %arg6[%dma_start3A_240, %dma_start3A_249, %dma_start3A_250] : memref<5x80x128xf32, #tpu.memory_space<vmem>> -> memref<1x80x128xf32, #tpu.memory_space<vmem>>
      %dma_start3A_252 = tpu.memref_squeeze %dma_start3A_251 : memref<1x80x128xf32, #tpu.memory_space<vmem>> -> memref<80x128xf32, #tpu.memory_space<vmem>>
      tpu.enqueue_dma source(%dma_start3A_252 : memref<80x128xf32, #tpu.memory_space<vmem>>) target(%dma_start3A_248 : memref<80x128xf32, #tpu.memory_space<hbm>>) target_semaphore(%arg15 : memref<!tpu.dma_semaphore, #tpu.memory_space<semaphore_mem>>)
      %dma_wait3A_253 = arith.constant 4 : i32
      %dma_wait3A_254 = arith.constant 0 : i32
      %dma_wait3A_255 = arith.constant 0 : i32
      %dma_wait3A_256 = tpu.memref_slice %arg6[%dma_wait3A_253, %dma_wait3A_254, %dma_wait3A_255] : memref<5x80x128xf32, #tpu.memory_space<vmem>> -> memref<1x80x128xf32, #tpu.memory_space<vmem>>
      %dma_wait3A_257 = tpu.memref_squeeze %dma_wait3A_256 : memref<1x80x128xf32, #tpu.memory_space<vmem>> -> memref<80x128xf32, #tpu.memory_space<vmem>>
      %dma_wait3A_258 = tpu.memref_slice %arg5[%add3A_143] : memref<4000xi32, #tpu.memory_space<vmem>> -> memref<80xi32, #tpu.memory_space<vmem>>
      %dma_wait3A_259 = arith.constant 0 : i32
      %dma_wait3A_260 = arith.constant 0 : i32
      %dma_wait3A_261 = tpu.memref_slice %arg2[%dma_wait3A_259, %dma_wait3A_260] : memref<10000x128xf32, #tpu.memory_space<hbm>> -> memref<10000x128xf32, #tpu.memory_space<hbm>>
      tpu.wait_indirect_dma semaphore(%arg11 : memref<!tpu.dma_semaphore, #tpu.memory_space<semaphore_mem>>) src(%dma_wait3A_261 : memref<10000x128xf32, #tpu.memory_space<hbm>>) dst(%dma_wait3A_257 : memref<80x128xf32, #tpu.memory_space<vmem>>)
      %add3A_262 = arith.addi %mul3A_2, %mul3A_76 : i32
      %add3A_263 = arith.constant 320 : i32
      %add3A_264 = arith.addi %add3A_262, %add3A_263 : i32
      %dma_start3A_265 = arith.constant 4 : i32
      %dma_start3A_266 = arith.constant 0 : i32
      %dma_start3A_267 = arith.constant 0 : i32
      %dma_start3A_268 = tpu.memref_slice %arg6[%dma_start3A_265, %dma_start3A_266, %dma_start3A_267] : memref<5x80x128xf32, #tpu.memory_space<vmem>> -> memref<1x80x128xf32, #tpu.memory_space<vmem>>
      %dma_start3A_269 = tpu.memref_squeeze %dma_start3A_268 : memref<1x80x128xf32, #tpu.memory_space<vmem>> -> memref<80x128xf32, #tpu.memory_space<vmem>>
      %dma_start3A_270 = arith.constant 0 : i32
      %dma_start3A_271 = tpu.memref_slice %arg4[%add3A_264, %dma_start3A_270] : memref<128000x128xf32, #tpu.memory_space<hbm>> -> memref<80x128xf32, #tpu.memory_space<hbm>>
      %dma_start3A_272 = arith.constant 0 : i32
      %dma_start3A_273 = tpu.memref_slice %arg4[%add3A_264, %dma_start3A_272] : memref<128000x128xf32, #tpu.memory_space<hbm>> -> memref<80x128xf32, #tpu.memory_space<hbm>>
      %dma_start3A_274 = arith.constant 0 : i32
      %dma_start3A_275 = arith.constant 0 : i32
      %dma_start3A_276 = tpu.memref_slice %arg6[%dma_start3A_265, %dma_start3A_274, %dma_start3A_275] : memref<5x80x128xf32, #tpu.memory_space<vmem>> -> memref<1x80x128xf32, #tpu.memory_space<vmem>>
      %dma_start3A_277 = tpu.memref_squeeze %dma_start3A_276 : memref<1x80x128xf32, #tpu.memory_space<vmem>> -> memref<80x128xf32, #tpu.memory_space<vmem>>
      tpu.enqueue_dma source(%dma_start3A_277 : memref<80x128xf32, #tpu.memory_space<vmem>>) target(%dma_start3A_273 : memref<80x128xf32, #tpu.memory_space<hbm>>) target_semaphore(%arg16 : memref<!tpu.dma_semaphore, #tpu.memory_space<semaphore_mem>>)
    }
    %scan3A_9 = arith.constant 10 : i32
    %dma_wait3A = arith.constant 0 : i32
    %dma_wait3A_10 = arith.constant 0 : i32
    %dma_wait3A_11 = arith.constant 0 : i32
    %dma_wait3A_12 = tpu.memref_slice %arg6[%dma_wait3A, %dma_wait3A_10, %dma_wait3A_11] : memref<5x80x128xf32, #tpu.memory_space<vmem>> -> memref<1x80x128xf32, #tpu.memory_space<vmem>>
    %dma_wait3A_13 = tpu.memref_squeeze %dma_wait3A_12 : memref<1x80x128xf32, #tpu.memory_space<vmem>> -> memref<80x128xf32, #tpu.memory_space<vmem>>
    %dma_wait3A_14 = arith.constant 0 : i32
    %dma_wait3A_15 = tpu.memref_slice %arg4[%mul3A_2, %dma_wait3A_14] : memref<128000x128xf32, #tpu.memory_space<hbm>> -> memref<80x128xf32, #tpu.memory_space<hbm>>
    %dma_wait3A_16 = arith.constant 0 : i32
    %dma_wait3A_17 = tpu.memref_slice %arg4[%mul3A_2, %dma_wait3A_16] : memref<128000x128xf32, #tpu.memory_space<hbm>> -> memref<80x128xf32, #tpu.memory_space<hbm>>
    %dma_wait3A_18 = arith.constant 0 : i32
    %dma_wait3A_19 = arith.constant 0 : i32
    %dma_wait3A_20 = tpu.memref_slice %arg6[%dma_wait3A, %dma_wait3A_18, %dma_wait3A_19] : memref<5x80x128xf32, #tpu.memory_space<vmem>> -> memref<1x80x128xf32, #tpu.memory_space<vmem>>
    %dma_wait3A_21 = tpu.memref_squeeze %dma_wait3A_20 : memref<1x80x128xf32, #tpu.memory_space<vmem>> -> memref<80x128xf32, #tpu.memory_space<vmem>>
    tpu.wait_dma2 semaphore(%arg12 : memref<!tpu.dma_semaphore, #tpu.memory_space<semaphore_mem>>) src(%dma_wait3A_21 : memref<80x128xf32, #tpu.memory_space<vmem>>) dst(%dma_wait3A_17 : memref<80x128xf32, #tpu.memory_space<hbm>>)
    %dma_wait3A_22 = arith.constant 1 : i32
    %dma_wait3A_23 = arith.constant 0 : i32
    %dma_wait3A_24 = arith.constant 0 : i32
    %dma_wait3A_25 = tpu.memref_slice %arg6[%dma_wait3A_22, %dma_wait3A_23, %dma_wait3A_24] : memref<5x80x128xf32, #tpu.memory_space<vmem>> -> memref<1x80x128xf32, #tpu.memory_space<vmem>>
    %dma_wait3A_26 = tpu.memref_squeeze %dma_wait3A_25 : memref<1x80x128xf32, #tpu.memory_space<vmem>> -> memref<80x128xf32, #tpu.memory_space<vmem>>
    %dma_wait3A_27 = arith.constant 0 : i32
    %dma_wait3A_28 = tpu.memref_slice %arg4[%mul3A_2, %dma_wait3A_27] : memref<128000x128xf32, #tpu.memory_space<hbm>> -> memref<80x128xf32, #tpu.memory_space<hbm>>
    %dma_wait3A_29 = arith.constant 0 : i32
    %dma_wait3A_30 = tpu.memref_slice %arg4[%mul3A_2, %dma_wait3A_29] : memref<128000x128xf32, #tpu.memory_space<hbm>> -> memref<80x128xf32, #tpu.memory_space<hbm>>
    %dma_wait3A_31 = arith.constant 0 : i32
    %dma_wait3A_32 = arith.constant 0 : i32
    %dma_wait3A_33 = tpu.memref_slice %arg6[%dma_wait3A_22, %dma_wait3A_31, %dma_wait3A_32] : memref<5x80x128xf32, #tpu.memory_space<vmem>> -> memref<1x80x128xf32, #tpu.memory_space<vmem>>
    %dma_wait3A_34 = tpu.memref_squeeze %dma_wait3A_33 : memref<1x80x128xf32, #tpu.memory_space<vmem>> -> memref<80x128xf32, #tpu.memory_space<vmem>>
    tpu.wait_dma2 semaphore(%arg13 : memref<!tpu.dma_semaphore, #tpu.memory_space<semaphore_mem>>) src(%dma_wait3A_34 : memref<80x128xf32, #tpu.memory_space<vmem>>) dst(%dma_wait3A_30 : memref<80x128xf32, #tpu.memory_space<hbm>>)
    %dma_wait3A_35 = arith.constant 2 : i32
    %dma_wait3A_36 = arith.constant 0 : i32
    %dma_wait3A_37 = arith.constant 0 : i32
    %dma_wait3A_38 = tpu.memref_slice %arg6[%dma_wait3A_35, %dma_wait3A_36, %dma_wait3A_37] : memref<5x80x128xf32, #tpu.memory_space<vmem>> -> memref<1x80x128xf32, #tpu.memory_space<vmem>>
    %dma_wait3A_39 = tpu.memref_squeeze %dma_wait3A_38 : memref<1x80x128xf32, #tpu.memory_space<vmem>> -> memref<80x128xf32, #tpu.memory_space<vmem>>
    %dma_wait3A_40 = arith.constant 0 : i32
    %dma_wait3A_41 = tpu.memref_slice %arg4[%mul3A_2, %dma_wait3A_40] : memref<128000x128xf32, #tpu.memory_space<hbm>> -> memref<80x128xf32, #tpu.memory_space<hbm>>
    %dma_wait3A_42 = arith.constant 0 : i32
    %dma_wait3A_43 = tpu.memref_slice %arg4[%mul3A_2, %dma_wait3A_42] : memref<128000x128xf32, #tpu.memory_space<hbm>> -> memref<80x128xf32, #tpu.memory_space<hbm>>
    %dma_wait3A_44 = arith.constant 0 : i32
    %dma_wait3A_45 = arith.constant 0 : i32
    %dma_wait3A_46 = tpu.memref_slice %arg6[%dma_wait3A_35, %dma_wait3A_44, %dma_wait3A_45] : memref<5x80x128xf32, #tpu.memory_space<vmem>> -> memref<1x80x128xf32, #tpu.memory_space<vmem>>
    %dma_wait3A_47 = tpu.memref_squeeze %dma_wait3A_46 : memref<1x80x128xf32, #tpu.memory_space<vmem>> -> memref<80x128xf32, #tpu.memory_space<vmem>>
    tpu.wait_dma2 semaphore(%arg14 : memref<!tpu.dma_semaphore, #tpu.memory_space<semaphore_mem>>) src(%dma_wait3A_47 : memref<80x128xf32, #tpu.memory_space<vmem>>) dst(%dma_wait3A_43 : memref<80x128xf32, #tpu.memory_space<hbm>>)
    %dma_wait3A_48 = arith.constant 3 : i32
    %dma_wait3A_49 = arith.constant 0 : i32
    %dma_wait3A_50 = arith.constant 0 : i32
    %dma_wait3A_51 = tpu.memref_slice %arg6[%dma_wait3A_48, %dma_wait3A_49, %dma_wait3A_50] : memref<5x80x128xf32, #tpu.memory_space<vmem>> -> memref<1x80x128xf32, #tpu.memory_space<vmem>>
    %dma_wait3A_52 = tpu.memref_squeeze %dma_wait3A_51 : memref<1x80x128xf32, #tpu.memory_space<vmem>> -> memref<80x128xf32, #tpu.memory_space<vmem>>
    %dma_wait3A_53 = arith.constant 0 : i32
    %dma_wait3A_54 = tpu.memref_slice %arg4[%mul3A_2, %dma_wait3A_53] : memref<128000x128xf32, #tpu.memory_space<hbm>> -> memref<80x128xf32, #tpu.memory_space<hbm>>
    %dma_wait3A_55 = arith.constant 0 : i32
    %dma_wait3A_56 = tpu.memref_slice %arg4[%mul3A_2, %dma_wait3A_55] : memref<128000x128xf32, #tpu.memory_space<hbm>> -> memref<80x128xf32, #tpu.memory_space<hbm>>
    %dma_wait3A_57 = arith.constant 0 : i32
    %dma_wait3A_58 = arith.constant 0 : i32
    %dma_wait3A_59 = tpu.memref_slice %arg6[%dma_wait3A_48, %dma_wait3A_57, %dma_wait3A_58] : memref<5x80x128xf32, #tpu.memory_space<vmem>> -> memref<1x80x128xf32, #tpu.memory_space<vmem>>
    %dma_wait3A_60 = tpu.memref_squeeze %dma_wait3A_59 : memref<1x80x128xf32, #tpu.memory_space<vmem>> -> memref<80x128xf32, #tpu.memory_space<vmem>>
    tpu.wait_dma2 semaphore(%arg15 : memref<!tpu.dma_semaphore, #tpu.memory_space<semaphore_mem>>) src(%dma_wait3A_60 : memref<80x128xf32, #tpu.memory_space<vmem>>) dst(%dma_wait3A_56 : memref<80x128xf32, #tpu.memory_space<hbm>>)
    %dma_wait3A_61 = arith.constant 4 : i32
    %dma_wait3A_62 = arith.constant 0 : i32
    %dma_wait3A_63 = arith.constant 0 : i32
    %dma_wait3A_64 = tpu.memref_slice %arg6[%dma_wait3A_61, %dma_wait3A_62, %dma_wait3A_63] : memref<5x80x128xf32, #tpu.memory_space<vmem>> -> memref<1x80x128xf32, #tpu.memory_space<vmem>>
    %dma_wait3A_65 = tpu.memref_squeeze %dma_wait3A_64 : memref<1x80x128xf32, #tpu.memory_space<vmem>> -> memref<80x128xf32, #tpu.memory_space<vmem>>
    %dma_wait3A_66 = arith.constant 0 : i32
    %dma_wait3A_67 = tpu.memref_slice %arg4[%mul3A_2, %dma_wait3A_66] : memref<128000x128xf32, #tpu.memory_space<hbm>> -> memref<80x128xf32, #tpu.memory_space<hbm>>
    %dma_wait3A_68 = arith.constant 0 : i32
    %dma_wait3A_69 = tpu.memref_slice %arg4[%mul3A_2, %dma_wait3A_68] : memref<128000x128xf32, #tpu.memory_space<hbm>> -> memref<80x128xf32, #tpu.memory_space<hbm>>
    %dma_wait3A_70 = arith.constant 0 : i32
    %dma_wait3A_71 = arith.constant 0 : i32
    %dma_wait3A_72 = tpu.memref_slice %arg6[%dma_wait3A_61, %dma_wait3A_70, %dma_wait3A_71] : memref<5x80x128xf32, #tpu.memory_space<vmem>> -> memref<1x80x128xf32, #tpu.memory_space<vmem>>
    %dma_wait3A_73 = tpu.memref_squeeze %dma_wait3A_72 : memref<1x80x128xf32, #tpu.memory_space<vmem>> -> memref<80x128xf32, #tpu.memory_space<vmem>>
    tpu.wait_dma2 semaphore(%arg16 : memref<!tpu.dma_semaphore, #tpu.memory_space<semaphore_mem>>) src(%dma_wait3A_73 : memref<80x128xf32, #tpu.memory_space<vmem>>) dst(%dma_wait3A_69 : memref<80x128xf32, #tpu.memory_space<hbm>>)
    return
  }
}

#map = affine_map<(d0, d1) -> (0, 0)>
#map1 = affine_map<(d0, d1) -> (0)>
module attributes {stable_mosaic.version = 14 : i64} {
  func.func @_sc_scatter(%arg0: i32, %arg1: i32, %arg2: memref<320000x128xf32, #tpu.memory_space<hbm>>, %arg3: memref<320000xi32, #tpu.memory_space<hbm>>, %arg4: memref<10000x128xf32, #tpu.memory_space<hbm>>, %arg5: memref<10000x128xf32, #tpu.memory_space<hbm>>, %arg6: memref<10000x128xf32, #tpu.memory_space<hbm>>, %arg7: memref<5x40xi32, #tpu.memory_space<vmem>>, %arg8: memref<5x40x128xf32, #tpu.memory_space<vmem>>, %arg9: memref<10000x128xf32, #tpu.memory_space<vmem_shared>>, %arg10: memref<!tpu.dma_semaphore, #tpu.memory_space<semaphore_mem>>, %arg11: memref<!tpu.dma_semaphore, #tpu.memory_space<semaphore_mem>>, %arg12: memref<!tpu.dma_semaphore, #tpu.memory_space<semaphore_mem>>, %arg13: memref<!tpu.dma_semaphore, #tpu.memory_space<semaphore_mem>>, %arg14: memref<!tpu.dma_semaphore, #tpu.memory_space<semaphore_mem>>, %arg15: memref<!tpu.dma_semaphore, #tpu.memory_space<semaphore_mem>>, %arg16: memref<!tpu.dma_semaphore, #tpu.memory_space<semaphore_mem>>, %arg17: memref<!tpu.dma_semaphore, #tpu.memory_space<semaphore_mem>>, %arg18: memref<!tpu.dma_semaphore, #tpu.memory_space<semaphore_mem>>, %arg19: memref<!tpu.dma_semaphore, #tpu.memory_space<semaphore_mem>>, %arg20: memref<!tpu.dma_semaphore, #tpu.memory_space<semaphore_mem>>, %arg21: memref<!tpu.dma_semaphore, #tpu.memory_space<semaphore_mem>>, %arg22: memref<!tpu.dma_semaphore, #tpu.memory_space<semaphore_mem>>, %arg23: memref<!tpu.dma_semaphore, #tpu.memory_space<semaphore_mem>>, %arg24: memref<!tpu.dma_semaphore, #tpu.memory_space<semaphore_mem>>) attributes {dimension_semantics = [#tpu.dimension_semantics<core_parallel>, #tpu.dimension_semantics<subcore_parallel>], iteration_bounds = array<i64: 2, 16>, scalar_prefetch = 0 : i64, scratch_operands = 18 : i64, tpu.core_type = #tpu.core_type<sc_vector_subcore>, window_params = [{transform_indices = #map}, {transform_indices = #map1}, {transform_indices = #map}, {transform_indices = #map}, {transform_indices = #map}]} {
    %mul3A = arith.constant 624 : i32
    %mul3A_0 = arith.muli %arg1, %mul3A : i32
    "tpu.region"() ({
      %run_scoped3A = tpu.sem_alloc : memref<!tpu.dma_semaphore, #tpu.memory_space<semaphore_mem>>
      %dma_start3A = arith.constant 0 : i32
      %dma_start3A_82 = tpu.memref_slice %arg9[%mul3A_0, %dma_start3A] : memref<10000x128xf32, #tpu.memory_space<vmem_shared>> -> memref<624x128xf32, #tpu.memory_space<vmem_shared>>
      %dma_start3A_83 = arith.constant 0 : i32
      %dma_start3A_84 = tpu.memref_slice %arg4[%mul3A_0, %dma_start3A_83] : memref<10000x128xf32, #tpu.memory_space<hbm>> -> memref<624x128xf32, #tpu.memory_space<hbm>>
      tpu.enqueue_dma source(%dma_start3A_84 : memref<624x128xf32, #tpu.memory_space<hbm>>) target(%dma_start3A_82 : memref<624x128xf32, #tpu.memory_space<vmem_shared>>) target_semaphore(%run_scoped3A : memref<!tpu.dma_semaphore, #tpu.memory_space<semaphore_mem>>)
      %dma_wait3A_85 = arith.constant 0 : i32
      %dma_wait3A_86 = tpu.memref_slice %arg9[%mul3A_0, %dma_wait3A_85] : memref<10000x128xf32, #tpu.memory_space<vmem_shared>> -> memref<624x128xf32, #tpu.memory_space<vmem_shared>>
      %dma_wait3A_87 = arith.constant 0 : i32
      %dma_wait3A_88 = tpu.memref_slice %arg4[%mul3A_0, %dma_wait3A_87] : memref<10000x128xf32, #tpu.memory_space<hbm>> -> memref<624x128xf32, #tpu.memory_space<hbm>>
      tpu.wait_dma2 semaphore(%run_scoped3A : memref<!tpu.dma_semaphore, #tpu.memory_space<semaphore_mem>>) src(%dma_wait3A_88 : memref<624x128xf32, #tpu.memory_space<hbm>>) dst(%dma_wait3A_86 : memref<624x128xf32, #tpu.memory_space<vmem_shared>>)
      tpu.yield
    }) : () -> ()
    %eq3A = arith.constant 15 : i32
    %eq3A_1 = arith.cmpi eq, %arg1, %eq3A : i32
    %convert_element_type3A = arith.extui %eq3A_1 : i1 to i32
    %cond3A = arith.constant 0 : i32
    %cond3A_2 = arith.cmpi ne, %convert_element_type3A, %cond3A : i32
    scf.if %cond3A_2 {
      "tpu.region"() ({
        %run_scoped3A = tpu.sem_alloc : memref<!tpu.dma_semaphore, #tpu.memory_space<semaphore_mem>>
        %dma_start3A = arith.constant 9984 : i32
        %dma_start3A_82 = arith.constant 0 : i32
        %dma_start3A_83 = tpu.memref_slice %arg9[%dma_start3A, %dma_start3A_82] : memref<10000x128xf32, #tpu.memory_space<vmem_shared>> -> memref<16x128xf32, #tpu.memory_space<vmem_shared>>
        %dma_start3A_84 = arith.constant 9984 : i32
        %dma_start3A_85 = arith.constant 0 : i32
        %dma_start3A_86 = tpu.memref_slice %arg4[%dma_start3A_84, %dma_start3A_85] : memref<10000x128xf32, #tpu.memory_space<hbm>> -> memref<16x128xf32, #tpu.memory_space<hbm>>
        tpu.enqueue_dma source(%dma_start3A_86 : memref<16x128xf32, #tpu.memory_space<hbm>>) target(%dma_start3A_83 : memref<16x128xf32, #tpu.memory_space<vmem_shared>>) target_semaphore(%run_scoped3A : memref<!tpu.dma_semaphore, #tpu.memory_space<semaphore_mem>>)
        %dma_wait3A_87 = arith.constant 9984 : i32
        %dma_wait3A_88 = arith.constant 0 : i32
        %dma_wait3A_89 = tpu.memref_slice %arg9[%dma_wait3A_87, %dma_wait3A_88] : memref<10000x128xf32, #tpu.memory_space<vmem_shared>> -> memref<16x128xf32, #tpu.memory_space<vmem_shared>>
        %dma_wait3A_90 = arith.constant 9984 : i32
        %dma_wait3A_91 = arith.constant 0 : i32
        %dma_wait3A_92 = tpu.memref_slice %arg4[%dma_wait3A_90, %dma_wait3A_91] : memref<10000x128xf32, #tpu.memory_space<hbm>> -> memref<16x128xf32, #tpu.memory_space<hbm>>
        tpu.wait_dma2 semaphore(%run_scoped3A : memref<!tpu.dma_semaphore, #tpu.memory_space<semaphore_mem>>) src(%dma_wait3A_92 : memref<16x128xf32, #tpu.memory_space<hbm>>) dst(%dma_wait3A_89 : memref<16x128xf32, #tpu.memory_space<vmem_shared>>)
        tpu.yield
      }) : () -> ()
    } else {
    }
    %barrier3A = arith.constant 0 : index
    tpu.barrier barrier_id(%barrier3A)
    %mul3A_3 = arith.constant 16 : i32
    %mul3A_4 = arith.muli %arg0, %mul3A_3 : i32
    %add3A = arith.addi %mul3A_4, %arg1 : i32
    %mul3A_5 = arith.constant 10000 : i32
    %mul3A_6 = arith.muli %add3A, %mul3A_5 : i32
    %scan3A = arith.constant 0 : i32
    %scan3A_7 = arith.constant 0 : i32
    %scan3A_8 = arith.constant 50 : i32
    %scan3A_9 = arith.addi %scan3A_7, %scan3A_8 : i32
    %scan3A_10 = arith.constant 1 : i32
    scf.for %scan3A_82 = %scan3A_7 to %scan3A_9 step %scan3A_10  : i32 {
      %mul3A_83 = arith.constant 200 : i32
      %mul3A_84 = arith.muli %scan3A_82, %mul3A_83 : i32
      %gt3A = arith.constant 0 : i32
      %gt3A_85 = arith.cmpi sgt, %scan3A_82, %gt3A : i32
      %convert_element_type3A_86 = arith.extui %gt3A_85 : i1 to i32
      %cond3A_87 = arith.constant 0 : i32
      %cond3A_88 = arith.cmpi ne, %convert_element_type3A_86, %cond3A_87 : i32
      scf.if %cond3A_88 {
        %dma_wait3A_403 = arith.constant 0 : i32
        %dma_wait3A_404 = arith.constant 0 : i32
        %dma_wait3A_405 = arith.constant 0 : i32
        %dma_wait3A_406 = arith.constant 0 : i32
        %dma_wait3A_407 = tpu.memref_slice %arg8[%dma_wait3A_403, %dma_wait3A_405, %dma_wait3A_406] : memref<5x40x128xf32, #tpu.memory_space<vmem>> -> memref<1x40x128xf32, #tpu.memory_space<vmem>>
        %dma_wait3A_408 = tpu.memref_squeeze %dma_wait3A_407 : memref<1x40x128xf32, #tpu.memory_space<vmem>> -> memref<40x128xf32, #tpu.memory_space<vmem>>
        %dma_wait3A_409 = arith.constant 0 : i32
        %dma_wait3A_410 = tpu.memref_slice %arg7[%dma_wait3A_404, %dma_wait3A_409] : memref<5x40xi32, #tpu.memory_space<vmem>> -> memref<1x40xi32, #tpu.memory_space<vmem>>
        %dma_wait3A_411 = tpu.memref_squeeze %dma_wait3A_410 : memref<1x40xi32, #tpu.memory_space<vmem>> -> memref<40xi32, #tpu.memory_space<vmem>>
        %dma_wait3A_412 = arith.constant 0 : i32
        %dma_wait3A_413 = arith.constant 0 : i32
        %dma_wait3A_414 = tpu.memref_slice %arg9[%dma_wait3A_412, %dma_wait3A_413] : memref<10000x128xf32, #tpu.memory_space<vmem_shared>> -> memref<10000x128xf32, #tpu.memory_space<vmem_shared>>
        tpu.wait_indirect_dma semaphore(%arg20 : memref<!tpu.dma_semaphore, #tpu.memory_space<semaphore_mem>>) src(%dma_wait3A_408 : memref<40x128xf32, #tpu.memory_space<vmem>>) dst(%dma_wait3A_414 : memref<10000x128xf32, #tpu.memory_space<vmem_shared>>)
      } else {
      }
      %add3A_89 = arith.addi %mul3A_6, %mul3A_84 : i32
      %add3A_90 = arith.constant 0 : i32
      %add3A_91 = arith.addi %add3A_89, %add3A_90 : i32
      %dma_start3A = arith.constant 0 : i32
      %dma_start3A_92 = arith.constant 0 : i32
      %dma_start3A_93 = tpu.memref_slice %arg7[%dma_start3A, %dma_start3A_92] : memref<5x40xi32, #tpu.memory_space<vmem>> -> memref<1x40xi32, #tpu.memory_space<vmem>>
      %dma_start3A_94 = tpu.memref_squeeze %dma_start3A_93 : memref<1x40xi32, #tpu.memory_space<vmem>> -> memref<40xi32, #tpu.memory_space<vmem>>
      %dma_start3A_95 = tpu.memref_slice %arg3[%add3A_91] : memref<320000xi32, #tpu.memory_space<hbm>> -> memref<40xi32, #tpu.memory_space<hbm>>
      %dma_start3A_96 = arith.constant 0 : i32
      %dma_start3A_97 = tpu.memref_slice %arg7[%dma_start3A, %dma_start3A_96] : memref<5x40xi32, #tpu.memory_space<vmem>> -> memref<1x40xi32, #tpu.memory_space<vmem>>
      %dma_start3A_98 = tpu.memref_squeeze %dma_start3A_97 : memref<1x40xi32, #tpu.memory_space<vmem>> -> memref<40xi32, #tpu.memory_space<vmem>>
      %dma_start3A_99 = tpu.memref_slice %arg3[%add3A_91] : memref<320000xi32, #tpu.memory_space<hbm>> -> memref<40xi32, #tpu.memory_space<hbm>>
      tpu.enqueue_dma source(%dma_start3A_99 : memref<40xi32, #tpu.memory_space<hbm>>) target(%dma_start3A_98 : memref<40xi32, #tpu.memory_space<vmem>>) target_semaphore(%arg10 : memref<!tpu.dma_semaphore, #tpu.memory_space<semaphore_mem>>)
      %dma_start3A_100 = arith.constant 0 : i32
      %dma_start3A_101 = arith.constant 0 : i32
      %dma_start3A_102 = arith.constant 0 : i32
      %dma_start3A_103 = tpu.memref_slice %arg8[%dma_start3A_100, %dma_start3A_101, %dma_start3A_102] : memref<5x40x128xf32, #tpu.memory_space<vmem>> -> memref<1x40x128xf32, #tpu.memory_space<vmem>>
      %dma_start3A_104 = tpu.memref_squeeze %dma_start3A_103 : memref<1x40x128xf32, #tpu.memory_space<vmem>> -> memref<40x128xf32, #tpu.memory_space<vmem>>
      %dma_start3A_105 = arith.constant 0 : i32
      %dma_start3A_106 = tpu.memref_slice %arg2[%add3A_91, %dma_start3A_105] : memref<320000x128xf32, #tpu.memory_space<hbm>> -> memref<40x128xf32, #tpu.memory_space<hbm>>
      %dma_start3A_107 = arith.constant 0 : i32
      %dma_start3A_108 = arith.constant 0 : i32
      %dma_start3A_109 = tpu.memref_slice %arg8[%dma_start3A_100, %dma_start3A_107, %dma_start3A_108] : memref<5x40x128xf32, #tpu.memory_space<vmem>> -> memref<1x40x128xf32, #tpu.memory_space<vmem>>
      %dma_start3A_110 = tpu.memref_squeeze %dma_start3A_109 : memref<1x40x128xf32, #tpu.memory_space<vmem>> -> memref<40x128xf32, #tpu.memory_space<vmem>>
      %dma_start3A_111 = arith.constant 0 : i32
      %dma_start3A_112 = tpu.memref_slice %arg2[%add3A_91, %dma_start3A_111] : memref<320000x128xf32, #tpu.memory_space<hbm>> -> memref<40x128xf32, #tpu.memory_space<hbm>>
      tpu.enqueue_dma source(%dma_start3A_112 : memref<40x128xf32, #tpu.memory_space<hbm>>) target(%dma_start3A_110 : memref<40x128xf32, #tpu.memory_space<vmem>>) target_semaphore(%arg15 : memref<!tpu.dma_semaphore, #tpu.memory_space<semaphore_mem>>)
      %gt3A_113 = arith.constant 0 : i32
      %gt3A_114 = arith.cmpi sgt, %scan3A_82, %gt3A_113 : i32
      %convert_element_type3A_115 = arith.extui %gt3A_114 : i1 to i32
      %cond3A_116 = arith.constant 0 : i32
      %cond3A_117 = arith.cmpi ne, %convert_element_type3A_115, %cond3A_116 : i32
      scf.if %cond3A_117 {
        %dma_wait3A_403 = arith.constant 1 : i32
        %dma_wait3A_404 = arith.constant 1 : i32
        %dma_wait3A_405 = arith.constant 0 : i32
        %dma_wait3A_406 = arith.constant 0 : i32
        %dma_wait3A_407 = tpu.memref_slice %arg8[%dma_wait3A_403, %dma_wait3A_405, %dma_wait3A_406] : memref<5x40x128xf32, #tpu.memory_space<vmem>> -> memref<1x40x128xf32, #tpu.memory_space<vmem>>
        %dma_wait3A_408 = tpu.memref_squeeze %dma_wait3A_407 : memref<1x40x128xf32, #tpu.memory_space<vmem>> -> memref<40x128xf32, #tpu.memory_space<vmem>>
        %dma_wait3A_409 = arith.constant 0 : i32
        %dma_wait3A_410 = tpu.memref_slice %arg7[%dma_wait3A_404, %dma_wait3A_409] : memref<5x40xi32, #tpu.memory_space<vmem>> -> memref<1x40xi32, #tpu.memory_space<vmem>>
        %dma_wait3A_411 = tpu.memref_squeeze %dma_wait3A_410 : memref<1x40xi32, #tpu.memory_space<vmem>> -> memref<40xi32, #tpu.memory_space<vmem>>
        %dma_wait3A_412 = arith.constant 0 : i32
        %dma_wait3A_413 = arith.constant 0 : i32
        %dma_wait3A_414 = tpu.memref_slice %arg9[%dma_wait3A_412, %dma_wait3A_413] : memref<10000x128xf32, #tpu.memory_space<vmem_shared>> -> memref<10000x128xf32, #tpu.memory_space<vmem_shared>>
        tpu.wait_indirect_dma semaphore(%arg21 : memref<!tpu.dma_semaphore, #tpu.memory_space<semaphore_mem>>) src(%dma_wait3A_408 : memref<40x128xf32, #tpu.memory_space<vmem>>) dst(%dma_wait3A_414 : memref<10000x128xf32, #tpu.memory_space<vmem_shared>>)
      } else {
      }
      %add3A_118 = arith.addi %mul3A_6, %mul3A_84 : i32
      %add3A_119 = arith.constant 40 : i32
      %add3A_120 = arith.addi %add3A_118, %add3A_119 : i32
      %dma_start3A_121 = arith.constant 1 : i32
      %dma_start3A_122 = arith.constant 0 : i32
      %dma_start3A_123 = tpu.memref_slice %arg7[%dma_start3A_121, %dma_start3A_122] : memref<5x40xi32, #tpu.memory_space<vmem>> -> memref<1x40xi32, #tpu.memory_space<vmem>>
      %dma_start3A_124 = tpu.memref_squeeze %dma_start3A_123 : memref<1x40xi32, #tpu.memory_space<vmem>> -> memref<40xi32, #tpu.memory_space<vmem>>
      %dma_start3A_125 = tpu.memref_slice %arg3[%add3A_120] : memref<320000xi32, #tpu.memory_space<hbm>> -> memref<40xi32, #tpu.memory_space<hbm>>
      %dma_start3A_126 = arith.constant 0 : i32
      %dma_start3A_127 = tpu.memref_slice %arg7[%dma_start3A_121, %dma_start3A_126] : memref<5x40xi32, #tpu.memory_space<vmem>> -> memref<1x40xi32, #tpu.memory_space<vmem>>
      %dma_start3A_128 = tpu.memref_squeeze %dma_start3A_127 : memref<1x40xi32, #tpu.memory_space<vmem>> -> memref<40xi32, #tpu.memory_space<vmem>>
      %dma_start3A_129 = tpu.memref_slice %arg3[%add3A_120] : memref<320000xi32, #tpu.memory_space<hbm>> -> memref<40xi32, #tpu.memory_space<hbm>>
      tpu.enqueue_dma source(%dma_start3A_129 : memref<40xi32, #tpu.memory_space<hbm>>) target(%dma_start3A_128 : memref<40xi32, #tpu.memory_space<vmem>>) target_semaphore(%arg11 : memref<!tpu.dma_semaphore, #tpu.memory_space<semaphore_mem>>)
      %dma_start3A_130 = arith.constant 1 : i32
      %dma_start3A_131 = arith.constant 0 : i32
      %dma_start3A_132 = arith.constant 0 : i32
      %dma_start3A_133 = tpu.memref_slice %arg8[%dma_start3A_130, %dma_start3A_131, %dma_start3A_132] : memref<5x40x128xf32, #tpu.memory_space<vmem>> -> memref<1x40x128xf32, #tpu.memory_space<vmem>>
      %dma_start3A_134 = tpu.memref_squeeze %dma_start3A_133 : memref<1x40x128xf32, #tpu.memory_space<vmem>> -> memref<40x128xf32, #tpu.memory_space<vmem>>
      %dma_start3A_135 = arith.constant 0 : i32
      %dma_start3A_136 = tpu.memref_slice %arg2[%add3A_120, %dma_start3A_135] : memref<320000x128xf32, #tpu.memory_space<hbm>> -> memref<40x128xf32, #tpu.memory_space<hbm>>
      %dma_start3A_137 = arith.constant 0 : i32
      %dma_start3A_138 = arith.constant 0 : i32
      %dma_start3A_139 = tpu.memref_slice %arg8[%dma_start3A_130, %dma_start3A_137, %dma_start3A_138] : memref<5x40x128xf32, #tpu.memory_space<vmem>> -> memref<1x40x128xf32, #tpu.memory_space<vmem>>
      %dma_start3A_140 = tpu.memref_squeeze %dma_start3A_139 : memref<1x40x128xf32, #tpu.memory_space<vmem>> -> memref<40x128xf32, #tpu.memory_space<vmem>>
      %dma_start3A_141 = arith.constant 0 : i32
      %dma_start3A_142 = tpu.memref_slice %arg2[%add3A_120, %dma_start3A_141] : memref<320000x128xf32, #tpu.memory_space<hbm>> -> memref<40x128xf32, #tpu.memory_space<hbm>>
      tpu.enqueue_dma source(%dma_start3A_142 : memref<40x128xf32, #tpu.memory_space<hbm>>) target(%dma_start3A_140 : memref<40x128xf32, #tpu.memory_space<vmem>>) target_semaphore(%arg16 : memref<!tpu.dma_semaphore, #tpu.memory_space<semaphore_mem>>)
      %gt3A_143 = arith.constant 0 : i32
      %gt3A_144 = arith.cmpi sgt, %scan3A_82, %gt3A_143 : i32
      %convert_element_type3A_145 = arith.extui %gt3A_144 : i1 to i32
      %cond3A_146 = arith.constant 0 : i32
      %cond3A_147 = arith.cmpi ne, %convert_element_type3A_145, %cond3A_146 : i32
      scf.if %cond3A_147 {
        %dma_wait3A_403 = arith.constant 2 : i32
        %dma_wait3A_404 = arith.constant 2 : i32
        %dma_wait3A_405 = arith.constant 0 : i32
        %dma_wait3A_406 = arith.constant 0 : i32
        %dma_wait3A_407 = tpu.memref_slice %arg8[%dma_wait3A_403, %dma_wait3A_405, %dma_wait3A_406] : memref<5x40x128xf32, #tpu.memory_space<vmem>> -> memref<1x40x128xf32, #tpu.memory_space<vmem>>
        %dma_wait3A_408 = tpu.memref_squeeze %dma_wait3A_407 : memref<1x40x128xf32, #tpu.memory_space<vmem>> -> memref<40x128xf32, #tpu.memory_space<vmem>>
        %dma_wait3A_409 = arith.constant 0 : i32
        %dma_wait3A_410 = tpu.memref_slice %arg7[%dma_wait3A_404, %dma_wait3A_409] : memref<5x40xi32, #tpu.memory_space<vmem>> -> memref<1x40xi32, #tpu.memory_space<vmem>>
        %dma_wait3A_411 = tpu.memref_squeeze %dma_wait3A_410 : memref<1x40xi32, #tpu.memory_space<vmem>> -> memref<40xi32, #tpu.memory_space<vmem>>
        %dma_wait3A_412 = arith.constant 0 : i32
        %dma_wait3A_413 = arith.constant 0 : i32
        %dma_wait3A_414 = tpu.memref_slice %arg9[%dma_wait3A_412, %dma_wait3A_413] : memref<10000x128xf32, #tpu.memory_space<vmem_shared>> -> memref<10000x128xf32, #tpu.memory_space<vmem_shared>>
        tpu.wait_indirect_dma semaphore(%arg22 : memref<!tpu.dma_semaphore, #tpu.memory_space<semaphore_mem>>) src(%dma_wait3A_408 : memref<40x128xf32, #tpu.memory_space<vmem>>) dst(%dma_wait3A_414 : memref<10000x128xf32, #tpu.memory_space<vmem_shared>>)
      } else {
      }
      %add3A_148 = arith.addi %mul3A_6, %mul3A_84 : i32
      %add3A_149 = arith.constant 80 : i32
      %add3A_150 = arith.addi %add3A_148, %add3A_149 : i32
      %dma_start3A_151 = arith.constant 2 : i32
      %dma_start3A_152 = arith.constant 0 : i32
      %dma_start3A_153 = tpu.memref_slice %arg7[%dma_start3A_151, %dma_start3A_152] : memref<5x40xi32, #tpu.memory_space<vmem>> -> memref<1x40xi32, #tpu.memory_space<vmem>>
      %dma_start3A_154 = tpu.memref_squeeze %dma_start3A_153 : memref<1x40xi32, #tpu.memory_space<vmem>> -> memref<40xi32, #tpu.memory_space<vmem>>
      %dma_start3A_155 = tpu.memref_slice %arg3[%add3A_150] : memref<320000xi32, #tpu.memory_space<hbm>> -> memref<40xi32, #tpu.memory_space<hbm>>
      %dma_start3A_156 = arith.constant 0 : i32
      %dma_start3A_157 = tpu.memref_slice %arg7[%dma_start3A_151, %dma_start3A_156] : memref<5x40xi32, #tpu.memory_space<vmem>> -> memref<1x40xi32, #tpu.memory_space<vmem>>
      %dma_start3A_158 = tpu.memref_squeeze %dma_start3A_157 : memref<1x40xi32, #tpu.memory_space<vmem>> -> memref<40xi32, #tpu.memory_space<vmem>>
      %dma_start3A_159 = tpu.memref_slice %arg3[%add3A_150] : memref<320000xi32, #tpu.memory_space<hbm>> -> memref<40xi32, #tpu.memory_space<hbm>>
      tpu.enqueue_dma source(%dma_start3A_159 : memref<40xi32, #tpu.memory_space<hbm>>) target(%dma_start3A_158 : memref<40xi32, #tpu.memory_space<vmem>>) target_semaphore(%arg12 : memref<!tpu.dma_semaphore, #tpu.memory_space<semaphore_mem>>)
      %dma_start3A_160 = arith.constant 2 : i32
      %dma_start3A_161 = arith.constant 0 : i32
      %dma_start3A_162 = arith.constant 0 : i32
      %dma_start3A_163 = tpu.memref_slice %arg8[%dma_start3A_160, %dma_start3A_161, %dma_start3A_162] : memref<5x40x128xf32, #tpu.memory_space<vmem>> -> memref<1x40x128xf32, #tpu.memory_space<vmem>>
      %dma_start3A_164 = tpu.memref_squeeze %dma_start3A_163 : memref<1x40x128xf32, #tpu.memory_space<vmem>> -> memref<40x128xf32, #tpu.memory_space<vmem>>
      %dma_start3A_165 = arith.constant 0 : i32
      %dma_start3A_166 = tpu.memref_slice %arg2[%add3A_150, %dma_start3A_165] : memref<320000x128xf32, #tpu.memory_space<hbm>> -> memref<40x128xf32, #tpu.memory_space<hbm>>
      %dma_start3A_167 = arith.constant 0 : i32
      %dma_start3A_168 = arith.constant 0 : i32
      %dma_start3A_169 = tpu.memref_slice %arg8[%dma_start3A_160, %dma_start3A_167, %dma_start3A_168] : memref<5x40x128xf32, #tpu.memory_space<vmem>> -> memref<1x40x128xf32, #tpu.memory_space<vmem>>
      %dma_start3A_170 = tpu.memref_squeeze %dma_start3A_169 : memref<1x40x128xf32, #tpu.memory_space<vmem>> -> memref<40x128xf32, #tpu.memory_space<vmem>>
      %dma_start3A_171 = arith.constant 0 : i32
      %dma_start3A_172 = tpu.memref_slice %arg2[%add3A_150, %dma_start3A_171] : memref<320000x128xf32, #tpu.memory_space<hbm>> -> memref<40x128xf32, #tpu.memory_space<hbm>>
      tpu.enqueue_dma source(%dma_start3A_172 : memref<40x128xf32, #tpu.memory_space<hbm>>) target(%dma_start3A_170 : memref<40x128xf32, #tpu.memory_space<vmem>>) target_semaphore(%arg17 : memref<!tpu.dma_semaphore, #tpu.memory_space<semaphore_mem>>)
      %gt3A_173 = arith.constant 0 : i32
      %gt3A_174 = arith.cmpi sgt, %scan3A_82, %gt3A_173 : i32
      %convert_element_type3A_175 = arith.extui %gt3A_174 : i1 to i32
      %cond3A_176 = arith.constant 0 : i32
      %cond3A_177 = arith.cmpi ne, %convert_element_type3A_175, %cond3A_176 : i32
      scf.if %cond3A_177 {
        %dma_wait3A_403 = arith.constant 3 : i32
        %dma_wait3A_404 = arith.constant 3 : i32
        %dma_wait3A_405 = arith.constant 0 : i32
        %dma_wait3A_406 = arith.constant 0 : i32
        %dma_wait3A_407 = tpu.memref_slice %arg8[%dma_wait3A_403, %dma_wait3A_405, %dma_wait3A_406] : memref<5x40x128xf32, #tpu.memory_space<vmem>> -> memref<1x40x128xf32, #tpu.memory_space<vmem>>
        %dma_wait3A_408 = tpu.memref_squeeze %dma_wait3A_407 : memref<1x40x128xf32, #tpu.memory_space<vmem>> -> memref<40x128xf32, #tpu.memory_space<vmem>>
        %dma_wait3A_409 = arith.constant 0 : i32
        %dma_wait3A_410 = tpu.memref_slice %arg7[%dma_wait3A_404, %dma_wait3A_409] : memref<5x40xi32, #tpu.memory_space<vmem>> -> memref<1x40xi32, #tpu.memory_space<vmem>>
        %dma_wait3A_411 = tpu.memref_squeeze %dma_wait3A_410 : memref<1x40xi32, #tpu.memory_space<vmem>> -> memref<40xi32, #tpu.memory_space<vmem>>
        %dma_wait3A_412 = arith.constant 0 : i32
        %dma_wait3A_413 = arith.constant 0 : i32
        %dma_wait3A_414 = tpu.memref_slice %arg9[%dma_wait3A_412, %dma_wait3A_413] : memref<10000x128xf32, #tpu.memory_space<vmem_shared>> -> memref<10000x128xf32, #tpu.memory_space<vmem_shared>>
        tpu.wait_indirect_dma semaphore(%arg23 : memref<!tpu.dma_semaphore, #tpu.memory_space<semaphore_mem>>) src(%dma_wait3A_408 : memref<40x128xf32, #tpu.memory_space<vmem>>) dst(%dma_wait3A_414 : memref<10000x128xf32, #tpu.memory_space<vmem_shared>>)
      } else {
      }
      %add3A_178 = arith.addi %mul3A_6, %mul3A_84 : i32
      %add3A_179 = arith.constant 120 : i32
      %add3A_180 = arith.addi %add3A_178, %add3A_179 : i32
      %dma_start3A_181 = arith.constant 3 : i32
      %dma_start3A_182 = arith.constant 0 : i32
      %dma_start3A_183 = tpu.memref_slice %arg7[%dma_start3A_181, %dma_start3A_182] : memref<5x40xi32, #tpu.memory_space<vmem>> -> memref<1x40xi32, #tpu.memory_space<vmem>>
      %dma_start3A_184 = tpu.memref_squeeze %dma_start3A_183 : memref<1x40xi32, #tpu.memory_space<vmem>> -> memref<40xi32, #tpu.memory_space<vmem>>
      %dma_start3A_185 = tpu.memref_slice %arg3[%add3A_180] : memref<320000xi32, #tpu.memory_space<hbm>> -> memref<40xi32, #tpu.memory_space<hbm>>
      %dma_start3A_186 = arith.constant 0 : i32
      %dma_start3A_187 = tpu.memref_slice %arg7[%dma_start3A_181, %dma_start3A_186] : memref<5x40xi32, #tpu.memory_space<vmem>> -> memref<1x40xi32, #tpu.memory_space<vmem>>
      %dma_start3A_188 = tpu.memref_squeeze %dma_start3A_187 : memref<1x40xi32, #tpu.memory_space<vmem>> -> memref<40xi32, #tpu.memory_space<vmem>>
      %dma_start3A_189 = tpu.memref_slice %arg3[%add3A_180] : memref<320000xi32, #tpu.memory_space<hbm>> -> memref<40xi32, #tpu.memory_space<hbm>>
      tpu.enqueue_dma source(%dma_start3A_189 : memref<40xi32, #tpu.memory_space<hbm>>) target(%dma_start3A_188 : memref<40xi32, #tpu.memory_space<vmem>>) target_semaphore(%arg13 : memref<!tpu.dma_semaphore, #tpu.memory_space<semaphore_mem>>)
      %dma_start3A_190 = arith.constant 3 : i32
      %dma_start3A_191 = arith.constant 0 : i32
      %dma_start3A_192 = arith.constant 0 : i32
      %dma_start3A_193 = tpu.memref_slice %arg8[%dma_start3A_190, %dma_start3A_191, %dma_start3A_192] : memref<5x40x128xf32, #tpu.memory_space<vmem>> -> memref<1x40x128xf32, #tpu.memory_space<vmem>>
      %dma_start3A_194 = tpu.memref_squeeze %dma_start3A_193 : memref<1x40x128xf32, #tpu.memory_space<vmem>> -> memref<40x128xf32, #tpu.memory_space<vmem>>
      %dma_start3A_195 = arith.constant 0 : i32
      %dma_start3A_196 = tpu.memref_slice %arg2[%add3A_180, %dma_start3A_195] : memref<320000x128xf32, #tpu.memory_space<hbm>> -> memref<40x128xf32, #tpu.memory_space<hbm>>
      %dma_start3A_197 = arith.constant 0 : i32
      %dma_start3A_198 = arith.constant 0 : i32
      %dma_start3A_199 = tpu.memref_slice %arg8[%dma_start3A_190, %dma_start3A_197, %dma_start3A_198] : memref<5x40x128xf32, #tpu.memory_space<vmem>> -> memref<1x40x128xf32, #tpu.memory_space<vmem>>
      %dma_start3A_200 = tpu.memref_squeeze %dma_start3A_199 : memref<1x40x128xf32, #tpu.memory_space<vmem>> -> memref<40x128xf32, #tpu.memory_space<vmem>>
      %dma_start3A_201 = arith.constant 0 : i32
      %dma_start3A_202 = tpu.memref_slice %arg2[%add3A_180, %dma_start3A_201] : memref<320000x128xf32, #tpu.memory_space<hbm>> -> memref<40x128xf32, #tpu.memory_space<hbm>>
      tpu.enqueue_dma source(%dma_start3A_202 : memref<40x128xf32, #tpu.memory_space<hbm>>) target(%dma_start3A_200 : memref<40x128xf32, #tpu.memory_space<vmem>>) target_semaphore(%arg18 : memref<!tpu.dma_semaphore, #tpu.memory_space<semaphore_mem>>)
      %gt3A_203 = arith.constant 0 : i32
      %gt3A_204 = arith.cmpi sgt, %scan3A_82, %gt3A_203 : i32
      %convert_element_type3A_205 = arith.extui %gt3A_204 : i1 to i32
      %cond3A_206 = arith.constant 0 : i32
      %cond3A_207 = arith.cmpi ne, %convert_element_type3A_205, %cond3A_206 : i32
      scf.if %cond3A_207 {
        %dma_wait3A_403 = arith.constant 4 : i32
        %dma_wait3A_404 = arith.constant 4 : i32
        %dma_wait3A_405 = arith.constant 0 : i32
        %dma_wait3A_406 = arith.constant 0 : i32
        %dma_wait3A_407 = tpu.memref_slice %arg8[%dma_wait3A_403, %dma_wait3A_405, %dma_wait3A_406] : memref<5x40x128xf32, #tpu.memory_space<vmem>> -> memref<1x40x128xf32, #tpu.memory_space<vmem>>
        %dma_wait3A_408 = tpu.memref_squeeze %dma_wait3A_407 : memref<1x40x128xf32, #tpu.memory_space<vmem>> -> memref<40x128xf32, #tpu.memory_space<vmem>>
        %dma_wait3A_409 = arith.constant 0 : i32
        %dma_wait3A_410 = tpu.memref_slice %arg7[%dma_wait3A_404, %dma_wait3A_409] : memref<5x40xi32, #tpu.memory_space<vmem>> -> memref<1x40xi32, #tpu.memory_space<vmem>>
        %dma_wait3A_411 = tpu.memref_squeeze %dma_wait3A_410 : memref<1x40xi32, #tpu.memory_space<vmem>> -> memref<40xi32, #tpu.memory_space<vmem>>
        %dma_wait3A_412 = arith.constant 0 : i32
        %dma_wait3A_413 = arith.constant 0 : i32
        %dma_wait3A_414 = tpu.memref_slice %arg9[%dma_wait3A_412, %dma_wait3A_413] : memref<10000x128xf32, #tpu.memory_space<vmem_shared>> -> memref<10000x128xf32, #tpu.memory_space<vmem_shared>>
        tpu.wait_indirect_dma semaphore(%arg24 : memref<!tpu.dma_semaphore, #tpu.memory_space<semaphore_mem>>) src(%dma_wait3A_408 : memref<40x128xf32, #tpu.memory_space<vmem>>) dst(%dma_wait3A_414 : memref<10000x128xf32, #tpu.memory_space<vmem_shared>>)
      } else {
      }
      %add3A_208 = arith.addi %mul3A_6, %mul3A_84 : i32
      %add3A_209 = arith.constant 160 : i32
      %add3A_210 = arith.addi %add3A_208, %add3A_209 : i32
      %dma_start3A_211 = arith.constant 4 : i32
      %dma_start3A_212 = arith.constant 0 : i32
      %dma_start3A_213 = tpu.memref_slice %arg7[%dma_start3A_211, %dma_start3A_212] : memref<5x40xi32, #tpu.memory_space<vmem>> -> memref<1x40xi32, #tpu.memory_space<vmem>>
      %dma_start3A_214 = tpu.memref_squeeze %dma_start3A_213 : memref<1x40xi32, #tpu.memory_space<vmem>> -> memref<40xi32, #tpu.memory_space<vmem>>
      %dma_start3A_215 = tpu.memref_slice %arg3[%add3A_210] : memref<320000xi32, #tpu.memory_space<hbm>> -> memref<40xi32, #tpu.memory_space<hbm>>
      %dma_start3A_216 = arith.constant 0 : i32
      %dma_start3A_217 = tpu.memref_slice %arg7[%dma_start3A_211, %dma_start3A_216] : memref<5x40xi32, #tpu.memory_space<vmem>> -> memref<1x40xi32, #tpu.memory_space<vmem>>
      %dma_start3A_218 = tpu.memref_squeeze %dma_start3A_217 : memref<1x40xi32, #tpu.memory_space<vmem>> -> memref<40xi32, #tpu.memory_space<vmem>>
      %dma_start3A_219 = tpu.memref_slice %arg3[%add3A_210] : memref<320000xi32, #tpu.memory_space<hbm>> -> memref<40xi32, #tpu.memory_space<hbm>>
      tpu.enqueue_dma source(%dma_start3A_219 : memref<40xi32, #tpu.memory_space<hbm>>) target(%dma_start3A_218 : memref<40xi32, #tpu.memory_space<vmem>>) target_semaphore(%arg14 : memref<!tpu.dma_semaphore, #tpu.memory_space<semaphore_mem>>)
      %dma_start3A_220 = arith.constant 4 : i32
      %dma_start3A_221 = arith.constant 0 : i32
      %dma_start3A_222 = arith.constant 0 : i32
      %dma_start3A_223 = tpu.memref_slice %arg8[%dma_start3A_220, %dma_start3A_221, %dma_start3A_222] : memref<5x40x128xf32, #tpu.memory_space<vmem>> -> memref<1x40x128xf32, #tpu.memory_space<vmem>>
      %dma_start3A_224 = tpu.memref_squeeze %dma_start3A_223 : memref<1x40x128xf32, #tpu.memory_space<vmem>> -> memref<40x128xf32, #tpu.memory_space<vmem>>
      %dma_start3A_225 = arith.constant 0 : i32
      %dma_start3A_226 = tpu.memref_slice %arg2[%add3A_210, %dma_start3A_225] : memref<320000x128xf32, #tpu.memory_space<hbm>> -> memref<40x128xf32, #tpu.memory_space<hbm>>
      %dma_start3A_227 = arith.constant 0 : i32
      %dma_start3A_228 = arith.constant 0 : i32
      %dma_start3A_229 = tpu.memref_slice %arg8[%dma_start3A_220, %dma_start3A_227, %dma_start3A_228] : memref<5x40x128xf32, #tpu.memory_space<vmem>> -> memref<1x40x128xf32, #tpu.memory_space<vmem>>
      %dma_start3A_230 = tpu.memref_squeeze %dma_start3A_229 : memref<1x40x128xf32, #tpu.memory_space<vmem>> -> memref<40x128xf32, #tpu.memory_space<vmem>>
      %dma_start3A_231 = arith.constant 0 : i32
      %dma_start3A_232 = tpu.memref_slice %arg2[%add3A_210, %dma_start3A_231] : memref<320000x128xf32, #tpu.memory_space<hbm>> -> memref<40x128xf32, #tpu.memory_space<hbm>>
      tpu.enqueue_dma source(%dma_start3A_232 : memref<40x128xf32, #tpu.memory_space<hbm>>) target(%dma_start3A_230 : memref<40x128xf32, #tpu.memory_space<vmem>>) target_semaphore(%arg19 : memref<!tpu.dma_semaphore, #tpu.memory_space<semaphore_mem>>)
      %dma_wait3A_233 = arith.constant 0 : i32
      %dma_wait3A_234 = arith.constant 0 : i32
      %dma_wait3A_235 = tpu.memref_slice %arg7[%dma_wait3A_233, %dma_wait3A_234] : memref<5x40xi32, #tpu.memory_space<vmem>> -> memref<1x40xi32, #tpu.memory_space<vmem>>
      %dma_wait3A_236 = tpu.memref_squeeze %dma_wait3A_235 : memref<1x40xi32, #tpu.memory_space<vmem>> -> memref<40xi32, #tpu.memory_space<vmem>>
      %dma_wait3A_237 = tpu.memref_slice %arg3[%add3A_91] : memref<320000xi32, #tpu.memory_space<hbm>> -> memref<40xi32, #tpu.memory_space<hbm>>
      %dma_wait3A_238 = arith.constant 0 : i32
      %dma_wait3A_239 = tpu.memref_slice %arg7[%dma_wait3A_233, %dma_wait3A_238] : memref<5x40xi32, #tpu.memory_space<vmem>> -> memref<1x40xi32, #tpu.memory_space<vmem>>
      %dma_wait3A_240 = tpu.memref_squeeze %dma_wait3A_239 : memref<1x40xi32, #tpu.memory_space<vmem>> -> memref<40xi32, #tpu.memory_space<vmem>>
      %dma_wait3A_241 = tpu.memref_slice %arg3[%add3A_91] : memref<320000xi32, #tpu.memory_space<hbm>> -> memref<40xi32, #tpu.memory_space<hbm>>
      tpu.wait_dma2 semaphore(%arg10 : memref<!tpu.dma_semaphore, #tpu.memory_space<semaphore_mem>>) src(%dma_wait3A_241 : memref<40xi32, #tpu.memory_space<hbm>>) dst(%dma_wait3A_240 : memref<40xi32, #tpu.memory_space<vmem>>)
      %dma_wait3A_242 = arith.constant 0 : i32
      %dma_wait3A_243 = arith.constant 0 : i32
      %dma_wait3A_244 = arith.constant 0 : i32
      %dma_wait3A_245 = tpu.memref_slice %arg8[%dma_wait3A_242, %dma_wait3A_243, %dma_wait3A_244] : memref<5x40x128xf32, #tpu.memory_space<vmem>> -> memref<1x40x128xf32, #tpu.memory_space<vmem>>
      %dma_wait3A_246 = tpu.memref_squeeze %dma_wait3A_245 : memref<1x40x128xf32, #tpu.memory_space<vmem>> -> memref<40x128xf32, #tpu.memory_space<vmem>>
      %dma_wait3A_247 = arith.constant 0 : i32
      %dma_wait3A_248 = tpu.memref_slice %arg2[%add3A_91, %dma_wait3A_247] : memref<320000x128xf32, #tpu.memory_space<hbm>> -> memref<40x128xf32, #tpu.memory_space<hbm>>
      %dma_wait3A_249 = arith.constant 0 : i32
      %dma_wait3A_250 = arith.constant 0 : i32
      %dma_wait3A_251 = tpu.memref_slice %arg8[%dma_wait3A_242, %dma_wait3A_249, %dma_wait3A_250] : memref<5x40x128xf32, #tpu.memory_space<vmem>> -> memref<1x40x128xf32, #tpu.memory_space<vmem>>
      %dma_wait3A_252 = tpu.memref_squeeze %dma_wait3A_251 : memref<1x40x128xf32, #tpu.memory_space<vmem>> -> memref<40x128xf32, #tpu.memory_space<vmem>>
      %dma_wait3A_253 = arith.constant 0 : i32
      %dma_wait3A_254 = tpu.memref_slice %arg2[%add3A_91, %dma_wait3A_253] : memref<320000x128xf32, #tpu.memory_space<hbm>> -> memref<40x128xf32, #tpu.memory_space<hbm>>
      tpu.wait_dma2 semaphore(%arg15 : memref<!tpu.dma_semaphore, #tpu.memory_space<semaphore_mem>>) src(%dma_wait3A_254 : memref<40x128xf32, #tpu.memory_space<hbm>>) dst(%dma_wait3A_252 : memref<40x128xf32, #tpu.memory_space<vmem>>)
      %dma_start3A_255 = arith.constant 0 : i32
      %dma_start3A_256 = arith.constant 0 : i32
      %dma_start3A_257 = arith.constant 0 : i32
      %dma_start3A_258 = arith.constant 0 : i32
      %dma_start3A_259 = tpu.memref_slice %arg8[%dma_start3A_255, %dma_start3A_257, %dma_start3A_258] : memref<5x40x128xf32, #tpu.memory_space<vmem>> -> memref<1x40x128xf32, #tpu.memory_space<vmem>>
      %dma_start3A_260 = tpu.memref_squeeze %dma_start3A_259 : memref<1x40x128xf32, #tpu.memory_space<vmem>> -> memref<40x128xf32, #tpu.memory_space<vmem>>
      %dma_start3A_261 = arith.constant 0 : i32
      %dma_start3A_262 = tpu.memref_slice %arg7[%dma_start3A_256, %dma_start3A_261] : memref<5x40xi32, #tpu.memory_space<vmem>> -> memref<1x40xi32, #tpu.memory_space<vmem>>
      %dma_start3A_263 = tpu.memref_squeeze %dma_start3A_262 : memref<1x40xi32, #tpu.memory_space<vmem>> -> memref<40xi32, #tpu.memory_space<vmem>>
      %dma_start3A_264 = arith.constant 0 : i32
      %dma_start3A_265 = arith.constant 0 : i32
      %dma_start3A_266 = tpu.memref_slice %arg9[%dma_start3A_264, %dma_start3A_265] : memref<10000x128xf32, #tpu.memory_space<vmem_shared>> -> memref<10000x128xf32, #tpu.memory_space<vmem_shared>>
      tpu.enqueue_indirect_dma source(%dma_start3A_260 : memref<40x128xf32, #tpu.memory_space<vmem>>) target(%dma_start3A_266 : memref<10000x128xf32, #tpu.memory_space<vmem_shared>>) offsets(%dma_start3A_263 : memref<40xi32, #tpu.memory_space<vmem>>) semaphore(%arg20 : memref<!tpu.dma_semaphore, #tpu.memory_space<semaphore_mem>>) {add = true}
      %dma_wait3A_267 = arith.constant 1 : i32
      %dma_wait3A_268 = arith.constant 0 : i32
      %dma_wait3A_269 = tpu.memref_slice %arg7[%dma_wait3A_267, %dma_wait3A_268] : memref<5x40xi32, #tpu.memory_space<vmem>> -> memref<1x40xi32, #tpu.memory_space<vmem>>
      %dma_wait3A_270 = tpu.memref_squeeze %dma_wait3A_269 : memref<1x40xi32, #tpu.memory_space<vmem>> -> memref<40xi32, #tpu.memory_space<vmem>>
      %dma_wait3A_271 = tpu.memref_slice %arg3[%add3A_120] : memref<320000xi32, #tpu.memory_space<hbm>> -> memref<40xi32, #tpu.memory_space<hbm>>
      %dma_wait3A_272 = arith.constant 0 : i32
      %dma_wait3A_273 = tpu.memref_slice %arg7[%dma_wait3A_267, %dma_wait3A_272] : memref<5x40xi32, #tpu.memory_space<vmem>> -> memref<1x40xi32, #tpu.memory_space<vmem>>
      %dma_wait3A_274 = tpu.memref_squeeze %dma_wait3A_273 : memref<1x40xi32, #tpu.memory_space<vmem>> -> memref<40xi32, #tpu.memory_space<vmem>>
      %dma_wait3A_275 = tpu.memref_slice %arg3[%add3A_120] : memref<320000xi32, #tpu.memory_space<hbm>> -> memref<40xi32, #tpu.memory_space<hbm>>
      tpu.wait_dma2 semaphore(%arg11 : memref<!tpu.dma_semaphore, #tpu.memory_space<semaphore_mem>>) src(%dma_wait3A_275 : memref<40xi32, #tpu.memory_space<hbm>>) dst(%dma_wait3A_274 : memref<40xi32, #tpu.memory_space<vmem>>)
      %dma_wait3A_276 = arith.constant 1 : i32
      %dma_wait3A_277 = arith.constant 0 : i32
      %dma_wait3A_278 = arith.constant 0 : i32
      %dma_wait3A_279 = tpu.memref_slice %arg8[%dma_wait3A_276, %dma_wait3A_277, %dma_wait3A_278] : memref<5x40x128xf32, #tpu.memory_space<vmem>> -> memref<1x40x128xf32, #tpu.memory_space<vmem>>
      %dma_wait3A_280 = tpu.memref_squeeze %dma_wait3A_279 : memref<1x40x128xf32, #tpu.memory_space<vmem>> -> memref<40x128xf32, #tpu.memory_space<vmem>>
      %dma_wait3A_281 = arith.constant 0 : i32
      %dma_wait3A_282 = tpu.memref_slice %arg2[%add3A_120, %dma_wait3A_281] : memref<320000x128xf32, #tpu.memory_space<hbm>> -> memref<40x128xf32, #tpu.memory_space<hbm>>
      %dma_wait3A_283 = arith.constant 0 : i32
      %dma_wait3A_284 = arith.constant 0 : i32
      %dma_wait3A_285 = tpu.memref_slice %arg8[%dma_wait3A_276, %dma_wait3A_283, %dma_wait3A_284] : memref<5x40x128xf32, #tpu.memory_space<vmem>> -> memref<1x40x128xf32, #tpu.memory_space<vmem>>
      %dma_wait3A_286 = tpu.memref_squeeze %dma_wait3A_285 : memref<1x40x128xf32, #tpu.memory_space<vmem>> -> memref<40x128xf32, #tpu.memory_space<vmem>>
      %dma_wait3A_287 = arith.constant 0 : i32
      %dma_wait3A_288 = tpu.memref_slice %arg2[%add3A_120, %dma_wait3A_287] : memref<320000x128xf32, #tpu.memory_space<hbm>> -> memref<40x128xf32, #tpu.memory_space<hbm>>
      tpu.wait_dma2 semaphore(%arg16 : memref<!tpu.dma_semaphore, #tpu.memory_space<semaphore_mem>>) src(%dma_wait3A_288 : memref<40x128xf32, #tpu.memory_space<hbm>>) dst(%dma_wait3A_286 : memref<40x128xf32, #tpu.memory_space<vmem>>)
      %dma_start3A_289 = arith.constant 1 : i32
      %dma_start3A_290 = arith.constant 1 : i32
      %dma_start3A_291 = arith.constant 0 : i32
      %dma_start3A_292 = arith.constant 0 : i32
      %dma_start3A_293 = tpu.memref_slice %arg8[%dma_start3A_289, %dma_start3A_291, %dma_start3A_292] : memref<5x40x128xf32, #tpu.memory_space<vmem>> -> memref<1x40x128xf32, #tpu.memory_space<vmem>>
      %dma_start3A_294 = tpu.memref_squeeze %dma_start3A_293 : memref<1x40x128xf32, #tpu.memory_space<vmem>> -> memref<40x128xf32, #tpu.memory_space<vmem>>
      %dma_start3A_295 = arith.constant 0 : i32
      %dma_start3A_296 = tpu.memref_slice %arg7[%dma_start3A_290, %dma_start3A_295] : memref<5x40xi32, #tpu.memory_space<vmem>> -> memref<1x40xi32, #tpu.memory_space<vmem>>
      %dma_start3A_297 = tpu.memref_squeeze %dma_start3A_296 : memref<1x40xi32, #tpu.memory_space<vmem>> -> memref<40xi32, #tpu.memory_space<vmem>>
      %dma_start3A_298 = arith.constant 0 : i32
      %dma_start3A_299 = arith.constant 0 : i32
      %dma_start3A_300 = tpu.memref_slice %arg9[%dma_start3A_298, %dma_start3A_299] : memref<10000x128xf32, #tpu.memory_space<vmem_shared>> -> memref<10000x128xf32, #tpu.memory_space<vmem_shared>>
      tpu.enqueue_indirect_dma source(%dma_start3A_294 : memref<40x128xf32, #tpu.memory_space<vmem>>) target(%dma_start3A_300 : memref<10000x128xf32, #tpu.memory_space<vmem_shared>>) offsets(%dma_start3A_297 : memref<40xi32, #tpu.memory_space<vmem>>) semaphore(%arg21 : memref<!tpu.dma_semaphore, #tpu.memory_space<semaphore_mem>>) {add = true}
      %dma_wait3A_301 = arith.constant 2 : i32
      %dma_wait3A_302 = arith.constant 0 : i32
      %dma_wait3A_303 = tpu.memref_slice %arg7[%dma_wait3A_301, %dma_wait3A_302] : memref<5x40xi32, #tpu.memory_space<vmem>> -> memref<1x40xi32, #tpu.memory_space<vmem>>
      %dma_wait3A_304 = tpu.memref_squeeze %dma_wait3A_303 : memref<1x40xi32, #tpu.memory_space<vmem>> -> memref<40xi32, #tpu.memory_space<vmem>>
      %dma_wait3A_305 = tpu.memref_slice %arg3[%add3A_150] : memref<320000xi32, #tpu.memory_space<hbm>> -> memref<40xi32, #tpu.memory_space<hbm>>
      %dma_wait3A_306 = arith.constant 0 : i32
      %dma_wait3A_307 = tpu.memref_slice %arg7[%dma_wait3A_301, %dma_wait3A_306] : memref<5x40xi32, #tpu.memory_space<vmem>> -> memref<1x40xi32, #tpu.memory_space<vmem>>
      %dma_wait3A_308 = tpu.memref_squeeze %dma_wait3A_307 : memref<1x40xi32, #tpu.memory_space<vmem>> -> memref<40xi32, #tpu.memory_space<vmem>>
      %dma_wait3A_309 = tpu.memref_slice %arg3[%add3A_150] : memref<320000xi32, #tpu.memory_space<hbm>> -> memref<40xi32, #tpu.memory_space<hbm>>
      tpu.wait_dma2 semaphore(%arg12 : memref<!tpu.dma_semaphore, #tpu.memory_space<semaphore_mem>>) src(%dma_wait3A_309 : memref<40xi32, #tpu.memory_space<hbm>>) dst(%dma_wait3A_308 : memref<40xi32, #tpu.memory_space<vmem>>)
      %dma_wait3A_310 = arith.constant 2 : i32
      %dma_wait3A_311 = arith.constant 0 : i32
      %dma_wait3A_312 = arith.constant 0 : i32
      %dma_wait3A_313 = tpu.memref_slice %arg8[%dma_wait3A_310, %dma_wait3A_311, %dma_wait3A_312] : memref<5x40x128xf32, #tpu.memory_space<vmem>> -> memref<1x40x128xf32, #tpu.memory_space<vmem>>
      %dma_wait3A_314 = tpu.memref_squeeze %dma_wait3A_313 : memref<1x40x128xf32, #tpu.memory_space<vmem>> -> memref<40x128xf32, #tpu.memory_space<vmem>>
      %dma_wait3A_315 = arith.constant 0 : i32
      %dma_wait3A_316 = tpu.memref_slice %arg2[%add3A_150, %dma_wait3A_315] : memref<320000x128xf32, #tpu.memory_space<hbm>> -> memref<40x128xf32, #tpu.memory_space<hbm>>
      %dma_wait3A_317 = arith.constant 0 : i32
      %dma_wait3A_318 = arith.constant 0 : i32
      %dma_wait3A_319 = tpu.memref_slice %arg8[%dma_wait3A_310, %dma_wait3A_317, %dma_wait3A_318] : memref<5x40x128xf32, #tpu.memory_space<vmem>> -> memref<1x40x128xf32, #tpu.memory_space<vmem>>
      %dma_wait3A_320 = tpu.memref_squeeze %dma_wait3A_319 : memref<1x40x128xf32, #tpu.memory_space<vmem>> -> memref<40x128xf32, #tpu.memory_space<vmem>>
      %dma_wait3A_321 = arith.constant 0 : i32
      %dma_wait3A_322 = tpu.memref_slice %arg2[%add3A_150, %dma_wait3A_321] : memref<320000x128xf32, #tpu.memory_space<hbm>> -> memref<40x128xf32, #tpu.memory_space<hbm>>
      tpu.wait_dma2 semaphore(%arg17 : memref<!tpu.dma_semaphore, #tpu.memory_space<semaphore_mem>>) src(%dma_wait3A_322 : memref<40x128xf32, #tpu.memory_space<hbm>>) dst(%dma_wait3A_320 : memref<40x128xf32, #tpu.memory_space<vmem>>)
      %dma_start3A_323 = arith.constant 2 : i32
      %dma_start3A_324 = arith.constant 2 : i32
      %dma_start3A_325 = arith.constant 0 : i32
      %dma_start3A_326 = arith.constant 0 : i32
      %dma_start3A_327 = tpu.memref_slice %arg8[%dma_start3A_323, %dma_start3A_325, %dma_start3A_326] : memref<5x40x128xf32, #tpu.memory_space<vmem>> -> memref<1x40x128xf32, #tpu.memory_space<vmem>>
      %dma_start3A_328 = tpu.memref_squeeze %dma_start3A_327 : memref<1x40x128xf32, #tpu.memory_space<vmem>> -> memref<40x128xf32, #tpu.memory_space<vmem>>
      %dma_start3A_329 = arith.constant 0 : i32
      %dma_start3A_330 = tpu.memref_slice %arg7[%dma_start3A_324, %dma_start3A_329] : memref<5x40xi32, #tpu.memory_space<vmem>> -> memref<1x40xi32, #tpu.memory_space<vmem>>
      %dma_start3A_331 = tpu.memref_squeeze %dma_start3A_330 : memref<1x40xi32, #tpu.memory_space<vmem>> -> memref<40xi32, #tpu.memory_space<vmem>>
      %dma_start3A_332 = arith.constant 0 : i32
      %dma_start3A_333 = arith.constant 0 : i32
      %dma_start3A_334 = tpu.memref_slice %arg9[%dma_start3A_332, %dma_start3A_333] : memref<10000x128xf32, #tpu.memory_space<vmem_shared>> -> memref<10000x128xf32, #tpu.memory_space<vmem_shared>>
      tpu.enqueue_indirect_dma source(%dma_start3A_328 : memref<40x128xf32, #tpu.memory_space<vmem>>) target(%dma_start3A_334 : memref<10000x128xf32, #tpu.memory_space<vmem_shared>>) offsets(%dma_start3A_331 : memref<40xi32, #tpu.memory_space<vmem>>) semaphore(%arg22 : memref<!tpu.dma_semaphore, #tpu.memory_space<semaphore_mem>>) {add = true}
      %dma_wait3A_335 = arith.constant 3 : i32
      %dma_wait3A_336 = arith.constant 0 : i32
      %dma_wait3A_337 = tpu.memref_slice %arg7[%dma_wait3A_335, %dma_wait3A_336] : memref<5x40xi32, #tpu.memory_space<vmem>> -> memref<1x40xi32, #tpu.memory_space<vmem>>
      %dma_wait3A_338 = tpu.memref_squeeze %dma_wait3A_337 : memref<1x40xi32, #tpu.memory_space<vmem>> -> memref<40xi32, #tpu.memory_space<vmem>>
      %dma_wait3A_339 = tpu.memref_slice %arg3[%add3A_180] : memref<320000xi32, #tpu.memory_space<hbm>> -> memref<40xi32, #tpu.memory_space<hbm>>
      %dma_wait3A_340 = arith.constant 0 : i32
      %dma_wait3A_341 = tpu.memref_slice %arg7[%dma_wait3A_335, %dma_wait3A_340] : memref<5x40xi32, #tpu.memory_space<vmem>> -> memref<1x40xi32, #tpu.memory_space<vmem>>
      %dma_wait3A_342 = tpu.memref_squeeze %dma_wait3A_341 : memref<1x40xi32, #tpu.memory_space<vmem>> -> memref<40xi32, #tpu.memory_space<vmem>>
      %dma_wait3A_343 = tpu.memref_slice %arg3[%add3A_180] : memref<320000xi32, #tpu.memory_space<hbm>> -> memref<40xi32, #tpu.memory_space<hbm>>
      tpu.wait_dma2 semaphore(%arg13 : memref<!tpu.dma_semaphore, #tpu.memory_space<semaphore_mem>>) src(%dma_wait3A_343 : memref<40xi32, #tpu.memory_space<hbm>>) dst(%dma_wait3A_342 : memref<40xi32, #tpu.memory_space<vmem>>)
      %dma_wait3A_344 = arith.constant 3 : i32
      %dma_wait3A_345 = arith.constant 0 : i32
      %dma_wait3A_346 = arith.constant 0 : i32
      %dma_wait3A_347 = tpu.memref_slice %arg8[%dma_wait3A_344, %dma_wait3A_345, %dma_wait3A_346] : memref<5x40x128xf32, #tpu.memory_space<vmem>> -> memref<1x40x128xf32, #tpu.memory_space<vmem>>
      %dma_wait3A_348 = tpu.memref_squeeze %dma_wait3A_347 : memref<1x40x128xf32, #tpu.memory_space<vmem>> -> memref<40x128xf32, #tpu.memory_space<vmem>>
      %dma_wait3A_349 = arith.constant 0 : i32
      %dma_wait3A_350 = tpu.memref_slice %arg2[%add3A_180, %dma_wait3A_349] : memref<320000x128xf32, #tpu.memory_space<hbm>> -> memref<40x128xf32, #tpu.memory_space<hbm>>
      %dma_wait3A_351 = arith.constant 0 : i32
      %dma_wait3A_352 = arith.constant 0 : i32
      %dma_wait3A_353 = tpu.memref_slice %arg8[%dma_wait3A_344, %dma_wait3A_351, %dma_wait3A_352] : memref<5x40x128xf32, #tpu.memory_space<vmem>> -> memref<1x40x128xf32, #tpu.memory_space<vmem>>
      %dma_wait3A_354 = tpu.memref_squeeze %dma_wait3A_353 : memref<1x40x128xf32, #tpu.memory_space<vmem>> -> memref<40x128xf32, #tpu.memory_space<vmem>>
      %dma_wait3A_355 = arith.constant 0 : i32
      %dma_wait3A_356 = tpu.memref_slice %arg2[%add3A_180, %dma_wait3A_355] : memref<320000x128xf32, #tpu.memory_space<hbm>> -> memref<40x128xf32, #tpu.memory_space<hbm>>
      tpu.wait_dma2 semaphore(%arg18 : memref<!tpu.dma_semaphore, #tpu.memory_space<semaphore_mem>>) src(%dma_wait3A_356 : memref<40x128xf32, #tpu.memory_space<hbm>>) dst(%dma_wait3A_354 : memref<40x128xf32, #tpu.memory_space<vmem>>)
      %dma_start3A_357 = arith.constant 3 : i32
      %dma_start3A_358 = arith.constant 3 : i32
      %dma_start3A_359 = arith.constant 0 : i32
      %dma_start3A_360 = arith.constant 0 : i32
      %dma_start3A_361 = tpu.memref_slice %arg8[%dma_start3A_357, %dma_start3A_359, %dma_start3A_360] : memref<5x40x128xf32, #tpu.memory_space<vmem>> -> memref<1x40x128xf32, #tpu.memory_space<vmem>>
      %dma_start3A_362 = tpu.memref_squeeze %dma_start3A_361 : memref<1x40x128xf32, #tpu.memory_space<vmem>> -> memref<40x128xf32, #tpu.memory_space<vmem>>
      %dma_start3A_363 = arith.constant 0 : i32
      %dma_start3A_364 = tpu.memref_slice %arg7[%dma_start3A_358, %dma_start3A_363] : memref<5x40xi32, #tpu.memory_space<vmem>> -> memref<1x40xi32, #tpu.memory_space<vmem>>
      %dma_start3A_365 = tpu.memref_squeeze %dma_start3A_364 : memref<1x40xi32, #tpu.memory_space<vmem>> -> memref<40xi32, #tpu.memory_space<vmem>>
      %dma_start3A_366 = arith.constant 0 : i32
      %dma_start3A_367 = arith.constant 0 : i32
      %dma_start3A_368 = tpu.memref_slice %arg9[%dma_start3A_366, %dma_start3A_367] : memref<10000x128xf32, #tpu.memory_space<vmem_shared>> -> memref<10000x128xf32, #tpu.memory_space<vmem_shared>>
      tpu.enqueue_indirect_dma source(%dma_start3A_362 : memref<40x128xf32, #tpu.memory_space<vmem>>) target(%dma_start3A_368 : memref<10000x128xf32, #tpu.memory_space<vmem_shared>>) offsets(%dma_start3A_365 : memref<40xi32, #tpu.memory_space<vmem>>) semaphore(%arg23 : memref<!tpu.dma_semaphore, #tpu.memory_space<semaphore_mem>>) {add = true}
      %dma_wait3A_369 = arith.constant 4 : i32
      %dma_wait3A_370 = arith.constant 0 : i32
      %dma_wait3A_371 = tpu.memref_slice %arg7[%dma_wait3A_369, %dma_wait3A_370] : memref<5x40xi32, #tpu.memory_space<vmem>> -> memref<1x40xi32, #tpu.memory_space<vmem>>
      %dma_wait3A_372 = tpu.memref_squeeze %dma_wait3A_371 : memref<1x40xi32, #tpu.memory_space<vmem>> -> memref<40xi32, #tpu.memory_space<vmem>>
      %dma_wait3A_373 = tpu.memref_slice %arg3[%add3A_210] : memref<320000xi32, #tpu.memory_space<hbm>> -> memref<40xi32, #tpu.memory_space<hbm>>
      %dma_wait3A_374 = arith.constant 0 : i32
      %dma_wait3A_375 = tpu.memref_slice %arg7[%dma_wait3A_369, %dma_wait3A_374] : memref<5x40xi32, #tpu.memory_space<vmem>> -> memref<1x40xi32, #tpu.memory_space<vmem>>
      %dma_wait3A_376 = tpu.memref_squeeze %dma_wait3A_375 : memref<1x40xi32, #tpu.memory_space<vmem>> -> memref<40xi32, #tpu.memory_space<vmem>>
      %dma_wait3A_377 = tpu.memref_slice %arg3[%add3A_210] : memref<320000xi32, #tpu.memory_space<hbm>> -> memref<40xi32, #tpu.memory_space<hbm>>
      tpu.wait_dma2 semaphore(%arg14 : memref<!tpu.dma_semaphore, #tpu.memory_space<semaphore_mem>>) src(%dma_wait3A_377 : memref<40xi32, #tpu.memory_space<hbm>>) dst(%dma_wait3A_376 : memref<40xi32, #tpu.memory_space<vmem>>)
      %dma_wait3A_378 = arith.constant 4 : i32
      %dma_wait3A_379 = arith.constant 0 : i32
      %dma_wait3A_380 = arith.constant 0 : i32
      %dma_wait3A_381 = tpu.memref_slice %arg8[%dma_wait3A_378, %dma_wait3A_379, %dma_wait3A_380] : memref<5x40x128xf32, #tpu.memory_space<vmem>> -> memref<1x40x128xf32, #tpu.memory_space<vmem>>
      %dma_wait3A_382 = tpu.memref_squeeze %dma_wait3A_381 : memref<1x40x128xf32, #tpu.memory_space<vmem>> -> memref<40x128xf32, #tpu.memory_space<vmem>>
      %dma_wait3A_383 = arith.constant 0 : i32
      %dma_wait3A_384 = tpu.memref_slice %arg2[%add3A_210, %dma_wait3A_383] : memref<320000x128xf32, #tpu.memory_space<hbm>> -> memref<40x128xf32, #tpu.memory_space<hbm>>
      %dma_wait3A_385 = arith.constant 0 : i32
      %dma_wait3A_386 = arith.constant 0 : i32
      %dma_wait3A_387 = tpu.memref_slice %arg8[%dma_wait3A_378, %dma_wait3A_385, %dma_wait3A_386] : memref<5x40x128xf32, #tpu.memory_space<vmem>> -> memref<1x40x128xf32, #tpu.memory_space<vmem>>
      %dma_wait3A_388 = tpu.memref_squeeze %dma_wait3A_387 : memref<1x40x128xf32, #tpu.memory_space<vmem>> -> memref<40x128xf32, #tpu.memory_space<vmem>>
      %dma_wait3A_389 = arith.constant 0 : i32
      %dma_wait3A_390 = tpu.memref_slice %arg2[%add3A_210, %dma_wait3A_389] : memref<320000x128xf32, #tpu.memory_space<hbm>> -> memref<40x128xf32, #tpu.memory_space<hbm>>
      tpu.wait_dma2 semaphore(%arg19 : memref<!tpu.dma_semaphore, #tpu.memory_space<semaphore_mem>>) src(%dma_wait3A_390 : memref<40x128xf32, #tpu.memory_space<hbm>>) dst(%dma_wait3A_388 : memref<40x128xf32, #tpu.memory_space<vmem>>)
      %dma_start3A_391 = arith.constant 4 : i32
      %dma_start3A_392 = arith.constant 4 : i32
      %dma_start3A_393 = arith.constant 0 : i32
      %dma_start3A_394 = arith.constant 0 : i32
      %dma_start3A_395 = tpu.memref_slice %arg8[%dma_start3A_391, %dma_start3A_393, %dma_start3A_394] : memref<5x40x128xf32, #tpu.memory_space<vmem>> -> memref<1x40x128xf32, #tpu.memory_space<vmem>>
      %dma_start3A_396 = tpu.memref_squeeze %dma_start3A_395 : memref<1x40x128xf32, #tpu.memory_space<vmem>> -> memref<40x128xf32, #tpu.memory_space<vmem>>
      %dma_start3A_397 = arith.constant 0 : i32
      %dma_start3A_398 = tpu.memref_slice %arg7[%dma_start3A_392, %dma_start3A_397] : memref<5x40xi32, #tpu.memory_space<vmem>> -> memref<1x40xi32, #tpu.memory_space<vmem>>
      %dma_start3A_399 = tpu.memref_squeeze %dma_start3A_398 : memref<1x40xi32, #tpu.memory_space<vmem>> -> memref<40xi32, #tpu.memory_space<vmem>>
      %dma_start3A_400 = arith.constant 0 : i32
      %dma_start3A_401 = arith.constant 0 : i32
      %dma_start3A_402 = tpu.memref_slice %arg9[%dma_start3A_400, %dma_start3A_401] : memref<10000x128xf32, #tpu.memory_space<vmem_shared>> -> memref<10000x128xf32, #tpu.memory_space<vmem_shared>>
      tpu.enqueue_indirect_dma source(%dma_start3A_396 : memref<40x128xf32, #tpu.memory_space<vmem>>) target(%dma_start3A_402 : memref<10000x128xf32, #tpu.memory_space<vmem_shared>>) offsets(%dma_start3A_399 : memref<40xi32, #tpu.memory_space<vmem>>) semaphore(%arg24 : memref<!tpu.dma_semaphore, #tpu.memory_space<semaphore_mem>>) {add = true}
    }
    %scan3A_11 = arith.constant 50 : i32
    %dma_wait3A = arith.constant 0 : i32
    %dma_wait3A_12 = arith.constant 0 : i32
    %dma_wait3A_13 = arith.constant 0 : i32
    %dma_wait3A_14 = arith.constant 0 : i32
    %dma_wait3A_15 = tpu.memref_slice %arg8[%dma_wait3A, %dma_wait3A_13, %dma_wait3A_14] : memref<5x40x128xf32, #tpu.memory_space<vmem>> -> memref<1x40x128xf32, #tpu.memory_space<vmem>>
    %dma_wait3A_16 = tpu.memref_squeeze %dma_wait3A_15 : memref<1x40x128xf32, #tpu.memory_space<vmem>> -> memref<40x128xf32, #tpu.memory_space<vmem>>
    %dma_wait3A_17 = arith.constant 0 : i32
    %dma_wait3A_18 = tpu.memref_slice %arg7[%dma_wait3A_12, %dma_wait3A_17] : memref<5x40xi32, #tpu.memory_space<vmem>> -> memref<1x40xi32, #tpu.memory_space<vmem>>
    %dma_wait3A_19 = tpu.memref_squeeze %dma_wait3A_18 : memref<1x40xi32, #tpu.memory_space<vmem>> -> memref<40xi32, #tpu.memory_space<vmem>>
    %dma_wait3A_20 = arith.constant 0 : i32
    %dma_wait3A_21 = arith.constant 0 : i32
    %dma_wait3A_22 = tpu.memref_slice %arg9[%dma_wait3A_20, %dma_wait3A_21] : memref<10000x128xf32, #tpu.memory_space<vmem_shared>> -> memref<10000x128xf32, #tpu.memory_space<vmem_shared>>
    tpu.wait_indirect_dma semaphore(%arg20 : memref<!tpu.dma_semaphore, #tpu.memory_space<semaphore_mem>>) src(%dma_wait3A_16 : memref<40x128xf32, #tpu.memory_space<vmem>>) dst(%dma_wait3A_22 : memref<10000x128xf32, #tpu.memory_space<vmem_shared>>)
    %dma_wait3A_23 = arith.constant 1 : i32
    %dma_wait3A_24 = arith.constant 1 : i32
    %dma_wait3A_25 = arith.constant 0 : i32
    %dma_wait3A_26 = arith.constant 0 : i32
    %dma_wait3A_27 = tpu.memref_slice %arg8[%dma_wait3A_23, %dma_wait3A_25, %dma_wait3A_26] : memref<5x40x128xf32, #tpu.memory_space<vmem>> -> memref<1x40x128xf32, #tpu.memory_space<vmem>>
    %dma_wait3A_28 = tpu.memref_squeeze %dma_wait3A_27 : memref<1x40x128xf32, #tpu.memory_space<vmem>> -> memref<40x128xf32, #tpu.memory_space<vmem>>
    %dma_wait3A_29 = arith.constant 0 : i32
    %dma_wait3A_30 = tpu.memref_slice %arg7[%dma_wait3A_24, %dma_wait3A_29] : memref<5x40xi32, #tpu.memory_space<vmem>> -> memref<1x40xi32, #tpu.memory_space<vmem>>
    %dma_wait3A_31 = tpu.memref_squeeze %dma_wait3A_30 : memref<1x40xi32, #tpu.memory_space<vmem>> -> memref<40xi32, #tpu.memory_space<vmem>>
    %dma_wait3A_32 = arith.constant 0 : i32
    %dma_wait3A_33 = arith.constant 0 : i32
    %dma_wait3A_34 = tpu.memref_slice %arg9[%dma_wait3A_32, %dma_wait3A_33] : memref<10000x128xf32, #tpu.memory_space<vmem_shared>> -> memref<10000x128xf32, #tpu.memory_space<vmem_shared>>
    tpu.wait_indirect_dma semaphore(%arg21 : memref<!tpu.dma_semaphore, #tpu.memory_space<semaphore_mem>>) src(%dma_wait3A_28 : memref<40x128xf32, #tpu.memory_space<vmem>>) dst(%dma_wait3A_34 : memref<10000x128xf32, #tpu.memory_space<vmem_shared>>)
    %dma_wait3A_35 = arith.constant 2 : i32
    %dma_wait3A_36 = arith.constant 2 : i32
    %dma_wait3A_37 = arith.constant 0 : i32
    %dma_wait3A_38 = arith.constant 0 : i32
    %dma_wait3A_39 = tpu.memref_slice %arg8[%dma_wait3A_35, %dma_wait3A_37, %dma_wait3A_38] : memref<5x40x128xf32, #tpu.memory_space<vmem>> -> memref<1x40x128xf32, #tpu.memory_space<vmem>>
    %dma_wait3A_40 = tpu.memref_squeeze %dma_wait3A_39 : memref<1x40x128xf32, #tpu.memory_space<vmem>> -> memref<40x128xf32, #tpu.memory_space<vmem>>
    %dma_wait3A_41 = arith.constant 0 : i32
    %dma_wait3A_42 = tpu.memref_slice %arg7[%dma_wait3A_36, %dma_wait3A_41] : memref<5x40xi32, #tpu.memory_space<vmem>> -> memref<1x40xi32, #tpu.memory_space<vmem>>
    %dma_wait3A_43 = tpu.memref_squeeze %dma_wait3A_42 : memref<1x40xi32, #tpu.memory_space<vmem>> -> memref<40xi32, #tpu.memory_space<vmem>>
    %dma_wait3A_44 = arith.constant 0 : i32
    %dma_wait3A_45 = arith.constant 0 : i32
    %dma_wait3A_46 = tpu.memref_slice %arg9[%dma_wait3A_44, %dma_wait3A_45] : memref<10000x128xf32, #tpu.memory_space<vmem_shared>> -> memref<10000x128xf32, #tpu.memory_space<vmem_shared>>
    tpu.wait_indirect_dma semaphore(%arg22 : memref<!tpu.dma_semaphore, #tpu.memory_space<semaphore_mem>>) src(%dma_wait3A_40 : memref<40x128xf32, #tpu.memory_space<vmem>>) dst(%dma_wait3A_46 : memref<10000x128xf32, #tpu.memory_space<vmem_shared>>)
    %dma_wait3A_47 = arith.constant 3 : i32
    %dma_wait3A_48 = arith.constant 3 : i32
    %dma_wait3A_49 = arith.constant 0 : i32
    %dma_wait3A_50 = arith.constant 0 : i32
    %dma_wait3A_51 = tpu.memref_slice %arg8[%dma_wait3A_47, %dma_wait3A_49, %dma_wait3A_50] : memref<5x40x128xf32, #tpu.memory_space<vmem>> -> memref<1x40x128xf32, #tpu.memory_space<vmem>>
    %dma_wait3A_52 = tpu.memref_squeeze %dma_wait3A_51 : memref<1x40x128xf32, #tpu.memory_space<vmem>> -> memref<40x128xf32, #tpu.memory_space<vmem>>
    %dma_wait3A_53 = arith.constant 0 : i32
    %dma_wait3A_54 = tpu.memref_slice %arg7[%dma_wait3A_48, %dma_wait3A_53] : memref<5x40xi32, #tpu.memory_space<vmem>> -> memref<1x40xi32, #tpu.memory_space<vmem>>
    %dma_wait3A_55 = tpu.memref_squeeze %dma_wait3A_54 : memref<1x40xi32, #tpu.memory_space<vmem>> -> memref<40xi32, #tpu.memory_space<vmem>>
    %dma_wait3A_56 = arith.constant 0 : i32
    %dma_wait3A_57 = arith.constant 0 : i32
    %dma_wait3A_58 = tpu.memref_slice %arg9[%dma_wait3A_56, %dma_wait3A_57] : memref<10000x128xf32, #tpu.memory_space<vmem_shared>> -> memref<10000x128xf32, #tpu.memory_space<vmem_shared>>
    tpu.wait_indirect_dma semaphore(%arg23 : memref<!tpu.dma_semaphore, #tpu.memory_space<semaphore_mem>>) src(%dma_wait3A_52 : memref<40x128xf32, #tpu.memory_space<vmem>>) dst(%dma_wait3A_58 : memref<10000x128xf32, #tpu.memory_space<vmem_shared>>)
    %dma_wait3A_59 = arith.constant 4 : i32
    %dma_wait3A_60 = arith.constant 4 : i32
    %dma_wait3A_61 = arith.constant 0 : i32
    %dma_wait3A_62 = arith.constant 0 : i32
    %dma_wait3A_63 = tpu.memref_slice %arg8[%dma_wait3A_59, %dma_wait3A_61, %dma_wait3A_62] : memref<5x40x128xf32, #tpu.memory_space<vmem>> -> memref<1x40x128xf32, #tpu.memory_space<vmem>>
    %dma_wait3A_64 = tpu.memref_squeeze %dma_wait3A_63 : memref<1x40x128xf32, #tpu.memory_space<vmem>> -> memref<40x128xf32, #tpu.memory_space<vmem>>
    %dma_wait3A_65 = arith.constant 0 : i32
    %dma_wait3A_66 = tpu.memref_slice %arg7[%dma_wait3A_60, %dma_wait3A_65] : memref<5x40xi32, #tpu.memory_space<vmem>> -> memref<1x40xi32, #tpu.memory_space<vmem>>
    %dma_wait3A_67 = tpu.memref_squeeze %dma_wait3A_66 : memref<1x40xi32, #tpu.memory_space<vmem>> -> memref<40xi32, #tpu.memory_space<vmem>>
    %dma_wait3A_68 = arith.constant 0 : i32
    %dma_wait3A_69 = arith.constant 0 : i32
    %dma_wait3A_70 = tpu.memref_slice %arg9[%dma_wait3A_68, %dma_wait3A_69] : memref<10000x128xf32, #tpu.memory_space<vmem_shared>> -> memref<10000x128xf32, #tpu.memory_space<vmem_shared>>
    tpu.wait_indirect_dma semaphore(%arg24 : memref<!tpu.dma_semaphore, #tpu.memory_space<semaphore_mem>>) src(%dma_wait3A_64 : memref<40x128xf32, #tpu.memory_space<vmem>>) dst(%dma_wait3A_70 : memref<10000x128xf32, #tpu.memory_space<vmem_shared>>)
    %barrier3A_71 = arith.constant 0 : index
    tpu.barrier barrier_id(%barrier3A_71)
    %eq3A_72 = arith.constant 0 : i32
    %eq3A_73 = arith.cmpi eq, %arg0, %eq3A_72 : i32
    %convert_element_type3A_74 = arith.extui %eq3A_73 : i1 to i32
    %cond3A_75 = arith.constant 0 : i32
    %cond3A_76 = arith.cmpi ne, %convert_element_type3A_74, %cond3A_75 : i32
    scf.if %cond3A_76 {
      "tpu.region"() ({
        %run_scoped3A = tpu.sem_alloc : memref<!tpu.dma_semaphore, #tpu.memory_space<semaphore_mem>>
        %dma_start3A = arith.constant 0 : i32
        %dma_start3A_87 = tpu.memref_slice %arg5[%mul3A_0, %dma_start3A] : memref<10000x128xf32, #tpu.memory_space<hbm>> -> memref<624x128xf32, #tpu.memory_space<hbm>>
        %dma_start3A_88 = arith.constant 0 : i32
        %dma_start3A_89 = tpu.memref_slice %arg9[%mul3A_0, %dma_start3A_88] : memref<10000x128xf32, #tpu.memory_space<vmem_shared>> -> memref<624x128xf32, #tpu.memory_space<vmem_shared>>
        tpu.enqueue_dma source(%dma_start3A_89 : memref<624x128xf32, #tpu.memory_space<vmem_shared>>) target(%dma_start3A_87 : memref<624x128xf32, #tpu.memory_space<hbm>>) target_semaphore(%run_scoped3A : memref<!tpu.dma_semaphore, #tpu.memory_space<semaphore_mem>>)
        %dma_wait3A_90 = arith.constant 0 : i32
        %dma_wait3A_91 = tpu.memref_slice %arg5[%mul3A_0, %dma_wait3A_90] : memref<10000x128xf32, #tpu.memory_space<hbm>> -> memref<624x128xf32, #tpu.memory_space<hbm>>
        %dma_wait3A_92 = arith.constant 0 : i32
        %dma_wait3A_93 = tpu.memref_slice %arg9[%mul3A_0, %dma_wait3A_92] : memref<10000x128xf32, #tpu.memory_space<vmem_shared>> -> memref<624x128xf32, #tpu.memory_space<vmem_shared>>
        tpu.wait_dma2 semaphore(%run_scoped3A : memref<!tpu.dma_semaphore, #tpu.memory_space<semaphore_mem>>) src(%dma_wait3A_93 : memref<624x128xf32, #tpu.memory_space<vmem_shared>>) dst(%dma_wait3A_91 : memref<624x128xf32, #tpu.memory_space<hbm>>)
        tpu.yield
      }) : () -> ()
      %eq3A_82 = arith.constant 15 : i32
      %eq3A_83 = arith.cmpi eq, %arg1, %eq3A_82 : i32
      %convert_element_type3A_84 = arith.extui %eq3A_83 : i1 to i32
      %cond3A_85 = arith.constant 0 : i32
      %cond3A_86 = arith.cmpi ne, %convert_element_type3A_84, %cond3A_85 : i32
      scf.if %cond3A_86 {
        "tpu.region"() ({
          %run_scoped3A = tpu.sem_alloc : memref<!tpu.dma_semaphore, #tpu.memory_space<semaphore_mem>>
          %dma_start3A = arith.constant 9984 : i32
          %dma_start3A_87 = arith.constant 0 : i32
          %dma_start3A_88 = tpu.memref_slice %arg5[%dma_start3A, %dma_start3A_87] : memref<10000x128xf32, #tpu.memory_space<hbm>> -> memref<16x128xf32, #tpu.memory_space<hbm>>
          %dma_start3A_89 = arith.constant 9984 : i32
          %dma_start3A_90 = arith.constant 0 : i32
          %dma_start3A_91 = tpu.memref_slice %arg9[%dma_start3A_89, %dma_start3A_90] : memref<10000x128xf32, #tpu.memory_space<vmem_shared>> -> memref<16x128xf32, #tpu.memory_space<vmem_shared>>
          tpu.enqueue_dma source(%dma_start3A_91 : memref<16x128xf32, #tpu.memory_space<vmem_shared>>) target(%dma_start3A_88 : memref<16x128xf32, #tpu.memory_space<hbm>>) target_semaphore(%run_scoped3A : memref<!tpu.dma_semaphore, #tpu.memory_space<semaphore_mem>>)
          %dma_wait3A_92 = arith.constant 9984 : i32
          %dma_wait3A_93 = arith.constant 0 : i32
          %dma_wait3A_94 = tpu.memref_slice %arg5[%dma_wait3A_92, %dma_wait3A_93] : memref<10000x128xf32, #tpu.memory_space<hbm>> -> memref<16x128xf32, #tpu.memory_space<hbm>>
          %dma_wait3A_95 = arith.constant 9984 : i32
          %dma_wait3A_96 = arith.constant 0 : i32
          %dma_wait3A_97 = tpu.memref_slice %arg9[%dma_wait3A_95, %dma_wait3A_96] : memref<10000x128xf32, #tpu.memory_space<vmem_shared>> -> memref<16x128xf32, #tpu.memory_space<vmem_shared>>
          tpu.wait_dma2 semaphore(%run_scoped3A : memref<!tpu.dma_semaphore, #tpu.memory_space<semaphore_mem>>) src(%dma_wait3A_97 : memref<16x128xf32, #tpu.memory_space<vmem_shared>>) dst(%dma_wait3A_94 : memref<16x128xf32, #tpu.memory_space<hbm>>)
          tpu.yield
        }) : () -> ()
      } else {
      }
    } else {
    }
    %eq3A_77 = arith.constant 1 : i32
    %eq3A_78 = arith.cmpi eq, %arg0, %eq3A_77 : i32
    %convert_element_type3A_79 = arith.extui %eq3A_78 : i1 to i32
    %cond3A_80 = arith.constant 0 : i32
    %cond3A_81 = arith.cmpi ne, %convert_element_type3A_79, %cond3A_80 : i32
    scf.if %cond3A_81 {
      "tpu.region"() ({
        %run_scoped3A = tpu.sem_alloc : memref<!tpu.dma_semaphore, #tpu.memory_space<semaphore_mem>>
        %dma_start3A = arith.constant 0 : i32
        %dma_start3A_87 = tpu.memref_slice %arg6[%mul3A_0, %dma_start3A] : memref<10000x128xf32, #tpu.memory_space<hbm>> -> memref<624x128xf32, #tpu.memory_space<hbm>>
        %dma_start3A_88 = arith.constant 0 : i32
        %dma_start3A_89 = tpu.memref_slice %arg9[%mul3A_0, %dma_start3A_88] : memref<10000x128xf32, #tpu.memory_space<vmem_shared>> -> memref<624x128xf32, #tpu.memory_space<vmem_shared>>
        tpu.enqueue_dma source(%dma_start3A_89 : memref<624x128xf32, #tpu.memory_space<vmem_shared>>) target(%dma_start3A_87 : memref<624x128xf32, #tpu.memory_space<hbm>>) target_semaphore(%run_scoped3A : memref<!tpu.dma_semaphore, #tpu.memory_space<semaphore_mem>>)
        %dma_wait3A_90 = arith.constant 0 : i32
        %dma_wait3A_91 = tpu.memref_slice %arg6[%mul3A_0, %dma_wait3A_90] : memref<10000x128xf32, #tpu.memory_space<hbm>> -> memref<624x128xf32, #tpu.memory_space<hbm>>
        %dma_wait3A_92 = arith.constant 0 : i32
        %dma_wait3A_93 = tpu.memref_slice %arg9[%mul3A_0, %dma_wait3A_92] : memref<10000x128xf32, #tpu.memory_space<vmem_shared>> -> memref<624x128xf32, #tpu.memory_space<vmem_shared>>
        tpu.wait_dma2 semaphore(%run_scoped3A : memref<!tpu.dma_semaphore, #tpu.memory_space<semaphore_mem>>) src(%dma_wait3A_93 : memref<624x128xf32, #tpu.memory_space<vmem_shared>>) dst(%dma_wait3A_91 : memref<624x128xf32, #tpu.memory_space<hbm>>)
        tpu.yield
      }) : () -> ()
      %eq3A_82 = arith.constant 15 : i32
      %eq3A_83 = arith.cmpi eq, %arg1, %eq3A_82 : i32
      %convert_element_type3A_84 = arith.extui %eq3A_83 : i1 to i32
      %cond3A_85 = arith.constant 0 : i32
      %cond3A_86 = arith.cmpi ne, %convert_element_type3A_84, %cond3A_85 : i32
      scf.if %cond3A_86 {
        "tpu.region"() ({
          %run_scoped3A = tpu.sem_alloc : memref<!tpu.dma_semaphore, #tpu.memory_space<semaphore_mem>>
          %dma_start3A = arith.constant 9984 : i32
          %dma_start3A_87 = arith.constant 0 : i32
          %dma_start3A_88 = tpu.memref_slice %arg6[%dma_start3A, %dma_start3A_87] : memref<10000x128xf32, #tpu.memory_space<hbm>> -> memref<16x128xf32, #tpu.memory_space<hbm>>
          %dma_start3A_89 = arith.constant 9984 : i32
          %dma_start3A_90 = arith.constant 0 : i32
          %dma_start3A_91 = tpu.memref_slice %arg9[%dma_start3A_89, %dma_start3A_90] : memref<10000x128xf32, #tpu.memory_space<vmem_shared>> -> memref<16x128xf32, #tpu.memory_space<vmem_shared>>
          tpu.enqueue_dma source(%dma_start3A_91 : memref<16x128xf32, #tpu.memory_space<vmem_shared>>) target(%dma_start3A_88 : memref<16x128xf32, #tpu.memory_space<hbm>>) target_semaphore(%run_scoped3A : memref<!tpu.dma_semaphore, #tpu.memory_space<semaphore_mem>>)
          %dma_wait3A_92 = arith.constant 9984 : i32
          %dma_wait3A_93 = arith.constant 0 : i32
          %dma_wait3A_94 = tpu.memref_slice %arg6[%dma_wait3A_92, %dma_wait3A_93] : memref<10000x128xf32, #tpu.memory_space<hbm>> -> memref<16x128xf32, #tpu.memory_space<hbm>>
          %dma_wait3A_95 = arith.constant 9984 : i32
          %dma_wait3A_96 = arith.constant 0 : i32
          %dma_wait3A_97 = tpu.memref_slice %arg9[%dma_wait3A_95, %dma_wait3A_96] : memref<10000x128xf32, #tpu.memory_space<vmem_shared>> -> memref<16x128xf32, #tpu.memory_space<vmem_shared>>
          tpu.wait_dma2 semaphore(%run_scoped3A : memref<!tpu.dma_semaphore, #tpu.memory_space<semaphore_mem>>) src(%dma_wait3A_97 : memref<16x128xf32, #tpu.memory_space<vmem_shared>>) dst(%dma_wait3A_94 : memref<16x128xf32, #tpu.memory_space<hbm>>)
          tpu.yield
        }) : () -> ()
      } else {
      }
    } else {
    }
    return
  }
}

#map = affine_map<(d0, d1) -> (0, 0)>
#map1 = affine_map<(d0, d1) -> (0)>
module attributes {stable_mosaic.version = 14 : i64} {
  func.func @_sc_gather(%arg0: i32, %arg1: i32, %arg2: memref<10000x128xf32, #tpu.memory_space<hbm>>, %arg3: memref<320000xi32, #tpu.memory_space<hbm>>, %arg4: memref<64000x128xf32, #tpu.memory_space<hbm>>, %arg5: memref<2000xi32, #tpu.memory_space<vmem>>, %arg6: memref<5x80x128xf32, #tpu.memory_space<vmem>>, %arg7: memref<!tpu.dma_semaphore, #tpu.memory_space<semaphore_mem>>, %arg8: memref<!tpu.dma_semaphore, #tpu.memory_space<semaphore_mem>>, %arg9: memref<!tpu.dma_semaphore, #tpu.memory_space<semaphore_mem>>, %arg10: memref<!tpu.dma_semaphore, #tpu.memory_space<semaphore_mem>>, %arg11: memref<!tpu.dma_semaphore, #tpu.memory_space<semaphore_mem>>, %arg12: memref<!tpu.dma_semaphore, #tpu.memory_space<semaphore_mem>>, %arg13: memref<!tpu.dma_semaphore, #tpu.memory_space<semaphore_mem>>, %arg14: memref<!tpu.dma_semaphore, #tpu.memory_space<semaphore_mem>>, %arg15: memref<!tpu.dma_semaphore, #tpu.memory_space<semaphore_mem>>, %arg16: memref<!tpu.dma_semaphore, #tpu.memory_space<semaphore_mem>>) attributes {dimension_semantics = [#tpu.dimension_semantics<core_parallel>, #tpu.dimension_semantics<subcore_parallel>], iteration_bounds = array<i64: 2, 16>, scalar_prefetch = 0 : i64, scratch_operands = 12 : i64, tpu.core_type = #tpu.core_type<sc_vector_subcore>, window_params = [{transform_indices = #map}, {transform_indices = #map1}, {transform_indices = #map}]} {
    %mul3A = arith.constant 2 : i32
    %mul3A_0 = arith.muli %arg1, %mul3A : i32
    %add3A = arith.addi %mul3A_0, %arg0 : i32
    %mul3A_1 = arith.constant 2000 : i32
    %mul3A_2 = arith.muli %add3A, %mul3A_1 : i32
    %add3A_3 = arith.constant 0 : i32
    %add3A_4 = arith.addi %add3A_3, %mul3A_2 : i32
    "tpu.region"() ({
      %run_scoped3A = tpu.sem_alloc : memref<!tpu.dma_semaphore, #tpu.memory_space<semaphore_mem>>
      %dma_start3A = tpu.memref_slice %arg3[%add3A_4] : memref<320000xi32, #tpu.memory_space<hbm>> -> memref<2000xi32, #tpu.memory_space<hbm>>
      %dma_start3A_74 = tpu.memref_slice %arg3[%add3A_4] : memref<320000xi32, #tpu.memory_space<hbm>> -> memref<2000xi32, #tpu.memory_space<hbm>>
      tpu.enqueue_dma source(%dma_start3A_74 : memref<2000xi32, #tpu.memory_space<hbm>>) target(%arg5 : memref<2000xi32, #tpu.memory_space<vmem>>) target_semaphore(%run_scoped3A : memref<!tpu.dma_semaphore, #tpu.memory_space<semaphore_mem>>)
      %dma_wait3A_75 = tpu.memref_slice %arg3[%add3A_4] : memref<320000xi32, #tpu.memory_space<hbm>> -> memref<2000xi32, #tpu.memory_space<hbm>>
      %dma_wait3A_76 = tpu.memref_slice %arg3[%add3A_4] : memref<320000xi32, #tpu.memory_space<hbm>> -> memref<2000xi32, #tpu.memory_space<hbm>>
      tpu.wait_dma2 semaphore(%run_scoped3A : memref<!tpu.dma_semaphore, #tpu.memory_space<semaphore_mem>>) src(%dma_wait3A_76 : memref<2000xi32, #tpu.memory_space<hbm>>) dst(%arg5 : memref<2000xi32, #tpu.memory_space<vmem>>)
      tpu.yield
    }) : () -> ()
    %scan3A = arith.constant 0 : i32
    %scan3A_5 = arith.constant 0 : i32
    %scan3A_6 = arith.constant 5 : i32
    %scan3A_7 = arith.addi %scan3A_5, %scan3A_6 : i32
    %scan3A_8 = arith.constant 1 : i32
    scf.for %scan3A_74 = %scan3A_5 to %scan3A_7 step %scan3A_8  : i32 {
      %mul3A_75 = arith.constant 400 : i32
      %mul3A_76 = arith.muli %scan3A_74, %mul3A_75 : i32
      %gt3A = arith.constant 0 : i32
      %gt3A_77 = arith.cmpi sgt, %scan3A_74, %gt3A : i32
      %convert_element_type3A = arith.extui %gt3A_77 : i1 to i32
      %cond3A = arith.constant 0 : i32
      %cond3A_78 = arith.cmpi ne, %convert_element_type3A, %cond3A : i32
      scf.if %cond3A_78 {
        %dma_wait3A_278 = arith.constant 0 : i32
        %dma_wait3A_279 = arith.constant 0 : i32
        %dma_wait3A_280 = arith.constant 0 : i32
        %dma_wait3A_281 = tpu.memref_slice %arg6[%dma_wait3A_278, %dma_wait3A_279, %dma_wait3A_280] : memref<5x80x128xf32, #tpu.memory_space<vmem>> -> memref<1x80x128xf32, #tpu.memory_space<vmem>>
        %dma_wait3A_282 = tpu.memref_squeeze %dma_wait3A_281 : memref<1x80x128xf32, #tpu.memory_space<vmem>> -> memref<80x128xf32, #tpu.memory_space<vmem>>
        %dma_wait3A_283 = arith.constant 0 : i32
        %dma_wait3A_284 = tpu.memref_slice %arg4[%mul3A_2, %dma_wait3A_283] : memref<64000x128xf32, #tpu.memory_space<hbm>> -> memref<80x128xf32, #tpu.memory_space<hbm>>
        %dma_wait3A_285 = arith.constant 0 : i32
        %dma_wait3A_286 = tpu.memref_slice %arg4[%mul3A_2, %dma_wait3A_285] : memref<64000x128xf32, #tpu.memory_space<hbm>> -> memref<80x128xf32, #tpu.memory_space<hbm>>
        %dma_wait3A_287 = arith.constant 0 : i32
        %dma_wait3A_288 = arith.constant 0 : i32
        %dma_wait3A_289 = tpu.memref_slice %arg6[%dma_wait3A_278, %dma_wait3A_287, %dma_wait3A_288] : memref<5x80x128xf32, #tpu.memory_space<vmem>> -> memref<1x80x128xf32, #tpu.memory_space<vmem>>
        %dma_wait3A_290 = tpu.memref_squeeze %dma_wait3A_289 : memref<1x80x128xf32, #tpu.memory_space<vmem>> -> memref<80x128xf32, #tpu.memory_space<vmem>>
        tpu.wait_dma2 semaphore(%arg12 : memref<!tpu.dma_semaphore, #tpu.memory_space<semaphore_mem>>) src(%dma_wait3A_290 : memref<80x128xf32, #tpu.memory_space<vmem>>) dst(%dma_wait3A_286 : memref<80x128xf32, #tpu.memory_space<hbm>>)
      } else {
      }
      %add3A_79 = arith.constant 0 : i32
      %add3A_80 = arith.addi %mul3A_76, %add3A_79 : i32
      %dma_start3A = arith.constant 0 : i32
      %dma_start3A_81 = arith.constant 0 : i32
      %dma_start3A_82 = arith.constant 0 : i32
      %dma_start3A_83 = tpu.memref_slice %arg6[%dma_start3A, %dma_start3A_81, %dma_start3A_82] : memref<5x80x128xf32, #tpu.memory_space<vmem>> -> memref<1x80x128xf32, #tpu.memory_space<vmem>>
      %dma_start3A_84 = tpu.memref_squeeze %dma_start3A_83 : memref<1x80x128xf32, #tpu.memory_space<vmem>> -> memref<80x128xf32, #tpu.memory_space<vmem>>
      %dma_start3A_85 = tpu.memref_slice %arg5[%add3A_80] : memref<2000xi32, #tpu.memory_space<vmem>> -> memref<80xi32, #tpu.memory_space<vmem>>
      %dma_start3A_86 = arith.constant 0 : i32
      %dma_start3A_87 = arith.constant 0 : i32
      %dma_start3A_88 = tpu.memref_slice %arg2[%dma_start3A_86, %dma_start3A_87] : memref<10000x128xf32, #tpu.memory_space<hbm>> -> memref<10000x128xf32, #tpu.memory_space<hbm>>
      tpu.enqueue_indirect_dma source(%dma_start3A_88 : memref<10000x128xf32, #tpu.memory_space<hbm>>) target(%dma_start3A_84 : memref<80x128xf32, #tpu.memory_space<vmem>>) offsets(%dma_start3A_85 : memref<80xi32, #tpu.memory_space<vmem>>) semaphore(%arg7 : memref<!tpu.dma_semaphore, #tpu.memory_space<semaphore_mem>>)
      %gt3A_89 = arith.constant 0 : i32
      %gt3A_90 = arith.cmpi sgt, %scan3A_74, %gt3A_89 : i32
      %convert_element_type3A_91 = arith.extui %gt3A_90 : i1 to i32
      %cond3A_92 = arith.constant 0 : i32
      %cond3A_93 = arith.cmpi ne, %convert_element_type3A_91, %cond3A_92 : i32
      scf.if %cond3A_93 {
        %dma_wait3A_278 = arith.constant 1 : i32
        %dma_wait3A_279 = arith.constant 0 : i32
        %dma_wait3A_280 = arith.constant 0 : i32
        %dma_wait3A_281 = tpu.memref_slice %arg6[%dma_wait3A_278, %dma_wait3A_279, %dma_wait3A_280] : memref<5x80x128xf32, #tpu.memory_space<vmem>> -> memref<1x80x128xf32, #tpu.memory_space<vmem>>
        %dma_wait3A_282 = tpu.memref_squeeze %dma_wait3A_281 : memref<1x80x128xf32, #tpu.memory_space<vmem>> -> memref<80x128xf32, #tpu.memory_space<vmem>>
        %dma_wait3A_283 = arith.constant 0 : i32
        %dma_wait3A_284 = tpu.memref_slice %arg4[%mul3A_2, %dma_wait3A_283] : memref<64000x128xf32, #tpu.memory_space<hbm>> -> memref<80x128xf32, #tpu.memory_space<hbm>>
        %dma_wait3A_285 = arith.constant 0 : i32
        %dma_wait3A_286 = tpu.memref_slice %arg4[%mul3A_2, %dma_wait3A_285] : memref<64000x128xf32, #tpu.memory_space<hbm>> -> memref<80x128xf32, #tpu.memory_space<hbm>>
        %dma_wait3A_287 = arith.constant 0 : i32
        %dma_wait3A_288 = arith.constant 0 : i32
        %dma_wait3A_289 = tpu.memref_slice %arg6[%dma_wait3A_278, %dma_wait3A_287, %dma_wait3A_288] : memref<5x80x128xf32, #tpu.memory_space<vmem>> -> memref<1x80x128xf32, #tpu.memory_space<vmem>>
        %dma_wait3A_290 = tpu.memref_squeeze %dma_wait3A_289 : memref<1x80x128xf32, #tpu.memory_space<vmem>> -> memref<80x128xf32, #tpu.memory_space<vmem>>
        tpu.wait_dma2 semaphore(%arg13 : memref<!tpu.dma_semaphore, #tpu.memory_space<semaphore_mem>>) src(%dma_wait3A_290 : memref<80x128xf32, #tpu.memory_space<vmem>>) dst(%dma_wait3A_286 : memref<80x128xf32, #tpu.memory_space<hbm>>)
      } else {
      }
      %add3A_94 = arith.constant 80 : i32
      %add3A_95 = arith.addi %mul3A_76, %add3A_94 : i32
      %dma_start3A_96 = arith.constant 1 : i32
      %dma_start3A_97 = arith.constant 0 : i32
      %dma_start3A_98 = arith.constant 0 : i32
      %dma_start3A_99 = tpu.memref_slice %arg6[%dma_start3A_96, %dma_start3A_97, %dma_start3A_98] : memref<5x80x128xf32, #tpu.memory_space<vmem>> -> memref<1x80x128xf32, #tpu.memory_space<vmem>>
      %dma_start3A_100 = tpu.memref_squeeze %dma_start3A_99 : memref<1x80x128xf32, #tpu.memory_space<vmem>> -> memref<80x128xf32, #tpu.memory_space<vmem>>
      %dma_start3A_101 = tpu.memref_slice %arg5[%add3A_95] : memref<2000xi32, #tpu.memory_space<vmem>> -> memref<80xi32, #tpu.memory_space<vmem>>
      %dma_start3A_102 = arith.constant 0 : i32
      %dma_start3A_103 = arith.constant 0 : i32
      %dma_start3A_104 = tpu.memref_slice %arg2[%dma_start3A_102, %dma_start3A_103] : memref<10000x128xf32, #tpu.memory_space<hbm>> -> memref<10000x128xf32, #tpu.memory_space<hbm>>
      tpu.enqueue_indirect_dma source(%dma_start3A_104 : memref<10000x128xf32, #tpu.memory_space<hbm>>) target(%dma_start3A_100 : memref<80x128xf32, #tpu.memory_space<vmem>>) offsets(%dma_start3A_101 : memref<80xi32, #tpu.memory_space<vmem>>) semaphore(%arg8 : memref<!tpu.dma_semaphore, #tpu.memory_space<semaphore_mem>>)
      %gt3A_105 = arith.constant 0 : i32
      %gt3A_106 = arith.cmpi sgt, %scan3A_74, %gt3A_105 : i32
      %convert_element_type3A_107 = arith.extui %gt3A_106 : i1 to i32
      %cond3A_108 = arith.constant 0 : i32
      %cond3A_109 = arith.cmpi ne, %convert_element_type3A_107, %cond3A_108 : i32
      scf.if %cond3A_109 {
        %dma_wait3A_278 = arith.constant 2 : i32
        %dma_wait3A_279 = arith.constant 0 : i32
        %dma_wait3A_280 = arith.constant 0 : i32
        %dma_wait3A_281 = tpu.memref_slice %arg6[%dma_wait3A_278, %dma_wait3A_279, %dma_wait3A_280] : memref<5x80x128xf32, #tpu.memory_space<vmem>> -> memref<1x80x128xf32, #tpu.memory_space<vmem>>
        %dma_wait3A_282 = tpu.memref_squeeze %dma_wait3A_281 : memref<1x80x128xf32, #tpu.memory_space<vmem>> -> memref<80x128xf32, #tpu.memory_space<vmem>>
        %dma_wait3A_283 = arith.constant 0 : i32
        %dma_wait3A_284 = tpu.memref_slice %arg4[%mul3A_2, %dma_wait3A_283] : memref<64000x128xf32, #tpu.memory_space<hbm>> -> memref<80x128xf32, #tpu.memory_space<hbm>>
        %dma_wait3A_285 = arith.constant 0 : i32
        %dma_wait3A_286 = tpu.memref_slice %arg4[%mul3A_2, %dma_wait3A_285] : memref<64000x128xf32, #tpu.memory_space<hbm>> -> memref<80x128xf32, #tpu.memory_space<hbm>>
        %dma_wait3A_287 = arith.constant 0 : i32
        %dma_wait3A_288 = arith.constant 0 : i32
        %dma_wait3A_289 = tpu.memref_slice %arg6[%dma_wait3A_278, %dma_wait3A_287, %dma_wait3A_288] : memref<5x80x128xf32, #tpu.memory_space<vmem>> -> memref<1x80x128xf32, #tpu.memory_space<vmem>>
        %dma_wait3A_290 = tpu.memref_squeeze %dma_wait3A_289 : memref<1x80x128xf32, #tpu.memory_space<vmem>> -> memref<80x128xf32, #tpu.memory_space<vmem>>
        tpu.wait_dma2 semaphore(%arg14 : memref<!tpu.dma_semaphore, #tpu.memory_space<semaphore_mem>>) src(%dma_wait3A_290 : memref<80x128xf32, #tpu.memory_space<vmem>>) dst(%dma_wait3A_286 : memref<80x128xf32, #tpu.memory_space<hbm>>)
      } else {
      }
      %add3A_110 = arith.constant 160 : i32
      %add3A_111 = arith.addi %mul3A_76, %add3A_110 : i32
      %dma_start3A_112 = arith.constant 2 : i32
      %dma_start3A_113 = arith.constant 0 : i32
      %dma_start3A_114 = arith.constant 0 : i32
      %dma_start3A_115 = tpu.memref_slice %arg6[%dma_start3A_112, %dma_start3A_113, %dma_start3A_114] : memref<5x80x128xf32, #tpu.memory_space<vmem>> -> memref<1x80x128xf32, #tpu.memory_space<vmem>>
      %dma_start3A_116 = tpu.memref_squeeze %dma_start3A_115 : memref<1x80x128xf32, #tpu.memory_space<vmem>> -> memref<80x128xf32, #tpu.memory_space<vmem>>
      %dma_start3A_117 = tpu.memref_slice %arg5[%add3A_111] : memref<2000xi32, #tpu.memory_space<vmem>> -> memref<80xi32, #tpu.memory_space<vmem>>
      %dma_start3A_118 = arith.constant 0 : i32
      %dma_start3A_119 = arith.constant 0 : i32
      %dma_start3A_120 = tpu.memref_slice %arg2[%dma_start3A_118, %dma_start3A_119] : memref<10000x128xf32, #tpu.memory_space<hbm>> -> memref<10000x128xf32, #tpu.memory_space<hbm>>
      tpu.enqueue_indirect_dma source(%dma_start3A_120 : memref<10000x128xf32, #tpu.memory_space<hbm>>) target(%dma_start3A_116 : memref<80x128xf32, #tpu.memory_space<vmem>>) offsets(%dma_start3A_117 : memref<80xi32, #tpu.memory_space<vmem>>) semaphore(%arg9 : memref<!tpu.dma_semaphore, #tpu.memory_space<semaphore_mem>>)
      %gt3A_121 = arith.constant 0 : i32
      %gt3A_122 = arith.cmpi sgt, %scan3A_74, %gt3A_121 : i32
      %convert_element_type3A_123 = arith.extui %gt3A_122 : i1 to i32
      %cond3A_124 = arith.constant 0 : i32
      %cond3A_125 = arith.cmpi ne, %convert_element_type3A_123, %cond3A_124 : i32
      scf.if %cond3A_125 {
        %dma_wait3A_278 = arith.constant 3 : i32
        %dma_wait3A_279 = arith.constant 0 : i32
        %dma_wait3A_280 = arith.constant 0 : i32
        %dma_wait3A_281 = tpu.memref_slice %arg6[%dma_wait3A_278, %dma_wait3A_279, %dma_wait3A_280] : memref<5x80x128xf32, #tpu.memory_space<vmem>> -> memref<1x80x128xf32, #tpu.memory_space<vmem>>
        %dma_wait3A_282 = tpu.memref_squeeze %dma_wait3A_281 : memref<1x80x128xf32, #tpu.memory_space<vmem>> -> memref<80x128xf32, #tpu.memory_space<vmem>>
        %dma_wait3A_283 = arith.constant 0 : i32
        %dma_wait3A_284 = tpu.memref_slice %arg4[%mul3A_2, %dma_wait3A_283] : memref<64000x128xf32, #tpu.memory_space<hbm>> -> memref<80x128xf32, #tpu.memory_space<hbm>>
        %dma_wait3A_285 = arith.constant 0 : i32
        %dma_wait3A_286 = tpu.memref_slice %arg4[%mul3A_2, %dma_wait3A_285] : memref<64000x128xf32, #tpu.memory_space<hbm>> -> memref<80x128xf32, #tpu.memory_space<hbm>>
        %dma_wait3A_287 = arith.constant 0 : i32
        %dma_wait3A_288 = arith.constant 0 : i32
        %dma_wait3A_289 = tpu.memref_slice %arg6[%dma_wait3A_278, %dma_wait3A_287, %dma_wait3A_288] : memref<5x80x128xf32, #tpu.memory_space<vmem>> -> memref<1x80x128xf32, #tpu.memory_space<vmem>>
        %dma_wait3A_290 = tpu.memref_squeeze %dma_wait3A_289 : memref<1x80x128xf32, #tpu.memory_space<vmem>> -> memref<80x128xf32, #tpu.memory_space<vmem>>
        tpu.wait_dma2 semaphore(%arg15 : memref<!tpu.dma_semaphore, #tpu.memory_space<semaphore_mem>>) src(%dma_wait3A_290 : memref<80x128xf32, #tpu.memory_space<vmem>>) dst(%dma_wait3A_286 : memref<80x128xf32, #tpu.memory_space<hbm>>)
      } else {
      }
      %add3A_126 = arith.constant 240 : i32
      %add3A_127 = arith.addi %mul3A_76, %add3A_126 : i32
      %dma_start3A_128 = arith.constant 3 : i32
      %dma_start3A_129 = arith.constant 0 : i32
      %dma_start3A_130 = arith.constant 0 : i32
      %dma_start3A_131 = tpu.memref_slice %arg6[%dma_start3A_128, %dma_start3A_129, %dma_start3A_130] : memref<5x80x128xf32, #tpu.memory_space<vmem>> -> memref<1x80x128xf32, #tpu.memory_space<vmem>>
      %dma_start3A_132 = tpu.memref_squeeze %dma_start3A_131 : memref<1x80x128xf32, #tpu.memory_space<vmem>> -> memref<80x128xf32, #tpu.memory_space<vmem>>
      %dma_start3A_133 = tpu.memref_slice %arg5[%add3A_127] : memref<2000xi32, #tpu.memory_space<vmem>> -> memref<80xi32, #tpu.memory_space<vmem>>
      %dma_start3A_134 = arith.constant 0 : i32
      %dma_start3A_135 = arith.constant 0 : i32
      %dma_start3A_136 = tpu.memref_slice %arg2[%dma_start3A_134, %dma_start3A_135] : memref<10000x128xf32, #tpu.memory_space<hbm>> -> memref<10000x128xf32, #tpu.memory_space<hbm>>
      tpu.enqueue_indirect_dma source(%dma_start3A_136 : memref<10000x128xf32, #tpu.memory_space<hbm>>) target(%dma_start3A_132 : memref<80x128xf32, #tpu.memory_space<vmem>>) offsets(%dma_start3A_133 : memref<80xi32, #tpu.memory_space<vmem>>) semaphore(%arg10 : memref<!tpu.dma_semaphore, #tpu.memory_space<semaphore_mem>>)
      %gt3A_137 = arith.constant 0 : i32
      %gt3A_138 = arith.cmpi sgt, %scan3A_74, %gt3A_137 : i32
      %convert_element_type3A_139 = arith.extui %gt3A_138 : i1 to i32
      %cond3A_140 = arith.constant 0 : i32
      %cond3A_141 = arith.cmpi ne, %convert_element_type3A_139, %cond3A_140 : i32
      scf.if %cond3A_141 {
        %dma_wait3A_278 = arith.constant 4 : i32
        %dma_wait3A_279 = arith.constant 0 : i32
        %dma_wait3A_280 = arith.constant 0 : i32
        %dma_wait3A_281 = tpu.memref_slice %arg6[%dma_wait3A_278, %dma_wait3A_279, %dma_wait3A_280] : memref<5x80x128xf32, #tpu.memory_space<vmem>> -> memref<1x80x128xf32, #tpu.memory_space<vmem>>
        %dma_wait3A_282 = tpu.memref_squeeze %dma_wait3A_281 : memref<1x80x128xf32, #tpu.memory_space<vmem>> -> memref<80x128xf32, #tpu.memory_space<vmem>>
        %dma_wait3A_283 = arith.constant 0 : i32
        %dma_wait3A_284 = tpu.memref_slice %arg4[%mul3A_2, %dma_wait3A_283] : memref<64000x128xf32, #tpu.memory_space<hbm>> -> memref<80x128xf32, #tpu.memory_space<hbm>>
        %dma_wait3A_285 = arith.constant 0 : i32
        %dma_wait3A_286 = tpu.memref_slice %arg4[%mul3A_2, %dma_wait3A_285] : memref<64000x128xf32, #tpu.memory_space<hbm>> -> memref<80x128xf32, #tpu.memory_space<hbm>>
        %dma_wait3A_287 = arith.constant 0 : i32
        %dma_wait3A_288 = arith.constant 0 : i32
        %dma_wait3A_289 = tpu.memref_slice %arg6[%dma_wait3A_278, %dma_wait3A_287, %dma_wait3A_288] : memref<5x80x128xf32, #tpu.memory_space<vmem>> -> memref<1x80x128xf32, #tpu.memory_space<vmem>>
        %dma_wait3A_290 = tpu.memref_squeeze %dma_wait3A_289 : memref<1x80x128xf32, #tpu.memory_space<vmem>> -> memref<80x128xf32, #tpu.memory_space<vmem>>
        tpu.wait_dma2 semaphore(%arg16 : memref<!tpu.dma_semaphore, #tpu.memory_space<semaphore_mem>>) src(%dma_wait3A_290 : memref<80x128xf32, #tpu.memory_space<vmem>>) dst(%dma_wait3A_286 : memref<80x128xf32, #tpu.memory_space<hbm>>)
      } else {
      }
      %add3A_142 = arith.constant 320 : i32
      %add3A_143 = arith.addi %mul3A_76, %add3A_142 : i32
      %dma_start3A_144 = arith.constant 4 : i32
      %dma_start3A_145 = arith.constant 0 : i32
      %dma_start3A_146 = arith.constant 0 : i32
      %dma_start3A_147 = tpu.memref_slice %arg6[%dma_start3A_144, %dma_start3A_145, %dma_start3A_146] : memref<5x80x128xf32, #tpu.memory_space<vmem>> -> memref<1x80x128xf32, #tpu.memory_space<vmem>>
      %dma_start3A_148 = tpu.memref_squeeze %dma_start3A_147 : memref<1x80x128xf32, #tpu.memory_space<vmem>> -> memref<80x128xf32, #tpu.memory_space<vmem>>
      %dma_start3A_149 = tpu.memref_slice %arg5[%add3A_143] : memref<2000xi32, #tpu.memory_space<vmem>> -> memref<80xi32, #tpu.memory_space<vmem>>
      %dma_start3A_150 = arith.constant 0 : i32
      %dma_start3A_151 = arith.constant 0 : i32
      %dma_start3A_152 = tpu.memref_slice %arg2[%dma_start3A_150, %dma_start3A_151] : memref<10000x128xf32, #tpu.memory_space<hbm>> -> memref<10000x128xf32, #tpu.memory_space<hbm>>
      tpu.enqueue_indirect_dma source(%dma_start3A_152 : memref<10000x128xf32, #tpu.memory_space<hbm>>) target(%dma_start3A_148 : memref<80x128xf32, #tpu.memory_space<vmem>>) offsets(%dma_start3A_149 : memref<80xi32, #tpu.memory_space<vmem>>) semaphore(%arg11 : memref<!tpu.dma_semaphore, #tpu.memory_space<semaphore_mem>>)
      %dma_wait3A_153 = arith.constant 0 : i32
      %dma_wait3A_154 = arith.constant 0 : i32
      %dma_wait3A_155 = arith.constant 0 : i32
      %dma_wait3A_156 = tpu.memref_slice %arg6[%dma_wait3A_153, %dma_wait3A_154, %dma_wait3A_155] : memref<5x80x128xf32, #tpu.memory_space<vmem>> -> memref<1x80x128xf32, #tpu.memory_space<vmem>>
      %dma_wait3A_157 = tpu.memref_squeeze %dma_wait3A_156 : memref<1x80x128xf32, #tpu.memory_space<vmem>> -> memref<80x128xf32, #tpu.memory_space<vmem>>
      %dma_wait3A_158 = tpu.memref_slice %arg5[%add3A_80] : memref<2000xi32, #tpu.memory_space<vmem>> -> memref<80xi32, #tpu.memory_space<vmem>>
      %dma_wait3A_159 = arith.constant 0 : i32
      %dma_wait3A_160 = arith.constant 0 : i32
      %dma_wait3A_161 = tpu.memref_slice %arg2[%dma_wait3A_159, %dma_wait3A_160] : memref<10000x128xf32, #tpu.memory_space<hbm>> -> memref<10000x128xf32, #tpu.memory_space<hbm>>
      tpu.wait_indirect_dma semaphore(%arg7 : memref<!tpu.dma_semaphore, #tpu.memory_space<semaphore_mem>>) src(%dma_wait3A_161 : memref<10000x128xf32, #tpu.memory_space<hbm>>) dst(%dma_wait3A_157 : memref<80x128xf32, #tpu.memory_space<vmem>>)
      %add3A_162 = arith.addi %mul3A_2, %mul3A_76 : i32
      %add3A_163 = arith.constant 0 : i32
      %add3A_164 = arith.addi %add3A_162, %add3A_163 : i32
      %dma_start3A_165 = arith.constant 0 : i32
      %dma_start3A_166 = arith.constant 0 : i32
      %dma_start3A_167 = arith.constant 0 : i32
      %dma_start3A_168 = tpu.memref_slice %arg6[%dma_start3A_165, %dma_start3A_166, %dma_start3A_167] : memref<5x80x128xf32, #tpu.memory_space<vmem>> -> memref<1x80x128xf32, #tpu.memory_space<vmem>>
      %dma_start3A_169 = tpu.memref_squeeze %dma_start3A_168 : memref<1x80x128xf32, #tpu.memory_space<vmem>> -> memref<80x128xf32, #tpu.memory_space<vmem>>
      %dma_start3A_170 = arith.constant 0 : i32
      %dma_start3A_171 = tpu.memref_slice %arg4[%add3A_164, %dma_start3A_170] : memref<64000x128xf32, #tpu.memory_space<hbm>> -> memref<80x128xf32, #tpu.memory_space<hbm>>
      %dma_start3A_172 = arith.constant 0 : i32
      %dma_start3A_173 = tpu.memref_slice %arg4[%add3A_164, %dma_start3A_172] : memref<64000x128xf32, #tpu.memory_space<hbm>> -> memref<80x128xf32, #tpu.memory_space<hbm>>
      %dma_start3A_174 = arith.constant 0 : i32
      %dma_start3A_175 = arith.constant 0 : i32
      %dma_start3A_176 = tpu.memref_slice %arg6[%dma_start3A_165, %dma_start3A_174, %dma_start3A_175] : memref<5x80x128xf32, #tpu.memory_space<vmem>> -> memref<1x80x128xf32, #tpu.memory_space<vmem>>
      %dma_start3A_177 = tpu.memref_squeeze %dma_start3A_176 : memref<1x80x128xf32, #tpu.memory_space<vmem>> -> memref<80x128xf32, #tpu.memory_space<vmem>>
      tpu.enqueue_dma source(%dma_start3A_177 : memref<80x128xf32, #tpu.memory_space<vmem>>) target(%dma_start3A_173 : memref<80x128xf32, #tpu.memory_space<hbm>>) target_semaphore(%arg12 : memref<!tpu.dma_semaphore, #tpu.memory_space<semaphore_mem>>)
      %dma_wait3A_178 = arith.constant 1 : i32
      %dma_wait3A_179 = arith.constant 0 : i32
      %dma_wait3A_180 = arith.constant 0 : i32
      %dma_wait3A_181 = tpu.memref_slice %arg6[%dma_wait3A_178, %dma_wait3A_179, %dma_wait3A_180] : memref<5x80x128xf32, #tpu.memory_space<vmem>> -> memref<1x80x128xf32, #tpu.memory_space<vmem>>
      %dma_wait3A_182 = tpu.memref_squeeze %dma_wait3A_181 : memref<1x80x128xf32, #tpu.memory_space<vmem>> -> memref<80x128xf32, #tpu.memory_space<vmem>>
      %dma_wait3A_183 = tpu.memref_slice %arg5[%add3A_95] : memref<2000xi32, #tpu.memory_space<vmem>> -> memref<80xi32, #tpu.memory_space<vmem>>
      %dma_wait3A_184 = arith.constant 0 : i32
      %dma_wait3A_185 = arith.constant 0 : i32
      %dma_wait3A_186 = tpu.memref_slice %arg2[%dma_wait3A_184, %dma_wait3A_185] : memref<10000x128xf32, #tpu.memory_space<hbm>> -> memref<10000x128xf32, #tpu.memory_space<hbm>>
      tpu.wait_indirect_dma semaphore(%arg8 : memref<!tpu.dma_semaphore, #tpu.memory_space<semaphore_mem>>) src(%dma_wait3A_186 : memref<10000x128xf32, #tpu.memory_space<hbm>>) dst(%dma_wait3A_182 : memref<80x128xf32, #tpu.memory_space<vmem>>)
      %add3A_187 = arith.addi %mul3A_2, %mul3A_76 : i32
      %add3A_188 = arith.constant 80 : i32
      %add3A_189 = arith.addi %add3A_187, %add3A_188 : i32
      %dma_start3A_190 = arith.constant 1 : i32
      %dma_start3A_191 = arith.constant 0 : i32
      %dma_start3A_192 = arith.constant 0 : i32
      %dma_start3A_193 = tpu.memref_slice %arg6[%dma_start3A_190, %dma_start3A_191, %dma_start3A_192] : memref<5x80x128xf32, #tpu.memory_space<vmem>> -> memref<1x80x128xf32, #tpu.memory_space<vmem>>
      %dma_start3A_194 = tpu.memref_squeeze %dma_start3A_193 : memref<1x80x128xf32, #tpu.memory_space<vmem>> -> memref<80x128xf32, #tpu.memory_space<vmem>>
      %dma_start3A_195 = arith.constant 0 : i32
      %dma_start3A_196 = tpu.memref_slice %arg4[%add3A_189, %dma_start3A_195] : memref<64000x128xf32, #tpu.memory_space<hbm>> -> memref<80x128xf32, #tpu.memory_space<hbm>>
      %dma_start3A_197 = arith.constant 0 : i32
      %dma_start3A_198 = tpu.memref_slice %arg4[%add3A_189, %dma_start3A_197] : memref<64000x128xf32, #tpu.memory_space<hbm>> -> memref<80x128xf32, #tpu.memory_space<hbm>>
      %dma_start3A_199 = arith.constant 0 : i32
      %dma_start3A_200 = arith.constant 0 : i32
      %dma_start3A_201 = tpu.memref_slice %arg6[%dma_start3A_190, %dma_start3A_199, %dma_start3A_200] : memref<5x80x128xf32, #tpu.memory_space<vmem>> -> memref<1x80x128xf32, #tpu.memory_space<vmem>>
      %dma_start3A_202 = tpu.memref_squeeze %dma_start3A_201 : memref<1x80x128xf32, #tpu.memory_space<vmem>> -> memref<80x128xf32, #tpu.memory_space<vmem>>
      tpu.enqueue_dma source(%dma_start3A_202 : memref<80x128xf32, #tpu.memory_space<vmem>>) target(%dma_start3A_198 : memref<80x128xf32, #tpu.memory_space<hbm>>) target_semaphore(%arg13 : memref<!tpu.dma_semaphore, #tpu.memory_space<semaphore_mem>>)
      %dma_wait3A_203 = arith.constant 2 : i32
      %dma_wait3A_204 = arith.constant 0 : i32
      %dma_wait3A_205 = arith.constant 0 : i32
      %dma_wait3A_206 = tpu.memref_slice %arg6[%dma_wait3A_203, %dma_wait3A_204, %dma_wait3A_205] : memref<5x80x128xf32, #tpu.memory_space<vmem>> -> memref<1x80x128xf32, #tpu.memory_space<vmem>>
      %dma_wait3A_207 = tpu.memref_squeeze %dma_wait3A_206 : memref<1x80x128xf32, #tpu.memory_space<vmem>> -> memref<80x128xf32, #tpu.memory_space<vmem>>
      %dma_wait3A_208 = tpu.memref_slice %arg5[%add3A_111] : memref<2000xi32, #tpu.memory_space<vmem>> -> memref<80xi32, #tpu.memory_space<vmem>>
      %dma_wait3A_209 = arith.constant 0 : i32
      %dma_wait3A_210 = arith.constant 0 : i32
      %dma_wait3A_211 = tpu.memref_slice %arg2[%dma_wait3A_209, %dma_wait3A_210] : memref<10000x128xf32, #tpu.memory_space<hbm>> -> memref<10000x128xf32, #tpu.memory_space<hbm>>
      tpu.wait_indirect_dma semaphore(%arg9 : memref<!tpu.dma_semaphore, #tpu.memory_space<semaphore_mem>>) src(%dma_wait3A_211 : memref<10000x128xf32, #tpu.memory_space<hbm>>) dst(%dma_wait3A_207 : memref<80x128xf32, #tpu.memory_space<vmem>>)
      %add3A_212 = arith.addi %mul3A_2, %mul3A_76 : i32
      %add3A_213 = arith.constant 160 : i32
      %add3A_214 = arith.addi %add3A_212, %add3A_213 : i32
      %dma_start3A_215 = arith.constant 2 : i32
      %dma_start3A_216 = arith.constant 0 : i32
      %dma_start3A_217 = arith.constant 0 : i32
      %dma_start3A_218 = tpu.memref_slice %arg6[%dma_start3A_215, %dma_start3A_216, %dma_start3A_217] : memref<5x80x128xf32, #tpu.memory_space<vmem>> -> memref<1x80x128xf32, #tpu.memory_space<vmem>>
      %dma_start3A_219 = tpu.memref_squeeze %dma_start3A_218 : memref<1x80x128xf32, #tpu.memory_space<vmem>> -> memref<80x128xf32, #tpu.memory_space<vmem>>
      %dma_start3A_220 = arith.constant 0 : i32
      %dma_start3A_221 = tpu.memref_slice %arg4[%add3A_214, %dma_start3A_220] : memref<64000x128xf32, #tpu.memory_space<hbm>> -> memref<80x128xf32, #tpu.memory_space<hbm>>
      %dma_start3A_222 = arith.constant 0 : i32
      %dma_start3A_223 = tpu.memref_slice %arg4[%add3A_214, %dma_start3A_222] : memref<64000x128xf32, #tpu.memory_space<hbm>> -> memref<80x128xf32, #tpu.memory_space<hbm>>
      %dma_start3A_224 = arith.constant 0 : i32
      %dma_start3A_225 = arith.constant 0 : i32
      %dma_start3A_226 = tpu.memref_slice %arg6[%dma_start3A_215, %dma_start3A_224, %dma_start3A_225] : memref<5x80x128xf32, #tpu.memory_space<vmem>> -> memref<1x80x128xf32, #tpu.memory_space<vmem>>
      %dma_start3A_227 = tpu.memref_squeeze %dma_start3A_226 : memref<1x80x128xf32, #tpu.memory_space<vmem>> -> memref<80x128xf32, #tpu.memory_space<vmem>>
      tpu.enqueue_dma source(%dma_start3A_227 : memref<80x128xf32, #tpu.memory_space<vmem>>) target(%dma_start3A_223 : memref<80x128xf32, #tpu.memory_space<hbm>>) target_semaphore(%arg14 : memref<!tpu.dma_semaphore, #tpu.memory_space<semaphore_mem>>)
      %dma_wait3A_228 = arith.constant 3 : i32
      %dma_wait3A_229 = arith.constant 0 : i32
      %dma_wait3A_230 = arith.constant 0 : i32
      %dma_wait3A_231 = tpu.memref_slice %arg6[%dma_wait3A_228, %dma_wait3A_229, %dma_wait3A_230] : memref<5x80x128xf32, #tpu.memory_space<vmem>> -> memref<1x80x128xf32, #tpu.memory_space<vmem>>
      %dma_wait3A_232 = tpu.memref_squeeze %dma_wait3A_231 : memref<1x80x128xf32, #tpu.memory_space<vmem>> -> memref<80x128xf32, #tpu.memory_space<vmem>>
      %dma_wait3A_233 = tpu.memref_slice %arg5[%add3A_127] : memref<2000xi32, #tpu.memory_space<vmem>> -> memref<80xi32, #tpu.memory_space<vmem>>
      %dma_wait3A_234 = arith.constant 0 : i32
      %dma_wait3A_235 = arith.constant 0 : i32
      %dma_wait3A_236 = tpu.memref_slice %arg2[%dma_wait3A_234, %dma_wait3A_235] : memref<10000x128xf32, #tpu.memory_space<hbm>> -> memref<10000x128xf32, #tpu.memory_space<hbm>>
      tpu.wait_indirect_dma semaphore(%arg10 : memref<!tpu.dma_semaphore, #tpu.memory_space<semaphore_mem>>) src(%dma_wait3A_236 : memref<10000x128xf32, #tpu.memory_space<hbm>>) dst(%dma_wait3A_232 : memref<80x128xf32, #tpu.memory_space<vmem>>)
      %add3A_237 = arith.addi %mul3A_2, %mul3A_76 : i32
      %add3A_238 = arith.constant 240 : i32
      %add3A_239 = arith.addi %add3A_237, %add3A_238 : i32
      %dma_start3A_240 = arith.constant 3 : i32
      %dma_start3A_241 = arith.constant 0 : i32
      %dma_start3A_242 = arith.constant 0 : i32
      %dma_start3A_243 = tpu.memref_slice %arg6[%dma_start3A_240, %dma_start3A_241, %dma_start3A_242] : memref<5x80x128xf32, #tpu.memory_space<vmem>> -> memref<1x80x128xf32, #tpu.memory_space<vmem>>
      %dma_start3A_244 = tpu.memref_squeeze %dma_start3A_243 : memref<1x80x128xf32, #tpu.memory_space<vmem>> -> memref<80x128xf32, #tpu.memory_space<vmem>>
      %dma_start3A_245 = arith.constant 0 : i32
      %dma_start3A_246 = tpu.memref_slice %arg4[%add3A_239, %dma_start3A_245] : memref<64000x128xf32, #tpu.memory_space<hbm>> -> memref<80x128xf32, #tpu.memory_space<hbm>>
      %dma_start3A_247 = arith.constant 0 : i32
      %dma_start3A_248 = tpu.memref_slice %arg4[%add3A_239, %dma_start3A_247] : memref<64000x128xf32, #tpu.memory_space<hbm>> -> memref<80x128xf32, #tpu.memory_space<hbm>>
      %dma_start3A_249 = arith.constant 0 : i32
      %dma_start3A_250 = arith.constant 0 : i32
      %dma_start3A_251 = tpu.memref_slice %arg6[%dma_start3A_240, %dma_start3A_249, %dma_start3A_250] : memref<5x80x128xf32, #tpu.memory_space<vmem>> -> memref<1x80x128xf32, #tpu.memory_space<vmem>>
      %dma_start3A_252 = tpu.memref_squeeze %dma_start3A_251 : memref<1x80x128xf32, #tpu.memory_space<vmem>> -> memref<80x128xf32, #tpu.memory_space<vmem>>
      tpu.enqueue_dma source(%dma_start3A_252 : memref<80x128xf32, #tpu.memory_space<vmem>>) target(%dma_start3A_248 : memref<80x128xf32, #tpu.memory_space<hbm>>) target_semaphore(%arg15 : memref<!tpu.dma_semaphore, #tpu.memory_space<semaphore_mem>>)
      %dma_wait3A_253 = arith.constant 4 : i32
      %dma_wait3A_254 = arith.constant 0 : i32
      %dma_wait3A_255 = arith.constant 0 : i32
      %dma_wait3A_256 = tpu.memref_slice %arg6[%dma_wait3A_253, %dma_wait3A_254, %dma_wait3A_255] : memref<5x80x128xf32, #tpu.memory_space<vmem>> -> memref<1x80x128xf32, #tpu.memory_space<vmem>>
      %dma_wait3A_257 = tpu.memref_squeeze %dma_wait3A_256 : memref<1x80x128xf32, #tpu.memory_space<vmem>> -> memref<80x128xf32, #tpu.memory_space<vmem>>
      %dma_wait3A_258 = tpu.memref_slice %arg5[%add3A_143] : memref<2000xi32, #tpu.memory_space<vmem>> -> memref<80xi32, #tpu.memory_space<vmem>>
      %dma_wait3A_259 = arith.constant 0 : i32
      %dma_wait3A_260 = arith.constant 0 : i32
      %dma_wait3A_261 = tpu.memref_slice %arg2[%dma_wait3A_259, %dma_wait3A_260] : memref<10000x128xf32, #tpu.memory_space<hbm>> -> memref<10000x128xf32, #tpu.memory_space<hbm>>
      tpu.wait_indirect_dma semaphore(%arg11 : memref<!tpu.dma_semaphore, #tpu.memory_space<semaphore_mem>>) src(%dma_wait3A_261 : memref<10000x128xf32, #tpu.memory_space<hbm>>) dst(%dma_wait3A_257 : memref<80x128xf32, #tpu.memory_space<vmem>>)
      %add3A_262 = arith.addi %mul3A_2, %mul3A_76 : i32
      %add3A_263 = arith.constant 320 : i32
      %add3A_264 = arith.addi %add3A_262, %add3A_263 : i32
      %dma_start3A_265 = arith.constant 4 : i32
      %dma_start3A_266 = arith.constant 0 : i32
      %dma_start3A_267 = arith.constant 0 : i32
      %dma_start3A_268 = tpu.memref_slice %arg6[%dma_start3A_265, %dma_start3A_266, %dma_start3A_267] : memref<5x80x128xf32, #tpu.memory_space<vmem>> -> memref<1x80x128xf32, #tpu.memory_space<vmem>>
      %dma_start3A_269 = tpu.memref_squeeze %dma_start3A_268 : memref<1x80x128xf32, #tpu.memory_space<vmem>> -> memref<80x128xf32, #tpu.memory_space<vmem>>
      %dma_start3A_270 = arith.constant 0 : i32
      %dma_start3A_271 = tpu.memref_slice %arg4[%add3A_264, %dma_start3A_270] : memref<64000x128xf32, #tpu.memory_space<hbm>> -> memref<80x128xf32, #tpu.memory_space<hbm>>
      %dma_start3A_272 = arith.constant 0 : i32
      %dma_start3A_273 = tpu.memref_slice %arg4[%add3A_264, %dma_start3A_272] : memref<64000x128xf32, #tpu.memory_space<hbm>> -> memref<80x128xf32, #tpu.memory_space<hbm>>
      %dma_start3A_274 = arith.constant 0 : i32
      %dma_start3A_275 = arith.constant 0 : i32
      %dma_start3A_276 = tpu.memref_slice %arg6[%dma_start3A_265, %dma_start3A_274, %dma_start3A_275] : memref<5x80x128xf32, #tpu.memory_space<vmem>> -> memref<1x80x128xf32, #tpu.memory_space<vmem>>
      %dma_start3A_277 = tpu.memref_squeeze %dma_start3A_276 : memref<1x80x128xf32, #tpu.memory_space<vmem>> -> memref<80x128xf32, #tpu.memory_space<vmem>>
      tpu.enqueue_dma source(%dma_start3A_277 : memref<80x128xf32, #tpu.memory_space<vmem>>) target(%dma_start3A_273 : memref<80x128xf32, #tpu.memory_space<hbm>>) target_semaphore(%arg16 : memref<!tpu.dma_semaphore, #tpu.memory_space<semaphore_mem>>)
    }
    %scan3A_9 = arith.constant 5 : i32
    %dma_wait3A = arith.constant 0 : i32
    %dma_wait3A_10 = arith.constant 0 : i32
    %dma_wait3A_11 = arith.constant 0 : i32
    %dma_wait3A_12 = tpu.memref_slice %arg6[%dma_wait3A, %dma_wait3A_10, %dma_wait3A_11] : memref<5x80x128xf32, #tpu.memory_space<vmem>> -> memref<1x80x128xf32, #tpu.memory_space<vmem>>
    %dma_wait3A_13 = tpu.memref_squeeze %dma_wait3A_12 : memref<1x80x128xf32, #tpu.memory_space<vmem>> -> memref<80x128xf32, #tpu.memory_space<vmem>>
    %dma_wait3A_14 = arith.constant 0 : i32
    %dma_wait3A_15 = tpu.memref_slice %arg4[%mul3A_2, %dma_wait3A_14] : memref<64000x128xf32, #tpu.memory_space<hbm>> -> memref<80x128xf32, #tpu.memory_space<hbm>>
    %dma_wait3A_16 = arith.constant 0 : i32
    %dma_wait3A_17 = tpu.memref_slice %arg4[%mul3A_2, %dma_wait3A_16] : memref<64000x128xf32, #tpu.memory_space<hbm>> -> memref<80x128xf32, #tpu.memory_space<hbm>>
    %dma_wait3A_18 = arith.constant 0 : i32
    %dma_wait3A_19 = arith.constant 0 : i32
    %dma_wait3A_20 = tpu.memref_slice %arg6[%dma_wait3A, %dma_wait3A_18, %dma_wait3A_19] : memref<5x80x128xf32, #tpu.memory_space<vmem>> -> memref<1x80x128xf32, #tpu.memory_space<vmem>>
    %dma_wait3A_21 = tpu.memref_squeeze %dma_wait3A_20 : memref<1x80x128xf32, #tpu.memory_space<vmem>> -> memref<80x128xf32, #tpu.memory_space<vmem>>
    tpu.wait_dma2 semaphore(%arg12 : memref<!tpu.dma_semaphore, #tpu.memory_space<semaphore_mem>>) src(%dma_wait3A_21 : memref<80x128xf32, #tpu.memory_space<vmem>>) dst(%dma_wait3A_17 : memref<80x128xf32, #tpu.memory_space<hbm>>)
    %dma_wait3A_22 = arith.constant 1 : i32
    %dma_wait3A_23 = arith.constant 0 : i32
    %dma_wait3A_24 = arith.constant 0 : i32
    %dma_wait3A_25 = tpu.memref_slice %arg6[%dma_wait3A_22, %dma_wait3A_23, %dma_wait3A_24] : memref<5x80x128xf32, #tpu.memory_space<vmem>> -> memref<1x80x128xf32, #tpu.memory_space<vmem>>
    %dma_wait3A_26 = tpu.memref_squeeze %dma_wait3A_25 : memref<1x80x128xf32, #tpu.memory_space<vmem>> -> memref<80x128xf32, #tpu.memory_space<vmem>>
    %dma_wait3A_27 = arith.constant 0 : i32
    %dma_wait3A_28 = tpu.memref_slice %arg4[%mul3A_2, %dma_wait3A_27] : memref<64000x128xf32, #tpu.memory_space<hbm>> -> memref<80x128xf32, #tpu.memory_space<hbm>>
    %dma_wait3A_29 = arith.constant 0 : i32
    %dma_wait3A_30 = tpu.memref_slice %arg4[%mul3A_2, %dma_wait3A_29] : memref<64000x128xf32, #tpu.memory_space<hbm>> -> memref<80x128xf32, #tpu.memory_space<hbm>>
    %dma_wait3A_31 = arith.constant 0 : i32
    %dma_wait3A_32 = arith.constant 0 : i32
    %dma_wait3A_33 = tpu.memref_slice %arg6[%dma_wait3A_22, %dma_wait3A_31, %dma_wait3A_32] : memref<5x80x128xf32, #tpu.memory_space<vmem>> -> memref<1x80x128xf32, #tpu.memory_space<vmem>>
    %dma_wait3A_34 = tpu.memref_squeeze %dma_wait3A_33 : memref<1x80x128xf32, #tpu.memory_space<vmem>> -> memref<80x128xf32, #tpu.memory_space<vmem>>
    tpu.wait_dma2 semaphore(%arg13 : memref<!tpu.dma_semaphore, #tpu.memory_space<semaphore_mem>>) src(%dma_wait3A_34 : memref<80x128xf32, #tpu.memory_space<vmem>>) dst(%dma_wait3A_30 : memref<80x128xf32, #tpu.memory_space<hbm>>)
    %dma_wait3A_35 = arith.constant 2 : i32
    %dma_wait3A_36 = arith.constant 0 : i32
    %dma_wait3A_37 = arith.constant 0 : i32
    %dma_wait3A_38 = tpu.memref_slice %arg6[%dma_wait3A_35, %dma_wait3A_36, %dma_wait3A_37] : memref<5x80x128xf32, #tpu.memory_space<vmem>> -> memref<1x80x128xf32, #tpu.memory_space<vmem>>
    %dma_wait3A_39 = tpu.memref_squeeze %dma_wait3A_38 : memref<1x80x128xf32, #tpu.memory_space<vmem>> -> memref<80x128xf32, #tpu.memory_space<vmem>>
    %dma_wait3A_40 = arith.constant 0 : i32
    %dma_wait3A_41 = tpu.memref_slice %arg4[%mul3A_2, %dma_wait3A_40] : memref<64000x128xf32, #tpu.memory_space<hbm>> -> memref<80x128xf32, #tpu.memory_space<hbm>>
    %dma_wait3A_42 = arith.constant 0 : i32
    %dma_wait3A_43 = tpu.memref_slice %arg4[%mul3A_2, %dma_wait3A_42] : memref<64000x128xf32, #tpu.memory_space<hbm>> -> memref<80x128xf32, #tpu.memory_space<hbm>>
    %dma_wait3A_44 = arith.constant 0 : i32
    %dma_wait3A_45 = arith.constant 0 : i32
    %dma_wait3A_46 = tpu.memref_slice %arg6[%dma_wait3A_35, %dma_wait3A_44, %dma_wait3A_45] : memref<5x80x128xf32, #tpu.memory_space<vmem>> -> memref<1x80x128xf32, #tpu.memory_space<vmem>>
    %dma_wait3A_47 = tpu.memref_squeeze %dma_wait3A_46 : memref<1x80x128xf32, #tpu.memory_space<vmem>> -> memref<80x128xf32, #tpu.memory_space<vmem>>
    tpu.wait_dma2 semaphore(%arg14 : memref<!tpu.dma_semaphore, #tpu.memory_space<semaphore_mem>>) src(%dma_wait3A_47 : memref<80x128xf32, #tpu.memory_space<vmem>>) dst(%dma_wait3A_43 : memref<80x128xf32, #tpu.memory_space<hbm>>)
    %dma_wait3A_48 = arith.constant 3 : i32
    %dma_wait3A_49 = arith.constant 0 : i32
    %dma_wait3A_50 = arith.constant 0 : i32
    %dma_wait3A_51 = tpu.memref_slice %arg6[%dma_wait3A_48, %dma_wait3A_49, %dma_wait3A_50] : memref<5x80x128xf32, #tpu.memory_space<vmem>> -> memref<1x80x128xf32, #tpu.memory_space<vmem>>
    %dma_wait3A_52 = tpu.memref_squeeze %dma_wait3A_51 : memref<1x80x128xf32, #tpu.memory_space<vmem>> -> memref<80x128xf32, #tpu.memory_space<vmem>>
    %dma_wait3A_53 = arith.constant 0 : i32
    %dma_wait3A_54 = tpu.memref_slice %arg4[%mul3A_2, %dma_wait3A_53] : memref<64000x128xf32, #tpu.memory_space<hbm>> -> memref<80x128xf32, #tpu.memory_space<hbm>>
    %dma_wait3A_55 = arith.constant 0 : i32
    %dma_wait3A_56 = tpu.memref_slice %arg4[%mul3A_2, %dma_wait3A_55] : memref<64000x128xf32, #tpu.memory_space<hbm>> -> memref<80x128xf32, #tpu.memory_space<hbm>>
    %dma_wait3A_57 = arith.constant 0 : i32
    %dma_wait3A_58 = arith.constant 0 : i32
    %dma_wait3A_59 = tpu.memref_slice %arg6[%dma_wait3A_48, %dma_wait3A_57, %dma_wait3A_58] : memref<5x80x128xf32, #tpu.memory_space<vmem>> -> memref<1x80x128xf32, #tpu.memory_space<vmem>>
    %dma_wait3A_60 = tpu.memref_squeeze %dma_wait3A_59 : memref<1x80x128xf32, #tpu.memory_space<vmem>> -> memref<80x128xf32, #tpu.memory_space<vmem>>
    tpu.wait_dma2 semaphore(%arg15 : memref<!tpu.dma_semaphore, #tpu.memory_space<semaphore_mem>>) src(%dma_wait3A_60 : memref<80x128xf32, #tpu.memory_space<vmem>>) dst(%dma_wait3A_56 : memref<80x128xf32, #tpu.memory_space<hbm>>)
    %dma_wait3A_61 = arith.constant 4 : i32
    %dma_wait3A_62 = arith.constant 0 : i32
    %dma_wait3A_63 = arith.constant 0 : i32
    %dma_wait3A_64 = tpu.memref_slice %arg6[%dma_wait3A_61, %dma_wait3A_62, %dma_wait3A_63] : memref<5x80x128xf32, #tpu.memory_space<vmem>> -> memref<1x80x128xf32, #tpu.memory_space<vmem>>
    %dma_wait3A_65 = tpu.memref_squeeze %dma_wait3A_64 : memref<1x80x128xf32, #tpu.memory_space<vmem>> -> memref<80x128xf32, #tpu.memory_space<vmem>>
    %dma_wait3A_66 = arith.constant 0 : i32
    %dma_wait3A_67 = tpu.memref_slice %arg4[%mul3A_2, %dma_wait3A_66] : memref<64000x128xf32, #tpu.memory_space<hbm>> -> memref<80x128xf32, #tpu.memory_space<hbm>>
    %dma_wait3A_68 = arith.constant 0 : i32
    %dma_wait3A_69 = tpu.memref_slice %arg4[%mul3A_2, %dma_wait3A_68] : memref<64000x128xf32, #tpu.memory_space<hbm>> -> memref<80x128xf32, #tpu.memory_space<hbm>>
    %dma_wait3A_70 = arith.constant 0 : i32
    %dma_wait3A_71 = arith.constant 0 : i32
    %dma_wait3A_72 = tpu.memref_slice %arg6[%dma_wait3A_61, %dma_wait3A_70, %dma_wait3A_71] : memref<5x80x128xf32, #tpu.memory_space<vmem>> -> memref<1x80x128xf32, #tpu.memory_space<vmem>>
    %dma_wait3A_73 = tpu.memref_squeeze %dma_wait3A_72 : memref<1x80x128xf32, #tpu.memory_space<vmem>> -> memref<80x128xf32, #tpu.memory_space<vmem>>
    tpu.wait_dma2 semaphore(%arg16 : memref<!tpu.dma_semaphore, #tpu.memory_space<semaphore_mem>>) src(%dma_wait3A_73 : memref<80x128xf32, #tpu.memory_space<vmem>>) dst(%dma_wait3A_69 : memref<80x128xf32, #tpu.memory_space<hbm>>)
    return
  }
}

module attributes {stable_mosaic.version = 14 : i64} {
  func.func @_edge_body0(%arg0: i32, %arg1: memref<2560x128xf32, #tpu.memory_space<vmem>>, %arg2: memref<2560x128xf32, #tpu.memory_space<vmem>>, %arg3: memref<128x128xf32, #tpu.memory_space<vmem>>, %arg4: memref<128x128xf32, #tpu.memory_space<vmem>>, %arg5: memref<1x128xf32, #tpu.memory_space<vmem>>, %arg6: memref<2560x128xf32, #tpu.memory_space<vmem>>) attributes {dimension_semantics = [#tpu.dimension_semantics<arbitrary>], iteration_bounds = array<i64: 25>, scalar_prefetch = 0 : i64, scratch_operands = 0 : i64, tpu.core_type = #tpu.core_type<tc>, window_params = [{transform_indices = @transform_0, window_bounds = array<i64: 2560, 128>}, {transform_indices = @transform_1, window_bounds = array<i64: 2560, 128>}, {pipeline_mode = #tpu.pipeline_mode<synchronous>, transform_indices = @transform_2, window_bounds = array<i64: 128, 128>}, {pipeline_mode = #tpu.pipeline_mode<synchronous>, transform_indices = @transform_3, window_bounds = array<i64: 128, 128>}, {pipeline_mode = #tpu.pipeline_mode<synchronous>, transform_indices = @transform_4, window_bounds = array<i64: 1, 128>}, {transform_indices = @transform_5, window_bounds = array<i64: 2560, 128>}]} {
    %get3A = arith.constant 0 : index
    %get3A_0 = arith.constant 0 : index
    %get3A_1 = vector.load %arg1[%get3A, %get3A_0] : memref<2560x128xf32, #tpu.memory_space<vmem>>, vector<2560x128xf32>
    %get3A_2 = arith.constant 0 : index
    %get3A_3 = arith.constant 0 : index
    %get3A_4 = vector.load %arg3[%get3A_2, %get3A_3] : memref<128x128xf32, #tpu.memory_space<vmem>>, vector<128x128xf32>
    %dot_general3A = arith.constant dense<0.000000e+00> : vector<2560x128xf32>
    %dot_general3A_5 = tpu.matmul %get3A_1, %get3A_4, %dot_general3A {dimension_numbers = #tpu.dot_dimension_numbers<[1], [0], [0], [1], [0, 0, 1, 1], [], []>, transpose_lhs_hint = false} : vector<2560x128xf32>, vector<128x128xf32>, vector<2560x128xf32> -> vector<2560x128xf32>
    %get3A_6 = arith.constant 0 : index
    %get3A_7 = arith.constant 0 : index
    %get3A_8 = vector.load %arg2[%get3A_6, %get3A_7] : memref<2560x128xf32, #tpu.memory_space<vmem>>, vector<2560x128xf32>
    %get3A_9 = arith.constant 0 : index
    %get3A_10 = arith.constant 0 : index
    %get3A_11 = vector.load %arg4[%get3A_9, %get3A_10] : memref<128x128xf32, #tpu.memory_space<vmem>>, vector<128x128xf32>
    %dot_general3A_12 = arith.constant dense<0.000000e+00> : vector<2560x128xf32>
    %dot_general3A_13 = tpu.matmul %get3A_8, %get3A_11, %dot_general3A_12 {dimension_numbers = #tpu.dot_dimension_numbers<[1], [0], [0], [1], [0, 0, 1, 1], [], []>, transpose_lhs_hint = false} : vector<2560x128xf32>, vector<128x128xf32>, vector<2560x128xf32> -> vector<2560x128xf32>
    %add3A = arith.addf %dot_general3A_5, %dot_general3A_13 : vector<2560x128xf32>
    %get3A_14 = arith.constant 0 : index
    %get3A_15 = arith.constant 0 : index
    %get3A_16 = vector.load %arg5[%get3A_14, %get3A_15] : memref<1x128xf32, #tpu.memory_space<vmem>>, vector<1x128xf32>
    %add3A_17 = vector.broadcast %get3A_16 : vector<1x128xf32> to vector<2560x128xf32>
    %add3A_18 = arith.addf %add3A, %add3A_17 : vector<2560x128xf32>
    %max3A = arith.constant 0.000000e+00 : f32
    %max3A_19 = vector.broadcast %max3A : f32 to vector<2560x128xf32>
    %max3A_20 = arith.maximumf %add3A_18, %max3A_19 : vector<2560x128xf32>
    %swap3A = arith.constant 0 : index
    %swap3A_21 = arith.constant 0 : index
    %swap3A_22 = vector.load %arg6[%swap3A, %swap3A_21] : memref<2560x128xf32, #tpu.memory_space<vmem>>, vector<2560x128xf32>
    tpu.vector_store %arg6[%swap3A, %swap3A_21], %max3A_20 {strides = array<i32>} : memref<2560x128xf32, #tpu.memory_space<vmem>>, vector<2560x128xf32>,
    return
  }
  func.func @transform_0(%arg0: i32) -> (i32, i32) {
    %add3A = arith.constant 0 : i32
    %add3A_0 = arith.addi %add3A, %arg0 : i32
    %c0_i32 = arith.constant 0 : i32
    %c0_i32_1 = arith.constant 0 : i32
    return %add3A_0, %c0_i32 : i32, i32
  }
  func.func @transform_1(%arg0: i32) -> (i32, i32) {
    %c0_i32 = arith.constant 0 : i32
    %c0_i32_0 = arith.constant 0 : i32
    return %arg0, %c0_i32 : i32, i32
  }
  func.func @transform_2(%arg0: i32) -> (i32, i32) {
    %c0_i32 = arith.constant 0 : i32
    %c0_i32_0 = arith.constant 0 : i32
    %c0_i32_1 = arith.constant 0 : i32
    return %c0_i32, %c0_i32_0 : i32, i32
  }
  func.func @transform_3(%arg0: i32) -> (i32, i32) {
    %c0_i32 = arith.constant 0 : i32
    %c0_i32_0 = arith.constant 0 : i32
    %c0_i32_1 = arith.constant 0 : i32
    return %c0_i32, %c0_i32_0 : i32, i32
  }
  func.func @transform_4(%arg0: i32) -> (i32, i32) {
    %c0_i32 = arith.constant 0 : i32
    %c0_i32_0 = arith.constant 0 : i32
    %c0_i32_1 = arith.constant 0 : i32
    return %c0_i32, %c0_i32_0 : i32, i32
  }
  func.func @transform_5(%arg0: i32) -> (i32, i32) {
    %add3A = arith.constant 0 : i32
    %add3A_0 = arith.addi %add3A, %arg0 : i32
    %c0_i32 = arith.constant 0 : i32
    %c0_i32_1 = arith.constant 0 : i32
    return %add3A_0, %c0_i32 : i32, i32
  }
}

module attributes {stable_mosaic.version = 14 : i64} {
  func.func @_m_body(%arg0: memref<10000x128xf32, #tpu.memory_space<vmem>>, %arg1: memref<128x128xf32, #tpu.memory_space<vmem>>, %arg2: memref<10000x128xf32, #tpu.memory_space<vmem>>) attributes {dimension_semantics = [], scalar_prefetch = 0 : i64, scratch_operands = 0 : i64, tpu.core_type = #tpu.core_type<tc>} {
    %get3A = arith.constant 0 : index
    %get3A_0 = arith.constant 0 : index
    %get3A_1 = vector.load %arg0[%get3A, %get3A_0] : memref<10000x128xf32, #tpu.memory_space<vmem>>, vector<10000x128xf32>
    %get3A_2 = arith.constant 0 : index
    %get3A_3 = arith.constant 0 : index
    %get3A_4 = vector.load %arg1[%get3A_2, %get3A_3] : memref<128x128xf32, #tpu.memory_space<vmem>>, vector<128x128xf32>
    %dot_general3A = arith.constant dense<0.000000e+00> : vector<10000x128xf32>
    %dot_general3A_5 = tpu.matmul %get3A_1, %get3A_4, %dot_general3A {dimension_numbers = #tpu.dot_dimension_numbers<[1], [0], [0], [1], [0, 0, 1, 1], [], []>, transpose_lhs_hint = false} : vector<10000x128xf32>, vector<128x128xf32>, vector<10000x128xf32> -> vector<10000x128xf32>
    %swap3A = arith.constant 0 : index
    %swap3A_6 = arith.constant 0 : index
    %swap3A_7 = vector.load %arg2[%swap3A, %swap3A_6] : memref<10000x128xf32, #tpu.memory_space<vmem>>, vector<10000x128xf32>
    tpu.vector_store %arg2[%swap3A, %swap3A_6], %dot_general3A_5 {strides = array<i32>} : memref<10000x128xf32, #tpu.memory_space<vmem>>, vector<10000x128xf32>,
    return
  }
}

module attributes {stable_mosaic.version = 14 : i64} {
  func.func @_edge_bodyp(%arg0: i32, %arg1: memref<320000x128xf32, #tpu.memory_space<any>>, %arg2: memref<2560x128xf32, #tpu.memory_space<vmem>>, %arg3: memref<2560x128xf32, #tpu.memory_space<vmem>>, %arg4: memref<128x128xf32, #tpu.memory_space<vmem>>, %arg5: memref<1x128xf32, #tpu.memory_space<vmem>>, %arg6: memref<2560x128xf32, #tpu.memory_space<vmem>>) attributes {dimension_semantics = [#tpu.dimension_semantics<arbitrary>], iteration_bounds = array<i64: 50>, scalar_prefetch = 0 : i64, scratch_operands = 0 : i64, tpu.core_type = #tpu.core_type<tc>, window_params = [{}, {transform_indices = @transform_1, window_bounds = array<i64: 2560, 128>}, {transform_indices = @transform_2, window_bounds = array<i64: 2560, 128>}, {pipeline_mode = #tpu.pipeline_mode<synchronous>, transform_indices = @transform_3, window_bounds = array<i64: 128, 128>}, {pipeline_mode = #tpu.pipeline_mode<synchronous>, transform_indices = @transform_4, window_bounds = array<i64: 1, 128>}, {transform_indices = @transform_5, window_bounds = array<i64: 2560, 128>}]} {
    %get3A = arith.constant 0 : index
    %get3A_0 = arith.constant 0 : index
    %get3A_1 = vector.load %arg2[%get3A, %get3A_0] : memref<2560x128xf32, #tpu.memory_space<vmem>>, vector<2560x128xf32>
    %get3A_2 = arith.constant 0 : index
    %get3A_3 = arith.constant 0 : index
    %get3A_4 = vector.load %arg4[%get3A_2, %get3A_3] : memref<128x128xf32, #tpu.memory_space<vmem>>, vector<128x128xf32>
    %dot_general3A = arith.constant dense<0.000000e+00> : vector<2560x128xf32>
    %dot_general3A_5 = tpu.matmul %get3A_1, %get3A_4, %dot_general3A {dimension_numbers = #tpu.dot_dimension_numbers<[1], [0], [0], [1], [0, 0, 1, 1], [], []>, transpose_lhs_hint = false} : vector<2560x128xf32>, vector<128x128xf32>, vector<2560x128xf32> -> vector<2560x128xf32>
    %get3A_6 = arith.constant 0 : index
    %get3A_7 = arith.constant 0 : index
    %get3A_8 = vector.load %arg3[%get3A_6, %get3A_7] : memref<2560x128xf32, #tpu.memory_space<vmem>>, vector<2560x128xf32>
    %add3A = arith.addf %dot_general3A_5, %get3A_8 : vector<2560x128xf32>
    %get3A_9 = arith.constant 0 : index
    %get3A_10 = arith.constant 0 : index
    %get3A_11 = vector.load %arg5[%get3A_9, %get3A_10] : memref<1x128xf32, #tpu.memory_space<vmem>>, vector<1x128xf32>
    %add3A_12 = vector.broadcast %get3A_11 : vector<1x128xf32> to vector<2560x128xf32>
    %add3A_13 = arith.addf %add3A, %add3A_12 : vector<2560x128xf32>
    %max3A = arith.constant 0.000000e+00 : f32
    %max3A_14 = vector.broadcast %max3A : f32 to vector<2560x128xf32>
    %max3A_15 = arith.maximumf %add3A_13, %max3A_14 : vector<2560x128xf32>
    %swap3A = arith.constant 0 : index
    %swap3A_16 = arith.constant 0 : index
    %swap3A_17 = vector.load %arg6[%swap3A, %swap3A_16] : memref<2560x128xf32, #tpu.memory_space<vmem>>, vector<2560x128xf32>
    tpu.vector_store %arg6[%swap3A, %swap3A_16], %max3A_15 {strides = array<i32>} : memref<2560x128xf32, #tpu.memory_space<vmem>>, vector<2560x128xf32>,
    return
  }
  func.func @transform_1(%arg0: i32) -> (i32, i32) {
    %add3A = arith.constant 25 : i32
    %add3A_0 = arith.addi %add3A, %arg0 : i32
    %c0_i32 = arith.constant 0 : i32
    %c0_i32_1 = arith.constant 0 : i32
    return %add3A_0, %c0_i32 : i32, i32
  }
  func.func @transform_2(%arg0: i32) -> (i32, i32) {
    %c0_i32 = arith.constant 0 : i32
    %c0_i32_0 = arith.constant 0 : i32
    return %arg0, %c0_i32 : i32, i32
  }
  func.func @transform_3(%arg0: i32) -> (i32, i32) {
    %c0_i32 = arith.constant 0 : i32
    %c0_i32_0 = arith.constant 0 : i32
    %c0_i32_1 = arith.constant 0 : i32
    return %c0_i32, %c0_i32_0 : i32, i32
  }
  func.func @transform_4(%arg0: i32) -> (i32, i32) {
    %c0_i32 = arith.constant 0 : i32
    %c0_i32_0 = arith.constant 0 : i32
    %c0_i32_1 = arith.constant 0 : i32
    return %c0_i32, %c0_i32_0 : i32, i32
  }
  func.func @transform_5(%arg0: i32) -> (i32, i32) {
    %add3A = arith.constant 25 : i32
    %add3A_0 = arith.addi %add3A, %arg0 : i32
    %c0_i32 = arith.constant 0 : i32
    %c0_i32_1 = arith.constant 0 : i32
    return %add3A_0, %c0_i32 : i32, i32
  }
}

module attributes {stable_mosaic.version = 14 : i64} {
  func.func @_edge_bodyp(%arg0: i32, %arg1: memref<320000x128xf32, #tpu.memory_space<any>>, %arg2: memref<2560x128xf32, #tpu.memory_space<vmem>>, %arg3: memref<2560x128xf32, #tpu.memory_space<vmem>>, %arg4: memref<128x128xf32, #tpu.memory_space<vmem>>, %arg5: memref<1x128xf32, #tpu.memory_space<vmem>>, %arg6: memref<2560x128xf32, #tpu.memory_space<vmem>>) attributes {dimension_semantics = [#tpu.dimension_semantics<arbitrary>], iteration_bounds = array<i64: 50>, scalar_prefetch = 0 : i64, scratch_operands = 0 : i64, tpu.core_type = #tpu.core_type<tc>, window_params = [{}, {transform_indices = @transform_1, window_bounds = array<i64: 2560, 128>}, {transform_indices = @transform_2, window_bounds = array<i64: 2560, 128>}, {pipeline_mode = #tpu.pipeline_mode<synchronous>, transform_indices = @transform_3, window_bounds = array<i64: 128, 128>}, {pipeline_mode = #tpu.pipeline_mode<synchronous>, transform_indices = @transform_4, window_bounds = array<i64: 1, 128>}, {transform_indices = @transform_5, window_bounds = array<i64: 2560, 128>}]} {
    %get3A = arith.constant 0 : index
    %get3A_0 = arith.constant 0 : index
    %get3A_1 = vector.load %arg2[%get3A, %get3A_0] : memref<2560x128xf32, #tpu.memory_space<vmem>>, vector<2560x128xf32>
    %get3A_2 = arith.constant 0 : index
    %get3A_3 = arith.constant 0 : index
    %get3A_4 = vector.load %arg4[%get3A_2, %get3A_3] : memref<128x128xf32, #tpu.memory_space<vmem>>, vector<128x128xf32>
    %dot_general3A = arith.constant dense<0.000000e+00> : vector<2560x128xf32>
    %dot_general3A_5 = tpu.matmul %get3A_1, %get3A_4, %dot_general3A {dimension_numbers = #tpu.dot_dimension_numbers<[1], [0], [0], [1], [0, 0, 1, 1], [], []>, transpose_lhs_hint = false} : vector<2560x128xf32>, vector<128x128xf32>, vector<2560x128xf32> -> vector<2560x128xf32>
    %get3A_6 = arith.constant 0 : index
    %get3A_7 = arith.constant 0 : index
    %get3A_8 = vector.load %arg3[%get3A_6, %get3A_7] : memref<2560x128xf32, #tpu.memory_space<vmem>>, vector<2560x128xf32>
    %add3A = arith.addf %dot_general3A_5, %get3A_8 : vector<2560x128xf32>
    %get3A_9 = arith.constant 0 : index
    %get3A_10 = arith.constant 0 : index
    %get3A_11 = vector.load %arg5[%get3A_9, %get3A_10] : memref<1x128xf32, #tpu.memory_space<vmem>>, vector<1x128xf32>
    %add3A_12 = vector.broadcast %get3A_11 : vector<1x128xf32> to vector<2560x128xf32>
    %add3A_13 = arith.addf %add3A, %add3A_12 : vector<2560x128xf32>
    %max3A = arith.constant 0.000000e+00 : f32
    %max3A_14 = vector.broadcast %max3A : f32 to vector<2560x128xf32>
    %max3A_15 = arith.maximumf %add3A_13, %max3A_14 : vector<2560x128xf32>
    %swap3A = arith.constant 0 : index
    %swap3A_16 = arith.constant 0 : index
    %swap3A_17 = vector.load %arg6[%swap3A, %swap3A_16] : memref<2560x128xf32, #tpu.memory_space<vmem>>, vector<2560x128xf32>
    tpu.vector_store %arg6[%swap3A, %swap3A_16], %max3A_15 {strides = array<i32>} : memref<2560x128xf32, #tpu.memory_space<vmem>>, vector<2560x128xf32>,
    return
  }
  func.func @transform_1(%arg0: i32) -> (i32, i32) {
    %add3A = arith.constant 75 : i32
    %add3A_0 = arith.addi %add3A, %arg0 : i32
    %c0_i32 = arith.constant 0 : i32
    %c0_i32_1 = arith.constant 0 : i32
    return %add3A_0, %c0_i32 : i32, i32
  }
  func.func @transform_2(%arg0: i32) -> (i32, i32) {
    %c0_i32 = arith.constant 0 : i32
    %c0_i32_0 = arith.constant 0 : i32
    return %arg0, %c0_i32 : i32, i32
  }
  func.func @transform_3(%arg0: i32) -> (i32, i32) {
    %c0_i32 = arith.constant 0 : i32
    %c0_i32_0 = arith.constant 0 : i32
    %c0_i32_1 = arith.constant 0 : i32
    return %c0_i32, %c0_i32_0 : i32, i32
  }
  func.func @transform_4(%arg0: i32) -> (i32, i32) {
    %c0_i32 = arith.constant 0 : i32
    %c0_i32_0 = arith.constant 0 : i32
    %c0_i32_1 = arith.constant 0 : i32
    return %c0_i32, %c0_i32_0 : i32, i32
  }
  func.func @transform_5(%arg0: i32) -> (i32, i32) {
    %add3A = arith.constant 75 : i32
    %add3A_0 = arith.addi %add3A, %arg0 : i32
    %c0_i32 = arith.constant 0 : i32
    %c0_i32_1 = arith.constant 0 : i32
    return %add3A_0, %c0_i32 : i32, i32
  }
}

module attributes {stable_mosaic.version = 14 : i64} {
  func.func @_node_body(%arg0: memref<10000x128xf32, #tpu.memory_space<vmem>>, %arg1: memref<128x128xf32, #tpu.memory_space<vmem>>, %arg2: memref<1x128xf32, #tpu.memory_space<vmem>>, %arg3: memref<10000x128xf32, #tpu.memory_space<vmem>>, %arg4: memref<10000x128xf32, #tpu.memory_space<vmem>>, %arg5: memref<10000x128xf32, #tpu.memory_space<vmem>>) attributes {dimension_semantics = [], scalar_prefetch = 0 : i64, scratch_operands = 0 : i64, tpu.core_type = #tpu.core_type<tc>} {
    %get3A = arith.constant 0 : index
    %get3A_0 = arith.constant 0 : index
    %get3A_1 = vector.load %arg0[%get3A, %get3A_0] : memref<10000x128xf32, #tpu.memory_space<vmem>>, vector<10000x128xf32>
    %get3A_2 = arith.constant 0 : index
    %get3A_3 = arith.constant 0 : index
    %get3A_4 = vector.load %arg1[%get3A_2, %get3A_3] : memref<128x128xf32, #tpu.memory_space<vmem>>, vector<128x128xf32>
    %dot_general3A = arith.constant dense<0.000000e+00> : vector<10000x128xf32>
    %dot_general3A_5 = tpu.matmul %get3A_1, %get3A_4, %dot_general3A {dimension_numbers = #tpu.dot_dimension_numbers<[1], [0], [0], [1], [0, 0, 1, 1], [], []>, transpose_lhs_hint = false} : vector<10000x128xf32>, vector<128x128xf32>, vector<10000x128xf32> -> vector<10000x128xf32>
    %get3A_6 = arith.constant 0 : index
    %get3A_7 = arith.constant 0 : index
    %get3A_8 = vector.load %arg2[%get3A_6, %get3A_7] : memref<1x128xf32, #tpu.memory_space<vmem>>, vector<1x128xf32>
    %add3A = vector.broadcast %get3A_8 : vector<1x128xf32> to vector<10000x128xf32>
    %add3A_9 = arith.addf %dot_general3A_5, %add3A : vector<10000x128xf32>
    %get3A_10 = arith.constant 0 : index
    %get3A_11 = arith.constant 0 : index
    %get3A_12 = vector.load %arg3[%get3A_10, %get3A_11] : memref<10000x128xf32, #tpu.memory_space<vmem>>, vector<10000x128xf32>
    %add3A_13 = arith.addf %add3A_9, %get3A_12 : vector<10000x128xf32>
    %get3A_14 = arith.constant 0 : index
    %get3A_15 = arith.constant 0 : index
    %get3A_16 = vector.load %arg4[%get3A_14, %get3A_15] : memref<10000x128xf32, #tpu.memory_space<vmem>>, vector<10000x128xf32>
    %add3A_17 = arith.addf %add3A_13, %get3A_16 : vector<10000x128xf32>
    %max3A = arith.constant 0.000000e+00 : f32
    %max3A_18 = vector.broadcast %max3A : f32 to vector<10000x128xf32>
    %max3A_19 = arith.maximumf %add3A_17, %max3A_18 : vector<10000x128xf32>
    %swap3A = arith.constant 0 : index
    %swap3A_20 = arith.constant 0 : index
    %swap3A_21 = vector.load %arg5[%swap3A, %swap3A_20] : memref<10000x128xf32, #tpu.memory_space<vmem>>, vector<10000x128xf32>
    tpu.vector_store %arg5[%swap3A, %swap3A_20], %max3A_19 {strides = array<i32>} : memref<10000x128xf32, #tpu.memory_space<vmem>>, vector<10000x128xf32>,
    return
  }
}

</mosaic_0001>

<sc_bundles>
// kernel: kernel.11.cloned.1.call-start
scs
__scs_entry_jumppad:
0x0: {  	(pc) =	sbr.rel $0x88, $3  }
0x1: {  	(tag) =	ssettag $0x0;
	lr =	simm.s32 $0x1  }
0x2: {  	[smem:$0x3F9A] =	sst lr;
	_ =	strace $0xD0000000  }
0x3: {  	_ = 	snop  }
0x4: {  	_ = 	snop  }
0x5: {  	_ = 	snop  }
0x6: {  	_ = 	snop  }
0x7: {  	_ = 	snop  }
__scs_overlays_trampoline_lowered:
0x8: {  	[smem:$0x3FA9] =	sst s0  }
0x9: {  	[smem:$0x3FAA] =	sst s1  }
0xa: {  	[smem:$0x3FAB] =	sst s2  }
0xb: {  	[smem:$0x3FAC] =	sst s3  }
0xc: {  	[smem:$0x3FAD] =	sst s4  }
0xd: {  	[smem:$0x3FAE] =	sst s5  }
0xe: {  	[smem:$0x3FAF] =	sst s6  }
0xf: {  	[smem:$0x3FB0] =	sst s7  }
0x10: {  	[smem:$0x3FB1] =	sst s8  }
0x11: {  	[smem:$0x3FB2] =	sst s9;
	s0 =	simm.s32 @!p0 $0x0  }
0x12: {  	s1 =	sld [smem:$0x3F98];
	s0 =	simm.s32 @p0 $0x1  }
0x13: {  	[smem:$0x3FB3] =	sst s0;
	s0 =	simm.s32 @!p1 $0x0  }
0x14: {  	s2 =	sld [smem:$0x3F97];
	s0 =	simm.s32 @p1 $0x1  }
0x15: {  	[smem:$0x3FB4] =	sst s0;
	s0 =	simm.s32 @!p2 $0x0  }
0x16: {  	s3 =	sld [smem:$0x3FDB];
	s0 =	simm.s32 @p2 $0x1  }
0x17: {  	s4 =	simm.s32 $0x1BF5;
	[smem:$0x3FB6] =	sst s0  }
0x18: {  	s0 =	sld [smem:$0x3F99];
	_ =	swait.ge [sflag:s4], $0x0  }
0x19: {  	s7 =	sld [smem:$0x3F9A]  }
0x1a: {  	s8 =	sadd.s32 $0xFFFFE003, lr  }
0x1b: {  	s9 =	sadd.s32 $0xFFFFFEF7, lr;
	s5 =	simm.s32 $0xFFFFFFFF;
	p2 =	slt.u32 s8, $0xFFFFF086  }
0x1c: {  	p1 =	slt.u32 s9, $0xF7A;
	s5 =	simm.s32 @!p2 $0x0  }
0x1d: {  	s5 =	simm.s32 @p1 $0x1;
	p0 =	seq.s32 s7, s2  }
0x1e: {  	s7 =	smul.u32 @!p0 $0xF7A, s2;
	p2 =	seq.s32 @!p0 s5, $0x0  }
0x1f: {  	s9 =	smul.u32 $0xF7A, s1;
	s8 =	simm.s32 @!p0 $0x1BF5;
	p2 =	por !p2, p0  }
0x20: {  	[sflag:s8] =	ssyncset.s32 @!p0 $0xFFFFF086;
	s6 =	sadd.s32 @!p0 s3, s7;
	s7 =	simm.s32 @!p0 $0x108  }
0x21: {  	s3 =	sadd.s32 s3, s9;
	s6 =	sadd.s32 @!p0 $0x88, s6;
	s7 =	simm.s32 @p2 $0x1082  }
0x22: {  	[simem:s7], [sflag:s8] =	dma.local @!p0 [hbm:s6], $0xF7A  }
0x23: {  	s9 =	sor.u32 $0xD0000000, s2;
	s6 =	simm.s32 $0x108;
	_ =	swait.ge @!p0 [sflag:s8], $0x0  }
0x24: {  	s3 =	sadd.s32 $0x88, s3;
	s6 =	simm.s32 @!p1 $0x1082;
	[sflag:s4] =	ssyncset.s32 $0xFFFFF086  }
0x25: {  	[simem:s6], [sflag:s4] =	dma.local [hbm:s3], $0xF7A  }
0x26: {  	[smem:$0x3F9A] =	sst s1;
	(tag) =	ssettag s2;
	_ =	strace s9  }
0x27: {  	s1 =	sld [smem:$0x3FAA]  }
0x28: {  	s2 =	sld [smem:$0x3FAB]  }
0x29: {  	s4 =	sld [smem:$0x3FAD]  }
0x2a: {  	p0 =	seq.s32 s5, $0x0;
	s5 =	sld [smem:$0x3FAE]  }
0x2b: {  	s6 =	sld [smem:$0x3FAF]  }
0x2c: {  	s7 =	sld [smem:$0x3FB0]  }
0x2d: {  	s3 =	simm.s32 $0x108;
	s8 =	sld [smem:$0x3FB1]  }
0x2e: {  	s3 =	simm.s32 @!p0 $0x1082;
	s9 =	sld [smem:$0x3FB2]  }
0x2f: {  	lr =	sadd.s32 s0, s3;
	s0 =	sld [smem:$0x3FA9]  }
0x30: {  	s3 =	sld [smem:$0x3FAC]  }
0x31: {  	[smem:$0x3FB5] =	sst s10  }
0x32: {  	s10 =	sld [smem:$0x3FB3];
	_ =	sdelay $0x3  }
0x33: {  	p0 =	seq.s32 s10, $0x1;
	s10 =	sld [smem:$0x3FB5];
	_ =	sdelay $0x3  }
0x34: {  	[smem:$0x3FB5] =	sst s10  }
0x35: {  	s10 =	sld [smem:$0x3FB4];
	_ =	sdelay $0x3  }
0x36: {  	p1 =	seq.s32 s10, $0x1;
	s10 =	sld [smem:$0x3FB5];
	_ =	sdelay $0x3  }
0x37: {  	[smem:$0x3FB5] =	sst s10  }
0x38: {  	s10 =	sld [smem:$0x3FB6]  }
0x39: {  	_ = 	snop;
	(pc) =	sbr.ind lr, $3  }
0x3a: {  	_ = 	snop  }
0x3b: {  	_ = 	snop  }
0x3c: {  	p2 =	seq.s32 s10, $0x1;
	s10 =	sld [smem:$0x3FB5]  }
0x3d: {  	_ =	shalt  }
0x3e: {  	_ =	shalt  }
0x3f: {  	_ =	shalt  }
0x40: {  	_ =	shalt  }
0x41: {  	_ =	shalt  }
0x42: {  	_ =	shalt  }
0x43: {  	_ =	shalt  }
0x44: {  	_ =	shalt  }
0x45: {  	_ =	shalt  }
0x46: {  	_ =	shalt  }
0x47: {  	_ =	shalt  }
0x48: {  	_ =	shalt  }
0x49: {  	_ =	shalt  }
0x4a: {  	_ =	shalt  }
0x4b: {  	_ =	shalt  }
0x4c: {  	_ =	shalt  }
0x4d: {  	_ =	shalt  }
0x4e: {  	_ =	shalt  }
0x4f: {  	_ =	shalt  }
0x50: {  	_ =	shalt  }
0x51: {  	_ =	shalt  }
0x52: {  	_ =	shalt  }
0x53: {  	_ =	shalt  }
0x54: {  	_ =	shalt  }
0x55: {  	_ =	shalt  }
0x56: {  	_ =	shalt  }
0x57: {  	_ =	shalt  }
0x58: {  	_ =	shalt  }
0x59: {  	_ =	shalt  }
0x5a: {  	_ =	shalt  }
0x5b: {  	_ =	shalt  }
0x5c: {  	_ =	shalt  }
0x5d: {  	_ =	shalt  }
0x5e: {  	_ =	shalt  }
0x5f: {  	_ =	shalt  }
0x60: {  	_ =	shalt  }
0x61: {  	_ =	shalt  }
0x62: {  	_ =	shalt  }
0x63: {  	_ =	shalt  }
0x64: {  	_ =	shalt  }
0x65: {  	_ =	shalt  }
0x66: {  	_ =	shalt  }
0x67: {  	_ =	shalt  }
0x68: {  	_ =	shalt  }
0x69: {  	_ =	shalt  }
0x6a: {  	_ =	shalt  }
0x6b: {  	_ =	shalt  }
0x6c: {  	_ =	shalt  }
0x6d: {  	_ =	shalt  }
0x6e: {  	_ =	shalt  }
0x6f: {  	_ =	shalt  }
0x70: {  	_ =	shalt  }
0x71: {  	_ =	shalt  }
0x72: {  	_ =	shalt  }
0x73: {  	_ =	shalt  }
0x74: {  	_ =	shalt  }
0x75: {  	_ =	shalt  }
0x76: {  	_ =	shalt  }
0x77: {  	_ =	shalt  }
0x78: {  	_ =	shalt  }
0x79: {  	_ =	shalt  }
0x7a: {  	_ =	shalt  }
0x7b: {  	_ =	shalt  }
0x7c: {  	_ =	shalt  }
0x7d: {  	_ =	shalt  }
0x7e: {  	_ =	shalt  }
0x7f: {  	_ =	shalt  }
0x80: {  	_ =	shalt  }
0x81: {  	_ =	shalt  }
0x82: {  	_ =	shalt  }
0x83: {  	_ =	shalt  }
0x84: {  	_ =	shalt  }
0x85: {  	_ =	shalt  }
0x86: {  	_ =	shalt  }
0x87: {  	_ =	shalt  }
.Lfunc_end0:
.L_simem_size_0:
called_computation_lowered:
.L_overlay_start_0:
0x88: {  	s2 =	sld [smem:$0x3FD9]  }
0x89: {  	s3 =	sld [smem:$0x3FFE];
	_ =	sdelay $0x1  }
0x8a: {  	s1 =	srdreg.scid  }
0x8b: {  	s0 =	sand.u32 $0x1, s1  }
0x8c: {  	s17 =	sshll.u32 s0, $0xA;
	s2 =	sadd.s32 s3, s2  }
0x8d: {  	s2 =	sadd.s32 s2, s17  }
0x8e: {  	[smem:$0x3FC1] =	sst s2  }
0x8f: {  	_ = 	snop  }
0x90: {  	s2 =	sld [smem:$0x3FC9];
	(tm) =	ssettm $0x1  }
0x91: {  	s18 =	sld [smem:$0x3FFB];
	_ =	sdelay $0x3  }
0x92: {  	_ =	strace s18  }
0x93: {  	s3 =	sld [smem:$0x3FFC];
	_ =	sdelay $0x3  }
0x94: {  	_ =	strace s3  }
0x95: {  	s3 =	sld [smem:$0x3FFD];
	_ =	sdelay $0x3  }
0x96: {  	_ =	strace s3  }
0x97: {  	_ =	strace $0x8FFFFFFF  }
0x98: {  	s19 =	sld [smem:$0x3FDB];
	_ =	sdelay $0x1  }
0x99: {  	s4 =	simm.s32 $_scs_section_size  }
0x9a: {  	s5 =	simm.s32 $_size__tile_overlayer_lowered;
	s6 =	simm.s32 $_tile_overlayer_lowered  }
0x9b: {  	s22 =	simm.s32 $0x1BFF;
	s21 =	sshll.u32 s6, $0x1;
	s3 =	sadd.s32 s4, s19  }
0x9c: {  	s7 =	simm.s32 $0x0;
	s20 =	sshll.u32 s5, $0x1;
	s5 =	sadd.s32 s21, s3  }
0x9d: {  	[timem:s7], [sflag:s22] =	dma.local [hbm:s5], s20  }
0x9e: {  	_ =	swait.ge [sflag:s22], s20  }
0x9f: {  	s4 =	ssub.s32 $0x0, s20;
	[sflag:s22] =	ssyncset.done $0x0  }
0xa0: {  	[sflag:s22] =	ssyncadd.s32 s4;
	_ =	sdelay $0x1  }
0xa1: {  	s23 =	simm.s32 $0x1B8B  }
0xa2: {  	_ =	swait.ge [sflag:s23], $0x1  }
0xa3: {  	[sflag:s23] =	ssyncset.done $0x0  }
0xa4: {  	s25 =	simm.s32 $0x1B8E;
	s24 =	sld [smem:$0x3FFE];
	[sflag:s23] =	ssyncadd.s32 $0xFFFFFFFF  }
0xa5: {  	s26 =	simm.s32 $execute0_lowered;
	[smem:$0x3FD2] =	sst s25  }
0xa6: {  	s5 =	sshll.u32 s26, $0x1;
	_ =	strace $0x80000046;
	[dreg:$0x1] =	wrdreg $0xFFFFFFFF  }
0xa7: {  	s28 =	simm.s32 $_size_execute0_lowered;
	s3 =	sadd.s32 s3, s5;
	[dreg:$0x0] =	wrdreg $0x0  }
0xa8: {  	s5 =	sshll.u32 s28, $0x1;
	[dreg:$0x2] =	wrdreg s3  }
0xa9: {  	[dreg:$0x3] =	wrdreg s5  }
0xaa: {  	[dreg:$0x4] =	wrdreg $0xC0  }
0xab: {  	_ =	task [dreg:s7], $0x5FFFF  }
0xac: {  	[dreg:$0x1] =	wrdreg $0xFFFFFFFF  }
0xad: {  	[dreg:$0x0] =	wrdreg $0x60  }
0xae: {  	[dreg:$0x2] =	wrdreg s2  }
0xaf: {  	[dreg:$0x3] =	wrdreg s24  }
0xb0: {  	[dreg:$0x4] =	wrdreg $0x9  }
0xb1: {  	_ =	task.clear_ibuf [dreg:s7], $0x5FFFF;
	_ =	strace $0x90000046  }
0xb2: {  	s29 =	simm.s32 $0x9;
	_ =	strace $0x80000048  }
0xb3: {  	_ =	swait.ge [sflag:s29], $0x1  }
0xb4: {  	[sflag:s29] =	ssyncadd.s32 $0xFFFFFFFF  }
0xb5: {  	_ =	strace $0x90000048  }
0xb6: {  	_ =	sfence  }
0xb7: {  	s30 =	sld [smem:$0x0];
	_ =	sdelay $0x2  }
0xb8: {  	s31 =	sshll.u32 s1, $0xD;
	s1 =	sshrl.u32 s1, $0x2  }
0xb9: {  	s3 =	sand.u32 $0x4000, s31;
	s1 =	sadd.s32 s1, s30  }
0xba: {  	s0 =	sor.u32 s3, s0;
	s1 =	sshll.u32 s1, $0x11  }
0xbb: {  	s0 =	sor.u32 s1, s0  }
0xbc: {  	s0 =	sadd.s32 $0x8F2B, s0  }
0xbd: {  	[sflag:s0] =	ssyncadd.remote.s32 $0x1  }
0xbe: {  	_ =	sfence.sel $0xFFFF  }
0xbf: {  	[dreg:$0x0] =	wrdreg $0xFFFFFFFF;
	(pc) =	sbr.abs _section_cstart, $3  }
0xc0: {  	[dreg:$0x1] =	wrdreg $0xFFFFFFFF  }
0xc1: {  	_ =	task.clear_ibuf [dreg:s7], $0x2FFFF;
	_ =	strace $0x9FFFFFFF  }
0xc2: {  	(tm) =	ssettm $0x7FFFFFFF  }
0xc3: {  	_ =	shalt  }
tec
execute0_lowered:
.L_overlay_start_1:
0x0: {  	(tag) =	ssettag $0x1  }
0x1: {  	s2 =	rddreg [dreg:$0x0];
	s1 =	srdreg.scid  }
0x2: {  	s0 =	stileid.u32;
	s4 =	rddreg [dreg:$0x1];
	s3 =	simm.s32 $0x0  }
0x3: {  	s30 =	simm.s32 $0x50;
	s31 =	simm.s32 $0x800;
	s11 =	simm.s32 $0x3000  }
0x4: {  	s12 =	simm.s32 $0x5800;
	s13 =	simm.s32 $0x8000;
	s14 =	simm.s32 $0x6  }
0x5: {  	s15 =	simm.s32 $0x7;
	s5 =	sand.u32 $0x1, s1;
	s1 =	rddreg [dreg:$0x2]  }
0x6: {  	s16 =	simm.s32 $0x8;
	s17 =	simm.s32 $0x9;
	[smem:$0x7FF] =	sst s3  }
0x7: {  	s18 =	simm.s32 $0xA;
	_ =	strace $0x80000047;
	[dreg:$0x3] =	wrdreg s30  }
0x8: {  	s19 =	simm.s32 $0x0;
	s6 =	sshll.u32 s0, $0x1;
	[dreg:$0x4] =	wrdreg s31  }
0x9: {  	s7 =	smul.u32 $0xFA00, s0;
	s6 =	sor.u32 s5, s6;
	[dreg:$0x5] =	wrdreg s11  }
0xa: {  	s8 =	ssub.s32 $0x2, s5;
	s10 =	smul.u32 $0x7D00, s5;
	[dreg:$0x6] =	wrdreg s12  }
0xb: {  	s11 =	simm.s32 $0x3;
	s12 =	simm.s32 $0x4;
	[dreg:$0x7] =	wrdreg s13  }
0xc: {  	s13 =	simm.s32 $0x5;
	s6 =	smul.u32 $0x7D0, s6;
	s9 =	sshrl.u32 s8, $0x1  }
0xd: {  	s28 =	sadd.s32 s7, s4;
	s7 =	simm.s32 $0xB;
	s29 =	ssub.s32 s8, s9  }
0xe: {  	s8 =	simm.s32 $0xA800;
	s9 =	simm.s32 $0x1;
	s6 =	sshrl.u32 s6, $0x3  }
0xf: {  	s5 =	smax.u32 s29, $0x1;
	s26 =	sadd.s32 s6, s4;
	s6 =	sadd.s32 s10, s28  }
0x10: {  	s10 =	simm.s32 $0x2;
	s4 =	sadd.s32 $0x2C00, s26;
	s6 =	sadd.s32 $0x17C00, s6  }
.LBB2_1:
0x11: {  	[tilespmem:s3], [sflag:$0xB] =	stream.linear.gather [hbm4b:s4+s3], $0x7D0, $0x38;
	[tilespmem:$0xD000] =	vst v63  }
0x12: {  	_ =	swait.ge [sflag:s7], $0x7D0  }
0x13: {  	p0 =	por $0x0, $0x0;
	[sflag:s7] =	ssyncset.done $0x0  }
0x14: {  	s20 =	simm.s32 @p0 $0x6;
	[sflag:s7] =	ssyncadd.s32 $0xFFFFF830  }
0x15: {  	_ =	swait.ge @p0 [sflag:s20], $0x2800  }
0x16: {  	s21 =	simm.s32 @p0 $0x800;
	s22 =	simm.s32 @p0 $0x7;
	[sflag:s20] =	ssyncset.done @p0 $0x0  }
0x17: {  	s23 =	simm.s32 @p0 $0x50;
	[sflag:s20] =	ssyncadd.s32 @p0 $0xFFFFD800;
	s20 =	simm.s32 @p0 $0x0  }
0x18: {  	[tilespmem:s21], [sflag:$0x1] =	stream.indirect.gather @p0 [hbm4b:s2+s23], $0x80, s20, s23, $0xb8;
	[tilespmem:$0xD000] =	vst v63  }
0x19: {  	_ =	swait.ge @p0 [sflag:s22], $0x2800  }
0x1a: {  	s20 =	simm.s32 @p0 $0x50;
	[sflag:s22] =	ssyncset.done @p0 $0x0  }
0x1b: {  	s21 =	simm.s32 @p0 $0x3000;
	[sflag:s22] =	ssyncadd.s32 @p0 $0xFFFFD800;
	s22 =	simm.s32 @p0 $0x8  }
0x1c: {  	[tilespmem:s21], [sflag:$0x2] =	stream.indirect.gather @p0 [hbm4b:s2+s23], $0x80, s20, s23, $0xb8;
	[tilespmem:$0xD000] =	vst v63  }
0x1d: {  	_ =	swait.ge @p0 [sflag:s22], $0x2800  }
0x1e: {  	s20 =	simm.s32 @p0 $0xA0;
	[sflag:s22] =	ssyncset.done @p0 $0x0  }
0x1f: {  	s21 =	simm.s32 @p0 $0x5800;
	[sflag:s22] =	ssyncadd.s32 @p0 $0xFFFFD800;
	s22 =	simm.s32 @p0 $0x9  }
0x20: {  	[tilespmem:s21], [sflag:$0x3] =	stream.indirect.gather @p0 [hbm4b:s2+s23], $0x80, s20, s23, $0xb8;
	[tilespmem:$0xD000] =	vst v63  }
0x21: {  	_ =	swait.ge @p0 [sflag:s22], $0x2800  }
0x22: {  	s20 =	simm.s32 @p0 $0xF0;
	[sflag:s22] =	ssyncset.done @p0 $0x0  }
0x23: {  	s21 =	simm.s32 @p0 $0x8000;
	[sflag:s22] =	ssyncadd.s32 @p0 $0xFFFFD800;
	s22 =	simm.s32 @p0 $0xA  }
0x24: {  	[tilespmem:s21], [sflag:$0x4] =	stream.indirect.gather @p0 [hbm4b:s2+s23], $0x80, s20, s23, $0xb8;
	[tilespmem:$0xD000] =	vst v63  }
0x25: {  	_ =	swait.ge @p0 [sflag:s22], $0x2800  }
0x26: {  	s20 =	simm.s32 @!p0 $0x800;
	[sflag:s22] =	ssyncset.done @p0 $0x0  }
0x27: {  	s21 =	simm.s32 @!p0 $0x0;
	[sflag:s22] =	ssyncadd.s32 @p0 $0xFFFFD800;
	s22 =	simm.s32 @!p0 $0x50  }
0x28: {  	[tilespmem:s20], [sflag:$0x1] =	stream.indirect.gather @!p0 [hbm4b:s2+s22], $0x80, s21, s22, $0xb8;
	[tilespmem:$0xD000] =	vst v63  }
0x29: {  	s20 =	simm.s32 @!p0 $0x50;
	s21 =	simm.s32 @!p0 $0x3000  }
0x2a: {  	[tilespmem:s21], [sflag:$0x2] =	stream.indirect.gather @!p0 [hbm4b:s2+s22], $0x80, s20, s22, $0xb8;
	[tilespmem:$0xD000] =	vst v63  }
0x2b: {  	s20 =	simm.s32 @!p0 $0xA0;
	s21 =	simm.s32 @!p0 $0x5800  }
0x2c: {  	[tilespmem:s21], [sflag:$0x3] =	stream.indirect.gather @!p0 [hbm4b:s2+s22], $0x80, s20, s22, $0xb8;
	[tilespmem:$0xD000] =	vst v63  }
0x2d: {  	s20 =	simm.s32 @!p0 $0xF0;
	s21 =	simm.s32 @!p0 $0x8000  }
0x2e: {  	[tilespmem:s21], [sflag:$0x4] =	stream.indirect.gather @!p0 [hbm4b:s2+s22], $0x80, s20, s22, $0xb8;
	[tilespmem:$0xD000] =	vst v63  }
0x2f: {  	s31 =	rddreg [dreg:$0x3];
	s22 =	simm.s32 $0x140  }
0x30: {  	[tilespmem:s8], [sflag:$0x5] =	stream.indirect.gather [hbm4b:s2+s31], $0x80, s22, s31, $0xb8;
	[tilespmem:$0xD000] =	vst v63  }
0x31: {  	_ =	swait.ge [sflag:s9], $0x2800  }
0x32: {  	[sflag:s9] =	ssyncset.done $0x0  }
0x33: {  	s24 =	sadd.s32 $0xFFFFEC00, s6;
	s23 =	rddreg [dreg:$0x4];
	[sflag:s9] =	ssyncadd.s32 $0xFFFFD800  }
0x34: {  	[hbm4b:s24+s3] =	stream.linear.scatter [tilespmem:s23], [sflag:$0x6], $0x2800, $0x38;
	[tilespmem:$0xD000] =	vst v63  }
0x35: {  	_ =	swait.ge [sflag:s10], $0x2800  }
0x36: {  	[sflag:s10] =	ssyncset.done $0x0  }
0x37: {  	s26 =	sadd.s32 $0xFFFFF100, s6;
	s25 =	rddreg [dreg:$0x5];
	[sflag:s10] =	ssyncadd.s32 $0xFFFFD800  }
0x38: {  	[hbm4b:s26+s3] =	stream.linear.scatter [tilespmem:s25], [sflag:$0x7], $0x2800, $0x38;
	[tilespmem:$0xD000] =	vst v63  }
0x39: {  	_ =	swait.ge [sflag:s11], $0x2800  }
0x3a: {  	[sflag:s11] =	ssyncset.done $0x0  }
0x3b: {  	s29 =	sadd.s32 $0xFFFFF600, s6;
	s28 =	rddreg [dreg:$0x6];
	[sflag:s11] =	ssyncadd.s32 $0xFFFFD800  }
0x3c: {  	[hbm4b:s29+s3] =	stream.linear.scatter [tilespmem:s28], [sflag:$0x8], $0x2800, $0x38;
	[tilespmem:$0xD000] =	vst v63  }
0x3d: {  	_ =	swait.ge [sflag:s12], $0x2800  }
0x3e: {  	s21 =	simm.s32 $0x640;
	[sflag:s12] =	ssyncset.done $0x0  }
0x3f: {  	s31 =	sadd.s32 $0xFFFFFB00, s6;
	s30 =	rddreg [dreg:$0x7];
	[sflag:s12] =	ssyncadd.s32 $0xFFFFD800  }
0x40: {  	[hbm4b:s31+s3] =	stream.linear.scatter [tilespmem:s30], [sflag:$0x9], $0x2800, $0x38;
	[tilespmem:$0xD000] =	vst v63  }
0x41: {  	p0 =	por $0x1, $0x1;
	s20 =	sadd.s32 $0x1900, s6;
	_ =	swait.ge [sflag:s13], $0x2800  }
0x42: {  	s22 =	simm.s32 $0xC80;
	s23 =	smov.u32 s6;
	[sflag:s13] =	ssyncset.done $0x0  }
.LBB2_2:
0x43: {  	s25 =	simm.s32 @p0 $0x6;
	[sflag:s13] =	ssyncadd.s32 $0xFFFFD800  }
0x44: {  	[hbm4b:s23+s3] =	stream.linear.scatter [tilespmem:s8], [sflag:$0xA], $0x2800, $0x38;
	[tilespmem:$0xD000] =	vst v63  }
0x45: {  	_ =	swait.ge @p0 [sflag:s25], $0x2800  }
0x46: {  	s26 =	simm.s32 @p0 $0x800;
	s28 =	simm.s32 @p0 $0x7;
	[sflag:s25] =	ssyncset.done @p0 $0x0  }
0x47: {  	s29 =	simm.s32 @p0 $0x50;
	[sflag:s25] =	ssyncadd.s32 @p0 $0xFFFFD800;
	s25 =	sshra.s32 @p0 s21, $0x2  }
0x48: {  	[tilespmem:s26], [sflag:$0x1] =	stream.indirect.gather @p0 [hbm4b:s2+s29], $0x80, s25, s29, $0xb8;
	[tilespmem:$0xD000] =	vst v63  }
0x49: {  	_ =	swait.ge @p0 [sflag:s28], $0x2800  }
0x4a: {  	s31 =	simm.s32 @p0 $0x8;
	[sflag:s28] =	ssyncset.done @p0 $0x0  }
0x4b: {  	s26 =	sadd.s32 @p0 $0x50, s25;
	[sflag:s28] =	ssyncadd.s32 @p0 $0xFFFFD800;
	s28 =	simm.s32 @p0 $0x3000  }
0x4c: {  	[tilespmem:s28], [sflag:$0x2] =	stream.indirect.gather @p0 [hbm4b:s2+s29], $0x80, s26, s29, $0xb8;
	[tilespmem:$0xD000] =	vst v63  }
0x4d: {  	_ =	swait.ge @p0 [sflag:s31], $0x2800  }
0x4e: {  	s30 =	sadd.s32 @p0 $0xA0, s25;
	[sflag:s31] =	ssyncset.done @p0 $0x0  }
0x4f: {  	s26 =	simm.s32 @p0 $0x5800;
	s28 =	simm.s32 @p0 $0x9;
	[sflag:s31] =	ssyncadd.s32 @p0 $0xFFFFD800  }
0x50: {  	[tilespmem:s26], [sflag:$0x3] =	stream.indirect.gather @p0 [hbm4b:s2+s29], $0x80, s30, s29, $0xb8;
	[tilespmem:$0xD000] =	vst v63  }
0x51: {  	_ =	swait.ge @p0 [sflag:s28], $0x2800  }
0x52: {  	s25 =	sadd.s32 @p0 $0xF0, s25;
	[sflag:s28] =	ssyncset.done @p0 $0x0  }
0x53: {  	s26 =	simm.s32 @p0 $0x8000;
	[sflag:s28] =	ssyncadd.s32 @p0 $0xFFFFD800;
	s28 =	simm.s32 @p0 $0xA  }
0x54: {  	[tilespmem:s26], [sflag:$0x4] =	stream.indirect.gather @p0 [hbm4b:s2+s29], $0x80, s25, s29, $0xb8;
	[tilespmem:$0xD000] =	vst v63  }
0x55: {  	_ =	swait.ge @p0 [sflag:s28], $0x2800  }
0x56: {  	s25 =	simm.s32 @!p0 $0x800;
	[sflag:s28] =	ssyncset.done @p0 $0x0  }
0x57: {  	s26 =	sshra.s32 @!p0 s21, $0x2;
	[sflag:s28] =	ssyncadd.s32 @p0 $0xFFFFD800;
	s28 =	simm.s32 @!p0 $0x50  }
0x58: {  	[tilespmem:s25], [sflag:$0x1] =	stream.indirect.gather @!p0 [hbm4b:s2+s28], $0x80, s26, s28, $0xb8;
	[tilespmem:$0xD000] =	vst v63  }
0x59: {  	s29 =	simm.s32 @!p0 $0x3000;
	s25 =	sadd.s32 @!p0 $0x50, s26  }
0x5a: {  	[tilespmem:s29], [sflag:$0x2] =	stream.indirect.gather @!p0 [hbm4b:s2+s28], $0x80, s25, s28, $0xb8;
	[tilespmem:$0xD000] =	vst v63  }
0x5b: {  	s30 =	sadd.s32 @!p0 $0xF0, s26;
	s25 =	sadd.s32 @!p0 $0xA0, s26;
	s26 =	simm.s32 @!p0 $0x5800  }
0x5c: {  	[tilespmem:s26], [sflag:$0x3] =	stream.indirect.gather @!p0 [hbm4b:s2+s28], $0x80, s25, s28, $0xb8;
	[tilespmem:$0xD000] =	vst v63  }
0x5d: {  	s29 =	sshra.s32 s21, $0x2;
	s25 =	simm.s32 @!p0 $0x8000  }
0x5e: {  	[tilespmem:s25], [sflag:$0x4] =	stream.indirect.gather @!p0 [hbm4b:s2+s28], $0x80, s30, s28, $0xb8;
	[tilespmem:$0xD000] =	vst v63  }
0x5f: {  	s31 =	rddreg [dreg:$0x3];
	s29 =	sadd.s32 $0x140, s29  }
0x60: {  	[tilespmem:s8], [sflag:$0x5] =	stream.indirect.gather [hbm4b:s2+s31], $0x80, s29, s31, $0xb8;
	[tilespmem:$0xD000] =	vst v63  }
0x61: {  	_ =	swait.ge [sflag:s9], $0x2800  }
0x62: {  	[sflag:s9] =	ssyncset.done $0x0  }
0x63: {  	s31 =	sadd.s32 $0xFFFFEC00, s20;
	s30 =	rddreg [dreg:$0x4];
	[sflag:s9] =	ssyncadd.s32 $0xFFFFD800  }
0x64: {  	[hbm4b:s31+s3] =	stream.linear.scatter [tilespmem:s30], [sflag:$0x6], $0x2800, $0x38;
	[tilespmem:$0xD000] =	vst v63  }
0x65: {  	_ =	swait.ge [sflag:s10], $0x2800  }
0x66: {  	[sflag:s10] =	ssyncset.done $0x0  }
0x67: {  	s26 =	sadd.s32 $0xFFFFF100, s20;
	s25 =	rddreg [dreg:$0x5];
	[sflag:s10] =	ssyncadd.s32 $0xFFFFD800  }
0x68: {  	[hbm4b:s26+s3] =	stream.linear.scatter [tilespmem:s25], [sflag:$0x7], $0x2800, $0x38;
	[tilespmem:$0xD000] =	vst v63  }
0x69: {  	_ =	swait.ge [sflag:s11], $0x2800  }
0x6a: {  	s24 =	smov.u32 s22;
	s22 =	sadd.s32 $0x640, s22;
	[sflag:s11] =	ssyncset.done $0x0  }
0x6b: {  	s29 =	sadd.s32 $0xFFFFF600, s20;
	s28 =	rddreg [dreg:$0x6];
	[sflag:s11] =	ssyncadd.s32 $0xFFFFD800  }
0x6c: {  	[hbm4b:s29+s3] =	stream.linear.scatter [tilespmem:s28], [sflag:$0x8], $0x2800, $0x38;
	[tilespmem:$0xD000] =	vst v63  }
0x6d: {  	p1 =	sne.s32 s22, $0x1F40;
	_ =	swait.ge [sflag:s12], $0x2800  }
.Ltmp0:
0x6e: {  	[sflag:s12] =	ssyncset.done $0x0;
	(pc) =	sbr.rel @p1 .LBB2_2-.Ltmp0, $4  }
0x6f: {  	s31 =	sadd.s32 $0xFFFFFB00, s20;
	s30 =	rddreg [dreg:$0x7];
	[sflag:s12] =	ssyncadd.s32 $0xFFFFD800  }
0x70: {  	[hbm4b:s31+s3] =	stream.linear.scatter [tilespmem:s30], [sflag:$0x9], $0x2800, $0x38;
	[tilespmem:$0xD000] =	vst v63  }
0x71: {  	s23 =	smov.u32 s20;
	s21 =	smov.u32 s24;
	_ =	swait.ge [sflag:s13], $0x2800  }
0x72: {  	p0 =	sne.s32 s21, $0x0;
	s20 =	sadd.s32 $0x1900, s20;
	[sflag:s13] =	ssyncset.done $0x0  }
0x73: {  	s22 =	simm.s32 @p0 $0x6;
	[sflag:s13] =	ssyncadd.s32 $0xFFFFD800  }
0x74: {  	[hbm4b:s23+s3] =	stream.linear.scatter [tilespmem:s8], [sflag:$0xA], $0x2800, $0x38;
	[tilespmem:$0xD000] =	vst v63  }
0x75: {  	_ =	swait.ge @p0 [sflag:s22], $0x2800  }
0x76: {  	s24 =	simm.s32 @p0 $0x7;
	s25 =	simm.s32 @p0 $0x50;
	[sflag:s22] =	ssyncset.done @p0 $0x0  }
0x77: {  	s23 =	simm.s32 @p0 $0x800;
	[sflag:s22] =	ssyncadd.s32 @p0 $0xFFFFD800;
	s22 =	sshra.s32 @p0 s21, $0x2  }
0x78: {  	[tilespmem:s23], [sflag:$0x1] =	stream.indirect.gather @p0 [hbm4b:s2+s25], $0x80, s22, s25, $0xb8;
	[tilespmem:$0xD000] =	vst v63  }
0x79: {  	_ =	swait.ge @p0 [sflag:s24], $0x2800  }
0x7a: {  	s26 =	simm.s32 @p0 $0x8;
	[sflag:s24] =	ssyncset.done @p0 $0x0  }
0x7b: {  	s23 =	sadd.s32 @p0 $0x50, s22;
	[sflag:s24] =	ssyncadd.s32 @p0 $0xFFFFD800;
	s24 =	simm.s32 @p0 $0x3000  }
0x7c: {  	[tilespmem:s24], [sflag:$0x2] =	stream.indirect.gather @p0 [hbm4b:s2+s25], $0x80, s23, s25, $0xb8;
	[tilespmem:$0xD000] =	vst v63  }
0x7d: {  	_ =	swait.ge @p0 [sflag:s26], $0x2800  }
0x7e: {  	s23 =	sadd.s32 @p0 $0xA0, s22;
	[sflag:s26] =	ssyncset.done @p0 $0x0  }
0x7f: {  	s24 =	simm.s32 @p0 $0x5800;
	[sflag:s26] =	ssyncadd.s32 @p0 $0xFFFFD800;
	s26 =	simm.s32 @p0 $0x9  }
0x80: {  	[tilespmem:s24], [sflag:$0x3] =	stream.indirect.gather @p0 [hbm4b:s2+s25], $0x80, s23, s25, $0xb8;
	[tilespmem:$0xD000] =	vst v63  }
0x81: {  	_ =	swait.ge @p0 [sflag:s26], $0x2800  }
0x82: {  	s22 =	sadd.s32 @p0 $0xF0, s22;
	[sflag:s26] =	ssyncset.done @p0 $0x0  }
0x83: {  	s23 =	simm.s32 @p0 $0x8000;
	s24 =	simm.s32 @p0 $0xA;
	[sflag:s26] =	ssyncadd.s32 @p0 $0xFFFFD800  }
0x84: {  	[tilespmem:s23], [sflag:$0x4] =	stream.indirect.gather @p0 [hbm4b:s2+s25], $0x80, s22, s25, $0xb8;
	[tilespmem:$0xD000] =	vst v63  }
0x85: {  	_ =	swait.ge @p0 [sflag:s24], $0x2800  }
0x86: {  	s22 =	simm.s32 @!p0 $0x800;
	[sflag:s24] =	ssyncset.done @p0 $0x0  }
0x87: {  	s23 =	sshra.s32 @!p0 s21, $0x2;
	[sflag:s24] =	ssyncadd.s32 @p0 $0xFFFFD800;
	s24 =	simm.s32 @!p0 $0x50  }
0x88: {  	[tilespmem:s22], [sflag:$0x1] =	stream.indirect.gather @!p0 [hbm4b:s2+s24], $0x80, s23, s24, $0xb8;
	[tilespmem:$0xD000] =	vst v63  }
0x89: {  	s25 =	simm.s32 @!p0 $0x3000;
	s22 =	sadd.s32 @!p0 $0x50, s23  }
0x8a: {  	[tilespmem:s25], [sflag:$0x2] =	stream.indirect.gather @!p0 [hbm4b:s2+s24], $0x80, s22, s24, $0xb8;
	[tilespmem:$0xD000] =	vst v63  }
0x8b: {  	s22 =	sadd.s32 @!p0 $0xF0, s23;
	s23 =	sadd.s32 @!p0 $0xA0, s23;
	s25 =	simm.s32 @!p0 $0x5800  }
0x8c: {  	[tilespmem:s25], [sflag:$0x3] =	stream.indirect.gather @!p0 [hbm4b:s2+s24], $0x80, s23, s24, $0xb8;
	[tilespmem:$0xD000] =	vst v63  }
0x8d: {  	s30 =	sshra.s32 s21, $0x2;
	s23 =	simm.s32 @!p0 $0x8000  }
0x8e: {  	[tilespmem:s23], [sflag:$0x4] =	stream.indirect.gather @!p0 [hbm4b:s2+s24], $0x80, s22, s24, $0xb8;
	[tilespmem:$0xD000] =	vst v63  }
0x8f: {  	s21 =	sadd.s32 $0x140, s30;
	s31 =	rddreg [dreg:$0x3]  }
0x90: {  	[tilespmem:s8], [sflag:$0x5] =	stream.indirect.gather [hbm4b:s2+s31], $0x80, s21, s31, $0xb8;
	[tilespmem:$0xD000] =	vst v63  }
0x91: {  	_ =	swait.ge [sflag:s9], $0x2800  }
0x92: {  	[sflag:s9] =	ssyncset.done $0x0  }
0x93: {  	s24 =	sadd.s32 $0xFFFFEC00, s20;
	s23 =	rddreg [dreg:$0x4];
	[sflag:s9] =	ssyncadd.s32 $0xFFFFD800  }
0x94: {  	[hbm4b:s24+s3] =	stream.linear.scatter [tilespmem:s23], [sflag:$0x6], $0x2800, $0x38;
	[tilespmem:$0xD000] =	vst v63  }
0x95: {  	_ =	swait.ge [sflag:s10], $0x2800  }
0x96: {  	[sflag:s10] =	ssyncset.done $0x0  }
0x97: {  	s26 =	sadd.s32 $0xFFFFF100, s20;
	s25 =	rddreg [dreg:$0x5];
	[sflag:s10] =	ssyncadd.s32 $0xFFFFD800  }
0x98: {  	[hbm4b:s26+s3] =	stream.linear.scatter [tilespmem:s25], [sflag:$0x7], $0x2800, $0x38;
	[tilespmem:$0xD000] =	vst v63  }
0x99: {  	_ =	swait.ge [sflag:s11], $0x2800  }
0x9a: {  	[sflag:s11] =	ssyncset.done $0x0  }
0x9b: {  	s29 =	sadd.s32 $0xFFFFF600, s20;
	s28 =	rddreg [dreg:$0x6];
	[sflag:s11] =	ssyncadd.s32 $0xFFFFD800  }
0x9c: {  	[hbm4b:s29+s3] =	stream.linear.scatter [tilespmem:s28], [sflag:$0x8], $0x2800, $0x38;
	[tilespmem:$0xD000] =	vst v63  }
0x9d: {  	_ =	swait.ge [sflag:s12], $0x2800  }
0x9e: {  	[sflag:s12] =	ssyncset.done $0x0  }
0x9f: {  	s31 =	sadd.s32 $0xFFFFFB00, s20;
	s30 =	rddreg [dreg:$0x7];
	[sflag:s12] =	ssyncadd.s32 $0xFFFFD800  }
0xa0: {  	[hbm4b:s31+s3] =	stream.linear.scatter [tilespmem:s30], [sflag:$0x9], $0x2800, $0x38;
	[tilespmem:$0xD000] =	vst v63  }
0xa1: {  	_ =	swait.ge [sflag:s13], $0x2800  }
0xa2: {  	[sflag:s13] =	ssyncset.done $0x0  }
0xa3: {  	[sflag:s13] =	ssyncadd.s32 $0xFFFFD800  }
0xa4: {  	[hbm4b:s20+s3] =	stream.linear.scatter [tilespmem:s8], [sflag:$0xA], $0x2800, $0x38;
	[tilespmem:$0xD000] =	vst v63  }
0xa5: {  	_ =	swait.ge [sflag:s14], $0x2800  }
0xa6: {  	[sflag:s14] =	ssyncset.done $0x0  }
0xa7: {  	[sflag:s14] =	ssyncadd.s32 $0xFFFFD800  }
0xa8: {  	_ =	swait.ge [sflag:s15], $0x2800  }
0xa9: {  	[sflag:s15] =	ssyncset.done $0x0  }
0xaa: {  	[sflag:s15] =	ssyncadd.s32 $0xFFFFD800  }
0xab: {  	_ =	swait.ge [sflag:s16], $0x2800  }
0xac: {  	[sflag:s16] =	ssyncset.done $0x0  }
0xad: {  	s19 =	sadd.s32 $0x1, s19;
	[sflag:s16] =	ssyncadd.s32 $0xFFFFD800  }
0xae: {  	p0 =	sne.s32 s19, s5;
	_ =	swait.ge [sflag:s17], $0x2800  }
.Ltmp1:
0xaf: {  	[sflag:s17] =	ssyncset.done $0x0;
	(pc) =	sbr.rel @p0 .LBB2_1-.Ltmp1, $4  }
0xb0: {  	[sflag:s17] =	ssyncadd.s32 $0xFFFFD800  }
0xb1: {  	_ =	swait.ge [sflag:s18], $0x2800  }
0xb2: {  	[sflag:s18] =	ssyncset.done $0x0  }
0xb3: {  	[sflag:s18] =	ssyncadd.s32 $0xFFFFD800  }
0xb4: {  	_ =	sfence.sel $0x180000  }
0xb5: {  	[bflag:$0x0] =	sbarrier.arrive $0xFFFF  }
0xb6: {  	p0 =	sne.s32 s0, $0x0;
	_ =	strace $0x90000047  }
0xb7: {  	s0 =	sadd.s32 @!p0 $0x100000, s1;
	[bflag:$0x2] =	sbarrier.arrive $0xFFFF  }
0xb8: {  	[sflag:s0] =	ssyncadd.tile.s32 @!p0 $0x1;
	_ =	shalt  }
.Lfunc_end2:
_tile_overlayer_lowered:
.L_overlay_start_2:
0xb9: {  	(tag) =	ssettag $0x2  }
0xba: {  	s0 =	rddreg [dreg:$0x0];
	s2 =	stileid.u32  }
0xbb: {  	s1 =	rddreg [dreg:$0x1];
	p0 =	sne.s32 s2, $0x0  }
0xbc: {  	s3 =	rddreg [dreg:$0x2];
	[bflag:$0x3] =	sbarrier.arrive $0xFFFF;
	s2 =	simm.s32 @!p0 $0x1C0B  }
0xbd: {  	[timem:s3], [sflag:s2] =	dma.local @!p0 [hbm:s0], s1  }
0xbe: {  	s0 =	simm.s32 @!p0 $0xB  }
0xbf: {  	_ =	swait.ge @!p0 [sflag:s0], s1  }
0xc0: {  	s1 =	ssub.s32 @!p0 $0x0, s1;
	[sflag:s0] =	ssyncset.done @!p0 $0x0  }
0xc1: {  	[sflag:s0] =	ssyncadd.s32 @!p0 s1  }
0xc2: {  	[bflag:$0x3] =	sbarrier.arrive $0xFFFF  }
0xc3: {  	_ =	shalt  }

// kernel: kernel.14.cloned.1.call-start
scs
__scs_entry_jumppad:
0x0: {  	(pc) =	sbr.rel $0x88, $3  }
0x1: {  	(tag) =	ssettag $0x0;
	lr =	simm.s32 $0x1  }
0x2: {  	[smem:$0x3F9A] =	sst lr;
	_ =	strace $0xD0000000  }
0x3: {  	_ = 	snop  }
0x4: {  	_ = 	snop  }
0x5: {  	_ = 	snop  }
0x6: {  	_ = 	snop  }
0x7: {  	_ = 	snop  }
__scs_overlays_trampoline_lowered:
0x8: {  	[smem:$0x3FA9] =	sst s0  }
0x9: {  	[smem:$0x3FAA] =	sst s1  }
0xa: {  	[smem:$0x3FAB] =	sst s2  }
0xb: {  	[smem:$0x3FAC] =	sst s3  }
0xc: {  	[smem:$0x3FAD] =	sst s4  }
0xd: {  	[smem:$0x3FAE] =	sst s5  }
0xe: {  	[smem:$0x3FAF] =	sst s6  }
0xf: {  	[smem:$0x3FB0] =	sst s7  }
0x10: {  	[smem:$0x3FB1] =	sst s8  }
0x11: {  	[smem:$0x3FB2] =	sst s9;
	s0 =	simm.s32 @!p0 $0x0  }
0x12: {  	s1 =	sld [smem:$0x3F98];
	s0 =	simm.s32 @p0 $0x1  }
0x13: {  	[smem:$0x3FB3] =	sst s0;
	s0 =	simm.s32 @!p1 $0x0  }
0x14: {  	s2 =	sld [smem:$0x3F97];
	s0 =	simm.s32 @p1 $0x1  }
0x15: {  	[smem:$0x3FB4] =	sst s0;
	s0 =	simm.s32 @!p2 $0x0  }
0x16: {  	s3 =	sld [smem:$0x3FDB];
	s0 =	simm.s32 @p2 $0x1  }
0x17: {  	s4 =	simm.s32 $0x1BF5;
	[smem:$0x3FB6] =	sst s0  }
0x18: {  	s0 =	sld [smem:$0x3F99];
	_ =	swait.ge [sflag:s4], $0x0  }
0x19: {  	s7 =	sld [smem:$0x3F9A]  }
0x1a: {  	s8 =	sadd.s32 $0xFFFFE003, lr  }
0x1b: {  	s9 =	sadd.s32 $0xFFFFFEF7, lr;
	s5 =	simm.s32 $0xFFFFFFFF;
	p2 =	slt.u32 s8, $0xFFFFF086  }
0x1c: {  	p1 =	slt.u32 s9, $0xF7A;
	s5 =	simm.s32 @!p2 $0x0  }
0x1d: {  	s5 =	simm.s32 @p1 $0x1;
	p0 =	seq.s32 s7, s2  }
0x1e: {  	s7 =	smul.u32 @!p0 $0xF7A, s2;
	p2 =	seq.s32 @!p0 s5, $0x0  }
0x1f: {  	s9 =	smul.u32 $0xF7A, s1;
	s8 =	simm.s32 @!p0 $0x1BF5;
	p2 =	por !p2, p0  }
0x20: {  	[sflag:s8] =	ssyncset.s32 @!p0 $0xFFFFF086;
	s6 =	sadd.s32 @!p0 s3, s7;
	s7 =	simm.s32 @!p0 $0x108  }
0x21: {  	s3 =	sadd.s32 s3, s9;
	s6 =	sadd.s32 @!p0 $0x88, s6;
	s7 =	simm.s32 @p2 $0x1082  }
0x22: {  	[simem:s7], [sflag:s8] =	dma.local @!p0 [hbm:s6], $0xF7A  }
0x23: {  	s9 =	sor.u32 $0xD0000000, s2;
	s6 =	simm.s32 $0x108;
	_ =	swait.ge @!p0 [sflag:s8], $0x0  }
0x24: {  	s3 =	sadd.s32 $0x88, s3;
	s6 =	simm.s32 @!p1 $0x1082;
	[sflag:s4] =	ssyncset.s32 $0xFFFFF086  }
0x25: {  	[simem:s6], [sflag:s4] =	dma.local [hbm:s3], $0xF7A  }
0x26: {  	[smem:$0x3F9A] =	sst s1;
	(tag) =	ssettag s2;
	_ =	strace s9  }
0x27: {  	s1 =	sld [smem:$0x3FAA]  }
0x28: {  	s2 =	sld [smem:$0x3FAB]  }
0x29: {  	s4 =	sld [smem:$0x3FAD]  }
0x2a: {  	p0 =	seq.s32 s5, $0x0;
	s5 =	sld [smem:$0x3FAE]  }
0x2b: {  	s6 =	sld [smem:$0x3FAF]  }
0x2c: {  	s7 =	sld [smem:$0x3FB0]  }
0x2d: {  	s3 =	simm.s32 $0x108;
	s8 =	sld [smem:$0x3FB1]  }
0x2e: {  	s3 =	simm.s32 @!p0 $0x1082;
	s9 =	sld [smem:$0x3FB2]  }
0x2f: {  	lr =	sadd.s32 s0, s3;
	s0 =	sld [smem:$0x3FA9]  }
0x30: {  	s3 =	sld [smem:$0x3FAC]  }
0x31: {  	[smem:$0x3FB5] =	sst s10  }
0x32: {  	s10 =	sld [smem:$0x3FB3];
	_ =	sdelay $0x3  }
0x33: {  	p0 =	seq.s32 s10, $0x1;
	s10 =	sld [smem:$0x3FB5];
	_ =	sdelay $0x3  }
0x34: {  	[smem:$0x3FB5] =	sst s10  }
0x35: {  	s10 =	sld [smem:$0x3FB4];
	_ =	sdelay $0x3  }
0x36: {  	p1 =	seq.s32 s10, $0x1;
	s10 =	sld [smem:$0x3FB5];
	_ =	sdelay $0x3  }
0x37: {  	[smem:$0x3FB5] =	sst s10  }
0x38: {  	s10 =	sld [smem:$0x3FB6]  }
0x39: {  	_ = 	snop;
	(pc) =	sbr.ind lr, $3  }
0x3a: {  	_ = 	snop  }
0x3b: {  	_ = 	snop  }
0x3c: {  	p2 =	seq.s32 s10, $0x1;
	s10 =	sld [smem:$0x3FB5]  }
0x3d: {  	_ =	shalt  }
0x3e: {  	_ =	shalt  }
0x3f: {  	_ =	shalt  }
0x40: {  	_ =	shalt  }
0x41: {  	_ =	shalt  }
0x42: {  	_ =	shalt  }
0x43: {  	_ =	shalt  }
0x44: {  	_ =	shalt  }
0x45: {  	_ =	shalt  }
0x46: {  	_ =	shalt  }
0x47: {  	_ =	shalt  }
0x48: {  	_ =	shalt  }
0x49: {  	_ =	shalt  }
0x4a: {  	_ =	shalt  }
0x4b: {  	_ =	shalt  }
0x4c: {  	_ =	shalt  }
0x4d: {  	_ =	shalt  }
0x4e: {  	_ =	shalt  }
0x4f: {  	_ =	shalt  }
0x50: {  	_ =	shalt  }
0x51: {  	_ =	shalt  }
0x52: {  	_ =	shalt  }
0x53: {  	_ =	shalt  }
0x54: {  	_ =	shalt  }
0x55: {  	_ =	shalt  }
0x56: {  	_ =	shalt  }
0x57: {  	_ =	shalt  }
0x58: {  	_ =	shalt  }
0x59: {  	_ =	shalt  }
0x5a: {  	_ =	shalt  }
0x5b: {  	_ =	shalt  }
0x5c: {  	_ =	shalt  }
0x5d: {  	_ =	shalt  }
0x5e: {  	_ =	shalt  }
0x5f: {  	_ =	shalt  }
0x60: {  	_ =	shalt  }
0x61: {  	_ =	shalt  }
0x62: {  	_ =	shalt  }
0x63: {  	_ =	shalt  }
0x64: {  	_ =	shalt  }
0x65: {  	_ =	shalt  }
0x66: {  	_ =	shalt  }
0x67: {  	_ =	shalt  }
0x68: {  	_ =	shalt  }
0x69: {  	_ =	shalt  }
0x6a: {  	_ =	shalt  }
0x6b: {  	_ =	shalt  }
0x6c: {  	_ =	shalt  }
0x6d: {  	_ =	shalt  }
0x6e: {  	_ =	shalt  }
0x6f: {  	_ =	shalt  }
0x70: {  	_ =	shalt  }
0x71: {  	_ =	shalt  }
0x72: {  	_ =	shalt  }
0x73: {  	_ =	shalt  }
0x74: {  	_ =	shalt  }
0x75: {  	_ =	shalt  }
0x76: {  	_ =	shalt  }
0x77: {  	_ =	shalt  }
0x78: {  	_ =	shalt  }
0x79: {  	_ =	shalt  }
0x7a: {  	_ =	shalt  }
0x7b: {  	_ =	shalt  }
0x7c: {  	_ =	shalt  }
0x7d: {  	_ =	shalt  }
0x7e: {  	_ =	shalt  }
0x7f: {  	_ =	shalt  }
0x80: {  	_ =	shalt  }
0x81: {  	_ =	shalt  }
0x82: {  	_ =	shalt  }
0x83: {  	_ =	shalt  }
0x84: {  	_ =	shalt  }
0x85: {  	_ =	shalt  }
0x86: {  	_ =	shalt  }
0x87: {  	_ =	shalt  }
.Lfunc_end0:
.L_simem_size_0:
called_computation.1_lowered:
.L_overlay_start_0:
0x88: {  	s2 =	sld [smem:$0x3FD9]  }
0x89: {  	s3 =	sld [smem:$0x3FFE];
	_ =	sdelay $0x1  }
0x8a: {  	s1 =	srdreg.scid  }
0x8b: {  	s0 =	sand.u32 $0x1, s1  }
0x8c: {  	s15 =	sshll.u32 s0, $0xA;
	s2 =	sadd.s32 s3, s2  }
0x8d: {  	s2 =	sadd.s32 s2, s15  }
0x8e: {  	[smem:$0x3FC1] =	sst s2  }
0x8f: {  	_ = 	snop  }
0x90: {  	s2 =	sld [smem:$0x3FD0];
	_ =	sdelay $0x2  }
0x91: {  	s16 =	simm.s32 $0xC;
	s4 =	simm.s32 $0x10  }
0x92: {  	[smem:s4], [sflag:s16] =	dma.local [hbm:s2], $0x1  }
0x93: {  	_ =	swait.eq [sflag:s16], $0x1  }
0x94: {  	[sflag:s16] =	ssyncset.done $0x0  }
0x95: {  	[sflag:s16] =	ssyncadd.s32 $0xFFFFFFFF  }
0x96: {  	s17 =	sld [smem:$0x10];
	(tm) =	ssettm $0x1  }
0x97: {  	s18 =	sld [smem:$0x3FFB];
	_ =	sdelay $0x3  }
0x98: {  	_ =	strace s18  }
0x99: {  	s2 =	sld [smem:$0x3FFC];
	_ =	sdelay $0x3  }
0x9a: {  	_ =	strace s2  }
0x9b: {  	s2 =	sld [smem:$0x3FFD];
	_ =	sdelay $0x3  }
0x9c: {  	_ =	strace s2  }
0x9d: {  	_ =	strace $0x8FFFFFFF  }
0x9e: {  	s19 =	sld [smem:$0x3FDB];
	_ =	sdelay $0x1  }
0x9f: {  	s20 =	simm.s32 $_scs_section_size  }
0xa0: {  	s5 =	simm.s32 $_size__tile_overlayer_lowered;
	s6 =	simm.s32 $_tile_overlayer_lowered  }
0xa1: {  	s7 =	simm.s32 $0x1BFF;
	s21 =	sshll.u32 s6, $0x1;
	s4 =	sadd.s32 s20, s19  }
0xa2: {  	s22 =	simm.s32 $0x0;
	s5 =	sshll.u32 s5, $0x1;
	s6 =	sadd.s32 s21, s4  }
0xa3: {  	[timem:s22], [sflag:s7] =	dma.local [hbm:s6], s5  }
0xa4: {  	_ =	swait.ge [sflag:s7], s5  }
0xa5: {  	s5 =	ssub.s32 $0x0, s5;
	[sflag:s7] =	ssyncset.done $0x0  }
0xa6: {  	[sflag:s7] =	ssyncadd.s32 s5;
	_ =	sdelay $0x1  }
0xa7: {  	s23 =	simm.s32 $0x1B8B  }
0xa8: {  	_ =	swait.ge [sflag:s23], $0x1  }
0xa9: {  	[sflag:s23] =	ssyncset.done $0x0  }
0xaa: {  	[sflag:s23] =	ssyncadd.s32 $0xFFFFFFFF  }
0xab: {  	s5 =	sld [smem:$0x0]  }
0xac: {  	s6 =	sand.u32 $0xFFFFFFFE, s1  }
0xad: {  	p0 =	sne.s32 s1, s6  }
0xae: {  	s6 =	sshll.u32 @p0 s6, $0xE  }
0xaf: {  	s6 =	sadd.s32 @p0 $0x11B8D, s6;
	s7 =	sshll.u32 @p0 s5, $0x11  }
0xb0: {  	s6 =	sor.u32 @p0 s7, s6  }
0xb1: {  	[sflag:s6] =	ssyncadd.remote.s32 @p0 $0x1;
	_ =	sdelay $0x1  }
0xb2: {  	s6 =	simm.s32 @p0 $0x1B8D  }
0xb3: {  	_ =	swait.eq @p0 [sflag:s6], $0x1  }
0xb4: {  	[sflag:s6] =	ssyncadd.s32 @p0 $0xFFFFFFFF  }
0xb5: {  	s7 =	sshll.u32 @!p0 s1, $0xE  }
0xb6: {  	s7 =	sor.u32 @!p0 $0x4000, s7;
	s6 =	simm.s32 @!p0 $0x1B8D  }
0xb7: {  	s5 =	sshll.u32 @!p0 s5, $0x11;
	s7 =	sadd.s32 @!p0 $0x11B8D, s7;
	_ =	swait.eq @!p0 [sflag:s6], $0x1  }
0xb8: {  	s5 =	sor.u32 @!p0 s5, s7;
	[sflag:s6] =	ssyncadd.s32 @!p0 $0xFFFFFFFF  }
0xb9: {  	s25 =	simm.s32 $0x1B8E;
	s24 =	sld [smem:$0x3FFE];
	[sflag:s5] =	ssyncadd.remote.s32 @!p0 $0x1  }
0xba: {  	s26 =	simm.s32 $execute0_lowered;
	[smem:$0x3FD2] =	sst s25  }
0xbb: {  	s6 =	sshll.u32 s26, $0x1;
	_ =	strace $0x80000049;
	[dreg:$0x1] =	wrdreg $0xFFFFFFFF  }
0xbc: {  	s28 =	simm.s32 $_size_execute0_lowered;
	s4 =	sadd.s32 s4, s6;
	[dreg:$0x0] =	wrdreg $0x0  }
0xbd: {  	s6 =	sshll.u32 s28, $0x1;
	[dreg:$0x2] =	wrdreg s4  }
0xbe: {  	[dreg:$0x3] =	wrdreg s6  }
0xbf: {  	[dreg:$0x4] =	wrdreg $0xC0  }
0xc0: {  	_ =	task [dreg:s22], $0x5FFFF  }
0xc1: {  	[dreg:$0x1] =	wrdreg $0xFFFFFFFF  }
0xc2: {  	[dreg:$0x0] =	wrdreg $0x60  }
0xc3: {  	[dreg:$0x2] =	wrdreg s17  }
0xc4: {  	[dreg:$0x3] =	wrdreg s24  }
0xc5: {  	[dreg:$0x4] =	wrdreg $0xA  }
0xc6: {  	_ =	task.clear_ibuf [dreg:s22], $0x5FFFF;
	_ =	strace $0x90000049  }
0xc7: {  	s29 =	simm.s32 $0xA;
	_ =	strace $0x8000004B  }
0xc8: {  	_ =	swait.ge [sflag:s29], $0x1  }
0xc9: {  	[sflag:s29] =	ssyncadd.s32 $0xFFFFFFFF  }
0xca: {  	_ =	strace $0x9000004B  }
0xcb: {  	_ =	sfence  }
0xcc: {  	s30 =	sld [smem:$0x0];
	_ =	sdelay $0x2  }
0xcd: {  	s31 =	sshll.u32 s1, $0xD;
	s1 =	sshrl.u32 s1, $0x2  }
0xce: {  	s4 =	sand.u32 $0x4000, s31;
	s1 =	sadd.s32 s1, s30  }
0xcf: {  	s0 =	sor.u32 s4, s0;
	s1 =	sshll.u32 s1, $0x11  }
0xd0: {  	s0 =	sor.u32 s1, s0  }
0xd1: {  	s0 =	sadd.s32 $0x8F2B, s0  }
0xd2: {  	[sflag:s0] =	ssyncadd.remote.s32 $0x1  }
0xd3: {  	_ =	sfence.sel $0xFFFF  }
0xd4: {  	[dreg:$0x0] =	wrdreg $0xFFFFFFFF;
	(pc) =	sbr.abs _section_cstart, $3  }
0xd5: {  	[dreg:$0x1] =	wrdreg $0xFFFFFFFF  }
0xd6: {  	_ =	task.clear_ibuf [dreg:s22], $0x2FFFF;
	_ =	strace $0x9FFFFFFF  }
0xd7: {  	(tm) =	ssettm $0x7FFFFFFF  }
tec
execute0_lowered:
.L_overlay_start_1:
0x0: {  	(tag) =	ssettag $0x1  }
0x1: {  	s2 =	rddreg [dreg:$0x0];
	s0 =	stileid.u32  }
0x2: {  	s1 =	srdreg.scid;
	s4 =	rddreg [dreg:$0x1];
	s3 =	simm.s32 $0x0  }
0x3: {  	s30 =	simm.s32 $0x50;
	s31 =	simm.s32 $0x1000;
	s11 =	simm.s32 $0x3800  }
0x4: {  	s12 =	simm.s32 $0x6000;
	s13 =	simm.s32 $0x8800;
	s14 =	simm.s32 $0x6  }
0x5: {  	s15 =	simm.s32 $0x7;
	s5 =	sand.u32 $0x1, s1;
	s1 =	rddreg [dreg:$0x2]  }
0x6: {  	s16 =	simm.s32 $0x8;
	s17 =	simm.s32 $0x9;
	[smem:$0x7FF] =	sst s3  }
0x7: {  	s18 =	simm.s32 $0xA;
	_ =	strace $0x8000004A;
	[dreg:$0x3] =	wrdreg s30  }
0x8: {  	s19 =	simm.s32 $0x0;
	s6 =	sshll.u32 s0, $0x1;
	[dreg:$0x4] =	wrdreg s31  }
0x9: {  	s7 =	smul.u32 $0x1F400, s0;
	s6 =	sor.u32 s5, s6;
	[dreg:$0x5] =	wrdreg s11  }
0xa: {  	s8 =	ssub.s32 $0x2, s5;
	s10 =	smul.u32 $0xFA00, s5;
	[dreg:$0x6] =	wrdreg s12  }
0xb: {  	s11 =	simm.s32 $0x3;
	s12 =	simm.s32 $0x4;
	[dreg:$0x7] =	wrdreg s13  }
0xc: {  	s6 =	smul.u32 $0xFA0, s6;
	s9 =	sshrl.u32 s8, $0x1;
	s7 =	sadd.s32 s7, s4  }
0xd: {  	s13 =	simm.s32 $0x5;
	s28 =	ssub.s32 s8, s9;
	s29 =	sadd.s32 s10, s7  }
0xe: {  	s7 =	simm.s32 $0xB;
	s8 =	simm.s32 $0xB000;
	s6 =	sshrl.u32 s6, $0x3  }
0xf: {  	s9 =	simm.s32 $0x1;
	s10 =	simm.s32 $0x2;
	s4 =	sadd.s32 s4, s6  }
0x10: {  	s5 =	smax.u32 s28, $0x1;
	s6 =	sadd.s32 $0x112400, s29;
	s4 =	sadd.s32 $0x4B40, s4  }
.LBB2_1:
0x11: {  	[tilespmem:s3], [sflag:$0xB] =	stream.linear.gather [hbm4b:s4+s3], $0xFA0, $0x38;
	[tilespmem:$0xD800] =	vst v63  }
0x12: {  	_ =	swait.ge [sflag:s7], $0xFA0  }
0x13: {  	p0 =	por $0x0, $0x0;
	[sflag:s7] =	ssyncset.done $0x0  }
0x14: {  	s20 =	simm.s32 @p0 $0x6;
	[sflag:s7] =	ssyncadd.s32 $0xFFFFF060  }
0x15: {  	_ =	swait.ge @p0 [sflag:s20], $0x2800  }
0x16: {  	s21 =	simm.s32 @p0 $0x1000;
	s22 =	simm.s32 @p0 $0x7;
	[sflag:s20] =	ssyncset.done @p0 $0x0  }
0x17: {  	s23 =	simm.s32 @p0 $0x50;
	[sflag:s20] =	ssyncadd.s32 @p0 $0xFFFFD800;
	s20 =	simm.s32 @p0 $0x0  }
0x18: {  	[tilespmem:s21], [sflag:$0x1] =	stream.indirect.gather @p0 [hbm4b:s2+s23], $0x80, s20, s23, $0xb8;
	[tilespmem:$0xD800] =	vst v63  }
0x19: {  	_ =	swait.ge @p0 [sflag:s22], $0x2800  }
0x1a: {  	s20 =	simm.s32 @p0 $0x50;
	[sflag:s22] =	ssyncset.done @p0 $0x0  }
0x1b: {  	s21 =	simm.s32 @p0 $0x3800;
	[sflag:s22] =	ssyncadd.s32 @p0 $0xFFFFD800;
	s22 =	simm.s32 @p0 $0x8  }
0x1c: {  	[tilespmem:s21], [sflag:$0x2] =	stream.indirect.gather @p0 [hbm4b:s2+s23], $0x80, s20, s23, $0xb8;
	[tilespmem:$0xD800] =	vst v63  }
0x1d: {  	_ =	swait.ge @p0 [sflag:s22], $0x2800  }
0x1e: {  	s20 =	simm.s32 @p0 $0xA0;
	[sflag:s22] =	ssyncset.done @p0 $0x0  }
0x1f: {  	s21 =	simm.s32 @p0 $0x6000;
	[sflag:s22] =	ssyncadd.s32 @p0 $0xFFFFD800;
	s22 =	simm.s32 @p0 $0x9  }
0x20: {  	[tilespmem:s21], [sflag:$0x3] =	stream.indirect.gather @p0 [hbm4b:s2+s23], $0x80, s20, s23, $0xb8;
	[tilespmem:$0xD800] =	vst v63  }
0x21: {  	_ =	swait.ge @p0 [sflag:s22], $0x2800  }
0x22: {  	s20 =	simm.s32 @p0 $0xF0;
	[sflag:s22] =	ssyncset.done @p0 $0x0  }
0x23: {  	s21 =	simm.s32 @p0 $0x8800;
	[sflag:s22] =	ssyncadd.s32 @p0 $0xFFFFD800;
	s22 =	simm.s32 @p0 $0xA  }
0x24: {  	[tilespmem:s21], [sflag:$0x4] =	stream.indirect.gather @p0 [hbm4b:s2+s23], $0x80, s20, s23, $0xb8;
	[tilespmem:$0xD800] =	vst v63  }
0x25: {  	_ =	swait.ge @p0 [sflag:s22], $0x2800  }
0x26: {  	s20 =	simm.s32 @!p0 $0x1000;
	[sflag:s22] =	ssyncset.done @p0 $0x0  }
0x27: {  	s21 =	simm.s32 @!p0 $0x0;
	[sflag:s22] =	ssyncadd.s32 @p0 $0xFFFFD800;
	s22 =	simm.s32 @!p0 $0x50  }
0x28: {  	[tilespmem:s20], [sflag:$0x1] =	stream.indirect.gather @!p0 [hbm4b:s2+s22], $0x80, s21, s22, $0xb8;
	[tilespmem:$0xD800] =	vst v63  }
0x29: {  	s20 =	simm.s32 @!p0 $0x50;
	s21 =	simm.s32 @!p0 $0x3800  }
0x2a: {  	[tilespmem:s21], [sflag:$0x2] =	stream.indirect.gather @!p0 [hbm4b:s2+s22], $0x80, s20, s22, $0xb8;
	[tilespmem:$0xD800] =	vst v63  }
0x2b: {  	s20 =	simm.s32 @!p0 $0xA0;
	s21 =	simm.s32 @!p0 $0x6000  }
0x2c: {  	[tilespmem:s21], [sflag:$0x3] =	stream.indirect.gather @!p0 [hbm4b:s2+s22], $0x80, s20, s22, $0xb8;
	[tilespmem:$0xD800] =	vst v63  }
0x2d: {  	s20 =	simm.s32 @!p0 $0xF0;
	s21 =	simm.s32 @!p0 $0x8800  }
0x2e: {  	[tilespmem:s21], [sflag:$0x4] =	stream.indirect.gather @!p0 [hbm4b:s2+s22], $0x80, s20, s22, $0xb8;
	[tilespmem:$0xD800] =	vst v63  }
0x2f: {  	s31 =	rddreg [dreg:$0x3];
	s22 =	simm.s32 $0x140  }
0x30: {  	[tilespmem:s8], [sflag:$0x5] =	stream.indirect.gather [hbm4b:s2+s31], $0x80, s22, s31, $0xb8;
	[tilespmem:$0xD800] =	vst v63  }
0x31: {  	_ =	swait.ge [sflag:s9], $0x2800  }
0x32: {  	[sflag:s9] =	ssyncset.done $0x0  }
0x33: {  	s24 =	sadd.s32 $0xFFFFEC00, s6;
	s23 =	rddreg [dreg:$0x4];
	[sflag:s9] =	ssyncadd.s32 $0xFFFFD800  }
0x34: {  	[hbm4b:s24+s3] =	stream.linear.scatter [tilespmem:s23], [sflag:$0x6], $0x2800, $0x38;
	[tilespmem:$0xD800] =	vst v63  }
0x35: {  	_ =	swait.ge [sflag:s10], $0x2800  }
0x36: {  	[sflag:s10] =	ssyncset.done $0x0  }
0x37: {  	s26 =	sadd.s32 $0xFFFFF100, s6;
	s25 =	rddreg [dreg:$0x5];
	[sflag:s10] =	ssyncadd.s32 $0xFFFFD800  }
0x38: {  	[hbm4b:s26+s3] =	stream.linear.scatter [tilespmem:s25], [sflag:$0x7], $0x2800, $0x38;
	[tilespmem:$0xD800] =	vst v63  }
0x39: {  	_ =	swait.ge [sflag:s11], $0x2800  }
0x3a: {  	[sflag:s11] =	ssyncset.done $0x0  }
0x3b: {  	s29 =	sadd.s32 $0xFFFFF600, s6;
	s28 =	rddreg [dreg:$0x6];
	[sflag:s11] =	ssyncadd.s32 $0xFFFFD800  }
0x3c: {  	[hbm4b:s29+s3] =	stream.linear.scatter [tilespmem:s28], [sflag:$0x8], $0x2800, $0x38;
	[tilespmem:$0xD800] =	vst v63  }
0x3d: {  	_ =	swait.ge [sflag:s12], $0x2800  }
0x3e: {  	s21 =	simm.s32 $0x640;
	[sflag:s12] =	ssyncset.done $0x0  }
0x3f: {  	s31 =	sadd.s32 $0xFFFFFB00, s6;
	s30 =	rddreg [dreg:$0x7];
	[sflag:s12] =	ssyncadd.s32 $0xFFFFD800  }
0x40: {  	[hbm4b:s31+s3] =	stream.linear.scatter [tilespmem:s30], [sflag:$0x9], $0x2800, $0x38;
	[tilespmem:$0xD800] =	vst v63  }
0x41: {  	p0 =	por $0x1, $0x1;
	s20 =	sadd.s32 $0x1900, s6;
	_ =	swait.ge [sflag:s13], $0x2800  }
0x42: {  	s22 =	simm.s32 $0xC80;
	s23 =	smov.u32 s6;
	[sflag:s13] =	ssyncset.done $0x0  }
.LBB2_2:
0x43: {  	s25 =	simm.s32 @p0 $0x6;
	[sflag:s13] =	ssyncadd.s32 $0xFFFFD800  }
0x44: {  	[hbm4b:s23+s3] =	stream.linear.scatter [tilespmem:s8], [sflag:$0xA], $0x2800, $0x38;
	[tilespmem:$0xD800] =	vst v63  }
0x45: {  	_ =	swait.ge @p0 [sflag:s25], $0x2800  }
0x46: {  	s26 =	simm.s32 @p0 $0x1000;
	s28 =	simm.s32 @p0 $0x7;
	[sflag:s25] =	ssyncset.done @p0 $0x0  }
0x47: {  	s29 =	simm.s32 @p0 $0x50;
	[sflag:s25] =	ssyncadd.s32 @p0 $0xFFFFD800;
	s25 =	sshra.s32 @p0 s21, $0x2  }
0x48: {  	[tilespmem:s26], [sflag:$0x1] =	stream.indirect.gather @p0 [hbm4b:s2+s29], $0x80, s25, s29, $0xb8;
	[tilespmem:$0xD800] =	vst v63  }
0x49: {  	_ =	swait.ge @p0 [sflag:s28], $0x2800  }
0x4a: {  	s31 =	simm.s32 @p0 $0x8;
	[sflag:s28] =	ssyncset.done @p0 $0x0  }
0x4b: {  	s26 =	sadd.s32 @p0 $0x50, s25;
	[sflag:s28] =	ssyncadd.s32 @p0 $0xFFFFD800;
	s28 =	simm.s32 @p0 $0x3800  }
0x4c: {  	[tilespmem:s28], [sflag:$0x2] =	stream.indirect.gather @p0 [hbm4b:s2+s29], $0x80, s26, s29, $0xb8;
	[tilespmem:$0xD800] =	vst v63  }
0x4d: {  	_ =	swait.ge @p0 [sflag:s31], $0x2800  }
0x4e: {  	s30 =	sadd.s32 @p0 $0xA0, s25;
	[sflag:s31] =	ssyncset.done @p0 $0x0  }
0x4f: {  	s26 =	simm.s32 @p0 $0x6000;
	s28 =	simm.s32 @p0 $0x9;
	[sflag:s31] =	ssyncadd.s32 @p0 $0xFFFFD800  }
0x50: {  	[tilespmem:s26], [sflag:$0x3] =	stream.indirect.gather @p0 [hbm4b:s2+s29], $0x80, s30, s29, $0xb8;
	[tilespmem:$0xD800] =	vst v63  }
0x51: {  	_ =	swait.ge @p0 [sflag:s28], $0x2800  }
0x52: {  	s25 =	sadd.s32 @p0 $0xF0, s25;
	[sflag:s28] =	ssyncset.done @p0 $0x0  }
0x53: {  	s26 =	simm.s32 @p0 $0x8800;
	[sflag:s28] =	ssyncadd.s32 @p0 $0xFFFFD800;
	s28 =	simm.s32 @p0 $0xA  }
0x54: {  	[tilespmem:s26], [sflag:$0x4] =	stream.indirect.gather @p0 [hbm4b:s2+s29], $0x80, s25, s29, $0xb8;
	[tilespmem:$0xD800] =	vst v63  }
0x55: {  	_ =	swait.ge @p0 [sflag:s28], $0x2800  }
0x56: {  	s25 =	simm.s32 @!p0 $0x1000;
	[sflag:s28] =	ssyncset.done @p0 $0x0  }
0x57: {  	s26 =	sshra.s32 @!p0 s21, $0x2;
	[sflag:s28] =	ssyncadd.s32 @p0 $0xFFFFD800;
	s28 =	simm.s32 @!p0 $0x50  }
0x58: {  	[tilespmem:s25], [sflag:$0x1] =	stream.indirect.gather @!p0 [hbm4b:s2+s28], $0x80, s26, s28, $0xb8;
	[tilespmem:$0xD800] =	vst v63  }
0x59: {  	s29 =	simm.s32 @!p0 $0x3800;
	s25 =	sadd.s32 @!p0 $0x50, s26  }
0x5a: {  	[tilespmem:s29], [sflag:$0x2] =	stream.indirect.gather @!p0 [hbm4b:s2+s28], $0x80, s25, s28, $0xb8;
	[tilespmem:$0xD800] =	vst v63  }
0x5b: {  	s30 =	sadd.s32 @!p0 $0xF0, s26;
	s25 =	sadd.s32 @!p0 $0xA0, s26;
	s26 =	simm.s32 @!p0 $0x6000  }
0x5c: {  	[tilespmem:s26], [sflag:$0x3] =	stream.indirect.gather @!p0 [hbm4b:s2+s28], $0x80, s25, s28, $0xb8;
	[tilespmem:$0xD800] =	vst v63  }
0x5d: {  	s29 =	sshra.s32 s21, $0x2;
	s25 =	simm.s32 @!p0 $0x8800  }
0x5e: {  	[tilespmem:s25], [sflag:$0x4] =	stream.indirect.gather @!p0 [hbm4b:s2+s28], $0x80, s30, s28, $0xb8;
	[tilespmem:$0xD800] =	vst v63  }
0x5f: {  	s31 =	rddreg [dreg:$0x3];
	s29 =	sadd.s32 $0x140, s29  }
0x60: {  	[tilespmem:s8], [sflag:$0x5] =	stream.indirect.gather [hbm4b:s2+s31], $0x80, s29, s31, $0xb8;
	[tilespmem:$0xD800] =	vst v63  }
0x61: {  	_ =	swait.ge [sflag:s9], $0x2800  }
0x62: {  	[sflag:s9] =	ssyncset.done $0x0  }
0x63: {  	s31 =	sadd.s32 $0xFFFFEC00, s20;
	s30 =	rddreg [dreg:$0x4];
	[sflag:s9] =	ssyncadd.s32 $0xFFFFD800  }
0x64: {  	[hbm4b:s31+s3] =	stream.linear.scatter [tilespmem:s30], [sflag:$0x6], $0x2800, $0x38;
	[tilespmem:$0xD800] =	vst v63  }
0x65: {  	_ =	swait.ge [sflag:s10], $0x2800  }
0x66: {  	[sflag:s10] =	ssyncset.done $0x0  }
0x67: {  	s26 =	sadd.s32 $0xFFFFF100, s20;
	s25 =	rddreg [dreg:$0x5];
	[sflag:s10] =	ssyncadd.s32 $0xFFFFD800  }
0x68: {  	[hbm4b:s26+s3] =	stream.linear.scatter [tilespmem:s25], [sflag:$0x7], $0x2800, $0x38;
	[tilespmem:$0xD800] =	vst v63  }
0x69: {  	_ =	swait.ge [sflag:s11], $0x2800  }
0x6a: {  	s24 =	smov.u32 s22;
	s22 =	sadd.s32 $0x640, s22;
	[sflag:s11] =	ssyncset.done $0x0  }
0x6b: {  	s29 =	sadd.s32 $0xFFFFF600, s20;
	s28 =	rddreg [dreg:$0x6];
	[sflag:s11] =	ssyncadd.s32 $0xFFFFD800  }
0x6c: {  	[hbm4b:s29+s3] =	stream.linear.scatter [tilespmem:s28], [sflag:$0x8], $0x2800, $0x38;
	[tilespmem:$0xD800] =	vst v63  }
0x6d: {  	p1 =	sne.s32 s22, $0x3E80;
	_ =	swait.ge [sflag:s12], $0x2800  }
.Ltmp0:
0x6e: {  	[sflag:s12] =	ssyncset.done $0x0;
	(pc) =	sbr.rel @p1 .LBB2_2-.Ltmp0, $4  }
0x6f: {  	s31 =	sadd.s32 $0xFFFFFB00, s20;
	s30 =	rddreg [dreg:$0x7];
	[sflag:s12] =	ssyncadd.s32 $0xFFFFD800  }
0x70: {  	[hbm4b:s31+s3] =	stream.linear.scatter [tilespmem:s30], [sflag:$0x9], $0x2800, $0x38;
	[tilespmem:$0xD800] =	vst v63  }
0x71: {  	s23 =	smov.u32 s20;
	s21 =	smov.u32 s24;
	_ =	swait.ge [sflag:s13], $0x2800  }
0x72: {  	p0 =	sne.s32 s21, $0x0;
	s20 =	sadd.s32 $0x1900, s20;
	[sflag:s13] =	ssyncset.done $0x0  }
0x73: {  	s22 =	simm.s32 @p0 $0x6;
	[sflag:s13] =	ssyncadd.s32 $0xFFFFD800  }
0x74: {  	[hbm4b:s23+s3] =	stream.linear.scatter [tilespmem:s8], [sflag:$0xA], $0x2800, $0x38;
	[tilespmem:$0xD800] =	vst v63  }
0x75: {  	_ =	swait.ge @p0 [sflag:s22], $0x2800  }
0x76: {  	s24 =	simm.s32 @p0 $0x7;
	s25 =	simm.s32 @p0 $0x50;
	[sflag:s22] =	ssyncset.done @p0 $0x0  }
0x77: {  	s23 =	simm.s32 @p0 $0x1000;
	[sflag:s22] =	ssyncadd.s32 @p0 $0xFFFFD800;
	s22 =	sshra.s32 @p0 s21, $0x2  }
0x78: {  	[tilespmem:s23], [sflag:$0x1] =	stream.indirect.gather @p0 [hbm4b:s2+s25], $0x80, s22, s25, $0xb8;
	[tilespmem:$0xD800] =	vst v63  }
0x79: {  	_ =	swait.ge @p0 [sflag:s24], $0x2800  }
0x7a: {  	s26 =	simm.s32 @p0 $0x8;
	[sflag:s24] =	ssyncset.done @p0 $0x0  }
0x7b: {  	s23 =	sadd.s32 @p0 $0x50, s22;
	[sflag:s24] =	ssyncadd.s32 @p0 $0xFFFFD800;
	s24 =	simm.s32 @p0 $0x3800  }
0x7c: {  	[tilespmem:s24], [sflag:$0x2] =	stream.indirect.gather @p0 [hbm4b:s2+s25], $0x80, s23, s25, $0xb8;
	[tilespmem:$0xD800] =	vst v63  }
0x7d: {  	_ =	swait.ge @p0 [sflag:s26], $0x2800  }
0x7e: {  	s23 =	sadd.s32 @p0 $0xA0, s22;
	[sflag:s26] =	ssyncset.done @p0 $0x0  }
0x7f: {  	s24 =	simm.s32 @p0 $0x6000;
	[sflag:s26] =	ssyncadd.s32 @p0 $0xFFFFD800;
	s26 =	simm.s32 @p0 $0x9  }
0x80: {  	[tilespmem:s24], [sflag:$0x3] =	stream.indirect.gather @p0 [hbm4b:s2+s25], $0x80, s23, s25, $0xb8;
	[tilespmem:$0xD800] =	vst v63  }
0x81: {  	_ =	swait.ge @p0 [sflag:s26], $0x2800  }
0x82: {  	s22 =	sadd.s32 @p0 $0xF0, s22;
	[sflag:s26] =	ssyncset.done @p0 $0x0  }
0x83: {  	s23 =	simm.s32 @p0 $0x8800;
	s24 =	simm.s32 @p0 $0xA;
	[sflag:s26] =	ssyncadd.s32 @p0 $0xFFFFD800  }
0x84: {  	[tilespmem:s23], [sflag:$0x4] =	stream.indirect.gather @p0 [hbm4b:s2+s25], $0x80, s22, s25, $0xb8;
	[tilespmem:$0xD800] =	vst v63  }
0x85: {  	_ =	swait.ge @p0 [sflag:s24], $0x2800  }
0x86: {  	s22 =	simm.s32 @!p0 $0x1000;
	[sflag:s24] =	ssyncset.done @p0 $0x0  }
0x87: {  	s23 =	sshra.s32 @!p0 s21, $0x2;
	[sflag:s24] =	ssyncadd.s32 @p0 $0xFFFFD800;
	s24 =	simm.s32 @!p0 $0x50  }
0x88: {  	[tilespmem:s22], [sflag:$0x1] =	stream.indirect.gather @!p0 [hbm4b:s2+s24], $0x80, s23, s24, $0xb8;
	[tilespmem:$0xD800] =	vst v63  }
0x89: {  	s25 =	simm.s32 @!p0 $0x3800;
	s22 =	sadd.s32 @!p0 $0x50, s23  }
0x8a: {  	[tilespmem:s25], [sflag:$0x2] =	stream.indirect.gather @!p0 [hbm4b:s2+s24], $0x80, s22, s24, $0xb8;
	[tilespmem:$0xD800] =	vst v63  }
0x8b: {  	s22 =	sadd.s32 @!p0 $0xF0, s23;
	s23 =	sadd.s32 @!p0 $0xA0, s23;
	s25 =	simm.s32 @!p0 $0x6000  }
0x8c: {  	[tilespmem:s25], [sflag:$0x3] =	stream.indirect.gather @!p0 [hbm4b:s2+s24], $0x80, s23, s24, $0xb8;
	[tilespmem:$0xD800] =	vst v63  }
0x8d: {  	s30 =	sshra.s32 s21, $0x2;
	s23 =	simm.s32 @!p0 $0x8800  }
0x8e: {  	[tilespmem:s23], [sflag:$0x4] =	stream.indirect.gather @!p0 [hbm4b:s2+s24], $0x80, s22, s24, $0xb8;
	[tilespmem:$0xD800] =	vst v63  }
0x8f: {  	s21 =	sadd.s32 $0x140, s30;
	s31 =	rddreg [dreg:$0x3]  }
0x90: {  	[tilespmem:s8], [sflag:$0x5] =	stream.indirect.gather [hbm4b:s2+s31], $0x80, s21, s31, $0xb8;
	[tilespmem:$0xD800] =	vst v63  }
0x91: {  	_ =	swait.ge [sflag:s9], $0x2800  }
0x92: {  	[sflag:s9] =	ssyncset.done $0x0  }
0x93: {  	s24 =	sadd.s32 $0xFFFFEC00, s20;
	s23 =	rddreg [dreg:$0x4];
	[sflag:s9] =	ssyncadd.s32 $0xFFFFD800  }
0x94: {  	[hbm4b:s24+s3] =	stream.linear.scatter [tilespmem:s23], [sflag:$0x6], $0x2800, $0x38;
	[tilespmem:$0xD800] =	vst v63  }
0x95: {  	_ =	swait.ge [sflag:s10], $0x2800  }
0x96: {  	[sflag:s10] =	ssyncset.done $0x0  }
0x97: {  	s26 =	sadd.s32 $0xFFFFF100, s20;
	s25 =	rddreg [dreg:$0x5];
	[sflag:s10] =	ssyncadd.s32 $0xFFFFD800  }
0x98: {  	[hbm4b:s26+s3] =	stream.linear.scatter [tilespmem:s25], [sflag:$0x7], $0x2800, $0x38;
	[tilespmem:$0xD800] =	vst v63  }
0x99: {  	_ =	swait.ge [sflag:s11], $0x2800  }
0x9a: {  	[sflag:s11] =	ssyncset.done $0x0  }
0x9b: {  	s29 =	sadd.s32 $0xFFFFF600, s20;
	s28 =	rddreg [dreg:$0x6];
	[sflag:s11] =	ssyncadd.s32 $0xFFFFD800  }
0x9c: {  	[hbm4b:s29+s3] =	stream.linear.scatter [tilespmem:s28], [sflag:$0x8], $0x2800, $0x38;
	[tilespmem:$0xD800] =	vst v63  }
0x9d: {  	_ =	swait.ge [sflag:s12], $0x2800  }
0x9e: {  	[sflag:s12] =	ssyncset.done $0x0  }
0x9f: {  	s31 =	sadd.s32 $0xFFFFFB00, s20;
	s30 =	rddreg [dreg:$0x7];
	[sflag:s12] =	ssyncadd.s32 $0xFFFFD800  }
0xa0: {  	[hbm4b:s31+s3] =	stream.linear.scatter [tilespmem:s30], [sflag:$0x9], $0x2800, $0x38;
	[tilespmem:$0xD800] =	vst v63  }
0xa1: {  	_ =	swait.ge [sflag:s13], $0x2800  }
0xa2: {  	[sflag:s13] =	ssyncset.done $0x0  }
0xa3: {  	[sflag:s13] =	ssyncadd.s32 $0xFFFFD800  }
0xa4: {  	[hbm4b:s20+s3] =	stream.linear.scatter [tilespmem:s8], [sflag:$0xA], $0x2800, $0x38;
	[tilespmem:$0xD800] =	vst v63  }
0xa5: {  	_ =	swait.ge [sflag:s14], $0x2800  }
0xa6: {  	[sflag:s14] =	ssyncset.done $0x0  }
0xa7: {  	[sflag:s14] =	ssyncadd.s32 $0xFFFFD800  }
0xa8: {  	_ =	swait.ge [sflag:s15], $0x2800  }
0xa9: {  	[sflag:s15] =	ssyncset.done $0x0  }
0xaa: {  	[sflag:s15] =	ssyncadd.s32 $0xFFFFD800  }
0xab: {  	_ =	swait.ge [sflag:s16], $0x2800  }
0xac: {  	[sflag:s16] =	ssyncset.done $0x0  }
0xad: {  	s19 =	sadd.s32 $0x1, s19;
	[sflag:s16] =	ssyncadd.s32 $0xFFFFD800  }
0xae: {  	p0 =	sne.s32 s19, s5;
	_ =	swait.ge [sflag:s17], $0x2800  }
.Ltmp1:
0xaf: {  	[sflag:s17] =	ssyncset.done $0x0;
	(pc) =	sbr.rel @p0 .LBB2_1-.Ltmp1, $4  }
0xb0: {  	[sflag:s17] =	ssyncadd.s32 $0xFFFFD800  }
0xb1: {  	_ =	swait.ge [sflag:s18], $0x2800  }
0xb2: {  	[sflag:s18] =	ssyncset.done $0x0  }
0xb3: {  	[sflag:s18] =	ssyncadd.s32 $0xFFFFD800  }
0xb4: {  	_ =	sfence.sel $0x180000  }
0xb5: {  	[bflag:$0x0] =	sbarrier.arrive $0xFFFF  }
0xb6: {  	p0 =	sne.s32 s0, $0x0;
	_ =	strace $0x9000004A  }
0xb7: {  	s0 =	sadd.s32 @!p0 $0x100000, s1;
	[bflag:$0x2] =	sbarrier.arrive $0xFFFF  }
0xb8: {  	[sflag:s0] =	ssyncadd.tile.s32 @!p0 $0x1;
	_ =	shalt  }
.Lfunc_end2:
_tile_overlayer_lowered:
.L_overlay_start_2:
0xb9: {  	(tag) =	ssettag $0x2  }
0xba: {  	s0 =	rddreg [dreg:$0x0];
	s2 =	stileid.u32  }
0xbb: {  	s1 =	rddreg [dreg:$0x1];
	p0 =	sne.s32 s2, $0x0  }
0xbc: {  	s3 =	rddreg [dreg:$0x2];
	[bflag:$0x3] =	sbarrier.arrive $0xFFFF;
	s2 =	simm.s32 @!p0 $0x1C0B  }
0xbd: {  	[timem:s3], [sflag:s2] =	dma.local @!p0 [hbm:s0], s1  }
0xbe: {  	s0 =	simm.s32 @!p0 $0xB  }
0xbf: {  	_ =	swait.ge @!p0 [sflag:s0], s1  }
0xc0: {  	s1 =	ssub.s32 @!p0 $0x0, s1;
	[sflag:s0] =	ssyncset.done @!p0 $0x0  }
0xc1: {  	[sflag:s0] =	ssyncadd.s32 @!p0 s1  }
0xc2: {  	[bflag:$0x3] =	sbarrier.arrive $0xFFFF  }
0xc3: {  	_ =	shalt  }

// kernel: kernel.17.cloned.1.call-start
scs
__scs_entry_jumppad:
0x0: {  	(pc) =	sbr.rel $0x88, $3  }
0x1: {  	(tag) =	ssettag $0x0;
	lr =	simm.s32 $0x1  }
0x2: {  	[smem:$0x3F9A] =	sst lr;
	_ =	strace $0xD0000000  }
0x3: {  	_ = 	snop  }
0x4: {  	_ = 	snop  }
0x5: {  	_ = 	snop  }
0x6: {  	_ = 	snop  }
0x7: {  	_ = 	snop  }
__scs_overlays_trampoline_lowered:
0x8: {  	[smem:$0x3FA9] =	sst s0  }
0x9: {  	[smem:$0x3FAA] =	sst s1  }
0xa: {  	[smem:$0x3FAB] =	sst s2  }
0xb: {  	[smem:$0x3FAC] =	sst s3  }
0xc: {  	[smem:$0x3FAD] =	sst s4  }
0xd: {  	[smem:$0x3FAE] =	sst s5  }
0xe: {  	[smem:$0x3FAF] =	sst s6  }
0xf: {  	[smem:$0x3FB0] =	sst s7  }
0x10: {  	[smem:$0x3FB1] =	sst s8  }
0x11: {  	[smem:$0x3FB2] =	sst s9;
	s0 =	simm.s32 @!p0 $0x0  }
0x12: {  	s1 =	sld [smem:$0x3F98];
	s0 =	simm.s32 @p0 $0x1  }
0x13: {  	[smem:$0x3FB3] =	sst s0;
	s0 =	simm.s32 @!p1 $0x0  }
0x14: {  	s2 =	sld [smem:$0x3F97];
	s0 =	simm.s32 @p1 $0x1  }
0x15: {  	[smem:$0x3FB4] =	sst s0;
	s0 =	simm.s32 @!p2 $0x0  }
0x16: {  	s3 =	sld [smem:$0x3FDB];
	s0 =	simm.s32 @p2 $0x1  }
0x17: {  	s4 =	simm.s32 $0x1BF5;
	[smem:$0x3FB6] =	sst s0  }
0x18: {  	s0 =	sld [smem:$0x3F99];
	_ =	swait.ge [sflag:s4], $0x0  }
0x19: {  	s7 =	sld [smem:$0x3F9A]  }
0x1a: {  	s8 =	sadd.s32 $0xFFFFE003, lr  }
0x1b: {  	s9 =	sadd.s32 $0xFFFFFEF7, lr;
	s5 =	simm.s32 $0xFFFFFFFF;
	p2 =	slt.u32 s8, $0xFFFFF086  }
0x1c: {  	p1 =	slt.u32 s9, $0xF7A;
	s5 =	simm.s32 @!p2 $0x0  }
0x1d: {  	s5 =	simm.s32 @p1 $0x1;
	p0 =	seq.s32 s7, s2  }
0x1e: {  	s7 =	smul.u32 @!p0 $0xF7A, s2;
	p2 =	seq.s32 @!p0 s5, $0x0  }
0x1f: {  	s9 =	smul.u32 $0xF7A, s1;
	s8 =	simm.s32 @!p0 $0x1BF5;
	p2 =	por !p2, p0  }
0x20: {  	[sflag:s8] =	ssyncset.s32 @!p0 $0xFFFFF086;
	s6 =	sadd.s32 @!p0 s3, s7;
	s7 =	simm.s32 @!p0 $0x108  }
0x21: {  	s3 =	sadd.s32 s3, s9;
	s6 =	sadd.s32 @!p0 $0x88, s6;
	s7 =	simm.s32 @p2 $0x1082  }
0x22: {  	[simem:s7], [sflag:s8] =	dma.local @!p0 [hbm:s6], $0xF7A  }
0x23: {  	s9 =	sor.u32 $0xD0000000, s2;
	s6 =	simm.s32 $0x108;
	_ =	swait.ge @!p0 [sflag:s8], $0x0  }
0x24: {  	s3 =	sadd.s32 $0x88, s3;
	s6 =	simm.s32 @!p1 $0x1082;
	[sflag:s4] =	ssyncset.s32 $0xFFFFF086  }
0x25: {  	[simem:s6], [sflag:s4] =	dma.local [hbm:s3], $0xF7A  }
0x26: {  	[smem:$0x3F9A] =	sst s1;
	(tag) =	ssettag s2;
	_ =	strace s9  }
0x27: {  	s1 =	sld [smem:$0x3FAA]  }
0x28: {  	s2 =	sld [smem:$0x3FAB]  }
0x29: {  	s4 =	sld [smem:$0x3FAD]  }
0x2a: {  	p0 =	seq.s32 s5, $0x0;
	s5 =	sld [smem:$0x3FAE]  }
0x2b: {  	s6 =	sld [smem:$0x3FAF]  }
0x2c: {  	s7 =	sld [smem:$0x3FB0]  }
0x2d: {  	s3 =	simm.s32 $0x108;
	s8 =	sld [smem:$0x3FB1]  }
0x2e: {  	s3 =	simm.s32 @!p0 $0x1082;
	s9 =	sld [smem:$0x3FB2]  }
0x2f: {  	lr =	sadd.s32 s0, s3;
	s0 =	sld [smem:$0x3FA9]  }
0x30: {  	s3 =	sld [smem:$0x3FAC]  }
0x31: {  	[smem:$0x3FB5] =	sst s10  }
0x32: {  	s10 =	sld [smem:$0x3FB3];
	_ =	sdelay $0x3  }
0x33: {  	p0 =	seq.s32 s10, $0x1;
	s10 =	sld [smem:$0x3FB5];
	_ =	sdelay $0x3  }
0x34: {  	[smem:$0x3FB5] =	sst s10  }
0x35: {  	s10 =	sld [smem:$0x3FB4];
	_ =	sdelay $0x3  }
0x36: {  	p1 =	seq.s32 s10, $0x1;
	s10 =	sld [smem:$0x3FB5];
	_ =	sdelay $0x3  }
0x37: {  	[smem:$0x3FB5] =	sst s10  }
0x38: {  	s10 =	sld [smem:$0x3FB6]  }
0x39: {  	_ = 	snop;
	(pc) =	sbr.ind lr, $3  }
0x3a: {  	_ = 	snop  }
0x3b: {  	_ = 	snop  }
0x3c: {  	p2 =	seq.s32 s10, $0x1;
	s10 =	sld [smem:$0x3FB5]  }
0x3d: {  	_ =	shalt  }
0x3e: {  	_ =	shalt  }
0x3f: {  	_ =	shalt  }
0x40: {  	_ =	shalt  }
0x41: {  	_ =	shalt  }
0x42: {  	_ =	shalt  }
0x43: {  	_ =	shalt  }
0x44: {  	_ =	shalt  }
0x45: {  	_ =	shalt  }
0x46: {  	_ =	shalt  }
0x47: {  	_ =	shalt  }
0x48: {  	_ =	shalt  }
0x49: {  	_ =	shalt  }
0x4a: {  	_ =	shalt  }
0x4b: {  	_ =	shalt  }
0x4c: {  	_ =	shalt  }
0x4d: {  	_ =	shalt  }
0x4e: {  	_ =	shalt  }
0x4f: {  	_ =	shalt  }
0x50: {  	_ =	shalt  }
0x51: {  	_ =	shalt  }
0x52: {  	_ =	shalt  }
0x53: {  	_ =	shalt  }
0x54: {  	_ =	shalt  }
0x55: {  	_ =	shalt  }
0x56: {  	_ =	shalt  }
0x57: {  	_ =	shalt  }
0x58: {  	_ =	shalt  }
0x59: {  	_ =	shalt  }
0x5a: {  	_ =	shalt  }
0x5b: {  	_ =	shalt  }
0x5c: {  	_ =	shalt  }
0x5d: {  	_ =	shalt  }
0x5e: {  	_ =	shalt  }
0x5f: {  	_ =	shalt  }
0x60: {  	_ =	shalt  }
0x61: {  	_ =	shalt  }
0x62: {  	_ =	shalt  }
0x63: {  	_ =	shalt  }
0x64: {  	_ =	shalt  }
0x65: {  	_ =	shalt  }
0x66: {  	_ =	shalt  }
0x67: {  	_ =	shalt  }
0x68: {  	_ =	shalt  }
0x69: {  	_ =	shalt  }
0x6a: {  	_ =	shalt  }
0x6b: {  	_ =	shalt  }
0x6c: {  	_ =	shalt  }
0x6d: {  	_ =	shalt  }
0x6e: {  	_ =	shalt  }
0x6f: {  	_ =	shalt  }
0x70: {  	_ =	shalt  }
0x71: {  	_ =	shalt  }
0x72: {  	_ =	shalt  }
0x73: {  	_ =	shalt  }
0x74: {  	_ =	shalt  }
0x75: {  	_ =	shalt  }
0x76: {  	_ =	shalt  }
0x77: {  	_ =	shalt  }
0x78: {  	_ =	shalt  }
0x79: {  	_ =	shalt  }
0x7a: {  	_ =	shalt  }
0x7b: {  	_ =	shalt  }
0x7c: {  	_ =	shalt  }
0x7d: {  	_ =	shalt  }
0x7e: {  	_ =	shalt  }
0x7f: {  	_ =	shalt  }
0x80: {  	_ =	shalt  }
0x81: {  	_ =	shalt  }
0x82: {  	_ =	shalt  }
0x83: {  	_ =	shalt  }
0x84: {  	_ =	shalt  }
0x85: {  	_ =	shalt  }
0x86: {  	_ =	shalt  }
0x87: {  	_ =	shalt  }
.Lfunc_end0:
.L_simem_size_0:
called_computation.2_lowered:
.L_overlay_start_0:
0x88: {  	s2 =	sld [smem:$0x3FD9]  }
0x89: {  	s3 =	sld [smem:$0x3FFE];
	_ =	sdelay $0x1  }
0x8a: {  	s1 =	srdreg.scid  }
0x8b: {  	s0 =	sand.u32 $0x1, s1  }
0x8c: {  	s15 =	sshll.u32 s0, $0xA;
	s2 =	sadd.s32 s3, s2  }
0x8d: {  	s2 =	sadd.s32 s2, s15  }
0x8e: {  	[smem:$0x3FC1] =	sst s2  }
0x8f: {  	_ = 	snop  }
0x90: {  	s2 =	sld [smem:$0x3FD0];
	_ =	sdelay $0x2  }
0x91: {  	s16 =	simm.s32 $0xC;
	s4 =	simm.s32 $0x10  }
0x92: {  	[smem:s4], [sflag:s16] =	dma.local [hbm:s2], $0x1  }
0x93: {  	_ =	swait.eq [sflag:s16], $0x1  }
0x94: {  	[sflag:s16] =	ssyncset.done $0x0  }
0x95: {  	[sflag:s16] =	ssyncadd.s32 $0xFFFFFFFF  }
0x96: {  	s17 =	sld [smem:$0x10];
	(tm) =	ssettm $0x1  }
0x97: {  	s18 =	sld [smem:$0x3FFB];
	_ =	sdelay $0x3  }
0x98: {  	_ =	strace s18  }
0x99: {  	s2 =	sld [smem:$0x3FFC];
	_ =	sdelay $0x3  }
0x9a: {  	_ =	strace s2  }
0x9b: {  	s2 =	sld [smem:$0x3FFD];
	_ =	sdelay $0x3  }
0x9c: {  	_ =	strace s2  }
0x9d: {  	_ =	strace $0x8FFFFFFF  }
0x9e: {  	s19 =	sld [smem:$0x3FDB];
	_ =	sdelay $0x1  }
0x9f: {  	s20 =	simm.s32 $_scs_section_size  }
0xa0: {  	s5 =	simm.s32 $_size__tile_overlayer_lowered;
	s6 =	simm.s32 $_tile_overlayer_lowered  }
0xa1: {  	s7 =	simm.s32 $0x1BFF;
	s21 =	sshll.u32 s6, $0x1;
	s4 =	sadd.s32 s20, s19  }
0xa2: {  	s22 =	simm.s32 $0x0;
	s5 =	sshll.u32 s5, $0x1;
	s6 =	sadd.s32 s21, s4  }
0xa3: {  	[timem:s22], [sflag:s7] =	dma.local [hbm:s6], s5  }
0xa4: {  	_ =	swait.ge [sflag:s7], s5  }
0xa5: {  	s5 =	ssub.s32 $0x0, s5;
	[sflag:s7] =	ssyncset.done $0x0  }
0xa6: {  	[sflag:s7] =	ssyncadd.s32 s5;
	_ =	sdelay $0x1  }
0xa7: {  	s23 =	simm.s32 $0x1B8B  }
0xa8: {  	_ =	swait.ge [sflag:s23], $0x1  }
0xa9: {  	[sflag:s23] =	ssyncset.done $0x0  }
0xaa: {  	[sflag:s23] =	ssyncadd.s32 $0xFFFFFFFF  }
0xab: {  	s5 =	sld [smem:$0x0]  }
0xac: {  	s6 =	sand.u32 $0xFFFFFFFE, s1  }
0xad: {  	p0 =	sne.s32 s1, s6  }
0xae: {  	s6 =	sshll.u32 @p0 s6, $0xE  }
0xaf: {  	s6 =	sadd.s32 @p0 $0x11B8D, s6;
	s7 =	sshll.u32 @p0 s5, $0x11  }
0xb0: {  	s6 =	sor.u32 @p0 s7, s6  }
0xb1: {  	[sflag:s6] =	ssyncadd.remote.s32 @p0 $0x1;
	_ =	sdelay $0x1  }
0xb2: {  	s6 =	simm.s32 @p0 $0x1B8D  }
0xb3: {  	_ =	swait.eq @p0 [sflag:s6], $0x1  }
0xb4: {  	[sflag:s6] =	ssyncadd.s32 @p0 $0xFFFFFFFF  }
0xb5: {  	s7 =	sshll.u32 @!p0 s1, $0xE  }
0xb6: {  	s7 =	sor.u32 @!p0 $0x4000, s7;
	s6 =	simm.s32 @!p0 $0x1B8D  }
0xb7: {  	s5 =	sshll.u32 @!p0 s5, $0x11;
	s7 =	sadd.s32 @!p0 $0x11B8D, s7;
	_ =	swait.eq @!p0 [sflag:s6], $0x1  }
0xb8: {  	s5 =	sor.u32 @!p0 s5, s7;
	[sflag:s6] =	ssyncadd.s32 @!p0 $0xFFFFFFFF  }
0xb9: {  	s25 =	simm.s32 $0x1B8E;
	s24 =	sld [smem:$0x3FFE];
	[sflag:s5] =	ssyncadd.remote.s32 @!p0 $0x1  }
0xba: {  	s26 =	simm.s32 $execute0_lowered;
	[smem:$0x3FD2] =	sst s25  }
0xbb: {  	s6 =	sshll.u32 s26, $0x1;
	_ =	strace $0x8000004C;
	[dreg:$0x1] =	wrdreg $0xFFFFFFFF  }
0xbc: {  	s28 =	simm.s32 $_size_execute0_lowered;
	s4 =	sadd.s32 s4, s6;
	[dreg:$0x0] =	wrdreg $0x0  }
0xbd: {  	s6 =	sshll.u32 s28, $0x1;
	[dreg:$0x2] =	wrdreg s4  }
0xbe: {  	[dreg:$0x3] =	wrdreg s6  }
0xbf: {  	[dreg:$0x4] =	wrdreg $0xC0  }
0xc0: {  	_ =	task [dreg:s22], $0x5FFFF  }
0xc1: {  	[dreg:$0x1] =	wrdreg $0xFFFFFFFF  }
0xc2: {  	[dreg:$0x0] =	wrdreg $0x60  }
0xc3: {  	[dreg:$0x2] =	wrdreg s17  }
0xc4: {  	[dreg:$0x3] =	wrdreg s24  }
0xc5: {  	[dreg:$0x4] =	wrdreg $0xB  }
0xc6: {  	_ =	task.clear_ibuf [dreg:s22], $0x5FFFF;
	_ =	strace $0x9000004C  }
0xc7: {  	s29 =	simm.s32 $0xB;
	_ =	strace $0x8000004E  }
0xc8: {  	_ =	swait.ge [sflag:s29], $0x1  }
0xc9: {  	[sflag:s29] =	ssyncadd.s32 $0xFFFFFFFF  }
0xca: {  	_ =	strace $0x9000004E  }
0xcb: {  	_ =	sfence  }
0xcc: {  	s30 =	sld [smem:$0x0];
	_ =	sdelay $0x2  }
0xcd: {  	s31 =	sshll.u32 s1, $0xD;
	s1 =	sshrl.u32 s1, $0x2  }
0xce: {  	s4 =	sand.u32 $0x4000, s31;
	s1 =	sadd.s32 s1, s30  }
0xcf: {  	s0 =	sor.u32 s4, s0;
	s1 =	sshll.u32 s1, $0x11  }
0xd0: {  	s0 =	sor.u32 s1, s0  }
0xd1: {  	s0 =	sadd.s32 $0x8F2B, s0  }
0xd2: {  	[sflag:s0] =	ssyncadd.remote.s32 $0x1  }
0xd3: {  	_ =	sfence.sel $0xFFFF  }
0xd4: {  	[dreg:$0x0] =	wrdreg $0xFFFFFFFF;
	(pc) =	sbr.abs _section_cstart, $3  }
0xd5: {  	[dreg:$0x1] =	wrdreg $0xFFFFFFFF  }
0xd6: {  	_ =	task.clear_ibuf [dreg:s22], $0x2FFFF;
	_ =	strace $0x9FFFFFFF  }
0xd7: {  	(tm) =	ssettm $0x7FFFFFFF  }
tec
execute0_lowered:
.L_overlay_start_1:
0x0: {  	(tag) =	ssettag $0x1  }
0x1: {  	s2 =	rddreg [dreg:$0x0];
	s0 =	stileid.u32  }
0x2: {  	s1 =	srdreg.scid;
	s4 =	rddreg [dreg:$0x1];
	s3 =	simm.s32 $0x0  }
0x3: {  	s30 =	simm.s32 $0x50;
	s31 =	simm.s32 $0x1000;
	s11 =	simm.s32 $0x3800  }
0x4: {  	s12 =	simm.s32 $0x6000;
	s13 =	simm.s32 $0x8800;
	s14 =	simm.s32 $0x6  }
0x5: {  	s15 =	simm.s32 $0x7;
	s5 =	sand.u32 $0x1, s1;
	s1 =	rddreg [dreg:$0x2]  }
0x6: {  	s16 =	simm.s32 $0x8;
	s17 =	simm.s32 $0x9;
	[smem:$0x7FF] =	sst s3  }
0x7: {  	s18 =	simm.s32 $0xA;
	_ =	strace $0x8000004D;
	[dreg:$0x3] =	wrdreg s30  }
0x8: {  	s19 =	simm.s32 $0x0;
	s6 =	sshll.u32 s0, $0x1;
	[dreg:$0x4] =	wrdreg s31  }
0x9: {  	s7 =	smul.u32 $0x1F400, s0;
	s6 =	sor.u32 s5, s6;
	[dreg:$0x5] =	wrdreg s11  }
0xa: {  	s8 =	ssub.s32 $0x2, s5;
	s10 =	smul.u32 $0xFA00, s5;
	[dreg:$0x6] =	wrdreg s12  }
0xb: {  	s11 =	simm.s32 $0x3;
	s12 =	simm.s32 $0x4;
	[dreg:$0x7] =	wrdreg s13  }
0xc: {  	s6 =	smul.u32 $0xFA0, s6;
	s9 =	sshrl.u32 s8, $0x1;
	s7 =	sadd.s32 s7, s4  }
0xd: {  	s13 =	simm.s32 $0x5;
	s28 =	ssub.s32 s8, s9;
	s29 =	sadd.s32 s10, s7  }
0xe: {  	s7 =	simm.s32 $0xB;
	s8 =	simm.s32 $0xB000;
	s6 =	sshrl.u32 s6, $0x3  }
0xf: {  	s9 =	simm.s32 $0x1;
	s10 =	simm.s32 $0x2;
	s4 =	sadd.s32 s4, s6  }
0x10: {  	s5 =	smax.u32 s28, $0x1;
	s6 =	sadd.s32 $0x306400, s29;
	s4 =	sadd.s32 $0x89C0, s4  }
.LBB2_1:
0x11: {  	[tilespmem:s3], [sflag:$0xB] =	stream.linear.gather [hbm4b:s4+s3], $0xFA0, $0x38;
	[tilespmem:$0xD800] =	vst v63  }
0x12: {  	_ =	swait.ge [sflag:s7], $0xFA0  }
0x13: {  	p0 =	por $0x0, $0x0;
	[sflag:s7] =	ssyncset.done $0x0  }
0x14: {  	s20 =	simm.s32 @p0 $0x6;
	[sflag:s7] =	ssyncadd.s32 $0xFFFFF060  }
0x15: {  	_ =	swait.ge @p0 [sflag:s20], $0x2800  }
0x16: {  	s21 =	simm.s32 @p0 $0x1000;
	s22 =	simm.s32 @p0 $0x7;
	[sflag:s20] =	ssyncset.done @p0 $0x0  }
0x17: {  	s23 =	simm.s32 @p0 $0x50;
	[sflag:s20] =	ssyncadd.s32 @p0 $0xFFFFD800;
	s20 =	simm.s32 @p0 $0x0  }
0x18: {  	[tilespmem:s21], [sflag:$0x1] =	stream.indirect.gather @p0 [hbm4b:s2+s23], $0x80, s20, s23, $0xb8;
	[tilespmem:$0xD800] =	vst v63  }
0x19: {  	_ =	swait.ge @p0 [sflag:s22], $0x2800  }
0x1a: {  	s20 =	simm.s32 @p0 $0x50;
	[sflag:s22] =	ssyncset.done @p0 $0x0  }
0x1b: {  	s21 =	simm.s32 @p0 $0x3800;
	[sflag:s22] =	ssyncadd.s32 @p0 $0xFFFFD800;
	s22 =	simm.s32 @p0 $0x8  }
0x1c: {  	[tilespmem:s21], [sflag:$0x2] =	stream.indirect.gather @p0 [hbm4b:s2+s23], $0x80, s20, s23, $0xb8;
	[tilespmem:$0xD800] =	vst v63  }
0x1d: {  	_ =	swait.ge @p0 [sflag:s22], $0x2800  }
0x1e: {  	s20 =	simm.s32 @p0 $0xA0;
	[sflag:s22] =	ssyncset.done @p0 $0x0  }
0x1f: {  	s21 =	simm.s32 @p0 $0x6000;
	[sflag:s22] =	ssyncadd.s32 @p0 $0xFFFFD800;
	s22 =	simm.s32 @p0 $0x9  }
0x20: {  	[tilespmem:s21], [sflag:$0x3] =	stream.indirect.gather @p0 [hbm4b:s2+s23], $0x80, s20, s23, $0xb8;
	[tilespmem:$0xD800] =	vst v63  }
0x21: {  	_ =	swait.ge @p0 [sflag:s22], $0x2800  }
0x22: {  	s20 =	simm.s32 @p0 $0xF0;
	[sflag:s22] =	ssyncset.done @p0 $0x0  }
0x23: {  	s21 =	simm.s32 @p0 $0x8800;
	[sflag:s22] =	ssyncadd.s32 @p0 $0xFFFFD800;
	s22 =	simm.s32 @p0 $0xA  }
0x24: {  	[tilespmem:s21], [sflag:$0x4] =	stream.indirect.gather @p0 [hbm4b:s2+s23], $0x80, s20, s23, $0xb8;
	[tilespmem:$0xD800] =	vst v63  }
0x25: {  	_ =	swait.ge @p0 [sflag:s22], $0x2800  }
0x26: {  	s20 =	simm.s32 @!p0 $0x1000;
	[sflag:s22] =	ssyncset.done @p0 $0x0  }
0x27: {  	s21 =	simm.s32 @!p0 $0x0;
	[sflag:s22] =	ssyncadd.s32 @p0 $0xFFFFD800;
	s22 =	simm.s32 @!p0 $0x50  }
0x28: {  	[tilespmem:s20], [sflag:$0x1] =	stream.indirect.gather @!p0 [hbm4b:s2+s22], $0x80, s21, s22, $0xb8;
	[tilespmem:$0xD800] =	vst v63  }
0x29: {  	s20 =	simm.s32 @!p0 $0x50;
	s21 =	simm.s32 @!p0 $0x3800  }
0x2a: {  	[tilespmem:s21], [sflag:$0x2] =	stream.indirect.gather @!p0 [hbm4b:s2+s22], $0x80, s20, s22, $0xb8;
	[tilespmem:$0xD800] =	vst v63  }
0x2b: {  	s20 =	simm.s32 @!p0 $0xA0;
	s21 =	simm.s32 @!p0 $0x6000  }
0x2c: {  	[tilespmem:s21], [sflag:$0x3] =	stream.indirect.gather @!p0 [hbm4b:s2+s22], $0x80, s20, s22, $0xb8;
	[tilespmem:$0xD800] =	vst v63  }
0x2d: {  	s20 =	simm.s32 @!p0 $0xF0;
	s21 =	simm.s32 @!p0 $0x8800  }
0x2e: {  	[tilespmem:s21], [sflag:$0x4] =	stream.indirect.gather @!p0 [hbm4b:s2+s22], $0x80, s20, s22, $0xb8;
	[tilespmem:$0xD800] =	vst v63  }
0x2f: {  	s31 =	rddreg [dreg:$0x3];
	s22 =	simm.s32 $0x140  }
0x30: {  	[tilespmem:s8], [sflag:$0x5] =	stream.indirect.gather [hbm4b:s2+s31], $0x80, s22, s31, $0xb8;
	[tilespmem:$0xD800] =	vst v63  }
0x31: {  	_ =	swait.ge [sflag:s9], $0x2800  }
0x32: {  	[sflag:s9] =	ssyncset.done $0x0  }
0x33: {  	s24 =	sadd.s32 $0xFFFFEC00, s6;
	s23 =	rddreg [dreg:$0x4];
	[sflag:s9] =	ssyncadd.s32 $0xFFFFD800  }
0x34: {  	[hbm4b:s24+s3] =	stream.linear.scatter [tilespmem:s23], [sflag:$0x6], $0x2800, $0x38;
	[tilespmem:$0xD800] =	vst v63  }
0x35: {  	_ =	swait.ge [sflag:s10], $0x2800  }
0x36: {  	[sflag:s10] =	ssyncset.done $0x0  }
0x37: {  	s26 =	sadd.s32 $0xFFFFF100, s6;
	s25 =	rddreg [dreg:$0x5];
	[sflag:s10] =	ssyncadd.s32 $0xFFFFD800  }
0x38: {  	[hbm4b:s26+s3] =	stream.linear.scatter [tilespmem:s25], [sflag:$0x7], $0x2800, $0x38;
	[tilespmem:$0xD800] =	vst v63  }
0x39: {  	_ =	swait.ge [sflag:s11], $0x2800  }
0x3a: {  	[sflag:s11] =	ssyncset.done $0x0  }
0x3b: {  	s29 =	sadd.s32 $0xFFFFF600, s6;
	s28 =	rddreg [dreg:$0x6];
	[sflag:s11] =	ssyncadd.s32 $0xFFFFD800  }
0x3c: {  	[hbm4b:s29+s3] =	stream.linear.scatter [tilespmem:s28], [sflag:$0x8], $0x2800, $0x38;
	[tilespmem:$0xD800] =	vst v63  }
0x3d: {  	_ =	swait.ge [sflag:s12], $0x2800  }
0x3e: {  	s21 =	simm.s32 $0x640;
	[sflag:s12] =	ssyncset.done $0x0  }
0x3f: {  	s31 =	sadd.s32 $0xFFFFFB00, s6;
	s30 =	rddreg [dreg:$0x7];
	[sflag:s12] =	ssyncadd.s32 $0xFFFFD800  }
0x40: {  	[hbm4b:s31+s3] =	stream.linear.scatter [tilespmem:s30], [sflag:$0x9], $0x2800, $0x38;
	[tilespmem:$0xD800] =	vst v63  }
0x41: {  	p0 =	por $0x1, $0x1;
	s20 =	sadd.s32 $0x1900, s6;
	_ =	swait.ge [sflag:s13], $0x2800  }
0x42: {  	s22 =	simm.s32 $0xC80;
	s23 =	smov.u32 s6;
	[sflag:s13] =	ssyncset.done $0x0  }
.LBB2_2:
0x43: {  	s25 =	simm.s32 @p0 $0x6;
	[sflag:s13] =	ssyncadd.s32 $0xFFFFD800  }
0x44: {  	[hbm4b:s23+s3] =	stream.linear.scatter [tilespmem:s8], [sflag:$0xA], $0x2800, $0x38;
	[tilespmem:$0xD800] =	vst v63  }
0x45: {  	_ =	swait.ge @p0 [sflag:s25], $0x2800  }
0x46: {  	s26 =	simm.s32 @p0 $0x1000;
	s28 =	simm.s32 @p0 $0x7;
	[sflag:s25] =	ssyncset.done @p0 $0x0  }
0x47: {  	s29 =	simm.s32 @p0 $0x50;
	[sflag:s25] =	ssyncadd.s32 @p0 $0xFFFFD800;
	s25 =	sshra.s32 @p0 s21, $0x2  }
0x48: {  	[tilespmem:s26], [sflag:$0x1] =	stream.indirect.gather @p0 [hbm4b:s2+s29], $0x80, s25, s29, $0xb8;
	[tilespmem:$0xD800] =	vst v63  }
0x49: {  	_ =	swait.ge @p0 [sflag:s28], $0x2800  }
0x4a: {  	s31 =	simm.s32 @p0 $0x8;
	[sflag:s28] =	ssyncset.done @p0 $0x0  }
0x4b: {  	s26 =	sadd.s32 @p0 $0x50, s25;
	[sflag:s28] =	ssyncadd.s32 @p0 $0xFFFFD800;
	s28 =	simm.s32 @p0 $0x3800  }
0x4c: {  	[tilespmem:s28], [sflag:$0x2] =	stream.indirect.gather @p0 [hbm4b:s2+s29], $0x80, s26, s29, $0xb8;
	[tilespmem:$0xD800] =	vst v63  }
0x4d: {  	_ =	swait.ge @p0 [sflag:s31], $0x2800  }
0x4e: {  	s30 =	sadd.s32 @p0 $0xA0, s25;
	[sflag:s31] =	ssyncset.done @p0 $0x0  }
0x4f: {  	s26 =	simm.s32 @p0 $0x6000;
	s28 =	simm.s32 @p0 $0x9;
	[sflag:s31] =	ssyncadd.s32 @p0 $0xFFFFD800  }
0x50: {  	[tilespmem:s26], [sflag:$0x3] =	stream.indirect.gather @p0 [hbm4b:s2+s29], $0x80, s30, s29, $0xb8;
	[tilespmem:$0xD800] =	vst v63  }
0x51: {  	_ =	swait.ge @p0 [sflag:s28], $0x2800  }
0x52: {  	s25 =	sadd.s32 @p0 $0xF0, s25;
	[sflag:s28] =	ssyncset.done @p0 $0x0  }
0x53: {  	s26 =	simm.s32 @p0 $0x8800;
	[sflag:s28] =	ssyncadd.s32 @p0 $0xFFFFD800;
	s28 =	simm.s32 @p0 $0xA  }
0x54: {  	[tilespmem:s26], [sflag:$0x4] =	stream.indirect.gather @p0 [hbm4b:s2+s29], $0x80, s25, s29, $0xb8;
	[tilespmem:$0xD800] =	vst v63  }
0x55: {  	_ =	swait.ge @p0 [sflag:s28], $0x2800  }
0x56: {  	s25 =	simm.s32 @!p0 $0x1000;
	[sflag:s28] =	ssyncset.done @p0 $0x0  }
0x57: {  	s26 =	sshra.s32 @!p0 s21, $0x2;
	[sflag:s28] =	ssyncadd.s32 @p0 $0xFFFFD800;
	s28 =	simm.s32 @!p0 $0x50  }
0x58: {  	[tilespmem:s25], [sflag:$0x1] =	stream.indirect.gather @!p0 [hbm4b:s2+s28], $0x80, s26, s28, $0xb8;
	[tilespmem:$0xD800] =	vst v63  }
0x59: {  	s29 =	simm.s32 @!p0 $0x3800;
	s25 =	sadd.s32 @!p0 $0x50, s26  }
0x5a: {  	[tilespmem:s29], [sflag:$0x2] =	stream.indirect.gather @!p0 [hbm4b:s2+s28], $0x80, s25, s28, $0xb8;
	[tilespmem:$0xD800] =	vst v63  }
0x5b: {  	s30 =	sadd.s32 @!p0 $0xF0, s26;
	s25 =	sadd.s32 @!p0 $0xA0, s26;
	s26 =	simm.s32 @!p0 $0x6000  }
0x5c: {  	[tilespmem:s26], [sflag:$0x3] =	stream.indirect.gather @!p0 [hbm4b:s2+s28], $0x80, s25, s28, $0xb8;
	[tilespmem:$0xD800] =	vst v63  }
0x5d: {  	s29 =	sshra.s32 s21, $0x2;
	s25 =	simm.s32 @!p0 $0x8800  }
0x5e: {  	[tilespmem:s25], [sflag:$0x4] =	stream.indirect.gather @!p0 [hbm4b:s2+s28], $0x80, s30, s28, $0xb8;
	[tilespmem:$0xD800] =	vst v63  }
0x5f: {  	s31 =	rddreg [dreg:$0x3];
	s29 =	sadd.s32 $0x140, s29  }
0x60: {  	[tilespmem:s8], [sflag:$0x5] =	stream.indirect.gather [hbm4b:s2+s31], $0x80, s29, s31, $0xb8;
	[tilespmem:$0xD800] =	vst v63  }
0x61: {  	_ =	swait.ge [sflag:s9], $0x2800  }
0x62: {  	[sflag:s9] =	ssyncset.done $0x0  }
0x63: {  	s31 =	sadd.s32 $0xFFFFEC00, s20;
	s30 =	rddreg [dreg:$0x4];
	[sflag:s9] =	ssyncadd.s32 $0xFFFFD800  }
0x64: {  	[hbm4b:s31+s3] =	stream.linear.scatter [tilespmem:s30], [sflag:$0x6], $0x2800, $0x38;
	[tilespmem:$0xD800] =	vst v63  }
0x65: {  	_ =	swait.ge [sflag:s10], $0x2800  }
0x66: {  	[sflag:s10] =	ssyncset.done $0x0  }
0x67: {  	s26 =	sadd.s32 $0xFFFFF100, s20;
	s25 =	rddreg [dreg:$0x5];
	[sflag:s10] =	ssyncadd.s32 $0xFFFFD800  }
0x68: {  	[hbm4b:s26+s3] =	stream.linear.scatter [tilespmem:s25], [sflag:$0x7], $0x2800, $0x38;
	[tilespmem:$0xD800] =	vst v63  }
0x69: {  	_ =	swait.ge [sflag:s11], $0x2800  }
0x6a: {  	s24 =	smov.u32 s22;
	s22 =	sadd.s32 $0x640, s22;
	[sflag:s11] =	ssyncset.done $0x0  }
0x6b: {  	s29 =	sadd.s32 $0xFFFFF600, s20;
	s28 =	rddreg [dreg:$0x6];
	[sflag:s11] =	ssyncadd.s32 $0xFFFFD800  }
0x6c: {  	[hbm4b:s29+s3] =	stream.linear.scatter [tilespmem:s28], [sflag:$0x8], $0x2800, $0x38;
	[tilespmem:$0xD800] =	vst v63  }
0x6d: {  	p1 =	sne.s32 s22, $0x3E80;
	_ =	swait.ge [sflag:s12], $0x2800  }
.Ltmp0:
0x6e: {  	[sflag:s12] =	ssyncset.done $0x0;
	(pc) =	sbr.rel @p1 .LBB2_2-.Ltmp0, $4  }
0x6f: {  	s31 =	sadd.s32 $0xFFFFFB00, s20;
	s30 =	rddreg [dreg:$0x7];
	[sflag:s12] =	ssyncadd.s32 $0xFFFFD800  }
0x70: {  	[hbm4b:s31+s3] =	stream.linear.scatter [tilespmem:s30], [sflag:$0x9], $0x2800, $0x38;
	[tilespmem:$0xD800] =	vst v63  }
0x71: {  	s23 =	smov.u32 s20;
	s21 =	smov.u32 s24;
	_ =	swait.ge [sflag:s13], $0x2800  }
0x72: {  	p0 =	sne.s32 s21, $0x0;
	s20 =	sadd.s32 $0x1900, s20;
	[sflag:s13] =	ssyncset.done $0x0  }
0x73: {  	s22 =	simm.s32 @p0 $0x6;
	[sflag:s13] =	ssyncadd.s32 $0xFFFFD800  }
0x74: {  	[hbm4b:s23+s3] =	stream.linear.scatter [tilespmem:s8], [sflag:$0xA], $0x2800, $0x38;
	[tilespmem:$0xD800] =	vst v63  }
0x75: {  	_ =	swait.ge @p0 [sflag:s22], $0x2800  }
0x76: {  	s24 =	simm.s32 @p0 $0x7;
	s25 =	simm.s32 @p0 $0x50;
	[sflag:s22] =	ssyncset.done @p0 $0x0  }
0x77: {  	s23 =	simm.s32 @p0 $0x1000;
	[sflag:s22] =	ssyncadd.s32 @p0 $0xFFFFD800;
	s22 =	sshra.s32 @p0 s21, $0x2  }
0x78: {  	[tilespmem:s23], [sflag:$0x1] =	stream.indirect.gather @p0 [hbm4b:s2+s25], $0x80, s22, s25, $0xb8;
	[tilespmem:$0xD800] =	vst v63  }
0x79: {  	_ =	swait.ge @p0 [sflag:s24], $0x2800  }
0x7a: {  	s26 =	simm.s32 @p0 $0x8;
	[sflag:s24] =	ssyncset.done @p0 $0x0  }
0x7b: {  	s23 =	sadd.s32 @p0 $0x50, s22;
	[sflag:s24] =	ssyncadd.s32 @p0 $0xFFFFD800;
	s24 =	simm.s32 @p0 $0x3800  }
0x7c: {  	[tilespmem:s24], [sflag:$0x2] =	stream.indirect.gather @p0 [hbm4b:s2+s25], $0x80, s23, s25, $0xb8;
	[tilespmem:$0xD800] =	vst v63  }
0x7d: {  	_ =	swait.ge @p0 [sflag:s26], $0x2800  }
0x7e: {  	s23 =	sadd.s32 @p0 $0xA0, s22;
	[sflag:s26] =	ssyncset.done @p0 $0x0  }
0x7f: {  	s24 =	simm.s32 @p0 $0x6000;
	[sflag:s26] =	ssyncadd.s32 @p0 $0xFFFFD800;
	s26 =	simm.s32 @p0 $0x9  }
0x80: {  	[tilespmem:s24], [sflag:$0x3] =	stream.indirect.gather @p0 [hbm4b:s2+s25], $0x80, s23, s25, $0xb8;
	[tilespmem:$0xD800] =	vst v63  }
0x81: {  	_ =	swait.ge @p0 [sflag:s26], $0x2800  }
0x82: {  	s22 =	sadd.s32 @p0 $0xF0, s22;
	[sflag:s26] =	ssyncset.done @p0 $0x0  }
0x83: {  	s23 =	simm.s32 @p0 $0x8800;
	s24 =	simm.s32 @p0 $0xA;
	[sflag:s26] =	ssyncadd.s32 @p0 $0xFFFFD800  }
0x84: {  	[tilespmem:s23], [sflag:$0x4] =	stream.indirect.gather @p0 [hbm4b:s2+s25], $0x80, s22, s25, $0xb8;
	[tilespmem:$0xD800] =	vst v63  }
0x85: {  	_ =	swait.ge @p0 [sflag:s24], $0x2800  }
0x86: {  	s22 =	simm.s32 @!p0 $0x1000;
	[sflag:s24] =	ssyncset.done @p0 $0x0  }
0x87: {  	s23 =	sshra.s32 @!p0 s21, $0x2;
	[sflag:s24] =	ssyncadd.s32 @p0 $0xFFFFD800;
	s24 =	simm.s32 @!p0 $0x50  }
0x88: {  	[tilespmem:s22], [sflag:$0x1] =	stream.indirect.gather @!p0 [hbm4b:s2+s24], $0x80, s23, s24, $0xb8;
	[tilespmem:$0xD800] =	vst v63  }
0x89: {  	s25 =	simm.s32 @!p0 $0x3800;
	s22 =	sadd.s32 @!p0 $0x50, s23  }
0x8a: {  	[tilespmem:s25], [sflag:$0x2] =	stream.indirect.gather @!p0 [hbm4b:s2+s24], $0x80, s22, s24, $0xb8;
	[tilespmem:$0xD800] =	vst v63  }
0x8b: {  	s22 =	sadd.s32 @!p0 $0xF0, s23;
	s23 =	sadd.s32 @!p0 $0xA0, s23;
	s25 =	simm.s32 @!p0 $0x6000  }
0x8c: {  	[tilespmem:s25], [sflag:$0x3] =	stream.indirect.gather @!p0 [hbm4b:s2+s24], $0x80, s23, s24, $0xb8;
	[tilespmem:$0xD800] =	vst v63  }
0x8d: {  	s30 =	sshra.s32 s21, $0x2;
	s23 =	simm.s32 @!p0 $0x8800  }
0x8e: {  	[tilespmem:s23], [sflag:$0x4] =	stream.indirect.gather @!p0 [hbm4b:s2+s24], $0x80, s22, s24, $0xb8;
	[tilespmem:$0xD800] =	vst v63  }
0x8f: {  	s21 =	sadd.s32 $0x140, s30;
	s31 =	rddreg [dreg:$0x3]  }
0x90: {  	[tilespmem:s8], [sflag:$0x5] =	stream.indirect.gather [hbm4b:s2+s31], $0x80, s21, s31, $0xb8;
	[tilespmem:$0xD800] =	vst v63  }
0x91: {  	_ =	swait.ge [sflag:s9], $0x2800  }
0x92: {  	[sflag:s9] =	ssyncset.done $0x0  }
0x93: {  	s24 =	sadd.s32 $0xFFFFEC00, s20;
	s23 =	rddreg [dreg:$0x4];
	[sflag:s9] =	ssyncadd.s32 $0xFFFFD800  }
0x94: {  	[hbm4b:s24+s3] =	stream.linear.scatter [tilespmem:s23], [sflag:$0x6], $0x2800, $0x38;
	[tilespmem:$0xD800] =	vst v63  }
0x95: {  	_ =	swait.ge [sflag:s10], $0x2800  }
0x96: {  	[sflag:s10] =	ssyncset.done $0x0  }
0x97: {  	s26 =	sadd.s32 $0xFFFFF100, s20;
	s25 =	rddreg [dreg:$0x5];
	[sflag:s10] =	ssyncadd.s32 $0xFFFFD800  }
0x98: {  	[hbm4b:s26+s3] =	stream.linear.scatter [tilespmem:s25], [sflag:$0x7], $0x2800, $0x38;
	[tilespmem:$0xD800] =	vst v63  }
0x99: {  	_ =	swait.ge [sflag:s11], $0x2800  }
0x9a: {  	[sflag:s11] =	ssyncset.done $0x0  }
0x9b: {  	s29 =	sadd.s32 $0xFFFFF600, s20;
	s28 =	rddreg [dreg:$0x6];
	[sflag:s11] =	ssyncadd.s32 $0xFFFFD800  }
0x9c: {  	[hbm4b:s29+s3] =	stream.linear.scatter [tilespmem:s28], [sflag:$0x8], $0x2800, $0x38;
	[tilespmem:$0xD800] =	vst v63  }
0x9d: {  	_ =	swait.ge [sflag:s12], $0x2800  }
0x9e: {  	[sflag:s12] =	ssyncset.done $0x0  }
0x9f: {  	s31 =	sadd.s32 $0xFFFFFB00, s20;
	s30 =	rddreg [dreg:$0x7];
	[sflag:s12] =	ssyncadd.s32 $0xFFFFD800  }
0xa0: {  	[hbm4b:s31+s3] =	stream.linear.scatter [tilespmem:s30], [sflag:$0x9], $0x2800, $0x38;
	[tilespmem:$0xD800] =	vst v63  }
0xa1: {  	_ =	swait.ge [sflag:s13], $0x2800  }
0xa2: {  	[sflag:s13] =	ssyncset.done $0x0  }
0xa3: {  	[sflag:s13] =	ssyncadd.s32 $0xFFFFD800  }
0xa4: {  	[hbm4b:s20+s3] =	stream.linear.scatter [tilespmem:s8], [sflag:$0xA], $0x2800, $0x38;
	[tilespmem:$0xD800] =	vst v63  }
0xa5: {  	_ =	swait.ge [sflag:s14], $0x2800  }
0xa6: {  	[sflag:s14] =	ssyncset.done $0x0  }
0xa7: {  	[sflag:s14] =	ssyncadd.s32 $0xFFFFD800  }
0xa8: {  	_ =	swait.ge [sflag:s15], $0x2800  }
0xa9: {  	[sflag:s15] =	ssyncset.done $0x0  }
0xaa: {  	[sflag:s15] =	ssyncadd.s32 $0xFFFFD800  }
0xab: {  	_ =	swait.ge [sflag:s16], $0x2800  }
0xac: {  	[sflag:s16] =	ssyncset.done $0x0  }
0xad: {  	s19 =	sadd.s32 $0x1, s19;
	[sflag:s16] =	ssyncadd.s32 $0xFFFFD800  }
0xae: {  	p0 =	sne.s32 s19, s5;
	_ =	swait.ge [sflag:s17], $0x2800  }
.Ltmp1:
0xaf: {  	[sflag:s17] =	ssyncset.done $0x0;
	(pc) =	sbr.rel @p0 .LBB2_1-.Ltmp1, $4  }
0xb0: {  	[sflag:s17] =	ssyncadd.s32 $0xFFFFD800  }
0xb1: {  	_ =	swait.ge [sflag:s18], $0x2800  }
0xb2: {  	[sflag:s18] =	ssyncset.done $0x0  }
0xb3: {  	[sflag:s18] =	ssyncadd.s32 $0xFFFFD800  }
0xb4: {  	_ =	sfence.sel $0x180000  }
0xb5: {  	[bflag:$0x0] =	sbarrier.arrive $0xFFFF  }
0xb6: {  	p0 =	sne.s32 s0, $0x0;
	_ =	strace $0x9000004D  }
0xb7: {  	s0 =	sadd.s32 @!p0 $0x100000, s1;
	[bflag:$0x2] =	sbarrier.arrive $0xFFFF  }
0xb8: {  	[sflag:s0] =	ssyncadd.tile.s32 @!p0 $0x1;
	_ =	shalt  }
.Lfunc_end2:
_tile_overlayer_lowered:
.L_overlay_start_2:
0xb9: {  	(tag) =	ssettag $0x2  }
0xba: {  	s0 =	rddreg [dreg:$0x0];
	s2 =	stileid.u32  }
0xbb: {  	s1 =	rddreg [dreg:$0x1];
	p0 =	sne.s32 s2, $0x0  }
0xbc: {  	s3 =	rddreg [dreg:$0x2];
	[bflag:$0x3] =	sbarrier.arrive $0xFFFF;
	s2 =	simm.s32 @!p0 $0x1C0B  }
0xbd: {  	[timem:s3], [sflag:s2] =	dma.local @!p0 [hbm:s0], s1  }
0xbe: {  	s0 =	simm.s32 @!p0 $0xB  }
0xbf: {  	_ =	swait.ge @!p0 [sflag:s0], s1  }
0xc0: {  	s1 =	ssub.s32 @!p0 $0x0, s1;
	[sflag:s0] =	ssyncset.done @!p0 $0x0  }
0xc1: {  	[sflag:s0] =	ssyncadd.s32 @!p0 s1  }
0xc2: {  	[bflag:$0x3] =	sbarrier.arrive $0xFFFF  }
0xc3: {  	_ =	shalt  }

// kernel: kernel.20.cloned.1.call-start
scs
__scs_entry_jumppad:
0x0: {  	(pc) =	sbr.rel $0x88, $3  }
0x1: {  	(tag) =	ssettag $0x0;
	lr =	simm.s32 $0x1  }
0x2: {  	[smem:$0x3F9A] =	sst lr;
	_ =	strace $0xD0000000  }
0x3: {  	_ = 	snop  }
0x4: {  	_ = 	snop  }
0x5: {  	_ = 	snop  }
0x6: {  	_ = 	snop  }
0x7: {  	_ = 	snop  }
__scs_overlays_trampoline_lowered:
0x8: {  	[smem:$0x3FA9] =	sst s0  }
0x9: {  	[smem:$0x3FAA] =	sst s1  }
0xa: {  	[smem:$0x3FAB] =	sst s2  }
0xb: {  	[smem:$0x3FAC] =	sst s3  }
0xc: {  	[smem:$0x3FAD] =	sst s4  }
0xd: {  	[smem:$0x3FAE] =	sst s5  }
0xe: {  	[smem:$0x3FAF] =	sst s6  }
0xf: {  	[smem:$0x3FB0] =	sst s7  }
0x10: {  	[smem:$0x3FB1] =	sst s8  }
0x11: {  	[smem:$0x3FB2] =	sst s9;
	s0 =	simm.s32 @!p0 $0x0  }
0x12: {  	s1 =	sld [smem:$0x3F98];
	s0 =	simm.s32 @p0 $0x1  }
0x13: {  	[smem:$0x3FB3] =	sst s0;
	s0 =	simm.s32 @!p1 $0x0  }
0x14: {  	s2 =	sld [smem:$0x3F97];
	s0 =	simm.s32 @p1 $0x1  }
0x15: {  	[smem:$0x3FB4] =	sst s0;
	s0 =	simm.s32 @!p2 $0x0  }
0x16: {  	s3 =	sld [smem:$0x3FDB];
	s0 =	simm.s32 @p2 $0x1  }
0x17: {  	s4 =	simm.s32 $0x1BF5;
	[smem:$0x3FB6] =	sst s0  }
0x18: {  	s0 =	sld [smem:$0x3F99];
	_ =	swait.ge [sflag:s4], $0x0  }
0x19: {  	s7 =	sld [smem:$0x3F9A]  }
0x1a: {  	s8 =	sadd.s32 $0xFFFFE003, lr  }
0x1b: {  	s9 =	sadd.s32 $0xFFFFFEF7, lr;
	s5 =	simm.s32 $0xFFFFFFFF;
	p2 =	slt.u32 s8, $0xFFFFF086  }
0x1c: {  	p1 =	slt.u32 s9, $0xF7A;
	s5 =	simm.s32 @!p2 $0x0  }
0x1d: {  	s5 =	simm.s32 @p1 $0x1;
	p0 =	seq.s32 s7, s2  }
0x1e: {  	s7 =	smul.u32 @!p0 $0xF7A, s2;
	p2 =	seq.s32 @!p0 s5, $0x0  }
0x1f: {  	s9 =	smul.u32 $0xF7A, s1;
	s8 =	simm.s32 @!p0 $0x1BF5;
	p2 =	por !p2, p0  }
0x20: {  	[sflag:s8] =	ssyncset.s32 @!p0 $0xFFFFF086;
	s6 =	sadd.s32 @!p0 s3, s7;
	s7 =	simm.s32 @!p0 $0x108  }
0x21: {  	s3 =	sadd.s32 s3, s9;
	s6 =	sadd.s32 @!p0 $0x88, s6;
	s7 =	simm.s32 @p2 $0x1082  }
0x22: {  	[simem:s7], [sflag:s8] =	dma.local @!p0 [hbm:s6], $0xF7A  }
0x23: {  	s9 =	sor.u32 $0xD0000000, s2;
	s6 =	simm.s32 $0x108;
	_ =	swait.ge @!p0 [sflag:s8], $0x0  }
0x24: {  	s3 =	sadd.s32 $0x88, s3;
	s6 =	simm.s32 @!p1 $0x1082;
	[sflag:s4] =	ssyncset.s32 $0xFFFFF086  }
0x25: {  	[simem:s6], [sflag:s4] =	dma.local [hbm:s3], $0xF7A  }
0x26: {  	[smem:$0x3F9A] =	sst s1;
	(tag) =	ssettag s2;
	_ =	strace s9  }
0x27: {  	s1 =	sld [smem:$0x3FAA]  }
0x28: {  	s2 =	sld [smem:$0x3FAB]  }
0x29: {  	s4 =	sld [smem:$0x3FAD]  }
0x2a: {  	p0 =	seq.s32 s5, $0x0;
	s5 =	sld [smem:$0x3FAE]  }
0x2b: {  	s6 =	sld [smem:$0x3FAF]  }
0x2c: {  	s7 =	sld [smem:$0x3FB0]  }
0x2d: {  	s3 =	simm.s32 $0x108;
	s8 =	sld [smem:$0x3FB1]  }
0x2e: {  	s3 =	simm.s32 @!p0 $0x1082;
	s9 =	sld [smem:$0x3FB2]  }
0x2f: {  	lr =	sadd.s32 s0, s3;
	s0 =	sld [smem:$0x3FA9]  }
0x30: {  	s3 =	sld [smem:$0x3FAC]  }
0x31: {  	[smem:$0x3FB5] =	sst s10  }
0x32: {  	s10 =	sld [smem:$0x3FB3];
	_ =	sdelay $0x3  }
0x33: {  	p0 =	seq.s32 s10, $0x1;
	s10 =	sld [smem:$0x3FB5];
	_ =	sdelay $0x3  }
0x34: {  	[smem:$0x3FB5] =	sst s10  }
0x35: {  	s10 =	sld [smem:$0x3FB4];
	_ =	sdelay $0x3  }
0x36: {  	p1 =	seq.s32 s10, $0x1;
	s10 =	sld [smem:$0x3FB5];
	_ =	sdelay $0x3  }
0x37: {  	[smem:$0x3FB5] =	sst s10  }
0x38: {  	s10 =	sld [smem:$0x3FB6]  }
0x39: {  	_ = 	snop;
	(pc) =	sbr.ind lr, $3  }
0x3a: {  	_ = 	snop  }
0x3b: {  	_ = 	snop  }
0x3c: {  	p2 =	seq.s32 s10, $0x1;
	s10 =	sld [smem:$0x3FB5]  }
0x3d: {  	_ =	shalt  }
0x3e: {  	_ =	shalt  }
0x3f: {  	_ =	shalt  }
0x40: {  	_ =	shalt  }
0x41: {  	_ =	shalt  }
0x42: {  	_ =	shalt  }
0x43: {  	_ =	shalt  }
0x44: {  	_ =	shalt  }
0x45: {  	_ =	shalt  }
0x46: {  	_ =	shalt  }
0x47: {  	_ =	shalt  }
0x48: {  	_ =	shalt  }
0x49: {  	_ =	shalt  }
0x4a: {  	_ =	shalt  }
0x4b: {  	_ =	shalt  }
0x4c: {  	_ =	shalt  }
0x4d: {  	_ =	shalt  }
0x4e: {  	_ =	shalt  }
0x4f: {  	_ =	shalt  }
0x50: {  	_ =	shalt  }
0x51: {  	_ =	shalt  }
0x52: {  	_ =	shalt  }
0x53: {  	_ =	shalt  }
0x54: {  	_ =	shalt  }
0x55: {  	_ =	shalt  }
0x56: {  	_ =	shalt  }
0x57: {  	_ =	shalt  }
0x58: {  	_ =	shalt  }
0x59: {  	_ =	shalt  }
0x5a: {  	_ =	shalt  }
0x5b: {  	_ =	shalt  }
0x5c: {  	_ =	shalt  }
0x5d: {  	_ =	shalt  }
0x5e: {  	_ =	shalt  }
0x5f: {  	_ =	shalt  }
0x60: {  	_ =	shalt  }
0x61: {  	_ =	shalt  }
0x62: {  	_ =	shalt  }
0x63: {  	_ =	shalt  }
0x64: {  	_ =	shalt  }
0x65: {  	_ =	shalt  }
0x66: {  	_ =	shalt  }
0x67: {  	_ =	shalt  }
0x68: {  	_ =	shalt  }
0x69: {  	_ =	shalt  }
0x6a: {  	_ =	shalt  }
0x6b: {  	_ =	shalt  }
0x6c: {  	_ =	shalt  }
0x6d: {  	_ =	shalt  }
0x6e: {  	_ =	shalt  }
0x6f: {  	_ =	shalt  }
0x70: {  	_ =	shalt  }
0x71: {  	_ =	shalt  }
0x72: {  	_ =	shalt  }
0x73: {  	_ =	shalt  }
0x74: {  	_ =	shalt  }
0x75: {  	_ =	shalt  }
0x76: {  	_ =	shalt  }
0x77: {  	_ =	shalt  }
0x78: {  	_ =	shalt  }
0x79: {  	_ =	shalt  }
0x7a: {  	_ =	shalt  }
0x7b: {  	_ =	shalt  }
0x7c: {  	_ =	shalt  }
0x7d: {  	_ =	shalt  }
0x7e: {  	_ =	shalt  }
0x7f: {  	_ =	shalt  }
0x80: {  	_ =	shalt  }
0x81: {  	_ =	shalt  }
0x82: {  	_ =	shalt  }
0x83: {  	_ =	shalt  }
0x84: {  	_ =	shalt  }
0x85: {  	_ =	shalt  }
0x86: {  	_ =	shalt  }
0x87: {  	_ =	shalt  }
.Lfunc_end0:
.L_simem_size_0:
called_computation.3_lowered:
.L_overlay_start_0:
0x88: {  	s2 =	sld [smem:$0x3FD9]  }
0x89: {  	s3 =	sld [smem:$0x3FFE];
	_ =	sdelay $0x1  }
0x8a: {  	s1 =	srdreg.scid  }
0x8b: {  	s0 =	sand.u32 $0x1, s1  }
0x8c: {  	s14 =	sshll.u32 s0, $0xA;
	s2 =	sadd.s32 s3, s2  }
0x8d: {  	s2 =	sadd.s32 s2, s14  }
0x8e: {  	[smem:$0x3FC1] =	sst s2  }
0x8f: {  	_ = 	snop  }
0x90: {  	s2 =	sld [smem:$0x3FD0];
	_ =	sdelay $0x2  }
0x91: {  	s15 =	simm.s32 $0xC;
	s4 =	simm.s32 $0x10  }
0x92: {  	[smem:s4], [sflag:s15] =	dma.local [hbm:s2], $0x1  }
0x93: {  	_ =	swait.eq [sflag:s15], $0x1  }
0x94: {  	[sflag:s15] =	ssyncset.done $0x0  }
0x95: {  	s16 =	sld [smem:$0x10];
	[sflag:s15] =	ssyncadd.s32 $0xFFFFFFFF  }
0x96: {  	s17 =	sld [smem:$0x11];
	(tm) =	ssettm $0x1  }
0x97: {  	s18 =	sld [smem:$0x3FFB];
	_ =	sdelay $0x3  }
0x98: {  	_ =	strace s18  }
0x99: {  	s4 =	sld [smem:$0x3FFC];
	_ =	sdelay $0x3  }
0x9a: {  	_ =	strace s4  }
0x9b: {  	s4 =	sld [smem:$0x3FFD];
	_ =	sdelay $0x3  }
0x9c: {  	_ =	strace s4  }
0x9d: {  	_ =	strace $0x8FFFFFFF  }
0x9e: {  	s19 =	sld [smem:$0x3FDB];
	_ =	sdelay $0x1  }
0x9f: {  	s5 =	simm.s32 $_scs_section_size  }
0xa0: {  	s6 =	simm.s32 $_size__tile_overlayer_lowered;
	s7 =	simm.s32 $_tile_overlayer_lowered  }
0xa1: {  	s22 =	simm.s32 $0x1BFF;
	s21 =	sshll.u32 s7, $0x1;
	s4 =	sadd.s32 s5, s19  }
0xa2: {  	s8 =	simm.s32 $0x0;
	s20 =	sshll.u32 s6, $0x1;
	s6 =	sadd.s32 s21, s4  }
0xa3: {  	[timem:s8], [sflag:s22] =	dma.local [hbm:s6], s20  }
0xa4: {  	_ =	swait.ge [sflag:s22], s20  }
0xa5: {  	s5 =	ssub.s32 $0x0, s20;
	[sflag:s22] =	ssyncset.done $0x0  }
0xa6: {  	[sflag:s22] =	ssyncadd.s32 s5;
	_ =	sdelay $0x1  }
0xa7: {  	s23 =	simm.s32 $0x1B8B  }
0xa8: {  	_ =	swait.ge [sflag:s23], $0x1  }
0xa9: {  	[sflag:s23] =	ssyncset.done $0x0  }
0xaa: {  	s25 =	simm.s32 $0x1B8E;
	s24 =	sld [smem:$0x3FFE];
	[sflag:s23] =	ssyncadd.s32 $0xFFFFFFFF  }
0xab: {  	s26 =	simm.s32 $execute0_lowered;
	[smem:$0x3FD2] =	sst s25  }
0xac: {  	s6 =	sshll.u32 s26, $0x1;
	_ =	strace $0x8000004F;
	[dreg:$0x1] =	wrdreg $0xFFFFFFFF  }
0xad: {  	s28 =	simm.s32 $_size_execute0_lowered;
	s4 =	sadd.s32 s4, s6;
	[dreg:$0x0] =	wrdreg $0x0  }
0xae: {  	s6 =	sshll.u32 s28, $0x1;
	[dreg:$0x2] =	wrdreg s4  }
0xaf: {  	[dreg:$0x3] =	wrdreg s6  }
0xb0: {  	[dreg:$0x4] =	wrdreg $0xC0  }
0xb1: {  	_ =	task [dreg:s8], $0x5FFFF  }
0xb2: {  	[dreg:$0x1] =	wrdreg $0xFFFFFFFF  }
0xb3: {  	[dreg:$0x0] =	wrdreg $0x60  }
0xb4: {  	[dreg:$0x2] =	wrdreg s17  }
0xb5: {  	[dreg:$0x3] =	wrdreg s24  }
0xb6: {  	[dreg:$0x4] =	wrdreg s16  }
0xb7: {  	[dreg:$0x5] =	wrdreg $0x68000  }
0xb8: {  	[dreg:$0x6] =	wrdreg $0x9  }
0xb9: {  	_ =	task.clear_ibuf [dreg:s8], $0x7FFFF;
	_ =	strace $0x9000004F  }
0xba: {  	s29 =	simm.s32 $0x9;
	_ =	strace $0x80000051  }
0xbb: {  	_ =	swait.ge [sflag:s29], $0x1  }
0xbc: {  	[sflag:s29] =	ssyncadd.s32 $0xFFFFFFFF  }
0xbd: {  	_ =	strace $0x90000051  }
0xbe: {  	_ =	sfence  }
0xbf: {  	s30 =	sld [smem:$0x0];
	_ =	sdelay $0x2  }
0xc0: {  	s31 =	sshll.u32 s1, $0xD;
	s1 =	sshrl.u32 s1, $0x2  }
0xc1: {  	s3 =	sand.u32 $0x4000, s31;
	s1 =	sadd.s32 s1, s30  }
0xc2: {  	s0 =	sor.u32 s3, s0;
	s1 =	sshll.u32 s1, $0x11  }
0xc3: {  	s0 =	sor.u32 s1, s0  }
0xc4: {  	s0 =	sadd.s32 $0x8F2B, s0  }
0xc5: {  	[sflag:s0] =	ssyncadd.remote.s32 $0x1  }
0xc6: {  	_ =	sfence.sel $0xFFFF  }
0xc7: {  	[dreg:$0x0] =	wrdreg $0xFFFFFFFF;
	(pc) =	sbr.abs _section_cstart, $3  }
0xc8: {  	[dreg:$0x1] =	wrdreg $0xFFFFFFFF  }
0xc9: {  	_ =	task.clear_ibuf [dreg:s8], $0x2FFFF;
	_ =	strace $0x9FFFFFFF  }
0xca: {  	(tm) =	ssettm $0x7FFFFFFF  }
0xcb: {  	_ =	shalt  }
tec
execute0_lowered:
.L_overlay_start_1:
0x0: {  	(tag) =	ssettag $0x1  }
0x1: {  	s0 =	rddreg [dreg:$0x0]  }
0x2: {  	s2 =	rddreg [dreg:$0x1]  }
0x3: {  	s4 =	rddreg [dreg:$0x2]  }
0x4: {  	s1 =	rddreg [dreg:$0x3]  }
0x5: {  	s3 =	simm.s32 $0x0;
	s5 =	srdreg.scid;
	s11 =	stileid.u32  }
0x6: {  	s28 =	simm.s32 $0x200;
	s29 =	simm.s32 $0x5400;
	s30 =	simm.s32 $0x200  }
0x7: {  	s31 =	simm.s32 $0x5400;
	[smem:$0x7FF] =	sst s3;
	s8 =	smul.u32 $0x4E000, s11  }
0x8: {  	s5 =	sand.u32 $0x1, s5;
	s6 =	sadd.s32 $0xCA00, s2;
	s25 =	smul.u32 $0x2700, s11  }
0x9: {  	s12 =	sadd.s32 $0x16800, s2;
	s13 =	sadd.s32 $0x3DA00, s2;
	s16 =	smul.u32 $0x2710, s11  }
0xa: {  	s9 =	sshll.u32 s11, $0x6;
	s15 =	sadd.s32 $0x138000, s1;
	s18 =	smul.u32 $0x27100, s11  }
0xb: {  	p1 =	sne.s32 s11, $0xF;
	p2 =	seq.s32 s11, $0xF;
	s11 =	simm.s32 $0x2  }
0xc: {  	_ =	strace $0x80000050;
	s10 =	smul.u32 $0x271000, s5;
	[dreg:$0x6] =	wrdreg s12  }
0xd: {  	s7 =	ssub.s32 $0x2, s5;
	s26 =	smul.u32 $0x27100, s5;
	[dreg:$0x7] =	wrdreg s13  }
0xe: {  	p0 =	seq.s32 s5, $0x1;
	[dreg:$0xa] =	wrdreg s15;
	s5 =	simm.s32 $0x8  }
0xf: {  	s23 =	sshrl.u32 s7, $0x1;
	s24 =	sshrl.u32 s8, $0x2;
	s14 =	sadd.s32 s4, s25  }
0x10: {  	s4 =	sadd.s32 $0x27000, s4;
	s17 =	sadd.s32 s12, s25;
	[dreg:$0x8] =	wrdreg s14  }
0x11: {  	s8 =	sadd.s32 s13, s25;
	s12 =	simm.s32 $0xA;
	[dreg:$0xb] =	wrdreg s4  }
0x12: {  	s2 =	ssub.s32 s7, s23;
	s7 =	sadd.s32 s24, s1;
	[dreg:$0xc] =	wrdreg s17  }
0x13: {  	s14 =	sor.u32 $0x1C10, s9;
	[dreg:$0xd] =	wrdreg s8;
	s0 =	sadd.s32 s10, s0  }
0x14: {  	s4 =	sadd.s32 s16, s26;
	s17 =	simm.s32 $0x10;
	s8 =	simm.s32 $0x4  }
0x15: {  	s9 =	simm.s32 $0x5;
	s10 =	simm.s32 $0x6;
	s2 =	smax.u32 s2, $0x1  }
0x16: {  	s0 =	sadd.s32 s18, s0;
	s19 =	sadd.s32 $0xA0, s4;
	s20 =	sshrl.u32 s4, $0x3  }
0x17: {  	s22 =	sadd.s32 $0x78, s4;
	s23 =	sadd.s32 $0x50, s4;
	[dreg:$0x9] =	wrdreg s14  }
0x18: {  	s4 =	sadd.s32 $0x28, s4;
	s16 =	sshrl.u32 s7, $0x3;
	[dreg:$0xe] =	wrdreg s2  }
0x19: {  	s18 =	simm.s32 $0x400;
	[dreg:$0x5] =	wrdreg s0;
	s2 =	sshrl.u32 s19, $0x3  }
0x1a: {  	s0 =	sadd.s32 s20, s6;
	s24 =	sshrl.u32 s23, $0x3;
	s25 =	sshrl.u32 s4, $0x3  }
0x1b: {  	s23 =	simm.s32 $0x100;
	[dreg:$0x14] =	wrdreg s16;
	s4 =	simm.s32 $0x7  }
0x1c: {  	[dreg:$0xf] =	wrdreg s0;
	s21 =	sadd.s32 s2, s6;
	s0 =	sshrl.u32 s22, $0x3  }
0x1d: {  	s26 =	sadd.s32 s25, s6;
	s22 =	simm.s32 $0x1800;
	s25 =	simm.s32 $0x180  }
.Ltmp0:
0x1e: {  	s2 =	simm.s32 $0x28;
	[dreg:$0x10] =	wrdreg s21;
	(pc) =	sbr.rel .LBB2_1-.Ltmp0, $4  }
0x1f: {  	s0 =	sadd.s32 s0, s6;
	[dreg:$0x13] =	wrdreg s26;
	s21 =	simm.s32 $0x80  }
0x20: {  	s26 =	simm.s32 $0x4000;
	[dreg:$0x11] =	wrdreg s0;
	s0 =	sadd.s32 s24, s6  }
0x21: {  	s24 =	simm.s32 $0x2C00;
	[dreg:$0x12] =	wrdreg s0;
	s0 =	sshrl.u32 @!p1 s15, $0x3  }
0x22: {  	s6 =	simm.s32 $0x9;
	[dreg:$0x15] =	wrdreg s0;
	s0 =	simm.s32 $0x0  }
.LBB2_6:
0x23: {  	s13 =	rddreg [dreg:$0xa]  }
0x24: {  	s7 =	sadd.s32 $0x27000, s7;
	s13 =	sshrl.u32 s13, $0x3  }
0x25: {  	[hbm:s7], [sflag:s14] =	dma.local [spmem:s13], $0x100  }
0x26: {  	_ =	swait.ge [sflag:s17], $0x100  }
0x27: {  	[sflag:s17] =	ssyncset.done $0x0  }
0x28: {  	[sflag:s17] =	ssyncadd.s32 $0xFFFFFF00  }
.LBB2_7:
0x29: {  	s0 =	sadd.s32 $0x1, s0;
	s7 =	rddreg [dreg:$0xe]  }
0x2a: {  	p3 =	sne.s32 s0, s7  }
.Ltmp1:
0x2b: {  	_ = 	snop;
	(pc) =	sbr.rel @!p3 .LBB2_8-.Ltmp1, $1  }
0x2c: {  	_ =	sdelay $0x3  }
.LBB2_1:
0x2d: {  	[dreg:$0x16] =	wrdreg s0  }
0x2e: {  	s7 =	rddreg [dreg:$0x8]  }
0x2f: {  	[spmem:s16], [sflag:s14] =	dma.local [hbm:s7], $0x2700  }
0x30: {  	_ =	swait.ge [sflag:s17], $0x2700  }
0x31: {  	[sflag:s17] =	ssyncset.done $0x0;
	s7 =	rddreg [dreg:$0xb]  }
0x32: {  	s13 =	rddreg [dreg:$0x15];
	[sflag:s17] =	ssyncadd.s32 $0xFFFFD900  }
0x33: {  	[spmem:s13], [sflag:s14] =	dma.local @!p1 [hbm:s7], $0x100  }
0x34: {  	s7 =	simm.s32 @!p1 $0x10  }
0x35: {  	_ =	swait.ge @!p1 [sflag:s7], $0x100  }
0x36: {  	[sflag:s7] =	ssyncset.done @!p1 $0x0  }
0x37: {  	p3 =	por $0x1, $0x1;
	[sflag:s7] =	ssyncadd.s32 @!p1 $0xFFFFFF00  }
0x38: {  	s7 =	simm.s32 @!p3 $0xB;
	[bflag:$0x0] =	sbarrier.arrive $0xFFFF  }
0x39: {  	_ =	swait.ge @!p3 [sflag:s7], $0x1400  }
0x3a: {  	[sflag:s7] =	ssyncset.done @!p3 $0x0;
	s16 =	rddreg [dreg:$0x5]  }
0x3b: {  	s19 =	rddreg [dreg:$0xf];
	[sflag:s7] =	ssyncadd.s32 @!p3 $0xFFFFEC00  }
0x3c: {  	[tilespmem:s3], [sflag:$0x1] =	stream.linear.gather [hbm4b:s19+s3], $0x28, $0x38;
	[tilespmem:$0x1A080] =	vst v63  }
0x3d: {  	s13 =	simm.s32 @!p3 $0xC;
	s7 =	sadd.s32 $0x0, s16  }
0x3e: {  	[tilespmem:s18], [sflag:$0x6] =	stream.linear.gather [hbm4b:s7+s3], $0x1400, $0x38;
	[tilespmem:$0x1A080] =	vst v63  }
0x3f: {  	_ =	swait.ge @!p3 [sflag:s13], $0x1400  }
0x40: {  	[sflag:s13] =	ssyncset.done @!p3 $0x0  }
0x41: {  	s16 =	rddreg [dreg:$0x13];
	[sflag:s13] =	ssyncadd.s32 @!p3 $0xFFFFEC00  }
0x42: {  	[tilespmem:s21], [sflag:$0x2] =	stream.linear.gather [hbm4b:s16+s3], $0x28, $0x38;
	[tilespmem:$0x1A080] =	vst v63  }
0x43: {  	s14 =	simm.s32 @!p3 $0xD;
	s17 =	sadd.s32 $0x280, s7  }
0x44: {  	[tilespmem:s22], [sflag:$0x7] =	stream.linear.gather [hbm4b:s17+s3], $0x1400, $0x38;
	[tilespmem:$0x1A080] =	vst v63  }
0x45: {  	_ =	swait.ge @!p3 [sflag:s14], $0x1400  }
0x46: {  	[sflag:s14] =	ssyncset.done @!p3 $0x0  }
0x47: {  	s15 =	rddreg [dreg:$0x12];
	[sflag:s14] =	ssyncadd.s32 @!p3 $0xFFFFEC00  }
0x48: {  	[tilespmem:s23], [sflag:$0x3] =	stream.linear.gather [hbm4b:s15+s3], $0x28, $0x38;
	[tilespmem:$0x1A080] =	vst v63  }
0x49: {  	s20 =	sadd.s32 $0x500, s7;
	s14 =	simm.s32 @!p3 $0xE  }
0x4a: {  	[tilespmem:s24], [sflag:$0x8] =	stream.linear.gather [hbm4b:s20+s3], $0x1400, $0x38;
	[tilespmem:$0x1A080] =	vst v63  }
0x4b: {  	_ =	swait.ge @!p3 [sflag:s14], $0x1400  }
0x4c: {  	[sflag:s14] =	ssyncset.done @!p3 $0x0  }
0x4d: {  	s20 =	rddreg [dreg:$0x11];
	[sflag:s14] =	ssyncadd.s32 @!p3 $0xFFFFEC00  }
0x4e: {  	[tilespmem:s25], [sflag:$0x4] =	stream.linear.gather [hbm4b:s20+s3], $0x28, $0x38;
	[tilespmem:$0x1A080] =	vst v63  }
0x4f: {  	s17 =	sadd.s32 $0x780, s7;
	s14 =	simm.s32 @!p3 $0xF  }
0x50: {  	[tilespmem:s26], [sflag:$0x9] =	stream.linear.gather [hbm4b:s17+s3], $0x1400, $0x38;
	[tilespmem:$0x1A080] =	vst v63  }
0x51: {  	_ =	swait.ge @!p3 [sflag:s14], $0x1400  }
0x52: {  	[sflag:s14] =	ssyncset.done @!p3 $0x0  }
0x53: {  	[sflag:s14] =	ssyncadd.s32 @!p3 $0xFFFFEC00;
	s14 =	rddreg [dreg:$0x10]  }
0x54: {  	[tilespmem:s28], [sflag:$0x5] =	stream.linear.gather [hbm4b:s14+s3], $0x28, $0x38;
	[tilespmem:$0x1A080] =	vst v63  }
0x55: {  	s0 =	simm.s32 $0x1;
	s7 =	sadd.s32 $0xA00, s7  }
0x56: {  	[tilespmem:s29], [sflag:$0xA] =	stream.linear.gather [hbm4b:s7+s3], $0x1400, $0x38;
	[tilespmem:$0x1A080] =	vst v63  }
0x57: {  	_ =	swait.ge [sflag:s0], $0x28  }
0x58: {  	[sflag:s0] =	ssyncset.done $0x0  }
0x59: {  	[sflag:s0] =	ssyncadd.s32 $0xFFFFFFD8  }
0x5a: {  	_ =	swait.ge [sflag:s10], $0x1400  }
0x5b: {  	[sflag:s10] =	ssyncset.done $0x0  }
0x5c: {  	[sflag:s10] =	ssyncadd.s32 $0xFFFFEC00  }
0x5d: {  	[spmem:s1] =	stream.indirect.scatter.add.f32 [tilespmem:s18], [sflag:$0xB], $0x80, s3, s2, $0xb8;
	[tilespmem:$0x1A080] =	vst v63  }
0x5e: {  	_ =	swait.ge [sflag:s11], $0x28  }
0x5f: {  	[sflag:s11] =	ssyncset.done $0x0  }
0x60: {  	[sflag:s11] =	ssyncadd.s32 $0xFFFFFFD8  }
0x61: {  	_ =	swait.ge [sflag:s4], $0x1400  }
0x62: {  	[sflag:s4] =	ssyncset.done $0x0  }
0x63: {  	[sflag:s4] =	ssyncadd.s32 $0xFFFFEC00  }
0x64: {  	[spmem:s1] =	stream.indirect.scatter.add.f32 [tilespmem:s22], [sflag:$0xC], $0x80, s21, s2, $0xb8;
	[tilespmem:$0x1A080] =	vst v63  }
0x65: {  	s22 =	simm.s32 $0x3  }
0x66: {  	_ =	swait.ge [sflag:s22], $0x28  }
0x67: {  	[sflag:s22] =	ssyncset.done $0x0  }
0x68: {  	[sflag:s22] =	ssyncadd.s32 $0xFFFFFFD8  }
0x69: {  	_ =	swait.ge [sflag:s5], $0x1400  }
0x6a: {  	[sflag:s5] =	ssyncset.done $0x0  }
0x6b: {  	[sflag:s5] =	ssyncadd.s32 $0xFFFFEC00  }
0x6c: {  	[spmem:s1] =	stream.indirect.scatter.add.f32 [tilespmem:s24], [sflag:$0xD], $0x80, s23, s2, $0xb8;
	[tilespmem:$0x1A080] =	vst v63  }
0x6d: {  	_ =	swait.ge [sflag:s8], $0x28  }
0x6e: {  	[sflag:s8] =	ssyncset.done $0x0  }
0x6f: {  	[sflag:s8] =	ssyncadd.s32 $0xFFFFFFD8  }
0x70: {  	p4 =	por $0x0, $0x0;
	_ =	swait.ge [sflag:s6], $0x1400  }
0x71: {  	s16 =	sadd.s32 $0x19, s16;
	s15 =	sadd.s32 $0x19, s15;
	[sflag:s6] =	ssyncset.done $0x0  }
0x72: {  	s17 =	simm.s32 $0xC80;
	s28 =	simm.s32 $0x180;
	[sflag:s6] =	ssyncadd.s32 $0xFFFFEC00  }
0x73: {  	[spmem:s1] =	stream.indirect.scatter.add.f32 [tilespmem:s26], [sflag:$0xE], $0x80, s25, s2, $0xb8;
	[tilespmem:$0x1A080] =	vst v63  }
0x74: {  	s13 =	sadd.s32 $0x19, s14;
	s14 =	sadd.s32 $0x19, s20;
	_ =	swait.ge [sflag:s9], $0x28  }
0x75: {  	s29 =	simm.s32 $0x4000;
	s7 =	sadd.s32 $0x19, s19;
	[sflag:s9] =	ssyncset.done $0x0  }
0x76: {  	s18 =	simm.s32 $0x1900;
	s22 =	simm.s32 $0x400;
	[sflag:s9] =	ssyncadd.s32 $0xFFFFFFD8  }
0x77: {  	s23 =	simm.s32 $0x80;
	s24 =	simm.s32 $0x1800;
	_ =	swait.ge [sflag:s12], $0x1400  }
0x78: {  	s25 =	simm.s32 $0x100;
	s26 =	simm.s32 $0x2C00;
	[sflag:s12] =	ssyncset.done $0x0  }
.LBB2_2:
0x79: {  	s19 =	simm.s32 @!p4 $0xB;
	[sflag:s12] =	ssyncadd.s32 $0xFFFFEC00  }
0x7a: {  	[spmem:s1] =	stream.indirect.scatter.add.f32 [tilespmem:s31], [sflag:$0xF], $0x80, s30, s2, $0xb8;
	[tilespmem:$0x1A080] =	vst v63  }
0x7b: {  	_ =	swait.ge @!p4 [sflag:s19], $0x1400  }
0x7c: {  	[sflag:s19] =	ssyncset.done @!p4 $0x0  }
0x7d: {  	s21 =	rddreg [dreg:$0x5];
	[sflag:s19] =	ssyncadd.s32 @!p4 $0xFFFFEC00  }
0x7e: {  	[tilespmem:s3], [sflag:$0x1] =	stream.linear.gather [hbm4b:s7+s3], $0x28, $0x38;
	[tilespmem:$0x1A080] =	vst v63  }
0x7f: {  	s19 =	sadd.s32 s17, s21;
	s21 =	simm.s32 @!p4 $0xC  }
0x80: {  	[tilespmem:s22], [sflag:$0x6] =	stream.linear.gather [hbm4b:s19+s3], $0x1400, $0x38;
	[tilespmem:$0x1A080] =	vst v63  }
0x81: {  	_ =	swait.ge @!p4 [sflag:s21], $0x1400  }
0x82: {  	[sflag:s21] =	ssyncset.done @!p4 $0x0  }
0x83: {  	s20 =	smov.u32 s18;
	[sflag:s21] =	ssyncadd.s32 @!p4 $0xFFFFEC00  }
0x84: {  	[tilespmem:s23], [sflag:$0x2] =	stream.linear.gather [hbm4b:s16+s3], $0x28, $0x38;
	[tilespmem:$0x1A080] =	vst v63  }
0x85: {  	s17 =	smov.u32 s20;
	s20 =	sadd.s32 $0x280, s19;
	s21 =	simm.s32 @!p4 $0xD  }
0x86: {  	[tilespmem:s24], [sflag:$0x7] =	stream.linear.gather [hbm4b:s20+s3], $0x1400, $0x38;
	[tilespmem:$0x1A080] =	vst v63  }
0x87: {  	_ =	swait.ge @!p4 [sflag:s21], $0x1400  }
0x88: {  	[sflag:s21] =	ssyncset.done @!p4 $0x0  }
0x89: {  	[sflag:s21] =	ssyncadd.s32 @!p4 $0xFFFFEC00  }
0x8a: {  	[tilespmem:s25], [sflag:$0x3] =	stream.linear.gather [hbm4b:s15+s3], $0x28, $0x38;
	[tilespmem:$0x1A080] =	vst v63  }
0x8b: {  	s20 =	sadd.s32 $0x500, s19;
	s21 =	simm.s32 @!p4 $0xE  }
0x8c: {  	[tilespmem:s26], [sflag:$0x8] =	stream.linear.gather [hbm4b:s20+s3], $0x1400, $0x38;
	[tilespmem:$0x1A080] =	vst v63  }
0x8d: {  	_ =	swait.ge @!p4 [sflag:s21], $0x1400  }
0x8e: {  	[sflag:s21] =	ssyncset.done @!p4 $0x0  }
0x8f: {  	[sflag:s21] =	ssyncadd.s32 @!p4 $0xFFFFEC00  }
0x90: {  	[tilespmem:s28], [sflag:$0x4] =	stream.linear.gather [hbm4b:s14+s3], $0x28, $0x38;
	[tilespmem:$0x1A080] =	vst v63  }
0x91: {  	s20 =	sadd.s32 $0x780, s19;
	s21 =	simm.s32 @!p4 $0xF  }
0x92: {  	[tilespmem:s29], [sflag:$0x9] =	stream.linear.gather [hbm4b:s20+s3], $0x1400, $0x38;
	[tilespmem:$0x1A080] =	vst v63  }
0x93: {  	_ =	swait.ge @!p4 [sflag:s21], $0x1400  }
0x94: {  	[sflag:s21] =	ssyncset.done @!p4 $0x0  }
0x95: {  	[sflag:s21] =	ssyncadd.s32 @!p4 $0xFFFFEC00  }
0x96: {  	[tilespmem:s30], [sflag:$0x5] =	stream.linear.gather [hbm4b:s13+s3], $0x28, $0x38;
	[tilespmem:$0x1A080] =	vst v63  }
0x97: {  	s19 =	sadd.s32 $0xA00, s19  }
0x98: {  	[tilespmem:s31], [sflag:$0xA] =	stream.linear.gather [hbm4b:s19+s3], $0x1400, $0x38;
	[tilespmem:$0x1A080] =	vst v63  }
0x99: {  	_ =	swait.ge [sflag:s0], $0x28  }
0x9a: {  	[sflag:s0] =	ssyncset.done $0x0  }
0x9b: {  	[sflag:s0] =	ssyncadd.s32 $0xFFFFFFD8  }
0x9c: {  	_ =	swait.ge [sflag:s10], $0x1400  }
0x9d: {  	[sflag:s10] =	ssyncset.done $0x0  }
0x9e: {  	[sflag:s10] =	ssyncadd.s32 $0xFFFFEC00  }
0x9f: {  	[spmem:s1] =	stream.indirect.scatter.add.f32 [tilespmem:s22], [sflag:$0xB], $0x80, s3, s2, $0xb8;
	[tilespmem:$0x1A080] =	vst v63  }
0xa0: {  	_ =	swait.ge [sflag:s11], $0x28  }
0xa1: {  	[sflag:s11] =	ssyncset.done $0x0  }
0xa2: {  	[sflag:s11] =	ssyncadd.s32 $0xFFFFFFD8  }
0xa3: {  	_ =	swait.ge [sflag:s4], $0x1400  }
0xa4: {  	[sflag:s4] =	ssyncset.done $0x0  }
0xa5: {  	s20 =	simm.s32 $0x3;
	[sflag:s4] =	ssyncadd.s32 $0xFFFFEC00  }
0xa6: {  	[spmem:s1] =	stream.indirect.scatter.add.f32 [tilespmem:s24], [sflag:$0xC], $0x80, s23, s2, $0xb8;
	[tilespmem:$0x1A080] =	vst v63  }
0xa7: {  	_ =	swait.ge [sflag:s20], $0x28  }
0xa8: {  	[sflag:s20] =	ssyncset.done $0x0  }
0xa9: {  	[sflag:s20] =	ssyncadd.s32 $0xFFFFFFD8  }
0xaa: {  	_ =	swait.ge [sflag:s5], $0x1400  }
0xab: {  	[sflag:s5] =	ssyncset.done $0x0  }
0xac: {  	[sflag:s5] =	ssyncadd.s32 $0xFFFFEC00  }
0xad: {  	[spmem:s1] =	stream.indirect.scatter.add.f32 [tilespmem:s26], [sflag:$0xD], $0x80, s25, s2, $0xb8;
	[tilespmem:$0x1A080] =	vst v63  }
0xae: {  	_ =	swait.ge [sflag:s8], $0x28  }
0xaf: {  	[sflag:s8] =	ssyncset.done $0x0  }
0xb0: {  	[sflag:s8] =	ssyncadd.s32 $0xFFFFFFD8  }
0xb1: {  	_ =	swait.ge [sflag:s6], $0x1400  }
0xb2: {  	s18 =	sadd.s32 $0xC80, s18;
	[sflag:s6] =	ssyncset.done $0x0  }
0xb3: {  	p3 =	sne.s32 s18, $0x27100;
	[sflag:s6] =	ssyncadd.s32 $0xFFFFEC00  }
0xb4: {  	[spmem:s1] =	stream.indirect.scatter.add.f32 [tilespmem:s29], [sflag:$0xE], $0x80, s28, s2, $0xb8;
	[tilespmem:$0x1A080] =	vst v63  }
.Ltmp2:
0xb5: {  	_ =	swait.ge [sflag:s9], $0x28;
	(pc) =	sbr.rel @p3 .LBB2_2-.Ltmp2, $4  }
0xb6: {  	[sflag:s9] =	ssyncset.done $0x0  }
0xb7: {  	s7 =	sadd.s32 $0x19, s7;
	s16 =	sadd.s32 $0x19, s16;
	[sflag:s9] =	ssyncadd.s32 $0xFFFFFFD8  }
0xb8: {  	s15 =	sadd.s32 $0x19, s15;
	s14 =	sadd.s32 $0x19, s14;
	_ =	swait.ge [sflag:s12], $0x1400  }
0xb9: {  	p4 =	seq.s32 s17, $0x0;
	s13 =	sadd.s32 $0x19, s13;
	[sflag:s12] =	ssyncset.done $0x0  }
0xba: {  	s18 =	simm.s32 @!p4 $0xB;
	[sflag:s12] =	ssyncadd.s32 $0xFFFFEC00  }
0xbb: {  	[spmem:s1] =	stream.indirect.scatter.add.f32 [tilespmem:s31], [sflag:$0xF], $0x80, s30, s2, $0xb8;
	[tilespmem:$0x1A080] =	vst v63  }
0xbc: {  	_ =	swait.ge @!p4 [sflag:s18], $0x1400  }
0xbd: {  	[sflag:s18] =	ssyncset.done @!p4 $0x0  }
0xbe: {  	s19 =	rddreg [dreg:$0x5];
	[sflag:s18] =	ssyncadd.s32 @!p4 $0xFFFFEC00  }
0xbf: {  	[tilespmem:s3], [sflag:$0x1] =	stream.linear.gather [hbm4b:s7+s3], $0x28, $0x38;
	[tilespmem:$0x1A080] =	vst v63  }
0xc0: {  	s7 =	sadd.s32 s17, s19;
	s17 =	simm.s32 @!p4 $0xC  }
0xc1: {  	[tilespmem:s22], [sflag:$0x6] =	stream.linear.gather [hbm4b:s7+s3], $0x1400, $0x38;
	[tilespmem:$0x1A080] =	vst v63  }
0xc2: {  	_ =	swait.ge @!p4 [sflag:s17], $0x1400  }
0xc3: {  	[sflag:s17] =	ssyncset.done @!p4 $0x0  }
0xc4: {  	[sflag:s17] =	ssyncadd.s32 @!p4 $0xFFFFEC00  }
0xc5: {  	[tilespmem:s23], [sflag:$0x2] =	stream.linear.gather [hbm4b:s16+s3], $0x28, $0x38;
	[tilespmem:$0x1A080] =	vst v63  }
0xc6: {  	s18 =	sadd.s32 $0x280, s7;
	s16 =	simm.s32 @!p4 $0xD  }
0xc7: {  	[tilespmem:s24], [sflag:$0x7] =	stream.linear.gather [hbm4b:s18+s3], $0x1400, $0x38;
	[tilespmem:$0x1A080] =	vst v63  }
0xc8: {  	_ =	swait.ge @!p4 [sflag:s16], $0x1400  }
0xc9: {  	[sflag:s16] =	ssyncset.done @!p4 $0x0  }
0xca: {  	[sflag:s16] =	ssyncadd.s32 @!p4 $0xFFFFEC00  }
0xcb: {  	[tilespmem:s25], [sflag:$0x3] =	stream.linear.gather [hbm4b:s15+s3], $0x28, $0x38;
	[tilespmem:$0x1A080] =	vst v63  }
0xcc: {  	s19 =	sadd.s32 $0x500, s7;
	s15 =	simm.s32 @!p4 $0xE  }
0xcd: {  	[tilespmem:s26], [sflag:$0x8] =	stream.linear.gather [hbm4b:s19+s3], $0x1400, $0x38;
	[tilespmem:$0x1A080] =	vst v63  }
0xce: {  	_ =	swait.ge @!p4 [sflag:s15], $0x1400  }
0xcf: {  	[sflag:s15] =	ssyncset.done @!p4 $0x0  }
0xd0: {  	[sflag:s15] =	ssyncadd.s32 @!p4 $0xFFFFEC00  }
0xd1: {  	[tilespmem:s28], [sflag:$0x4] =	stream.linear.gather [hbm4b:s14+s3], $0x28, $0x38;
	[tilespmem:$0x1A080] =	vst v63  }
0xd2: {  	s21 =	sadd.s32 $0x780, s7;
	s14 =	simm.s32 @!p4 $0xF  }
0xd3: {  	[tilespmem:s29], [sflag:$0x9] =	stream.linear.gather [hbm4b:s21+s3], $0x1400, $0x38;
	[tilespmem:$0x1A080] =	vst v63  }
0xd4: {  	_ =	swait.ge @!p4 [sflag:s14], $0x1400  }
0xd5: {  	[sflag:s14] =	ssyncset.done @!p4 $0x0  }
0xd6: {  	[sflag:s14] =	ssyncadd.s32 @!p4 $0xFFFFEC00  }
0xd7: {  	[tilespmem:s30], [sflag:$0x5] =	stream.linear.gather [hbm4b:s13+s3], $0x28, $0x38;
	[tilespmem:$0x1A080] =	vst v63  }
0xd8: {  	s7 =	sadd.s32 $0xA00, s7  }
0xd9: {  	[tilespmem:s31], [sflag:$0xA] =	stream.linear.gather [hbm4b:s7+s3], $0x1400, $0x38;
	[tilespmem:$0x1A080] =	vst v63  }
0xda: {  	_ =	swait.ge [sflag:s0], $0x28  }
0xdb: {  	[sflag:s0] =	ssyncset.done $0x0  }
0xdc: {  	[sflag:s0] =	ssyncadd.s32 $0xFFFFFFD8  }
0xdd: {  	_ =	swait.ge [sflag:s10], $0x1400  }
0xde: {  	[sflag:s10] =	ssyncset.done $0x0  }
0xdf: {  	[sflag:s10] =	ssyncadd.s32 $0xFFFFEC00  }
0xe0: {  	[spmem:s1] =	stream.indirect.scatter.add.f32 [tilespmem:s22], [sflag:$0xB], $0x80, s3, s2, $0xb8;
	[tilespmem:$0x1A080] =	vst v63  }
0xe1: {  	_ =	swait.ge [sflag:s11], $0x28  }
0xe2: {  	[sflag:s11] =	ssyncset.done $0x0  }
0xe3: {  	[sflag:s11] =	ssyncadd.s32 $0xFFFFFFD8  }
0xe4: {  	_ =	swait.ge [sflag:s4], $0x1400  }
0xe5: {  	[sflag:s4] =	ssyncset.done $0x0  }
0xe6: {  	[sflag:s4] =	ssyncadd.s32 $0xFFFFEC00  }
0xe7: {  	[spmem:s1] =	stream.indirect.scatter.add.f32 [tilespmem:s24], [sflag:$0xC], $0x80, s23, s2, $0xb8;
	[tilespmem:$0x1A080] =	vst v63  }
0xe8: {  	_ =	swait.ge [sflag:s20], $0x28  }
0xe9: {  	[sflag:s20] =	ssyncset.done $0x0  }
0xea: {  	[sflag:s20] =	ssyncadd.s32 $0xFFFFFFD8  }
0xeb: {  	_ =	swait.ge [sflag:s5], $0x1400  }
0xec: {  	[sflag:s5] =	ssyncset.done $0x0  }
0xed: {  	[sflag:s5] =	ssyncadd.s32 $0xFFFFEC00  }
0xee: {  	[spmem:s1] =	stream.indirect.scatter.add.f32 [tilespmem:s26], [sflag:$0xD], $0x80, s25, s2, $0xb8;
	[tilespmem:$0x1A080] =	vst v63  }
0xef: {  	_ =	swait.ge [sflag:s8], $0x28  }
0xf0: {  	[sflag:s8] =	ssyncset.done $0x0  }
0xf1: {  	[sflag:s8] =	ssyncadd.s32 $0xFFFFFFD8  }
0xf2: {  	_ =	swait.ge [sflag:s6], $0x1400  }
0xf3: {  	[sflag:s6] =	ssyncset.done $0x0  }
0xf4: {  	[sflag:s6] =	ssyncadd.s32 $0xFFFFEC00  }
0xf5: {  	[spmem:s1] =	stream.indirect.scatter.add.f32 [tilespmem:s29], [sflag:$0xE], $0x80, s28, s2, $0xb8;
	[tilespmem:$0x1A080] =	vst v63  }
0xf6: {  	_ =	swait.ge [sflag:s9], $0x28  }
0xf7: {  	[sflag:s9] =	ssyncset.done $0x0  }
0xf8: {  	[sflag:s9] =	ssyncadd.s32 $0xFFFFFFD8  }
0xf9: {  	_ =	swait.ge [sflag:s12], $0x1400  }
0xfa: {  	[sflag:s12] =	ssyncset.done $0x0  }
0xfb: {  	s22 =	simm.s32 $0xB;
	[sflag:s12] =	ssyncadd.s32 $0xFFFFEC00  }
0xfc: {  	[spmem:s1] =	stream.indirect.scatter.add.f32 [tilespmem:s31], [sflag:$0xF], $0x80, s30, s2, $0xb8;
	[tilespmem:$0x1A080] =	vst v63  }
0xfd: {  	_ =	swait.ge [sflag:s22], $0x1400  }
0xfe: {  	[sflag:s22] =	ssyncset.done $0x0  }
0xff: {  	s23 =	simm.s32 $0xC;
	[sflag:s22] =	ssyncadd.s32 $0xFFFFEC00  }
0x100: {  	_ =	swait.ge [sflag:s23], $0x1400  }
0x101: {  	[sflag:s23] =	ssyncset.done $0x0  }
0x102: {  	s24 =	simm.s32 $0xD;
	[sflag:s23] =	ssyncadd.s32 $0xFFFFEC00  }
0x103: {  	_ =	swait.ge [sflag:s24], $0x1400  }
0x104: {  	[sflag:s24] =	ssyncset.done $0x0  }
0x105: {  	s25 =	simm.s32 $0xE;
	[sflag:s24] =	ssyncadd.s32 $0xFFFFEC00  }
0x106: {  	_ =	swait.ge [sflag:s25], $0x1400  }
0x107: {  	[sflag:s25] =	ssyncset.done $0x0  }
0x108: {  	s26 =	simm.s32 $0xF;
	[sflag:s25] =	ssyncadd.s32 $0xFFFFEC00  }
.Ltmp3:
0x109: {  	_ =	swait.ge [sflag:s26], $0x1400;
	(pc) =	sbr.rel @!p0 .LBB2_4-.Ltmp3, $4  }
0x10a: {  	s18 =	simm.s32 $0x400;
	s21 =	simm.s32 $0x80;
	[sflag:s26] =	ssyncset.done $0x0  }
0x10b: {  	s28 =	simm.s32 $0x200;
	s29 =	simm.s32 $0x5400;
	[sflag:s26] =	ssyncadd.s32 $0xFFFFEC00  }
0x10c: {  	s22 =	simm.s32 $0x1800;
	s23 =	simm.s32 $0x100;
	[bflag:$0x0] =	sbarrier.arrive $0xFFFF  }
0x10d: {  	s24 =	simm.s32 $0x2C00;
	s25 =	simm.s32 $0x180;
	s26 =	simm.s32 $0x4000  }
0x10e: {  	s14 =	rddreg [dreg:$0x9]  }
0x10f: {  	s7 =	rddreg [dreg:$0xd]  }
0x110: {  	s16 =	rddreg [dreg:$0x14]  }
0x111: {  	[hbm:s7], [sflag:s14] =	dma.local [spmem:s16], $0x2700  }
.Ltmp4:
0x112: {  	_ = 	snop;
	(pc) =	sbr.rel @p1 .LBB2_7-.Ltmp4, $4  }
.Ltmp5:
0x113: {  	s17 =	simm.s32 $0x10;
	(pc) =	sbr.rel @!p1 .LBB2_6-.Ltmp5, $4  }
0x114: {  	_ =	swait.ge [sflag:s17], $0x2700  }
0x115: {  	[sflag:s17] =	ssyncset.done $0x0;
	s7 =	rddreg [dreg:$0x7]  }
0x116: {  	s0 =	rddreg [dreg:$0x16];
	[sflag:s17] =	ssyncadd.s32 $0xFFFFD900  }
0x117: {  	_ = 	snop  }
.LBB2_4:
0x118: {  	s14 =	rddreg [dreg:$0x9]  }
0x119: {  	s7 =	rddreg [dreg:$0xc]  }
0x11a: {  	s16 =	rddreg [dreg:$0x14]  }
0x11b: {  	[hbm:s7], [sflag:s14] =	dma.local [spmem:s16], $0x2700  }
.Ltmp6:
0x11c: {  	_ = 	snop;
	(pc) =	sbr.rel @p2 .LBB2_6-.Ltmp6, $4  }
.Ltmp7:
0x11d: {  	s17 =	simm.s32 $0x10;
	(pc) =	sbr.rel @!p2 .LBB2_7-.Ltmp7, $4  }
0x11e: {  	_ =	swait.ge [sflag:s17], $0x2700  }
0x11f: {  	[sflag:s17] =	ssyncset.done $0x0;
	s7 =	rddreg [dreg:$0x6]  }
0x120: {  	s0 =	rddreg [dreg:$0x16];
	[sflag:s17] =	ssyncadd.s32 $0xFFFFD900  }
0x121: {  	_ = 	snop  }
.LBB2_8:
0x122: {  	_ =	sfence.sel $0x180000  }
0x123: {  	[bflag:$0x0] =	sbarrier.arrive $0xFFFF  }
0x124: {  	_ =	strace $0x90000050  }
0x125: {  	s0 =	stileid.u32;
	[bflag:$0x2] =	sbarrier.arrive $0xFFFF  }
0x126: {  	p0 =	sne.s32 s0, $0x0;
	s0 =	rddreg [dreg:$0x4]  }
0x127: {  	s0 =	sadd.s32 @!p0 $0x100000, s0  }
0x128: {  	[sflag:s0] =	ssyncadd.tile.s32 @!p0 $0x1;
	_ =	shalt  }
.Lfunc_end2:
_tile_overlayer_lowered:
.L_overlay_start_2:
0x129: {  	(tag) =	ssettag $0x2  }
0x12a: {  	s0 =	rddreg [dreg:$0x0];
	s2 =	stileid.u32  }
0x12b: {  	s1 =	rddreg [dreg:$0x1];
	p0 =	sne.s32 s2, $0x0  }
0x12c: {  	s3 =	rddreg [dreg:$0x2];
	[bflag:$0x3] =	sbarrier.arrive $0xFFFF;
	s2 =	simm.s32 @!p0 $0x1C10  }
0x12d: {  	[timem:s3], [sflag:s2] =	dma.local @!p0 [hbm:s0], s1  }
0x12e: {  	s0 =	simm.s32 @!p0 $0x10  }
0x12f: {  	_ =	swait.ge @!p0 [sflag:s0], s1  }
0x130: {  	s1 =	ssub.s32 @!p0 $0x0, s1;
	[sflag:s0] =	ssyncset.done @!p0 $0x0  }
0x131: {  	[sflag:s0] =	ssyncadd.s32 @!p0 s1  }
0x132: {  	[bflag:$0x3] =	sbarrier.arrive $0xFFFF  }
0x133: {  	_ =	shalt  }

</sc_bundles>
